<compile_context>
chip_gen: v7x
topology: tpu7x:2x2x1
jax: 0.10.2.dev20260603
libtpu: 0.0.44.dev20260713+nightly
codegen_flags: <defaults>
</compile_context>

<pallas_src>
import functools

import jax
import jax.numpy as jnp
from jax import lax
from jax.experimental import pallas as pl
from jax.experimental.pallas import tpu as pltpu
from jax.experimental.pallas import tpu_sc as plsc

B = 64
S = 512
L = 48
NB = 50
BOS = 48
EOS = 49
CHUNK = 128
NSTEPS = S // CHUNK
PADW = 528
TFLAT = 2512

@functools.cache
def _get_sc_scores():
    mesh = plsc.VectorSubcoreMesh(core_axis_name="c", subcore_axis_name="s")

    @functools.partial(
        pl.kernel,
        mesh=mesh,
        out_type=jax.ShapeDtypeStruct((B, 16), jnp.float32),
        scratch_types=[
            pltpu.VMEM((PADW,), jnp.int32),
            pltpu.VMEM((PADW,), jnp.int32),
            pltpu.VMEM((TFLAT,), jnp.float32),
            pltpu.VMEM((16,), jnp.float32),
        ],
        compiler_params=pltpu.CompilerParams(needs_layout_passes=False),
    )
    def _sc_scores(prev_hbm, cur_hbm, trans_hbm, out_hbm,
                   prev_v, cur_v, trans_v, row_v):
        wid = lax.axis_index("s") * 2 + lax.axis_index("c")
        pltpu.sync_copy(trans_hbm, trans_v)
        for r in range(2):
            b = wid * 2 + r
            pltpu.sync_copy(prev_hbm.at[b], prev_v)
            pltpu.sync_copy(cur_hbm.at[b], cur_v)
            acc = jnp.zeros((16,), jnp.float32)
            for c in range(PADW // 16):
                cur = cur_v[pl.ds(c * 16, 16)]
                prv = prev_v[pl.ds(c * 16, 16)]
                acc = acc + plsc.load_gather(trans_v, [prv * NB + cur])
            row_v[...] = acc
            pltpu.sync_copy(row_v, out_hbm.at[b])

    return _sc_scores


def _tc_body(em_ref, tags_ref, trans_ref, teos_ref, out_ref, emsc_ref,
             v_s, expt_s, tmax_s, logc_s, r_s, logs_s, eacc_s, emt_s):
    c = pl.program_id(0)
    emt_s[...] = jnp.swapaxes(em_ref[...], 1, 2)

    @pl.when(c == 0)
    def _init():
        t48 = trans_ref[:L, :L]
        tm = jnp.max(t48)
        tmax_s[...] = tm * jnp.ones((1, 1), jnp.float32)
        expt_s[...] = jnp.exp(t48 - tm)
        v0 = jnp.exp(trans_ref[BOS:BOS + 1, :L] + emt_s[:, 0, :])
        v_s[...] = v0
        s0 = jnp.sum(v0, axis=1, keepdims=True)
        r_s[...] = 1.0 / s0
        logs_s[...] = jnp.log(s0)
        logc_s[...] = jnp.zeros((B, 1), jnp.float32)
        eacc_s[...] = jnp.zeros((B, L), jnp.float32)

    et = expt_s[...]
    v = v_s[...]
    r = r_s[...]
    logs = logs_s[...]
    logc = logc_s[...]
    eacc = eacc_s[...]
    lane = lax.broadcasted_iota(jnp.int32, (B, L), 1)
    for j in range(CHUNK):
        emj = emt_s[:, j, :]
        eacc = eacc + jnp.where(lane == tags_ref[0, :, j:j + 1], emj, 0.0)
        eem = jnp.exp(emj) * r
        nv = jnp.dot(v, et, preferred_element_type=jnp.float32) * eem
        nlogc = logc + logs
        ns = jnp.sum(nv, axis=1, keepdims=True)
        nr = 1.0 / ns
        nlogs = jnp.log(ns)
        if j == 0:
            keep = c > 0
            v = jnp.where(keep, nv, v)
            logc = jnp.where(keep, nlogc, logc)
            r = jnp.where(keep, nr, r)
            logs = jnp.where(keep, nlogs, logs)
        else:
            v, logc, r, logs = nv, nlogc, nr, nlogs
    v_s[...] = v
    r_s[...] = r
    logs_s[...] = logs
    logc_s[...] = logc
    eacc_s[...] = eacc

    @pl.when(c == NSTEPS - 1)
    def _finish():
        w = v * jnp.exp(teos_ref[...])
        out_ref[...] = (jnp.log(jnp.sum(w, axis=1, keepdims=True)) + logc
                        + (S - 1.0) * tmax_s[...])
        emsc_ref[...] = jnp.sum(eacc, axis=1, keepdims=True)


def _combine_body(scores_ref, part_ref, emsc_ref, out_ref):
    total = (jnp.sum(scores_ref[...]) + jnp.sum(emsc_ref[...])
             - jnp.sum(part_ref[...]))
    out_ref[...] = (-1.0 / (B * 100.0)) * total * jnp.ones((1, 1), jnp.float32)


def _tc_partition(em, tags, trans, teos):
    return pl.pallas_call(
        _tc_body,
        grid=(NSTEPS,),
        in_specs=[
            pl.BlockSpec((B, L, CHUNK), lambda c: (0, 0, c)),
            pl.BlockSpec((1, B, CHUNK), lambda c: (c, 0, 0)),
            pl.BlockSpec((NB, NB), lambda c: (0, 0)),
            pl.BlockSpec((1, L), lambda c: (0, 0)),
        ],
        out_specs=[
            pl.BlockSpec((B, 1), lambda c: (0, 0)),
            pl.BlockSpec((B, 1), lambda c: (0, 0)),
        ],
        out_shape=[
            jax.ShapeDtypeStruct((B, 1), jnp.float32),
            jax.ShapeDtypeStruct((B, 1), jnp.float32),
        ],
        scratch_shapes=[
            pltpu.VMEM((B, L), jnp.float32),
            pltpu.VMEM((L, L), jnp.float32),
            pltpu.VMEM((1, 1), jnp.float32),
            pltpu.VMEM((B, 1), jnp.float32),
            pltpu.VMEM((B, 1), jnp.float32),
            pltpu.VMEM((B, 1), jnp.float32),
            pltpu.VMEM((B, L), jnp.float32),
            pltpu.VMEM((B, CHUNK, L), jnp.float32),
        ],
        compiler_params=pltpu.CompilerParams(
            dimension_semantics=("arbitrary",),
        ),
    )(em, tags, trans, teos)


def _combine(scores_part, part, emsc):
    return pl.pallas_call(
        _combine_body,
        out_shape=jax.ShapeDtypeStruct((1, 1), jnp.float32),
    )(scores_part, part, emsc)


def kernel(emissions, tags, transitions):
    tags = tags.astype(jnp.int32)
    prev = jnp.concatenate(
        [jnp.full((B, 1), BOS, jnp.int32), tags,
         jnp.full((B, PADW - S - 1), NB, jnp.int32)], axis=1)
    cur = jnp.concatenate(
        [tags, jnp.full((B, 1), EOS, jnp.int32),
         jnp.zeros((B, PADW - S - 1), jnp.int32)], axis=1)
    trans_flat = jnp.concatenate(
        [transitions.reshape(-1), jnp.zeros((TFLAT - NB * NB,), jnp.float32)])
    scores_part = _get_sc_scores()(prev, cur, trans_flat)
    teos = transitions[:L, EOS].reshape(1, L)
    tags_cm = jnp.transpose(tags.reshape(B, NSTEPS, CHUNK), (1, 0, 2))
    em_v = jnp.transpose(emissions, (0, 2, 1))
    part, emsc = _tc_partition(em_v, tags_cm, transitions, teos)
    return _combine(scores_part, part, emsc).reshape(())

# --- scband reference (transcript-rebuilt; emitter-appended) ---
"""Pipeline reference for scband-crf-5214090297544 (READ-ONLY COPY).

The authoritative reference and input builder live on the scoring server;
editing this copy changes nothing except your own understanding.
"""

import jax, jax.numpy as jnp
import numpy as np

NUM_LABELS = 48
NB_LABELS = 50
BOS = 48
EOS = 49
B, S = 64, 512

def setup_inputs(seed: int = 0) -> dict:
    key = jax.random.key(seed)
    k1, k2, k3 = jax.random.split(key, 3)
    emissions = jax.random.normal(k1, (B, S, NUM_LABELS), dtype=jnp.float32)
    tags = jax.random.randint(k2, (B, S), 0, NUM_LABELS, dtype=jnp.int32)
    transitions = jax.random.normal(k3, (NB_LABELS, NB_LABELS), dtype=jnp.float32)
    transitions = transitions.at[:, BOS].set(-10000.0)
    transitions = transitions.at[EOS, :].set(-10000.0)
    return {"emissions": emissions, "tags": tags, "transitions": transitions}

def _crf_nll(emissions, tags, transitions):
    b, s, _ = emissions.shape
    em = jnp.concatenate([emissions, jnp.full((b, s, 2), -100.0, dtype=emissions.dtype)], axis=2)
    mask = tags != -100
    tags = jnp.where(mask, tags, 0)
    # ---- _compute_scores ----
    first_tags = tags[:, 0]
    last_valid_idx = mask.astype(jnp.int32).sum(axis=1) - 1
    last_tags = jnp.take_along_axis(tags, last_valid_idx[:, None], axis=1)[:, 0]
    scores = em[jnp.arange(b), 0, first_tags] + transitions[BOS, first_tags]
    e_all = jnp.take_along_axis(em[:, 1:, :], tags[:, 1:, None], axis=2)[:, :, 0]
    t_all = transitions[tags[:, :-1], tags[:, 1:]]
    valid = mask[:, 1:].astype(em.dtype)
    scores = scores + (e_all * valid).sum(axis=1) + (t_all * valid).sum(axis=1)
    scores = scores + transitions[last_tags, EOS]
    # ---- _compute_log_partition (forward algorithm) ----
    alphas0 = transitions[BOS, :][None, :] + em[:, 0]
    em_t = jnp.moveaxis(em[:, 1:, :], 1, 0)
    mask_t = jnp.moveaxis(mask[:, 1:], 1, 0)
    def step(alphas, inp):
        e_i, m_i = inp
        sc = e_i[:, None, :] + transitions[None, :, :] + alphas[:, :, None]
        new_alphas = jax.nn.logsumexp(sc, axis=1)
        m = m_i[:, None].astype(alphas.dtype)
        alphas = m * new_alphas + (1.0 - m) * alphas
        return alphas, None
    alphas, _ = jax.lax.scan(step, alphas0, (em_t, mask_t))
    end_scores = alphas + transitions[:, EOS][None, :]
    partition = jax.nn.logsumexp(end_scores, axis=1)
    ll = jnp.mean(scores - partition) / 100.0
    return -ll

def reference(emissions, tags, transitions):
    return _crf_nll(emissions, tags, transitions)

if __name__ == "__main__":
    import jax
    _d = setup_inputs()
    print(jax.jit(kernel)(*tuple(_d.values())))

</pallas_src>

<mosaic_0001>
#map = affine_map<(d0, d1) -> (0, 0)>
#map1 = affine_map<(d0, d1) -> (0)>
module attributes {stable_mosaic.version = 14 : i64} {
  func.func @_sc_scores(%arg0: i32, %arg1: i32, %arg2: memref<64x528xi32, #tpu.memory_space<hbm>>, %arg3: memref<64x528xi32, #tpu.memory_space<hbm>>, %arg4: memref<2512xf32, #tpu.memory_space<hbm>>, %arg5: memref<64x16xf32, #tpu.memory_space<hbm>>, %arg6: memref<528xi32, #tpu.memory_space<vmem>>, %arg7: memref<528xi32, #tpu.memory_space<vmem>>, %arg8: memref<2512xf32, #tpu.memory_space<vmem>>, %arg9: memref<16xf32, #tpu.memory_space<vmem>>) attributes {dimension_semantics = [#tpu.dimension_semantics<core_parallel>, #tpu.dimension_semantics<subcore_parallel>], iteration_bounds = array<i64: 2, 16>, scalar_prefetch = 0 : i64, scratch_operands = 4 : i64, tpu.core_type = #tpu.core_type<sc_vector_subcore>, window_params = [{transform_indices = #map}, {transform_indices = #map}, {transform_indices = #map1}, {transform_indices = #map}]} {
    %mul3A = arith.constant 2 : i32
    %mul3A_0 = arith.muli %arg1, %mul3A : i32
    %add3A = arith.addi %mul3A_0, %arg0 : i32
    "tpu.region"() ({
      %run_scoped3A = tpu.sem_alloc : memref<!tpu.dma_semaphore, #tpu.memory_space<semaphore_mem>>
      tpu.enqueue_dma source(%arg4 : memref<2512xf32, #tpu.memory_space<hbm>>) target(%arg8 : memref<2512xf32, #tpu.memory_space<vmem>>) target_semaphore(%run_scoped3A : memref<!tpu.dma_semaphore, #tpu.memory_space<semaphore_mem>>)
      tpu.wait_dma2 semaphore(%run_scoped3A : memref<!tpu.dma_semaphore, #tpu.memory_space<semaphore_mem>>) src(%arg4 : memref<2512xf32, #tpu.memory_space<hbm>>) dst(%arg8 : memref<2512xf32, #tpu.memory_space<vmem>>)
      tpu.yield
    }) : () -> ()
    %mul3A_1 = arith.constant 2 : i32
    %mul3A_2 = arith.muli %add3A, %mul3A_1 : i32
    %add3A_3 = arith.constant 0 : i32
    %add3A_4 = arith.addi %mul3A_2, %add3A_3 : i32
    "tpu.region"() ({
      %run_scoped3A = tpu.sem_alloc : memref<!tpu.dma_semaphore, #tpu.memory_space<semaphore_mem>>
      %dma_start3A = arith.constant 0 : i32
      %dma_start3A_673 = tpu.memref_slice %arg2[%add3A_4, %dma_start3A] : memref<64x528xi32, #tpu.memory_space<hbm>> -> memref<1x528xi32, #tpu.memory_space<hbm>>
      %dma_start3A_674 = tpu.memref_squeeze %dma_start3A_673 : memref<1x528xi32, #tpu.memory_space<hbm>> -> memref<528xi32, #tpu.memory_space<hbm>>
      %dma_start3A_675 = arith.constant 0 : i32
      %dma_start3A_676 = tpu.memref_slice %arg2[%add3A_4, %dma_start3A_675] : memref<64x528xi32, #tpu.memory_space<hbm>> -> memref<1x528xi32, #tpu.memory_space<hbm>>
      %dma_start3A_677 = tpu.memref_squeeze %dma_start3A_676 : memref<1x528xi32, #tpu.memory_space<hbm>> -> memref<528xi32, #tpu.memory_space<hbm>>
      tpu.enqueue_dma source(%dma_start3A_677 : memref<528xi32, #tpu.memory_space<hbm>>) target(%arg6 : memref<528xi32, #tpu.memory_space<vmem>>) target_semaphore(%run_scoped3A : memref<!tpu.dma_semaphore, #tpu.memory_space<semaphore_mem>>)
      %dma_wait3A = arith.constant 0 : i32
      %dma_wait3A_678 = tpu.memref_slice %arg2[%add3A_4, %dma_wait3A] : memref<64x528xi32, #tpu.memory_space<hbm>> -> memref<1x528xi32, #tpu.memory_space<hbm>>
      %dma_wait3A_679 = tpu.memref_squeeze %dma_wait3A_678 : memref<1x528xi32, #tpu.memory_space<hbm>> -> memref<528xi32, #tpu.memory_space<hbm>>
      %dma_wait3A_680 = arith.constant 0 : i32
      %dma_wait3A_681 = tpu.memref_slice %arg2[%add3A_4, %dma_wait3A_680] : memref<64x528xi32, #tpu.memory_space<hbm>> -> memref<1x528xi32, #tpu.memory_space<hbm>>
      %dma_wait3A_682 = tpu.memref_squeeze %dma_wait3A_681 : memref<1x528xi32, #tpu.memory_space<hbm>> -> memref<528xi32, #tpu.memory_space<hbm>>
      tpu.wait_dma2 semaphore(%run_scoped3A : memref<!tpu.dma_semaphore, #tpu.memory_space<semaphore_mem>>) src(%dma_wait3A_682 : memref<528xi32, #tpu.memory_space<hbm>>) dst(%arg6 : memref<528xi32, #tpu.memory_space<vmem>>)
      tpu.yield
    }) : () -> ()
    "tpu.region"() ({
      %run_scoped3A = tpu.sem_alloc : memref<!tpu.dma_semaphore, #tpu.memory_space<semaphore_mem>>
      %dma_start3A = arith.constant 0 : i32
      %dma_start3A_673 = tpu.memref_slice %arg3[%add3A_4, %dma_start3A] : memref<64x528xi32, #tpu.memory_space<hbm>> -> memref<1x528xi32, #tpu.memory_space<hbm>>
      %dma_start3A_674 = tpu.memref_squeeze %dma_start3A_673 : memref<1x528xi32, #tpu.memory_space<hbm>> -> memref<528xi32, #tpu.memory_space<hbm>>
      %dma_start3A_675 = arith.constant 0 : i32
      %dma_start3A_676 = tpu.memref_slice %arg3[%add3A_4, %dma_start3A_675] : memref<64x528xi32, #tpu.memory_space<hbm>> -> memref<1x528xi32, #tpu.memory_space<hbm>>
      %dma_start3A_677 = tpu.memref_squeeze %dma_start3A_676 : memref<1x528xi32, #tpu.memory_space<hbm>> -> memref<528xi32, #tpu.memory_space<hbm>>
      tpu.enqueue_dma source(%dma_start3A_677 : memref<528xi32, #tpu.memory_space<hbm>>) target(%arg7 : memref<528xi32, #tpu.memory_space<vmem>>) target_semaphore(%run_scoped3A : memref<!tpu.dma_semaphore, #tpu.memory_space<semaphore_mem>>)
      %dma_wait3A = arith.constant 0 : i32
      %dma_wait3A_678 = tpu.memref_slice %arg3[%add3A_4, %dma_wait3A] : memref<64x528xi32, #tpu.memory_space<hbm>> -> memref<1x528xi32, #tpu.memory_space<hbm>>
      %dma_wait3A_679 = tpu.memref_squeeze %dma_wait3A_678 : memref<1x528xi32, #tpu.memory_space<hbm>> -> memref<528xi32, #tpu.memory_space<hbm>>
      %dma_wait3A_680 = arith.constant 0 : i32
      %dma_wait3A_681 = tpu.memref_slice %arg3[%add3A_4, %dma_wait3A_680] : memref<64x528xi32, #tpu.memory_space<hbm>> -> memref<1x528xi32, #tpu.memory_space<hbm>>
      %dma_wait3A_682 = tpu.memref_squeeze %dma_wait3A_681 : memref<1x528xi32, #tpu.memory_space<hbm>> -> memref<528xi32, #tpu.memory_space<hbm>>
      tpu.wait_dma2 semaphore(%run_scoped3A : memref<!tpu.dma_semaphore, #tpu.memory_space<semaphore_mem>>) src(%dma_wait3A_682 : memref<528xi32, #tpu.memory_space<hbm>>) dst(%arg7 : memref<528xi32, #tpu.memory_space<vmem>>)
      tpu.yield
    }) : () -> ()
    %broadcast_in_dim3A = arith.constant 0.000000e+00 : f32
    %broadcast_in_dim3A_5 = vector.broadcast %broadcast_in_dim3A : f32 to vector<16xf32>
    %get3A = arith.constant 0 : index
    %get3A_6 = tpu.vector_load %arg7[%get3A] {strides = array<i32>} : memref<528xi32, #tpu.memory_space<vmem>>, vector<16xi32>,
    %get3A_7 = arith.constant 0 : index
    %get3A_8 = tpu.vector_load %arg6[%get3A_7] {strides = array<i32>} : memref<528xi32, #tpu.memory_space<vmem>>, vector<16xi32>,
    %mul3A_9 = arith.constant 50 : i32
    %mul3A_10 = vector.broadcast %mul3A_9 : i32 to vector<16xi32>
    %mul3A_11 = arith.muli %get3A_8, %mul3A_10 : vector<16xi32>
    %add3A_12 = arith.addi %mul3A_11, %get3A_6 : vector<16xi32>
    %gather3A = tpu.vector_load_idx %arg8[%add3A_12] : memref<2512xf32, #tpu.memory_space<vmem>>[vector<16xi32>], vector<16xf32>,
    %add3A_13 = arith.addf %broadcast_in_dim3A_5, %gather3A : vector<16xf32>
    %get3A_14 = arith.constant 16 : index
    %get3A_15 = tpu.vector_load %arg7[%get3A_14] {strides = array<i32>} : memref<528xi32, #tpu.memory_space<vmem>>, vector<16xi32>,
    %get3A_16 = arith.constant 16 : index
    %get3A_17 = tpu.vector_load %arg6[%get3A_16] {strides = array<i32>} : memref<528xi32, #tpu.memory_space<vmem>>, vector<16xi32>,
    %mul3A_18 = arith.constant 50 : i32
    %mul3A_19 = vector.broadcast %mul3A_18 : i32 to vector<16xi32>
    %mul3A_20 = arith.muli %get3A_17, %mul3A_19 : vector<16xi32>
    %add3A_21 = arith.addi %mul3A_20, %get3A_15 : vector<16xi32>
    %gather3A_22 = tpu.vector_load_idx %arg8[%add3A_21] : memref<2512xf32, #tpu.memory_space<vmem>>[vector<16xi32>], vector<16xf32>,
    %add3A_23 = arith.addf %add3A_13, %gather3A_22 : vector<16xf32>
    %get3A_24 = arith.constant 32 : index
    %get3A_25 = tpu.vector_load %arg7[%get3A_24] {strides = array<i32>} : memref<528xi32, #tpu.memory_space<vmem>>, vector<16xi32>,
    %get3A_26 = arith.constant 32 : index
    %get3A_27 = tpu.vector_load %arg6[%get3A_26] {strides = array<i32>} : memref<528xi32, #tpu.memory_space<vmem>>, vector<16xi32>,
    %mul3A_28 = arith.constant 50 : i32
    %mul3A_29 = vector.broadcast %mul3A_28 : i32 to vector<16xi32>
    %mul3A_30 = arith.muli %get3A_27, %mul3A_29 : vector<16xi32>
    %add3A_31 = arith.addi %mul3A_30, %get3A_25 : vector<16xi32>
    %gather3A_32 = tpu.vector_load_idx %arg8[%add3A_31] : memref<2512xf32, #tpu.memory_space<vmem>>[vector<16xi32>], vector<16xf32>,
    %add3A_33 = arith.addf %add3A_23, %gather3A_32 : vector<16xf32>
    %get3A_34 = arith.constant 48 : index
    %get3A_35 = tpu.vector_load %arg7[%get3A_34] {strides = array<i32>} : memref<528xi32, #tpu.memory_space<vmem>>, vector<16xi32>,
    %get3A_36 = arith.constant 48 : index
    %get3A_37 = tpu.vector_load %arg6[%get3A_36] {strides = array<i32>} : memref<528xi32, #tpu.memory_space<vmem>>, vector<16xi32>,
    %mul3A_38 = arith.constant 50 : i32
    %mul3A_39 = vector.broadcast %mul3A_38 : i32 to vector<16xi32>
    %mul3A_40 = arith.muli %get3A_37, %mul3A_39 : vector<16xi32>
    %add3A_41 = arith.addi %mul3A_40, %get3A_35 : vector<16xi32>
    %gather3A_42 = tpu.vector_load_idx %arg8[%add3A_41] : memref<2512xf32, #tpu.memory_space<vmem>>[vector<16xi32>], vector<16xf32>,
    %add3A_43 = arith.addf %add3A_33, %gather3A_42 : vector<16xf32>
    %get3A_44 = arith.constant 64 : index
    %get3A_45 = tpu.vector_load %arg7[%get3A_44] {strides = array<i32>} : memref<528xi32, #tpu.memory_space<vmem>>, vector<16xi32>,
    %get3A_46 = arith.constant 64 : index
    %get3A_47 = tpu.vector_load %arg6[%get3A_46] {strides = array<i32>} : memref<528xi32, #tpu.memory_space<vmem>>, vector<16xi32>,
    %mul3A_48 = arith.constant 50 : i32
    %mul3A_49 = vector.broadcast %mul3A_48 : i32 to vector<16xi32>
    %mul3A_50 = arith.muli %get3A_47, %mul3A_49 : vector<16xi32>
    %add3A_51 = arith.addi %mul3A_50, %get3A_45 : vector<16xi32>
    %gather3A_52 = tpu.vector_load_idx %arg8[%add3A_51] : memref<2512xf32, #tpu.memory_space<vmem>>[vector<16xi32>], vector<16xf32>,
    %add3A_53 = arith.addf %add3A_43, %gather3A_52 : vector<16xf32>
    %get3A_54 = arith.constant 80 : index
    %get3A_55 = tpu.vector_load %arg7[%get3A_54] {strides = array<i32>} : memref<528xi32, #tpu.memory_space<vmem>>, vector<16xi32>,
    %get3A_56 = arith.constant 80 : index
    %get3A_57 = tpu.vector_load %arg6[%get3A_56] {strides = array<i32>} : memref<528xi32, #tpu.memory_space<vmem>>, vector<16xi32>,
    %mul3A_58 = arith.constant 50 : i32
    %mul3A_59 = vector.broadcast %mul3A_58 : i32 to vector<16xi32>
    %mul3A_60 = arith.muli %get3A_57, %mul3A_59 : vector<16xi32>
    %add3A_61 = arith.addi %mul3A_60, %get3A_55 : vector<16xi32>
    %gather3A_62 = tpu.vector_load_idx %arg8[%add3A_61] : memref<2512xf32, #tpu.memory_space<vmem>>[vector<16xi32>], vector<16xf32>,
    %add3A_63 = arith.addf %add3A_53, %gather3A_62 : vector<16xf32>
    %get3A_64 = arith.constant 96 : index
    %get3A_65 = tpu.vector_load %arg7[%get3A_64] {strides = array<i32>} : memref<528xi32, #tpu.memory_space<vmem>>, vector<16xi32>,
    %get3A_66 = arith.constant 96 : index
    %get3A_67 = tpu.vector_load %arg6[%get3A_66] {strides = array<i32>} : memref<528xi32, #tpu.memory_space<vmem>>, vector<16xi32>,
    %mul3A_68 = arith.constant 50 : i32
    %mul3A_69 = vector.broadcast %mul3A_68 : i32 to vector<16xi32>
    %mul3A_70 = arith.muli %get3A_67, %mul3A_69 : vector<16xi32>
    %add3A_71 = arith.addi %mul3A_70, %get3A_65 : vector<16xi32>
    %gather3A_72 = tpu.vector_load_idx %arg8[%add3A_71] : memref<2512xf32, #tpu.memory_space<vmem>>[vector<16xi32>], vector<16xf32>,
    %add3A_73 = arith.addf %add3A_63, %gather3A_72 : vector<16xf32>
    %get3A_74 = arith.constant 112 : index
    %get3A_75 = tpu.vector_load %arg7[%get3A_74] {strides = array<i32>} : memref<528xi32, #tpu.memory_space<vmem>>, vector<16xi32>,
    %get3A_76 = arith.constant 112 : index
    %get3A_77 = tpu.vector_load %arg6[%get3A_76] {strides = array<i32>} : memref<528xi32, #tpu.memory_space<vmem>>, vector<16xi32>,
    %mul3A_78 = arith.constant 50 : i32
    %mul3A_79 = vector.broadcast %mul3A_78 : i32 to vector<16xi32>
    %mul3A_80 = arith.muli %get3A_77, %mul3A_79 : vector<16xi32>
    %add3A_81 = arith.addi %mul3A_80, %get3A_75 : vector<16xi32>
    %gather3A_82 = tpu.vector_load_idx %arg8[%add3A_81] : memref<2512xf32, #tpu.memory_space<vmem>>[vector<16xi32>], vector<16xf32>,
    %add3A_83 = arith.addf %add3A_73, %gather3A_82 : vector<16xf32>
    %get3A_84 = arith.constant 128 : index
    %get3A_85 = tpu.vector_load %arg7[%get3A_84] {strides = array<i32>} : memref<528xi32, #tpu.memory_space<vmem>>, vector<16xi32>,
    %get3A_86 = arith.constant 128 : index
    %get3A_87 = tpu.vector_load %arg6[%get3A_86] {strides = array<i32>} : memref<528xi32, #tpu.memory_space<vmem>>, vector<16xi32>,
    %mul3A_88 = arith.constant 50 : i32
    %mul3A_89 = vector.broadcast %mul3A_88 : i32 to vector<16xi32>
    %mul3A_90 = arith.muli %get3A_87, %mul3A_89 : vector<16xi32>
    %add3A_91 = arith.addi %mul3A_90, %get3A_85 : vector<16xi32>
    %gather3A_92 = tpu.vector_load_idx %arg8[%add3A_91] : memref<2512xf32, #tpu.memory_space<vmem>>[vector<16xi32>], vector<16xf32>,
    %add3A_93 = arith.addf %add3A_83, %gather3A_92 : vector<16xf32>
    %get3A_94 = arith.constant 144 : index
    %get3A_95 = tpu.vector_load %arg7[%get3A_94] {strides = array<i32>} : memref<528xi32, #tpu.memory_space<vmem>>, vector<16xi32>,
    %get3A_96 = arith.constant 144 : index
    %get3A_97 = tpu.vector_load %arg6[%get3A_96] {strides = array<i32>} : memref<528xi32, #tpu.memory_space<vmem>>, vector<16xi32>,
    %mul3A_98 = arith.constant 50 : i32
    %mul3A_99 = vector.broadcast %mul3A_98 : i32 to vector<16xi32>
    %mul3A_100 = arith.muli %get3A_97, %mul3A_99 : vector<16xi32>
    %add3A_101 = arith.addi %mul3A_100, %get3A_95 : vector<16xi32>
    %gather3A_102 = tpu.vector_load_idx %arg8[%add3A_101] : memref<2512xf32, #tpu.memory_space<vmem>>[vector<16xi32>], vector<16xf32>,
    %add3A_103 = arith.addf %add3A_93, %gather3A_102 : vector<16xf32>
    %get3A_104 = arith.constant 160 : index
    %get3A_105 = tpu.vector_load %arg7[%get3A_104] {strides = array<i32>} : memref<528xi32, #tpu.memory_space<vmem>>, vector<16xi32>,
    %get3A_106 = arith.constant 160 : index
    %get3A_107 = tpu.vector_load %arg6[%get3A_106] {strides = array<i32>} : memref<528xi32, #tpu.memory_space<vmem>>, vector<16xi32>,
    %mul3A_108 = arith.constant 50 : i32
    %mul3A_109 = vector.broadcast %mul3A_108 : i32 to vector<16xi32>
    %mul3A_110 = arith.muli %get3A_107, %mul3A_109 : vector<16xi32>
    %add3A_111 = arith.addi %mul3A_110, %get3A_105 : vector<16xi32>
    %gather3A_112 = tpu.vector_load_idx %arg8[%add3A_111] : memref<2512xf32, #tpu.memory_space<vmem>>[vector<16xi32>], vector<16xf32>,
    %add3A_113 = arith.addf %add3A_103, %gather3A_112 : vector<16xf32>
    %get3A_114 = arith.constant 176 : index
    %get3A_115 = tpu.vector_load %arg7[%get3A_114] {strides = array<i32>} : memref<528xi32, #tpu.memory_space<vmem>>, vector<16xi32>,
    %get3A_116 = arith.constant 176 : index
    %get3A_117 = tpu.vector_load %arg6[%get3A_116] {strides = array<i32>} : memref<528xi32, #tpu.memory_space<vmem>>, vector<16xi32>,
    %mul3A_118 = arith.constant 50 : i32
    %mul3A_119 = vector.broadcast %mul3A_118 : i32 to vector<16xi32>
    %mul3A_120 = arith.muli %get3A_117, %mul3A_119 : vector<16xi32>
    %add3A_121 = arith.addi %mul3A_120, %get3A_115 : vector<16xi32>
    %gather3A_122 = tpu.vector_load_idx %arg8[%add3A_121] : memref<2512xf32, #tpu.memory_space<vmem>>[vector<16xi32>], vector<16xf32>,
    %add3A_123 = arith.addf %add3A_113, %gather3A_122 : vector<16xf32>
    %get3A_124 = arith.constant 192 : index
    %get3A_125 = tpu.vector_load %arg7[%get3A_124] {strides = array<i32>} : memref<528xi32, #tpu.memory_space<vmem>>, vector<16xi32>,
    %get3A_126 = arith.constant 192 : index
    %get3A_127 = tpu.vector_load %arg6[%get3A_126] {strides = array<i32>} : memref<528xi32, #tpu.memory_space<vmem>>, vector<16xi32>,
    %mul3A_128 = arith.constant 50 : i32
    %mul3A_129 = vector.broadcast %mul3A_128 : i32 to vector<16xi32>
    %mul3A_130 = arith.muli %get3A_127, %mul3A_129 : vector<16xi32>
    %add3A_131 = arith.addi %mul3A_130, %get3A_125 : vector<16xi32>
    %gather3A_132 = tpu.vector_load_idx %arg8[%add3A_131] : memref<2512xf32, #tpu.memory_space<vmem>>[vector<16xi32>], vector<16xf32>,
    %add3A_133 = arith.addf %add3A_123, %gather3A_132 : vector<16xf32>
    %get3A_134 = arith.constant 208 : index
    %get3A_135 = tpu.vector_load %arg7[%get3A_134] {strides = array<i32>} : memref<528xi32, #tpu.memory_space<vmem>>, vector<16xi32>,
    %get3A_136 = arith.constant 208 : index
    %get3A_137 = tpu.vector_load %arg6[%get3A_136] {strides = array<i32>} : memref<528xi32, #tpu.memory_space<vmem>>, vector<16xi32>,
    %mul3A_138 = arith.constant 50 : i32
    %mul3A_139 = vector.broadcast %mul3A_138 : i32 to vector<16xi32>
    %mul3A_140 = arith.muli %get3A_137, %mul3A_139 : vector<16xi32>
    %add3A_141 = arith.addi %mul3A_140, %get3A_135 : vector<16xi32>
    %gather3A_142 = tpu.vector_load_idx %arg8[%add3A_141] : memref<2512xf32, #tpu.memory_space<vmem>>[vector<16xi32>], vector<16xf32>,
    %add3A_143 = arith.addf %add3A_133, %gather3A_142 : vector<16xf32>
    %get3A_144 = arith.constant 224 : index
    %get3A_145 = tpu.vector_load %arg7[%get3A_144] {strides = array<i32>} : memref<528xi32, #tpu.memory_space<vmem>>, vector<16xi32>,
    %get3A_146 = arith.constant 224 : index
    %get3A_147 = tpu.vector_load %arg6[%get3A_146] {strides = array<i32>} : memref<528xi32, #tpu.memory_space<vmem>>, vector<16xi32>,
    %mul3A_148 = arith.constant 50 : i32
    %mul3A_149 = vector.broadcast %mul3A_148 : i32 to vector<16xi32>
    %mul3A_150 = arith.muli %get3A_147, %mul3A_149 : vector<16xi32>
    %add3A_151 = arith.addi %mul3A_150, %get3A_145 : vector<16xi32>
    %gather3A_152 = tpu.vector_load_idx %arg8[%add3A_151] : memref<2512xf32, #tpu.memory_space<vmem>>[vector<16xi32>], vector<16xf32>,
    %add3A_153 = arith.addf %add3A_143, %gather3A_152 : vector<16xf32>
    %get3A_154 = arith.constant 240 : index
    %get3A_155 = tpu.vector_load %arg7[%get3A_154] {strides = array<i32>} : memref<528xi32, #tpu.memory_space<vmem>>, vector<16xi32>,
    %get3A_156 = arith.constant 240 : index
    %get3A_157 = tpu.vector_load %arg6[%get3A_156] {strides = array<i32>} : memref<528xi32, #tpu.memory_space<vmem>>, vector<16xi32>,
    %mul3A_158 = arith.constant 50 : i32
    %mul3A_159 = vector.broadcast %mul3A_158 : i32 to vector<16xi32>
    %mul3A_160 = arith.muli %get3A_157, %mul3A_159 : vector<16xi32>
    %add3A_161 = arith.addi %mul3A_160, %get3A_155 : vector<16xi32>
    %gather3A_162 = tpu.vector_load_idx %arg8[%add3A_161] : memref<2512xf32, #tpu.memory_space<vmem>>[vector<16xi32>], vector<16xf32>,
    %add3A_163 = arith.addf %add3A_153, %gather3A_162 : vector<16xf32>
    %get3A_164 = arith.constant 256 : index
    %get3A_165 = tpu.vector_load %arg7[%get3A_164] {strides = array<i32>} : memref<528xi32, #tpu.memory_space<vmem>>, vector<16xi32>,
    %get3A_166 = arith.constant 256 : index
    %get3A_167 = tpu.vector_load %arg6[%get3A_166] {strides = array<i32>} : memref<528xi32, #tpu.memory_space<vmem>>, vector<16xi32>,
    %mul3A_168 = arith.constant 50 : i32
    %mul3A_169 = vector.broadcast %mul3A_168 : i32 to vector<16xi32>
    %mul3A_170 = arith.muli %get3A_167, %mul3A_169 : vector<16xi32>
    %add3A_171 = arith.addi %mul3A_170, %get3A_165 : vector<16xi32>
    %gather3A_172 = tpu.vector_load_idx %arg8[%add3A_171] : memref<2512xf32, #tpu.memory_space<vmem>>[vector<16xi32>], vector<16xf32>,
    %add3A_173 = arith.addf %add3A_163, %gather3A_172 : vector<16xf32>
    %get3A_174 = arith.constant 272 : index
    %get3A_175 = tpu.vector_load %arg7[%get3A_174] {strides = array<i32>} : memref<528xi32, #tpu.memory_space<vmem>>, vector<16xi32>,
    %get3A_176 = arith.constant 272 : index
    %get3A_177 = tpu.vector_load %arg6[%get3A_176] {strides = array<i32>} : memref<528xi32, #tpu.memory_space<vmem>>, vector<16xi32>,
    %mul3A_178 = arith.constant 50 : i32
    %mul3A_179 = vector.broadcast %mul3A_178 : i32 to vector<16xi32>
    %mul3A_180 = arith.muli %get3A_177, %mul3A_179 : vector<16xi32>
    %add3A_181 = arith.addi %mul3A_180, %get3A_175 : vector<16xi32>
    %gather3A_182 = tpu.vector_load_idx %arg8[%add3A_181] : memref<2512xf32, #tpu.memory_space<vmem>>[vector<16xi32>], vector<16xf32>,
    %add3A_183 = arith.addf %add3A_173, %gather3A_182 : vector<16xf32>
    %get3A_184 = arith.constant 288 : index
    %get3A_185 = tpu.vector_load %arg7[%get3A_184] {strides = array<i32>} : memref<528xi32, #tpu.memory_space<vmem>>, vector<16xi32>,
    %get3A_186 = arith.constant 288 : index
    %get3A_187 = tpu.vector_load %arg6[%get3A_186] {strides = array<i32>} : memref<528xi32, #tpu.memory_space<vmem>>, vector<16xi32>,
    %mul3A_188 = arith.constant 50 : i32
    %mul3A_189 = vector.broadcast %mul3A_188 : i32 to vector<16xi32>
    %mul3A_190 = arith.muli %get3A_187, %mul3A_189 : vector<16xi32>
    %add3A_191 = arith.addi %mul3A_190, %get3A_185 : vector<16xi32>
    %gather3A_192 = tpu.vector_load_idx %arg8[%add3A_191] : memref<2512xf32, #tpu.memory_space<vmem>>[vector<16xi32>], vector<16xf32>,
    %add3A_193 = arith.addf %add3A_183, %gather3A_192 : vector<16xf32>
    %get3A_194 = arith.constant 304 : index
    %get3A_195 = tpu.vector_load %arg7[%get3A_194] {strides = array<i32>} : memref<528xi32, #tpu.memory_space<vmem>>, vector<16xi32>,
    %get3A_196 = arith.constant 304 : index
    %get3A_197 = tpu.vector_load %arg6[%get3A_196] {strides = array<i32>} : memref<528xi32, #tpu.memory_space<vmem>>, vector<16xi32>,
    %mul3A_198 = arith.constant 50 : i32
    %mul3A_199 = vector.broadcast %mul3A_198 : i32 to vector<16xi32>
    %mul3A_200 = arith.muli %get3A_197, %mul3A_199 : vector<16xi32>
    %add3A_201 = arith.addi %mul3A_200, %get3A_195 : vector<16xi32>
    %gather3A_202 = tpu.vector_load_idx %arg8[%add3A_201] : memref<2512xf32, #tpu.memory_space<vmem>>[vector<16xi32>], vector<16xf32>,
    %add3A_203 = arith.addf %add3A_193, %gather3A_202 : vector<16xf32>
    %get3A_204 = arith.constant 320 : index
    %get3A_205 = tpu.vector_load %arg7[%get3A_204] {strides = array<i32>} : memref<528xi32, #tpu.memory_space<vmem>>, vector<16xi32>,
    %get3A_206 = arith.constant 320 : index
    %get3A_207 = tpu.vector_load %arg6[%get3A_206] {strides = array<i32>} : memref<528xi32, #tpu.memory_space<vmem>>, vector<16xi32>,
    %mul3A_208 = arith.constant 50 : i32
    %mul3A_209 = vector.broadcast %mul3A_208 : i32 to vector<16xi32>
    %mul3A_210 = arith.muli %get3A_207, %mul3A_209 : vector<16xi32>
    %add3A_211 = arith.addi %mul3A_210, %get3A_205 : vector<16xi32>
    %gather3A_212 = tpu.vector_load_idx %arg8[%add3A_211] : memref<2512xf32, #tpu.memory_space<vmem>>[vector<16xi32>], vector<16xf32>,
    %add3A_213 = arith.addf %add3A_203, %gather3A_212 : vector<16xf32>
    %get3A_214 = arith.constant 336 : index
    %get3A_215 = tpu.vector_load %arg7[%get3A_214] {strides = array<i32>} : memref<528xi32, #tpu.memory_space<vmem>>, vector<16xi32>,
    %get3A_216 = arith.constant 336 : index
    %get3A_217 = tpu.vector_load %arg6[%get3A_216] {strides = array<i32>} : memref<528xi32, #tpu.memory_space<vmem>>, vector<16xi32>,
    %mul3A_218 = arith.constant 50 : i32
    %mul3A_219 = vector.broadcast %mul3A_218 : i32 to vector<16xi32>
    %mul3A_220 = arith.muli %get3A_217, %mul3A_219 : vector<16xi32>
    %add3A_221 = arith.addi %mul3A_220, %get3A_215 : vector<16xi32>
    %gather3A_222 = tpu.vector_load_idx %arg8[%add3A_221] : memref<2512xf32, #tpu.memory_space<vmem>>[vector<16xi32>], vector<16xf32>,
    %add3A_223 = arith.addf %add3A_213, %gather3A_222 : vector<16xf32>
    %get3A_224 = arith.constant 352 : index
    %get3A_225 = tpu.vector_load %arg7[%get3A_224] {strides = array<i32>} : memref<528xi32, #tpu.memory_space<vmem>>, vector<16xi32>,
    %get3A_226 = arith.constant 352 : index
    %get3A_227 = tpu.vector_load %arg6[%get3A_226] {strides = array<i32>} : memref<528xi32, #tpu.memory_space<vmem>>, vector<16xi32>,
    %mul3A_228 = arith.constant 50 : i32
    %mul3A_229 = vector.broadcast %mul3A_228 : i32 to vector<16xi32>
    %mul3A_230 = arith.muli %get3A_227, %mul3A_229 : vector<16xi32>
    %add3A_231 = arith.addi %mul3A_230, %get3A_225 : vector<16xi32>
    %gather3A_232 = tpu.vector_load_idx %arg8[%add3A_231] : memref<2512xf32, #tpu.memory_space<vmem>>[vector<16xi32>], vector<16xf32>,
    %add3A_233 = arith.addf %add3A_223, %gather3A_232 : vector<16xf32>
    %get3A_234 = arith.constant 368 : index
    %get3A_235 = tpu.vector_load %arg7[%get3A_234] {strides = array<i32>} : memref<528xi32, #tpu.memory_space<vmem>>, vector<16xi32>,
    %get3A_236 = arith.constant 368 : index
    %get3A_237 = tpu.vector_load %arg6[%get3A_236] {strides = array<i32>} : memref<528xi32, #tpu.memory_space<vmem>>, vector<16xi32>,
    %mul3A_238 = arith.constant 50 : i32
    %mul3A_239 = vector.broadcast %mul3A_238 : i32 to vector<16xi32>
    %mul3A_240 = arith.muli %get3A_237, %mul3A_239 : vector<16xi32>
    %add3A_241 = arith.addi %mul3A_240, %get3A_235 : vector<16xi32>
    %gather3A_242 = tpu.vector_load_idx %arg8[%add3A_241] : memref<2512xf32, #tpu.memory_space<vmem>>[vector<16xi32>], vector<16xf32>,
    %add3A_243 = arith.addf %add3A_233, %gather3A_242 : vector<16xf32>
    %get3A_244 = arith.constant 384 : index
    %get3A_245 = tpu.vector_load %arg7[%get3A_244] {strides = array<i32>} : memref<528xi32, #tpu.memory_space<vmem>>, vector<16xi32>,
    %get3A_246 = arith.constant 384 : index
    %get3A_247 = tpu.vector_load %arg6[%get3A_246] {strides = array<i32>} : memref<528xi32, #tpu.memory_space<vmem>>, vector<16xi32>,
    %mul3A_248 = arith.constant 50 : i32
    %mul3A_249 = vector.broadcast %mul3A_248 : i32 to vector<16xi32>
    %mul3A_250 = arith.muli %get3A_247, %mul3A_249 : vector<16xi32>
    %add3A_251 = arith.addi %mul3A_250, %get3A_245 : vector<16xi32>
    %gather3A_252 = tpu.vector_load_idx %arg8[%add3A_251] : memref<2512xf32, #tpu.memory_space<vmem>>[vector<16xi32>], vector<16xf32>,
    %add3A_253 = arith.addf %add3A_243, %gather3A_252 : vector<16xf32>
    %get3A_254 = arith.constant 400 : index
    %get3A_255 = tpu.vector_load %arg7[%get3A_254] {strides = array<i32>} : memref<528xi32, #tpu.memory_space<vmem>>, vector<16xi32>,
    %get3A_256 = arith.constant 400 : index
    %get3A_257 = tpu.vector_load %arg6[%get3A_256] {strides = array<i32>} : memref<528xi32, #tpu.memory_space<vmem>>, vector<16xi32>,
    %mul3A_258 = arith.constant 50 : i32
    %mul3A_259 = vector.broadcast %mul3A_258 : i32 to vector<16xi32>
    %mul3A_260 = arith.muli %get3A_257, %mul3A_259 : vector<16xi32>
    %add3A_261 = arith.addi %mul3A_260, %get3A_255 : vector<16xi32>
    %gather3A_262 = tpu.vector_load_idx %arg8[%add3A_261] : memref<2512xf32, #tpu.memory_space<vmem>>[vector<16xi32>], vector<16xf32>,
    %add3A_263 = arith.addf %add3A_253, %gather3A_262 : vector<16xf32>
    %get3A_264 = arith.constant 416 : index
    %get3A_265 = tpu.vector_load %arg7[%get3A_264] {strides = array<i32>} : memref<528xi32, #tpu.memory_space<vmem>>, vector<16xi32>,
    %get3A_266 = arith.constant 416 : index
    %get3A_267 = tpu.vector_load %arg6[%get3A_266] {strides = array<i32>} : memref<528xi32, #tpu.memory_space<vmem>>, vector<16xi32>,
    %mul3A_268 = arith.constant 50 : i32
    %mul3A_269 = vector.broadcast %mul3A_268 : i32 to vector<16xi32>
    %mul3A_270 = arith.muli %get3A_267, %mul3A_269 : vector<16xi32>
    %add3A_271 = arith.addi %mul3A_270, %get3A_265 : vector<16xi32>
    %gather3A_272 = tpu.vector_load_idx %arg8[%add3A_271] : memref<2512xf32, #tpu.memory_space<vmem>>[vector<16xi32>], vector<16xf32>,
    %add3A_273 = arith.addf %add3A_263, %gather3A_272 : vector<16xf32>
    %get3A_274 = arith.constant 432 : index
    %get3A_275 = tpu.vector_load %arg7[%get3A_274] {strides = array<i32>} : memref<528xi32, #tpu.memory_space<vmem>>, vector<16xi32>,
    %get3A_276 = arith.constant 432 : index
    %get3A_277 = tpu.vector_load %arg6[%get3A_276] {strides = array<i32>} : memref<528xi32, #tpu.memory_space<vmem>>, vector<16xi32>,
    %mul3A_278 = arith.constant 50 : i32
    %mul3A_279 = vector.broadcast %mul3A_278 : i32 to vector<16xi32>
    %mul3A_280 = arith.muli %get3A_277, %mul3A_279 : vector<16xi32>
    %add3A_281 = arith.addi %mul3A_280, %get3A_275 : vector<16xi32>
    %gather3A_282 = tpu.vector_load_idx %arg8[%add3A_281] : memref<2512xf32, #tpu.memory_space<vmem>>[vector<16xi32>], vector<16xf32>,
    %add3A_283 = arith.addf %add3A_273, %gather3A_282 : vector<16xf32>
    %get3A_284 = arith.constant 448 : index
    %get3A_285 = tpu.vector_load %arg7[%get3A_284] {strides = array<i32>} : memref<528xi32, #tpu.memory_space<vmem>>, vector<16xi32>,
    %get3A_286 = arith.constant 448 : index
    %get3A_287 = tpu.vector_load %arg6[%get3A_286] {strides = array<i32>} : memref<528xi32, #tpu.memory_space<vmem>>, vector<16xi32>,
    %mul3A_288 = arith.constant 50 : i32
    %mul3A_289 = vector.broadcast %mul3A_288 : i32 to vector<16xi32>
    %mul3A_290 = arith.muli %get3A_287, %mul3A_289 : vector<16xi32>
    %add3A_291 = arith.addi %mul3A_290, %get3A_285 : vector<16xi32>
    %gather3A_292 = tpu.vector_load_idx %arg8[%add3A_291] : memref<2512xf32, #tpu.memory_space<vmem>>[vector<16xi32>], vector<16xf32>,
    %add3A_293 = arith.addf %add3A_283, %gather3A_292 : vector<16xf32>
    %get3A_294 = arith.constant 464 : index
    %get3A_295 = tpu.vector_load %arg7[%get3A_294] {strides = array<i32>} : memref<528xi32, #tpu.memory_space<vmem>>, vector<16xi32>,
    %get3A_296 = arith.constant 464 : index
    %get3A_297 = tpu.vector_load %arg6[%get3A_296] {strides = array<i32>} : memref<528xi32, #tpu.memory_space<vmem>>, vector<16xi32>,
    %mul3A_298 = arith.constant 50 : i32
    %mul3A_299 = vector.broadcast %mul3A_298 : i32 to vector<16xi32>
    %mul3A_300 = arith.muli %get3A_297, %mul3A_299 : vector<16xi32>
    %add3A_301 = arith.addi %mul3A_300, %get3A_295 : vector<16xi32>
    %gather3A_302 = tpu.vector_load_idx %arg8[%add3A_301] : memref<2512xf32, #tpu.memory_space<vmem>>[vector<16xi32>], vector<16xf32>,
    %add3A_303 = arith.addf %add3A_293, %gather3A_302 : vector<16xf32>
    %get3A_304 = arith.constant 480 : index
    %get3A_305 = tpu.vector_load %arg7[%get3A_304] {strides = array<i32>} : memref<528xi32, #tpu.memory_space<vmem>>, vector<16xi32>,
    %get3A_306 = arith.constant 480 : index
    %get3A_307 = tpu.vector_load %arg6[%get3A_306] {strides = array<i32>} : memref<528xi32, #tpu.memory_space<vmem>>, vector<16xi32>,
    %mul3A_308 = arith.constant 50 : i32
    %mul3A_309 = vector.broadcast %mul3A_308 : i32 to vector<16xi32>
    %mul3A_310 = arith.muli %get3A_307, %mul3A_309 : vector<16xi32>
    %add3A_311 = arith.addi %mul3A_310, %get3A_305 : vector<16xi32>
    %gather3A_312 = tpu.vector_load_idx %arg8[%add3A_311] : memref<2512xf32, #tpu.memory_space<vmem>>[vector<16xi32>], vector<16xf32>,
    %add3A_313 = arith.addf %add3A_303, %gather3A_312 : vector<16xf32>
    %get3A_314 = arith.constant 496 : index
    %get3A_315 = tpu.vector_load %arg7[%get3A_314] {strides = array<i32>} : memref<528xi32, #tpu.memory_space<vmem>>, vector<16xi32>,
    %get3A_316 = arith.constant 496 : index
    %get3A_317 = tpu.vector_load %arg6[%get3A_316] {strides = array<i32>} : memref<528xi32, #tpu.memory_space<vmem>>, vector<16xi32>,
    %mul3A_318 = arith.constant 50 : i32
    %mul3A_319 = vector.broadcast %mul3A_318 : i32 to vector<16xi32>
    %mul3A_320 = arith.muli %get3A_317, %mul3A_319 : vector<16xi32>
    %add3A_321 = arith.addi %mul3A_320, %get3A_315 : vector<16xi32>
    %gather3A_322 = tpu.vector_load_idx %arg8[%add3A_321] : memref<2512xf32, #tpu.memory_space<vmem>>[vector<16xi32>], vector<16xf32>,
    %add3A_323 = arith.addf %add3A_313, %gather3A_322 : vector<16xf32>
    %get3A_324 = arith.constant 512 : index
    %get3A_325 = tpu.vector_load %arg7[%get3A_324] {strides = array<i32>} : memref<528xi32, #tpu.memory_space<vmem>>, vector<16xi32>,
    %get3A_326 = arith.constant 512 : index
    %get3A_327 = tpu.vector_load %arg6[%get3A_326] {strides = array<i32>} : memref<528xi32, #tpu.memory_space<vmem>>, vector<16xi32>,
    %mul3A_328 = arith.constant 50 : i32
    %mul3A_329 = vector.broadcast %mul3A_328 : i32 to vector<16xi32>
    %mul3A_330 = arith.muli %get3A_327, %mul3A_329 : vector<16xi32>
    %add3A_331 = arith.addi %mul3A_330, %get3A_325 : vector<16xi32>
    %gather3A_332 = tpu.vector_load_idx %arg8[%add3A_331] : memref<2512xf32, #tpu.memory_space<vmem>>[vector<16xi32>], vector<16xf32>,
    %add3A_333 = arith.addf %add3A_323, %gather3A_332 : vector<16xf32>
    %swap3A = arith.constant 0 : index
    %swap3A_334 = tpu.vector_load %arg9[%swap3A] {strides = array<i32>} : memref<16xf32, #tpu.memory_space<vmem>>, vector<16xf32>,
    tpu.vector_store %arg9[%swap3A], %add3A_333 {strides = array<i32>} : memref<16xf32, #tpu.memory_space<vmem>>, vector<16xf32>,
    "tpu.region"() ({
      %run_scoped3A = tpu.sem_alloc : memref<!tpu.dma_semaphore, #tpu.memory_space<semaphore_mem>>
      %dma_start3A = arith.constant 0 : i32
      %dma_start3A_673 = tpu.memref_slice %arg5[%add3A_4, %dma_start3A] : memref<64x16xf32, #tpu.memory_space<hbm>> -> memref<1x16xf32, #tpu.memory_space<hbm>>
      %dma_start3A_674 = tpu.memref_squeeze %dma_start3A_673 : memref<1x16xf32, #tpu.memory_space<hbm>> -> memref<16xf32, #tpu.memory_space<hbm>>
      %dma_start3A_675 = arith.constant 0 : i32
      %dma_start3A_676 = tpu.memref_slice %arg5[%add3A_4, %dma_start3A_675] : memref<64x16xf32, #tpu.memory_space<hbm>> -> memref<1x16xf32, #tpu.memory_space<hbm>>
      %dma_start3A_677 = tpu.memref_squeeze %dma_start3A_676 : memref<1x16xf32, #tpu.memory_space<hbm>> -> memref<16xf32, #tpu.memory_space<hbm>>
      tpu.enqueue_dma source(%arg9 : memref<16xf32, #tpu.memory_space<vmem>>) target(%dma_start3A_677 : memref<16xf32, #tpu.memory_space<hbm>>) target_semaphore(%run_scoped3A : memref<!tpu.dma_semaphore, #tpu.memory_space<semaphore_mem>>)
      %dma_wait3A = arith.constant 0 : i32
      %dma_wait3A_678 = tpu.memref_slice %arg5[%add3A_4, %dma_wait3A] : memref<64x16xf32, #tpu.memory_space<hbm>> -> memref<1x16xf32, #tpu.memory_space<hbm>>
      %dma_wait3A_679 = tpu.memref_squeeze %dma_wait3A_678 : memref<1x16xf32, #tpu.memory_space<hbm>> -> memref<16xf32, #tpu.memory_space<hbm>>
      %dma_wait3A_680 = arith.constant 0 : i32
      %dma_wait3A_681 = tpu.memref_slice %arg5[%add3A_4, %dma_wait3A_680] : memref<64x16xf32, #tpu.memory_space<hbm>> -> memref<1x16xf32, #tpu.memory_space<hbm>>
      %dma_wait3A_682 = tpu.memref_squeeze %dma_wait3A_681 : memref<1x16xf32, #tpu.memory_space<hbm>> -> memref<16xf32, #tpu.memory_space<hbm>>
      tpu.wait_dma2 semaphore(%run_scoped3A : memref<!tpu.dma_semaphore, #tpu.memory_space<semaphore_mem>>) src(%arg9 : memref<16xf32, #tpu.memory_space<vmem>>) dst(%dma_wait3A_682 : memref<16xf32, #tpu.memory_space<hbm>>)
      tpu.yield
    }) : () -> ()
    %mul3A_335 = arith.constant 2 : i32
    %mul3A_336 = arith.muli %add3A, %mul3A_335 : i32
    %add3A_337 = arith.constant 1 : i32
    %add3A_338 = arith.addi %mul3A_336, %add3A_337 : i32
    "tpu.region"() ({
      %run_scoped3A = tpu.sem_alloc : memref<!tpu.dma_semaphore, #tpu.memory_space<semaphore_mem>>
      %dma_start3A = arith.constant 0 : i32
      %dma_start3A_673 = tpu.memref_slice %arg2[%add3A_338, %dma_start3A] : memref<64x528xi32, #tpu.memory_space<hbm>> -> memref<1x528xi32, #tpu.memory_space<hbm>>
      %dma_start3A_674 = tpu.memref_squeeze %dma_start3A_673 : memref<1x528xi32, #tpu.memory_space<hbm>> -> memref<528xi32, #tpu.memory_space<hbm>>
      %dma_start3A_675 = arith.constant 0 : i32
      %dma_start3A_676 = tpu.memref_slice %arg2[%add3A_338, %dma_start3A_675] : memref<64x528xi32, #tpu.memory_space<hbm>> -> memref<1x528xi32, #tpu.memory_space<hbm>>
      %dma_start3A_677 = tpu.memref_squeeze %dma_start3A_676 : memref<1x528xi32, #tpu.memory_space<hbm>> -> memref<528xi32, #tpu.memory_space<hbm>>
      tpu.enqueue_dma source(%dma_start3A_677 : memref<528xi32, #tpu.memory_space<hbm>>) target(%arg6 : memref<528xi32, #tpu.memory_space<vmem>>) target_semaphore(%run_scoped3A : memref<!tpu.dma_semaphore, #tpu.memory_space<semaphore_mem>>)
      %dma_wait3A = arith.constant 0 : i32
      %dma_wait3A_678 = tpu.memref_slice %arg2[%add3A_338, %dma_wait3A] : memref<64x528xi32, #tpu.memory_space<hbm>> -> memref<1x528xi32, #tpu.memory_space<hbm>>
      %dma_wait3A_679 = tpu.memref_squeeze %dma_wait3A_678 : memref<1x528xi32, #tpu.memory_space<hbm>> -> memref<528xi32, #tpu.memory_space<hbm>>
      %dma_wait3A_680 = arith.constant 0 : i32
      %dma_wait3A_681 = tpu.memref_slice %arg2[%add3A_338, %dma_wait3A_680] : memref<64x528xi32, #tpu.memory_space<hbm>> -> memref<1x528xi32, #tpu.memory_space<hbm>>
      %dma_wait3A_682 = tpu.memref_squeeze %dma_wait3A_681 : memref<1x528xi32, #tpu.memory_space<hbm>> -> memref<528xi32, #tpu.memory_space<hbm>>
      tpu.wait_dma2 semaphore(%run_scoped3A : memref<!tpu.dma_semaphore, #tpu.memory_space<semaphore_mem>>) src(%dma_wait3A_682 : memref<528xi32, #tpu.memory_space<hbm>>) dst(%arg6 : memref<528xi32, #tpu.memory_space<vmem>>)
      tpu.yield
    }) : () -> ()
    "tpu.region"() ({
      %run_scoped3A = tpu.sem_alloc : memref<!tpu.dma_semaphore, #tpu.memory_space<semaphore_mem>>
      %dma_start3A = arith.constant 0 : i32
      %dma_start3A_673 = tpu.memref_slice %arg3[%add3A_338, %dma_start3A] : memref<64x528xi32, #tpu.memory_space<hbm>> -> memref<1x528xi32, #tpu.memory_space<hbm>>
      %dma_start3A_674 = tpu.memref_squeeze %dma_start3A_673 : memref<1x528xi32, #tpu.memory_space<hbm>> -> memref<528xi32, #tpu.memory_space<hbm>>
      %dma_start3A_675 = arith.constant 0 : i32
      %dma_start3A_676 = tpu.memref_slice %arg3[%add3A_338, %dma_start3A_675] : memref<64x528xi32, #tpu.memory_space<hbm>> -> memref<1x528xi32, #tpu.memory_space<hbm>>
      %dma_start3A_677 = tpu.memref_squeeze %dma_start3A_676 : memref<1x528xi32, #tpu.memory_space<hbm>> -> memref<528xi32, #tpu.memory_space<hbm>>
      tpu.enqueue_dma source(%dma_start3A_677 : memref<528xi32, #tpu.memory_space<hbm>>) target(%arg7 : memref<528xi32, #tpu.memory_space<vmem>>) target_semaphore(%run_scoped3A : memref<!tpu.dma_semaphore, #tpu.memory_space<semaphore_mem>>)
      %dma_wait3A = arith.constant 0 : i32
      %dma_wait3A_678 = tpu.memref_slice %arg3[%add3A_338, %dma_wait3A] : memref<64x528xi32, #tpu.memory_space<hbm>> -> memref<1x528xi32, #tpu.memory_space<hbm>>
      %dma_wait3A_679 = tpu.memref_squeeze %dma_wait3A_678 : memref<1x528xi32, #tpu.memory_space<hbm>> -> memref<528xi32, #tpu.memory_space<hbm>>
      %dma_wait3A_680 = arith.constant 0 : i32
      %dma_wait3A_681 = tpu.memref_slice %arg3[%add3A_338, %dma_wait3A_680] : memref<64x528xi32, #tpu.memory_space<hbm>> -> memref<1x528xi32, #tpu.memory_space<hbm>>
      %dma_wait3A_682 = tpu.memref_squeeze %dma_wait3A_681 : memref<1x528xi32, #tpu.memory_space<hbm>> -> memref<528xi32, #tpu.memory_space<hbm>>
      tpu.wait_dma2 semaphore(%run_scoped3A : memref<!tpu.dma_semaphore, #tpu.memory_space<semaphore_mem>>) src(%dma_wait3A_682 : memref<528xi32, #tpu.memory_space<hbm>>) dst(%arg7 : memref<528xi32, #tpu.memory_space<vmem>>)
      tpu.yield
    }) : () -> ()
    %broadcast_in_dim3A_339 = arith.constant 0.000000e+00 : f32
    %broadcast_in_dim3A_340 = vector.broadcast %broadcast_in_dim3A_339 : f32 to vector<16xf32>
    %get3A_341 = arith.constant 0 : index
    %get3A_342 = tpu.vector_load %arg7[%get3A_341] {strides = array<i32>} : memref<528xi32, #tpu.memory_space<vmem>>, vector<16xi32>,
    %get3A_343 = arith.constant 0 : index
    %get3A_344 = tpu.vector_load %arg6[%get3A_343] {strides = array<i32>} : memref<528xi32, #tpu.memory_space<vmem>>, vector<16xi32>,
    %mul3A_345 = arith.constant 50 : i32
    %mul3A_346 = vector.broadcast %mul3A_345 : i32 to vector<16xi32>
    %mul3A_347 = arith.muli %get3A_344, %mul3A_346 : vector<16xi32>
    %add3A_348 = arith.addi %mul3A_347, %get3A_342 : vector<16xi32>
    %gather3A_349 = tpu.vector_load_idx %arg8[%add3A_348] : memref<2512xf32, #tpu.memory_space<vmem>>[vector<16xi32>], vector<16xf32>,
    %add3A_350 = arith.addf %broadcast_in_dim3A_340, %gather3A_349 : vector<16xf32>
    %get3A_351 = arith.constant 16 : index
    %get3A_352 = tpu.vector_load %arg7[%get3A_351] {strides = array<i32>} : memref<528xi32, #tpu.memory_space<vmem>>, vector<16xi32>,
    %get3A_353 = arith.constant 16 : index
    %get3A_354 = tpu.vector_load %arg6[%get3A_353] {strides = array<i32>} : memref<528xi32, #tpu.memory_space<vmem>>, vector<16xi32>,
    %mul3A_355 = arith.constant 50 : i32
    %mul3A_356 = vector.broadcast %mul3A_355 : i32 to vector<16xi32>
    %mul3A_357 = arith.muli %get3A_354, %mul3A_356 : vector<16xi32>
    %add3A_358 = arith.addi %mul3A_357, %get3A_352 : vector<16xi32>
    %gather3A_359 = tpu.vector_load_idx %arg8[%add3A_358] : memref<2512xf32, #tpu.memory_space<vmem>>[vector<16xi32>], vector<16xf32>,
    %add3A_360 = arith.addf %add3A_350, %gather3A_359 : vector<16xf32>
    %get3A_361 = arith.constant 32 : index
    %get3A_362 = tpu.vector_load %arg7[%get3A_361] {strides = array<i32>} : memref<528xi32, #tpu.memory_space<vmem>>, vector<16xi32>,
    %get3A_363 = arith.constant 32 : index
    %get3A_364 = tpu.vector_load %arg6[%get3A_363] {strides = array<i32>} : memref<528xi32, #tpu.memory_space<vmem>>, vector<16xi32>,
    %mul3A_365 = arith.constant 50 : i32
    %mul3A_366 = vector.broadcast %mul3A_365 : i32 to vector<16xi32>
    %mul3A_367 = arith.muli %get3A_364, %mul3A_366 : vector<16xi32>
    %add3A_368 = arith.addi %mul3A_367, %get3A_362 : vector<16xi32>
    %gather3A_369 = tpu.vector_load_idx %arg8[%add3A_368] : memref<2512xf32, #tpu.memory_space<vmem>>[vector<16xi32>], vector<16xf32>,
    %add3A_370 = arith.addf %add3A_360, %gather3A_369 : vector<16xf32>
    %get3A_371 = arith.constant 48 : index
    %get3A_372 = tpu.vector_load %arg7[%get3A_371] {strides = array<i32>} : memref<528xi32, #tpu.memory_space<vmem>>, vector<16xi32>,
    %get3A_373 = arith.constant 48 : index
    %get3A_374 = tpu.vector_load %arg6[%get3A_373] {strides = array<i32>} : memref<528xi32, #tpu.memory_space<vmem>>, vector<16xi32>,
    %mul3A_375 = arith.constant 50 : i32
    %mul3A_376 = vector.broadcast %mul3A_375 : i32 to vector<16xi32>
    %mul3A_377 = arith.muli %get3A_374, %mul3A_376 : vector<16xi32>
    %add3A_378 = arith.addi %mul3A_377, %get3A_372 : vector<16xi32>
    %gather3A_379 = tpu.vector_load_idx %arg8[%add3A_378] : memref<2512xf32, #tpu.memory_space<vmem>>[vector<16xi32>], vector<16xf32>,
    %add3A_380 = arith.addf %add3A_370, %gather3A_379 : vector<16xf32>
    %get3A_381 = arith.constant 64 : index
    %get3A_382 = tpu.vector_load %arg7[%get3A_381] {strides = array<i32>} : memref<528xi32, #tpu.memory_space<vmem>>, vector<16xi32>,
    %get3A_383 = arith.constant 64 : index
    %get3A_384 = tpu.vector_load %arg6[%get3A_383] {strides = array<i32>} : memref<528xi32, #tpu.memory_space<vmem>>, vector<16xi32>,
    %mul3A_385 = arith.constant 50 : i32
    %mul3A_386 = vector.broadcast %mul3A_385 : i32 to vector<16xi32>
    %mul3A_387 = arith.muli %get3A_384, %mul3A_386 : vector<16xi32>
    %add3A_388 = arith.addi %mul3A_387, %get3A_382 : vector<16xi32>
    %gather3A_389 = tpu.vector_load_idx %arg8[%add3A_388] : memref<2512xf32, #tpu.memory_space<vmem>>[vector<16xi32>], vector<16xf32>,
    %add3A_390 = arith.addf %add3A_380, %gather3A_389 : vector<16xf32>
    %get3A_391 = arith.constant 80 : index
    %get3A_392 = tpu.vector_load %arg7[%get3A_391] {strides = array<i32>} : memref<528xi32, #tpu.memory_space<vmem>>, vector<16xi32>,
    %get3A_393 = arith.constant 80 : index
    %get3A_394 = tpu.vector_load %arg6[%get3A_393] {strides = array<i32>} : memref<528xi32, #tpu.memory_space<vmem>>, vector<16xi32>,
    %mul3A_395 = arith.constant 50 : i32
    %mul3A_396 = vector.broadcast %mul3A_395 : i32 to vector<16xi32>
    %mul3A_397 = arith.muli %get3A_394, %mul3A_396 : vector<16xi32>
    %add3A_398 = arith.addi %mul3A_397, %get3A_392 : vector<16xi32>
    %gather3A_399 = tpu.vector_load_idx %arg8[%add3A_398] : memref<2512xf32, #tpu.memory_space<vmem>>[vector<16xi32>], vector<16xf32>,
    %add3A_400 = arith.addf %add3A_390, %gather3A_399 : vector<16xf32>
    %get3A_401 = arith.constant 96 : index
    %get3A_402 = tpu.vector_load %arg7[%get3A_401] {strides = array<i32>} : memref<528xi32, #tpu.memory_space<vmem>>, vector<16xi32>,
    %get3A_403 = arith.constant 96 : index
    %get3A_404 = tpu.vector_load %arg6[%get3A_403] {strides = array<i32>} : memref<528xi32, #tpu.memory_space<vmem>>, vector<16xi32>,
    %mul3A_405 = arith.constant 50 : i32
    %mul3A_406 = vector.broadcast %mul3A_405 : i32 to vector<16xi32>
    %mul3A_407 = arith.muli %get3A_404, %mul3A_406 : vector<16xi32>
    %add3A_408 = arith.addi %mul3A_407, %get3A_402 : vector<16xi32>
    %gather3A_409 = tpu.vector_load_idx %arg8[%add3A_408] : memref<2512xf32, #tpu.memory_space<vmem>>[vector<16xi32>], vector<16xf32>,
    %add3A_410 = arith.addf %add3A_400, %gather3A_409 : vector<16xf32>
    %get3A_411 = arith.constant 112 : index
    %get3A_412 = tpu.vector_load %arg7[%get3A_411] {strides = array<i32>} : memref<528xi32, #tpu.memory_space<vmem>>, vector<16xi32>,
    %get3A_413 = arith.constant 112 : index
    %get3A_414 = tpu.vector_load %arg6[%get3A_413] {strides = array<i32>} : memref<528xi32, #tpu.memory_space<vmem>>, vector<16xi32>,
    %mul3A_415 = arith.constant 50 : i32
    %mul3A_416 = vector.broadcast %mul3A_415 : i32 to vector<16xi32>
    %mul3A_417 = arith.muli %get3A_414, %mul3A_416 : vector<16xi32>
    %add3A_418 = arith.addi %mul3A_417, %get3A_412 : vector<16xi32>
    %gather3A_419 = tpu.vector_load_idx %arg8[%add3A_418] : memref<2512xf32, #tpu.memory_space<vmem>>[vector<16xi32>], vector<16xf32>,
    %add3A_420 = arith.addf %add3A_410, %gather3A_419 : vector<16xf32>
    %get3A_421 = arith.constant 128 : index
    %get3A_422 = tpu.vector_load %arg7[%get3A_421] {strides = array<i32>} : memref<528xi32, #tpu.memory_space<vmem>>, vector<16xi32>,
    %get3A_423 = arith.constant 128 : index
    %get3A_424 = tpu.vector_load %arg6[%get3A_423] {strides = array<i32>} : memref<528xi32, #tpu.memory_space<vmem>>, vector<16xi32>,
    %mul3A_425 = arith.constant 50 : i32
    %mul3A_426 = vector.broadcast %mul3A_425 : i32 to vector<16xi32>
    %mul3A_427 = arith.muli %get3A_424, %mul3A_426 : vector<16xi32>
    %add3A_428 = arith.addi %mul3A_427, %get3A_422 : vector<16xi32>
    %gather3A_429 = tpu.vector_load_idx %arg8[%add3A_428] : memref<2512xf32, #tpu.memory_space<vmem>>[vector<16xi32>], vector<16xf32>,
    %add3A_430 = arith.addf %add3A_420, %gather3A_429 : vector<16xf32>
    %get3A_431 = arith.constant 144 : index
    %get3A_432 = tpu.vector_load %arg7[%get3A_431] {strides = array<i32>} : memref<528xi32, #tpu.memory_space<vmem>>, vector<16xi32>,
    %get3A_433 = arith.constant 144 : index
    %get3A_434 = tpu.vector_load %arg6[%get3A_433] {strides = array<i32>} : memref<528xi32, #tpu.memory_space<vmem>>, vector<16xi32>,
    %mul3A_435 = arith.constant 50 : i32
    %mul3A_436 = vector.broadcast %mul3A_435 : i32 to vector<16xi32>
    %mul3A_437 = arith.muli %get3A_434, %mul3A_436 : vector<16xi32>
    %add3A_438 = arith.addi %mul3A_437, %get3A_432 : vector<16xi32>
    %gather3A_439 = tpu.vector_load_idx %arg8[%add3A_438] : memref<2512xf32, #tpu.memory_space<vmem>>[vector<16xi32>], vector<16xf32>,
    %add3A_440 = arith.addf %add3A_430, %gather3A_439 : vector<16xf32>
    %get3A_441 = arith.constant 160 : index
    %get3A_442 = tpu.vector_load %arg7[%get3A_441] {strides = array<i32>} : memref<528xi32, #tpu.memory_space<vmem>>, vector<16xi32>,
    %get3A_443 = arith.constant 160 : index
    %get3A_444 = tpu.vector_load %arg6[%get3A_443] {strides = array<i32>} : memref<528xi32, #tpu.memory_space<vmem>>, vector<16xi32>,
    %mul3A_445 = arith.constant 50 : i32
    %mul3A_446 = vector.broadcast %mul3A_445 : i32 to vector<16xi32>
    %mul3A_447 = arith.muli %get3A_444, %mul3A_446 : vector<16xi32>
    %add3A_448 = arith.addi %mul3A_447, %get3A_442 : vector<16xi32>
    %gather3A_449 = tpu.vector_load_idx %arg8[%add3A_448] : memref<2512xf32, #tpu.memory_space<vmem>>[vector<16xi32>], vector<16xf32>,
    %add3A_450 = arith.addf %add3A_440, %gather3A_449 : vector<16xf32>
    %get3A_451 = arith.constant 176 : index
    %get3A_452 = tpu.vector_load %arg7[%get3A_451] {strides = array<i32>} : memref<528xi32, #tpu.memory_space<vmem>>, vector<16xi32>,
    %get3A_453 = arith.constant 176 : index
    %get3A_454 = tpu.vector_load %arg6[%get3A_453] {strides = array<i32>} : memref<528xi32, #tpu.memory_space<vmem>>, vector<16xi32>,
    %mul3A_455 = arith.constant 50 : i32
    %mul3A_456 = vector.broadcast %mul3A_455 : i32 to vector<16xi32>
    %mul3A_457 = arith.muli %get3A_454, %mul3A_456 : vector<16xi32>
    %add3A_458 = arith.addi %mul3A_457, %get3A_452 : vector<16xi32>
    %gather3A_459 = tpu.vector_load_idx %arg8[%add3A_458] : memref<2512xf32, #tpu.memory_space<vmem>>[vector<16xi32>], vector<16xf32>,
    %add3A_460 = arith.addf %add3A_450, %gather3A_459 : vector<16xf32>
    %get3A_461 = arith.constant 192 : index
    %get3A_462 = tpu.vector_load %arg7[%get3A_461] {strides = array<i32>} : memref<528xi32, #tpu.memory_space<vmem>>, vector<16xi32>,
    %get3A_463 = arith.constant 192 : index
    %get3A_464 = tpu.vector_load %arg6[%get3A_463] {strides = array<i32>} : memref<528xi32, #tpu.memory_space<vmem>>, vector<16xi32>,
    %mul3A_465 = arith.constant 50 : i32
    %mul3A_466 = vector.broadcast %mul3A_465 : i32 to vector<16xi32>
    %mul3A_467 = arith.muli %get3A_464, %mul3A_466 : vector<16xi32>
    %add3A_468 = arith.addi %mul3A_467, %get3A_462 : vector<16xi32>
    %gather3A_469 = tpu.vector_load_idx %arg8[%add3A_468] : memref<2512xf32, #tpu.memory_space<vmem>>[vector<16xi32>], vector<16xf32>,
    %add3A_470 = arith.addf %add3A_460, %gather3A_469 : vector<16xf32>
    %get3A_471 = arith.constant 208 : index
    %get3A_472 = tpu.vector_load %arg7[%get3A_471] {strides = array<i32>} : memref<528xi32, #tpu.memory_space<vmem>>, vector<16xi32>,
    %get3A_473 = arith.constant 208 : index
    %get3A_474 = tpu.vector_load %arg6[%get3A_473] {strides = array<i32>} : memref<528xi32, #tpu.memory_space<vmem>>, vector<16xi32>,
    %mul3A_475 = arith.constant 50 : i32
    %mul3A_476 = vector.broadcast %mul3A_475 : i32 to vector<16xi32>
    %mul3A_477 = arith.muli %get3A_474, %mul3A_476 : vector<16xi32>
    %add3A_478 = arith.addi %mul3A_477, %get3A_472 : vector<16xi32>
    %gather3A_479 = tpu.vector_load_idx %arg8[%add3A_478] : memref<2512xf32, #tpu.memory_space<vmem>>[vector<16xi32>], vector<16xf32>,
    %add3A_480 = arith.addf %add3A_470, %gather3A_479 : vector<16xf32>
    %get3A_481 = arith.constant 224 : index
    %get3A_482 = tpu.vector_load %arg7[%get3A_481] {strides = array<i32>} : memref<528xi32, #tpu.memory_space<vmem>>, vector<16xi32>,
    %get3A_483 = arith.constant 224 : index
    %get3A_484 = tpu.vector_load %arg6[%get3A_483] {strides = array<i32>} : memref<528xi32, #tpu.memory_space<vmem>>, vector<16xi32>,
    %mul3A_485 = arith.constant 50 : i32
    %mul3A_486 = vector.broadcast %mul3A_485 : i32 to vector<16xi32>
    %mul3A_487 = arith.muli %get3A_484, %mul3A_486 : vector<16xi32>
    %add3A_488 = arith.addi %mul3A_487, %get3A_482 : vector<16xi32>
    %gather3A_489 = tpu.vector_load_idx %arg8[%add3A_488] : memref<2512xf32, #tpu.memory_space<vmem>>[vector<16xi32>], vector<16xf32>,
    %add3A_490 = arith.addf %add3A_480, %gather3A_489 : vector<16xf32>
    %get3A_491 = arith.constant 240 : index
    %get3A_492 = tpu.vector_load %arg7[%get3A_491] {strides = array<i32>} : memref<528xi32, #tpu.memory_space<vmem>>, vector<16xi32>,
    %get3A_493 = arith.constant 240 : index
    %get3A_494 = tpu.vector_load %arg6[%get3A_493] {strides = array<i32>} : memref<528xi32, #tpu.memory_space<vmem>>, vector<16xi32>,
    %mul3A_495 = arith.constant 50 : i32
    %mul3A_496 = vector.broadcast %mul3A_495 : i32 to vector<16xi32>
    %mul3A_497 = arith.muli %get3A_494, %mul3A_496 : vector<16xi32>
    %add3A_498 = arith.addi %mul3A_497, %get3A_492 : vector<16xi32>
    %gather3A_499 = tpu.vector_load_idx %arg8[%add3A_498] : memref<2512xf32, #tpu.memory_space<vmem>>[vector<16xi32>], vector<16xf32>,
    %add3A_500 = arith.addf %add3A_490, %gather3A_499 : vector<16xf32>
    %get3A_501 = arith.constant 256 : index
    %get3A_502 = tpu.vector_load %arg7[%get3A_501] {strides = array<i32>} : memref<528xi32, #tpu.memory_space<vmem>>, vector<16xi32>,
    %get3A_503 = arith.constant 256 : index
    %get3A_504 = tpu.vector_load %arg6[%get3A_503] {strides = array<i32>} : memref<528xi32, #tpu.memory_space<vmem>>, vector<16xi32>,
    %mul3A_505 = arith.constant 50 : i32
    %mul3A_506 = vector.broadcast %mul3A_505 : i32 to vector<16xi32>
    %mul3A_507 = arith.muli %get3A_504, %mul3A_506 : vector<16xi32>
    %add3A_508 = arith.addi %mul3A_507, %get3A_502 : vector<16xi32>
    %gather3A_509 = tpu.vector_load_idx %arg8[%add3A_508] : memref<2512xf32, #tpu.memory_space<vmem>>[vector<16xi32>], vector<16xf32>,
    %add3A_510 = arith.addf %add3A_500, %gather3A_509 : vector<16xf32>
    %get3A_511 = arith.constant 272 : index
    %get3A_512 = tpu.vector_load %arg7[%get3A_511] {strides = array<i32>} : memref<528xi32, #tpu.memory_space<vmem>>, vector<16xi32>,
    %get3A_513 = arith.constant 272 : index
    %get3A_514 = tpu.vector_load %arg6[%get3A_513] {strides = array<i32>} : memref<528xi32, #tpu.memory_space<vmem>>, vector<16xi32>,
    %mul3A_515 = arith.constant 50 : i32
    %mul3A_516 = vector.broadcast %mul3A_515 : i32 to vector<16xi32>
    %mul3A_517 = arith.muli %get3A_514, %mul3A_516 : vector<16xi32>
    %add3A_518 = arith.addi %mul3A_517, %get3A_512 : vector<16xi32>
    %gather3A_519 = tpu.vector_load_idx %arg8[%add3A_518] : memref<2512xf32, #tpu.memory_space<vmem>>[vector<16xi32>], vector<16xf32>,
    %add3A_520 = arith.addf %add3A_510, %gather3A_519 : vector<16xf32>
    %get3A_521 = arith.constant 288 : index
    %get3A_522 = tpu.vector_load %arg7[%get3A_521] {strides = array<i32>} : memref<528xi32, #tpu.memory_space<vmem>>, vector<16xi32>,
    %get3A_523 = arith.constant 288 : index
    %get3A_524 = tpu.vector_load %arg6[%get3A_523] {strides = array<i32>} : memref<528xi32, #tpu.memory_space<vmem>>, vector<16xi32>,
    %mul3A_525 = arith.constant 50 : i32
    %mul3A_526 = vector.broadcast %mul3A_525 : i32 to vector<16xi32>
    %mul3A_527 = arith.muli %get3A_524, %mul3A_526 : vector<16xi32>
    %add3A_528 = arith.addi %mul3A_527, %get3A_522 : vector<16xi32>
    %gather3A_529 = tpu.vector_load_idx %arg8[%add3A_528] : memref<2512xf32, #tpu.memory_space<vmem>>[vector<16xi32>], vector<16xf32>,
    %add3A_530 = arith.addf %add3A_520, %gather3A_529 : vector<16xf32>
    %get3A_531 = arith.constant 304 : index
    %get3A_532 = tpu.vector_load %arg7[%get3A_531] {strides = array<i32>} : memref<528xi32, #tpu.memory_space<vmem>>, vector<16xi32>,
    %get3A_533 = arith.constant 304 : index
    %get3A_534 = tpu.vector_load %arg6[%get3A_533] {strides = array<i32>} : memref<528xi32, #tpu.memory_space<vmem>>, vector<16xi32>,
    %mul3A_535 = arith.constant 50 : i32
    %mul3A_536 = vector.broadcast %mul3A_535 : i32 to vector<16xi32>
    %mul3A_537 = arith.muli %get3A_534, %mul3A_536 : vector<16xi32>
    %add3A_538 = arith.addi %mul3A_537, %get3A_532 : vector<16xi32>
    %gather3A_539 = tpu.vector_load_idx %arg8[%add3A_538] : memref<2512xf32, #tpu.memory_space<vmem>>[vector<16xi32>], vector<16xf32>,
    %add3A_540 = arith.addf %add3A_530, %gather3A_539 : vector<16xf32>
    %get3A_541 = arith.constant 320 : index
    %get3A_542 = tpu.vector_load %arg7[%get3A_541] {strides = array<i32>} : memref<528xi32, #tpu.memory_space<vmem>>, vector<16xi32>,
    %get3A_543 = arith.constant 320 : index
    %get3A_544 = tpu.vector_load %arg6[%get3A_543] {strides = array<i32>} : memref<528xi32, #tpu.memory_space<vmem>>, vector<16xi32>,
    %mul3A_545 = arith.constant 50 : i32
    %mul3A_546 = vector.broadcast %mul3A_545 : i32 to vector<16xi32>
    %mul3A_547 = arith.muli %get3A_544, %mul3A_546 : vector<16xi32>
    %add3A_548 = arith.addi %mul3A_547, %get3A_542 : vector<16xi32>
    %gather3A_549 = tpu.vector_load_idx %arg8[%add3A_548] : memref<2512xf32, #tpu.memory_space<vmem>>[vector<16xi32>], vector<16xf32>,
    %add3A_550 = arith.addf %add3A_540, %gather3A_549 : vector<16xf32>
    %get3A_551 = arith.constant 336 : index
    %get3A_552 = tpu.vector_load %arg7[%get3A_551] {strides = array<i32>} : memref<528xi32, #tpu.memory_space<vmem>>, vector<16xi32>,
    %get3A_553 = arith.constant 336 : index
    %get3A_554 = tpu.vector_load %arg6[%get3A_553] {strides = array<i32>} : memref<528xi32, #tpu.memory_space<vmem>>, vector<16xi32>,
    %mul3A_555 = arith.constant 50 : i32
    %mul3A_556 = vector.broadcast %mul3A_555 : i32 to vector<16xi32>
    %mul3A_557 = arith.muli %get3A_554, %mul3A_556 : vector<16xi32>
    %add3A_558 = arith.addi %mul3A_557, %get3A_552 : vector<16xi32>
    %gather3A_559 = tpu.vector_load_idx %arg8[%add3A_558] : memref<2512xf32, #tpu.memory_space<vmem>>[vector<16xi32>], vector<16xf32>,
    %add3A_560 = arith.addf %add3A_550, %gather3A_559 : vector<16xf32>
    %get3A_561 = arith.constant 352 : index
    %get3A_562 = tpu.vector_load %arg7[%get3A_561] {strides = array<i32>} : memref<528xi32, #tpu.memory_space<vmem>>, vector<16xi32>,
    %get3A_563 = arith.constant 352 : index
    %get3A_564 = tpu.vector_load %arg6[%get3A_563] {strides = array<i32>} : memref<528xi32, #tpu.memory_space<vmem>>, vector<16xi32>,
    %mul3A_565 = arith.constant 50 : i32
    %mul3A_566 = vector.broadcast %mul3A_565 : i32 to vector<16xi32>
    %mul3A_567 = arith.muli %get3A_564, %mul3A_566 : vector<16xi32>
    %add3A_568 = arith.addi %mul3A_567, %get3A_562 : vector<16xi32>
    %gather3A_569 = tpu.vector_load_idx %arg8[%add3A_568] : memref<2512xf32, #tpu.memory_space<vmem>>[vector<16xi32>], vector<16xf32>,
    %add3A_570 = arith.addf %add3A_560, %gather3A_569 : vector<16xf32>
    %get3A_571 = arith.constant 368 : index
    %get3A_572 = tpu.vector_load %arg7[%get3A_571] {strides = array<i32>} : memref<528xi32, #tpu.memory_space<vmem>>, vector<16xi32>,
    %get3A_573 = arith.constant 368 : index
    %get3A_574 = tpu.vector_load %arg6[%get3A_573] {strides = array<i32>} : memref<528xi32, #tpu.memory_space<vmem>>, vector<16xi32>,
    %mul3A_575 = arith.constant 50 : i32
    %mul3A_576 = vector.broadcast %mul3A_575 : i32 to vector<16xi32>
    %mul3A_577 = arith.muli %get3A_574, %mul3A_576 : vector<16xi32>
    %add3A_578 = arith.addi %mul3A_577, %get3A_572 : vector<16xi32>
    %gather3A_579 = tpu.vector_load_idx %arg8[%add3A_578] : memref<2512xf32, #tpu.memory_space<vmem>>[vector<16xi32>], vector<16xf32>,
    %add3A_580 = arith.addf %add3A_570, %gather3A_579 : vector<16xf32>
    %get3A_581 = arith.constant 384 : index
    %get3A_582 = tpu.vector_load %arg7[%get3A_581] {strides = array<i32>} : memref<528xi32, #tpu.memory_space<vmem>>, vector<16xi32>,
    %get3A_583 = arith.constant 384 : index
    %get3A_584 = tpu.vector_load %arg6[%get3A_583] {strides = array<i32>} : memref<528xi32, #tpu.memory_space<vmem>>, vector<16xi32>,
    %mul3A_585 = arith.constant 50 : i32
    %mul3A_586 = vector.broadcast %mul3A_585 : i32 to vector<16xi32>
    %mul3A_587 = arith.muli %get3A_584, %mul3A_586 : vector<16xi32>
    %add3A_588 = arith.addi %mul3A_587, %get3A_582 : vector<16xi32>
    %gather3A_589 = tpu.vector_load_idx %arg8[%add3A_588] : memref<2512xf32, #tpu.memory_space<vmem>>[vector<16xi32>], vector<16xf32>,
    %add3A_590 = arith.addf %add3A_580, %gather3A_589 : vector<16xf32>
    %get3A_591 = arith.constant 400 : index
    %get3A_592 = tpu.vector_load %arg7[%get3A_591] {strides = array<i32>} : memref<528xi32, #tpu.memory_space<vmem>>, vector<16xi32>,
    %get3A_593 = arith.constant 400 : index
    %get3A_594 = tpu.vector_load %arg6[%get3A_593] {strides = array<i32>} : memref<528xi32, #tpu.memory_space<vmem>>, vector<16xi32>,
    %mul3A_595 = arith.constant 50 : i32
    %mul3A_596 = vector.broadcast %mul3A_595 : i32 to vector<16xi32>
    %mul3A_597 = arith.muli %get3A_594, %mul3A_596 : vector<16xi32>
    %add3A_598 = arith.addi %mul3A_597, %get3A_592 : vector<16xi32>
    %gather3A_599 = tpu.vector_load_idx %arg8[%add3A_598] : memref<2512xf32, #tpu.memory_space<vmem>>[vector<16xi32>], vector<16xf32>,
    %add3A_600 = arith.addf %add3A_590, %gather3A_599 : vector<16xf32>
    %get3A_601 = arith.constant 416 : index
    %get3A_602 = tpu.vector_load %arg7[%get3A_601] {strides = array<i32>} : memref<528xi32, #tpu.memory_space<vmem>>, vector<16xi32>,
    %get3A_603 = arith.constant 416 : index
    %get3A_604 = tpu.vector_load %arg6[%get3A_603] {strides = array<i32>} : memref<528xi32, #tpu.memory_space<vmem>>, vector<16xi32>,
    %mul3A_605 = arith.constant 50 : i32
    %mul3A_606 = vector.broadcast %mul3A_605 : i32 to vector<16xi32>
    %mul3A_607 = arith.muli %get3A_604, %mul3A_606 : vector<16xi32>
    %add3A_608 = arith.addi %mul3A_607, %get3A_602 : vector<16xi32>
    %gather3A_609 = tpu.vector_load_idx %arg8[%add3A_608] : memref<2512xf32, #tpu.memory_space<vmem>>[vector<16xi32>], vector<16xf32>,
    %add3A_610 = arith.addf %add3A_600, %gather3A_609 : vector<16xf32>
    %get3A_611 = arith.constant 432 : index
    %get3A_612 = tpu.vector_load %arg7[%get3A_611] {strides = array<i32>} : memref<528xi32, #tpu.memory_space<vmem>>, vector<16xi32>,
    %get3A_613 = arith.constant 432 : index
    %get3A_614 = tpu.vector_load %arg6[%get3A_613] {strides = array<i32>} : memref<528xi32, #tpu.memory_space<vmem>>, vector<16xi32>,
    %mul3A_615 = arith.constant 50 : i32
    %mul3A_616 = vector.broadcast %mul3A_615 : i32 to vector<16xi32>
    %mul3A_617 = arith.muli %get3A_614, %mul3A_616 : vector<16xi32>
    %add3A_618 = arith.addi %mul3A_617, %get3A_612 : vector<16xi32>
    %gather3A_619 = tpu.vector_load_idx %arg8[%add3A_618] : memref<2512xf32, #tpu.memory_space<vmem>>[vector<16xi32>], vector<16xf32>,
    %add3A_620 = arith.addf %add3A_610, %gather3A_619 : vector<16xf32>
    %get3A_621 = arith.constant 448 : index
    %get3A_622 = tpu.vector_load %arg7[%get3A_621] {strides = array<i32>} : memref<528xi32, #tpu.memory_space<vmem>>, vector<16xi32>,
    %get3A_623 = arith.constant 448 : index
    %get3A_624 = tpu.vector_load %arg6[%get3A_623] {strides = array<i32>} : memref<528xi32, #tpu.memory_space<vmem>>, vector<16xi32>,
    %mul3A_625 = arith.constant 50 : i32
    %mul3A_626 = vector.broadcast %mul3A_625 : i32 to vector<16xi32>
    %mul3A_627 = arith.muli %get3A_624, %mul3A_626 : vector<16xi32>
    %add3A_628 = arith.addi %mul3A_627, %get3A_622 : vector<16xi32>
    %gather3A_629 = tpu.vector_load_idx %arg8[%add3A_628] : memref<2512xf32, #tpu.memory_space<vmem>>[vector<16xi32>], vector<16xf32>,
    %add3A_630 = arith.addf %add3A_620, %gather3A_629 : vector<16xf32>
    %get3A_631 = arith.constant 464 : index
    %get3A_632 = tpu.vector_load %arg7[%get3A_631] {strides = array<i32>} : memref<528xi32, #tpu.memory_space<vmem>>, vector<16xi32>,
    %get3A_633 = arith.constant 464 : index
    %get3A_634 = tpu.vector_load %arg6[%get3A_633] {strides = array<i32>} : memref<528xi32, #tpu.memory_space<vmem>>, vector<16xi32>,
    %mul3A_635 = arith.constant 50 : i32
    %mul3A_636 = vector.broadcast %mul3A_635 : i32 to vector<16xi32>
    %mul3A_637 = arith.muli %get3A_634, %mul3A_636 : vector<16xi32>
    %add3A_638 = arith.addi %mul3A_637, %get3A_632 : vector<16xi32>
    %gather3A_639 = tpu.vector_load_idx %arg8[%add3A_638] : memref<2512xf32, #tpu.memory_space<vmem>>[vector<16xi32>], vector<16xf32>,
    %add3A_640 = arith.addf %add3A_630, %gather3A_639 : vector<16xf32>
    %get3A_641 = arith.constant 480 : index
    %get3A_642 = tpu.vector_load %arg7[%get3A_641] {strides = array<i32>} : memref<528xi32, #tpu.memory_space<vmem>>, vector<16xi32>,
    %get3A_643 = arith.constant 480 : index
    %get3A_644 = tpu.vector_load %arg6[%get3A_643] {strides = array<i32>} : memref<528xi32, #tpu.memory_space<vmem>>, vector<16xi32>,
    %mul3A_645 = arith.constant 50 : i32
    %mul3A_646 = vector.broadcast %mul3A_645 : i32 to vector<16xi32>
    %mul3A_647 = arith.muli %get3A_644, %mul3A_646 : vector<16xi32>
    %add3A_648 = arith.addi %mul3A_647, %get3A_642 : vector<16xi32>
    %gather3A_649 = tpu.vector_load_idx %arg8[%add3A_648] : memref<2512xf32, #tpu.memory_space<vmem>>[vector<16xi32>], vector<16xf32>,
    %add3A_650 = arith.addf %add3A_640, %gather3A_649 : vector<16xf32>
    %get3A_651 = arith.constant 496 : index
    %get3A_652 = tpu.vector_load %arg7[%get3A_651] {strides = array<i32>} : memref<528xi32, #tpu.memory_space<vmem>>, vector<16xi32>,
    %get3A_653 = arith.constant 496 : index
    %get3A_654 = tpu.vector_load %arg6[%get3A_653] {strides = array<i32>} : memref<528xi32, #tpu.memory_space<vmem>>, vector<16xi32>,
    %mul3A_655 = arith.constant 50 : i32
    %mul3A_656 = vector.broadcast %mul3A_655 : i32 to vector<16xi32>
    %mul3A_657 = arith.muli %get3A_654, %mul3A_656 : vector<16xi32>
    %add3A_658 = arith.addi %mul3A_657, %get3A_652 : vector<16xi32>
    %gather3A_659 = tpu.vector_load_idx %arg8[%add3A_658] : memref<2512xf32, #tpu.memory_space<vmem>>[vector<16xi32>], vector<16xf32>,
    %add3A_660 = arith.addf %add3A_650, %gather3A_659 : vector<16xf32>
    %get3A_661 = arith.constant 512 : index
    %get3A_662 = tpu.vector_load %arg7[%get3A_661] {strides = array<i32>} : memref<528xi32, #tpu.memory_space<vmem>>, vector<16xi32>,
    %get3A_663 = arith.constant 512 : index
    %get3A_664 = tpu.vector_load %arg6[%get3A_663] {strides = array<i32>} : memref<528xi32, #tpu.memory_space<vmem>>, vector<16xi32>,
    %mul3A_665 = arith.constant 50 : i32
    %mul3A_666 = vector.broadcast %mul3A_665 : i32 to vector<16xi32>
    %mul3A_667 = arith.muli %get3A_664, %mul3A_666 : vector<16xi32>
    %add3A_668 = arith.addi %mul3A_667, %get3A_662 : vector<16xi32>
    %gather3A_669 = tpu.vector_load_idx %arg8[%add3A_668] : memref<2512xf32, #tpu.memory_space<vmem>>[vector<16xi32>], vector<16xf32>,
    %add3A_670 = arith.addf %add3A_660, %gather3A_669 : vector<16xf32>
    %swap3A_671 = arith.constant 0 : index
    %swap3A_672 = tpu.vector_load %arg9[%swap3A_671] {strides = array<i32>} : memref<16xf32, #tpu.memory_space<vmem>>, vector<16xf32>,
    tpu.vector_store %arg9[%swap3A_671], %add3A_670 {strides = array<i32>} : memref<16xf32, #tpu.memory_space<vmem>>, vector<16xf32>,
    "tpu.region"() ({
      %run_scoped3A = tpu.sem_alloc : memref<!tpu.dma_semaphore, #tpu.memory_space<semaphore_mem>>
      %dma_start3A = arith.constant 0 : i32
      %dma_start3A_673 = tpu.memref_slice %arg5[%add3A_338, %dma_start3A] : memref<64x16xf32, #tpu.memory_space<hbm>> -> memref<1x16xf32, #tpu.memory_space<hbm>>
      %dma_start3A_674 = tpu.memref_squeeze %dma_start3A_673 : memref<1x16xf32, #tpu.memory_space<hbm>> -> memref<16xf32, #tpu.memory_space<hbm>>
      %dma_start3A_675 = arith.constant 0 : i32
      %dma_start3A_676 = tpu.memref_slice %arg5[%add3A_338, %dma_start3A_675] : memref<64x16xf32, #tpu.memory_space<hbm>> -> memref<1x16xf32, #tpu.memory_space<hbm>>
      %dma_start3A_677 = tpu.memref_squeeze %dma_start3A_676 : memref<1x16xf32, #tpu.memory_space<hbm>> -> memref<16xf32, #tpu.memory_space<hbm>>
      tpu.enqueue_dma source(%arg9 : memref<16xf32, #tpu.memory_space<vmem>>) target(%dma_start3A_677 : memref<16xf32, #tpu.memory_space<hbm>>) target_semaphore(%run_scoped3A : memref<!tpu.dma_semaphore, #tpu.memory_space<semaphore_mem>>)
      %dma_wait3A = arith.constant 0 : i32
      %dma_wait3A_678 = tpu.memref_slice %arg5[%add3A_338, %dma_wait3A] : memref<64x16xf32, #tpu.memory_space<hbm>> -> memref<1x16xf32, #tpu.memory_space<hbm>>
      %dma_wait3A_679 = tpu.memref_squeeze %dma_wait3A_678 : memref<1x16xf32, #tpu.memory_space<hbm>> -> memref<16xf32, #tpu.memory_space<hbm>>
      %dma_wait3A_680 = arith.constant 0 : i32
      %dma_wait3A_681 = tpu.memref_slice %arg5[%add3A_338, %dma_wait3A_680] : memref<64x16xf32, #tpu.memory_space<hbm>> -> memref<1x16xf32, #tpu.memory_space<hbm>>
      %dma_wait3A_682 = tpu.memref_squeeze %dma_wait3A_681 : memref<1x16xf32, #tpu.memory_space<hbm>> -> memref<16xf32, #tpu.memory_space<hbm>>
      tpu.wait_dma2 semaphore(%run_scoped3A : memref<!tpu.dma_semaphore, #tpu.memory_space<semaphore_mem>>) src(%arg9 : memref<16xf32, #tpu.memory_space<vmem>>) dst(%dma_wait3A_682 : memref<16xf32, #tpu.memory_space<hbm>>)
      tpu.yield
    }) : () -> ()
    return
  }
}

module attributes {stable_mosaic.version = 14 : i64} {
  func.func @_combine_body(%arg0: memref<64x16xf32, #tpu.memory_space<vmem>>, %arg1: memref<64x1xf32, #tpu.memory_space<vmem>>, %arg2: memref<64x1xf32, #tpu.memory_space<vmem>>, %arg3: memref<1x1xf32, #tpu.memory_space<vmem>>) attributes {dimension_semantics = [], scalar_prefetch = 0 : i64, scratch_operands = 0 : i64, tpu.core_type = #tpu.core_type<tc>} {
    %get3A = arith.constant 0 : index
    %get3A_0 = arith.constant 0 : index
    %get3A_1 = vector.load %arg0[%get3A, %get3A_0] : memref<64x16xf32, #tpu.memory_space<vmem>>, vector<64x16xf32>
    %reduce_sum3A = vector.shape_cast %get3A_1 : vector<64x16xf32> to vector<1x64x16xf32>
    %reduce_sum3A_2 = arith.constant dense<0.000000e+00> : vector<1xf32>
    %reduce_sum3A_3 = vector.multi_reduction <add>, %reduce_sum3A, %reduce_sum3A_2 [1, 2] : vector<1x64x16xf32> to vector<1xf32>
    %reduce_sum3A_4 = vector.shape_cast %reduce_sum3A_3 : vector<1xf32> to vector<1x1x1xf32>
    %reduce_sum3A_5 = vector.extract %reduce_sum3A_4[0, 0, 0] : f32 from vector<1x1x1xf32>
    %get3A_6 = arith.constant 0 : index
    %get3A_7 = arith.constant 0 : index
    %get3A_8 = vector.load %arg2[%get3A_6, %get3A_7] : memref<64x1xf32, #tpu.memory_space<vmem>>, vector<64x1xf32>
    %reduce_sum3A_9 = vector.shape_cast %get3A_8 : vector<64x1xf32> to vector<1x64x1xf32>
    %reduce_sum3A_10 = arith.constant dense<0.000000e+00> : vector<1xf32>
    %reduce_sum3A_11 = vector.multi_reduction <add>, %reduce_sum3A_9, %reduce_sum3A_10 [1, 2] : vector<1x64x1xf32> to vector<1xf32>
    %reduce_sum3A_12 = vector.shape_cast %reduce_sum3A_11 : vector<1xf32> to vector<1x1x1xf32>
    %reduce_sum3A_13 = vector.extract %reduce_sum3A_12[0, 0, 0] : f32 from vector<1x1x1xf32>
    %add3A = arith.addf %reduce_sum3A_5, %reduce_sum3A_13 : f32
    %get3A_14 = arith.constant 0 : index
    %get3A_15 = arith.constant 0 : index
    %get3A_16 = vector.load %arg1[%get3A_14, %get3A_15] : memref<64x1xf32, #tpu.memory_space<vmem>>, vector<64x1xf32>
    %reduce_sum3A_17 = vector.shape_cast %get3A_16 : vector<64x1xf32> to vector<1x64x1xf32>
    %reduce_sum3A_18 = arith.constant dense<0.000000e+00> : vector<1xf32>
    %reduce_sum3A_19 = vector.multi_reduction <add>, %reduce_sum3A_17, %reduce_sum3A_18 [1, 2] : vector<1x64x1xf32> to vector<1xf32>
    %reduce_sum3A_20 = vector.shape_cast %reduce_sum3A_19 : vector<1xf32> to vector<1x1x1xf32>
    %reduce_sum3A_21 = vector.extract %reduce_sum3A_20[0, 0, 0] : f32 from vector<1x1x1xf32>
    %sub3A = arith.subf %add3A, %reduce_sum3A_21 : f32
    %mul3A = arith.constant -1.562500e-04 : f32
    %mul3A_22 = arith.mulf %mul3A, %sub3A : f32
    %broadcast_in_dim3A = arith.constant 1.000000e+00 : f32
    %broadcast_in_dim3A_23 = vector.broadcast %broadcast_in_dim3A : f32 to vector<1x1xf32>
    %mul3A_24 = vector.broadcast %mul3A_22 : f32 to vector<1x1xf32>
    %mul3A_25 = arith.mulf %mul3A_24, %broadcast_in_dim3A_23 : vector<1x1xf32>
    %swap3A = arith.constant 0 : index
    %swap3A_26 = arith.constant 0 : index
    %swap3A_27 = vector.load %arg3[%swap3A, %swap3A_26] : memref<1x1xf32, #tpu.memory_space<vmem>>, vector<1x1xf32>
    tpu.vector_store %arg3[%swap3A, %swap3A_26], %mul3A_25 {strides = array<i32>} : memref<1x1xf32, #tpu.memory_space<vmem>>, vector<1x1xf32>,
    return
  }
}

module attributes {stable_mosaic.version = 14 : i64} {
  func.func @_tc_body(%arg0: i32, %arg1: memref<64x48x128xf32, #tpu.memory_space<vmem>>, %arg2: memref<1x64x128xi32, #tpu.memory_space<vmem>>, %arg3: memref<50x50xf32, #tpu.memory_space<vmem>>, %arg4: memref<1x48xf32, #tpu.memory_space<vmem>>, %arg5: memref<64x1xf32, #tpu.memory_space<vmem>>, %arg6: memref<64x1xf32, #tpu.memory_space<vmem>>, %arg7: memref<64x48xf32, #tpu.memory_space<vmem>>, %arg8: memref<48x48xf32, #tpu.memory_space<vmem>>, %arg9: memref<1x1xf32, #tpu.memory_space<vmem>>, %arg10: memref<64x1xf32, #tpu.memory_space<vmem>>, %arg11: memref<64x1xf32, #tpu.memory_space<vmem>>, %arg12: memref<64x1xf32, #tpu.memory_space<vmem>>, %arg13: memref<64x48xf32, #tpu.memory_space<vmem>>, %arg14: memref<64x128x48xf32, #tpu.memory_space<vmem>>) attributes {dimension_semantics = [#tpu.dimension_semantics<arbitrary>], iteration_bounds = array<i64: 4>, scalar_prefetch = 0 : i64, scratch_operands = 8 : i64, tpu.core_type = #tpu.core_type<tc>, window_params = [{transform_indices = @transform_0, window_bounds = array<i64: 64, 48, 128>}, {transform_indices = @transform_1, window_bounds = array<i64: 1, 64, 128>}, {pipeline_mode = #tpu.pipeline_mode<synchronous>, transform_indices = @transform_2, window_bounds = array<i64: 50, 50>}, {pipeline_mode = #tpu.pipeline_mode<synchronous>, transform_indices = @transform_3, window_bounds = array<i64: 1, 48>}, {pipeline_mode = #tpu.pipeline_mode<synchronous>, transform_indices = @transform_4, window_bounds = array<i64: 64, 1>}, {pipeline_mode = #tpu.pipeline_mode<synchronous>, transform_indices = @transform_5, window_bounds = array<i64: 64, 1>}]} {
    %get3A = arith.constant 0 : index
    %get3A_0 = arith.constant 0 : index
    %get3A_1 = arith.constant 0 : index
    %get3A_2 = vector.load %arg1[%get3A, %get3A_0, %get3A_1] : memref<64x48x128xf32, #tpu.memory_space<vmem>>, vector<64x48x128xf32>
    %transpose3A = tpu.transpose %get3A_2, [0, 2, 1] : vector<64x48x128xf32> -> vector<64x128x48xf32>
    %swap3A = arith.constant 0 : index
    %swap3A_3 = arith.constant 0 : index
    %swap3A_4 = arith.constant 0 : index
    %swap3A_5 = vector.load %arg14[%swap3A, %swap3A_3, %swap3A_4] : memref<64x128x48xf32, #tpu.memory_space<vmem>>, vector<64x128x48xf32>
    tpu.vector_store %arg14[%swap3A, %swap3A_3, %swap3A_4], %transpose3A {strides = array<i32>} : memref<64x128x48xf32, #tpu.memory_space<vmem>>, vector<64x128x48xf32>,
    %eq3A = arith.constant 0 : i32
    %eq3A_6 = arith.cmpi eq, %arg0, %eq3A : i32
    %convert_element_type3A = arith.extui %eq3A_6 : i1 to i32
    %cond3A = arith.constant 0 : i32
    %cond3A_7 = arith.cmpi ne, %convert_element_type3A, %cond3A : i32
    scf.if %cond3A_7 {
      %get3A_3881 = arith.constant 0 : index
      %get3A_3882 = arith.constant 0 : index
      %get3A_3883 = vector.load %arg3[%get3A_3881, %get3A_3882] : memref<50x50xf32, #tpu.memory_space<vmem>>, vector<48x48xf32>
      %reduce_max3A = vector.shape_cast %get3A_3883 : vector<48x48xf32> to vector<1x48x48xf32>
      %reduce_max3A_3884 = arith.constant dense<0xFF800000> : vector<1xf32>
      %reduce_max3A_3885 = vector.multi_reduction <maximumf>, %reduce_max3A, %reduce_max3A_3884 [1, 2] : vector<1x48x48xf32> to vector<1xf32>
      %reduce_max3A_3886 = vector.shape_cast %reduce_max3A_3885 : vector<1xf32> to vector<1x1x1xf32>
      %reduce_max3A_3887 = vector.extract %reduce_max3A_3886[0, 0, 0] : f32 from vector<1x1x1xf32>
      %broadcast_in_dim3A_3888 = arith.constant 1.000000e+00 : f32
      %broadcast_in_dim3A_3889 = vector.broadcast %broadcast_in_dim3A_3888 : f32 to vector<1x1xf32>
      %mul3A_3890 = vector.broadcast %reduce_max3A_3887 : f32 to vector<1x1xf32>
      %mul3A_3891 = arith.mulf %mul3A_3890, %broadcast_in_dim3A_3889 : vector<1x1xf32>
      %swap3A_3892 = arith.constant 0 : index
      %swap3A_3893 = arith.constant 0 : index
      %swap3A_3894 = vector.load %arg9[%swap3A_3892, %swap3A_3893] : memref<1x1xf32, #tpu.memory_space<vmem>>, vector<1x1xf32>
      tpu.vector_store %arg9[%swap3A_3892, %swap3A_3893], %mul3A_3891 {strides = array<i32>} : memref<1x1xf32, #tpu.memory_space<vmem>>, vector<1x1xf32>,
      %sub3A = vector.broadcast %reduce_max3A_3887 : f32 to vector<48x48xf32>
      %sub3A_3895 = arith.subf %get3A_3883, %sub3A : vector<48x48xf32>
      %exp3A_3896 = math.exp %sub3A_3895 : vector<48x48xf32>
      %swap3A_3897 = arith.constant 0 : index
      %swap3A_3898 = arith.constant 0 : index
      %swap3A_3899 = vector.load %arg8[%swap3A_3897, %swap3A_3898] : memref<48x48xf32, #tpu.memory_space<vmem>>, vector<48x48xf32>
      tpu.vector_store %arg8[%swap3A_3897, %swap3A_3898], %exp3A_3896 {strides = array<i32>} : memref<48x48xf32, #tpu.memory_space<vmem>>, vector<48x48xf32>,
      %get3A_3900 = arith.constant 48 : index
      %get3A_3901 = arith.constant 0 : index
      %get3A_3902 = vector.load %arg3[%get3A_3900, %get3A_3901] : memref<50x50xf32, #tpu.memory_space<vmem>>, vector<1x48xf32>
      %get3A_3903 = arith.constant 0 : index
      %get3A_3904 = arith.constant 0 : index
      %get3A_3905 = arith.constant 0 : index
      %get3A_3906 = vector.load %arg14[%get3A_3903, %get3A_3904, %get3A_3905] : memref<64x128x48xf32, #tpu.memory_space<vmem>>, vector<64x1x48xf32>
      %get3A_3907 = vector.shape_cast %get3A_3906 : vector<64x1x48xf32> to vector<64x48xf32>
      %add3A_3908 = vector.broadcast %get3A_3902 : vector<1x48xf32> to vector<64x48xf32>
      %add3A_3909 = arith.addf %add3A_3908, %get3A_3907 : vector<64x48xf32>
      %exp3A_3910 = math.exp %add3A_3909 : vector<64x48xf32>
      %swap3A_3911 = arith.constant 0 : index
      %swap3A_3912 = arith.constant 0 : index
      %swap3A_3913 = vector.load %arg7[%swap3A_3911, %swap3A_3912] : memref<64x48xf32, #tpu.memory_space<vmem>>, vector<64x48xf32>
      tpu.vector_store %arg7[%swap3A_3911, %swap3A_3912], %exp3A_3910 {strides = array<i32>} : memref<64x48xf32, #tpu.memory_space<vmem>>, vector<64x48xf32>,
      %reduce_sum3A_3914 = arith.constant dense<0.000000e+00> : vector<64xf32>
      %reduce_sum3A_3915 = vector.multi_reduction <add>, %exp3A_3910, %reduce_sum3A_3914 [1] : vector<64x48xf32> to vector<64xf32>
      %broadcast_in_dim3A_3916 = vector.shape_cast %reduce_sum3A_3915 : vector<64xf32> to vector<64x1xf32>
      %div3A_3917 = arith.constant 1.000000e+00 : f32
      %div3A_3918 = vector.broadcast %div3A_3917 : f32 to vector<64x1xf32>
      %div3A_3919 = arith.divf %div3A_3918, %broadcast_in_dim3A_3916 : vector<64x1xf32>
      %swap3A_3920 = arith.constant 0 : index
      %swap3A_3921 = arith.constant 0 : index
      %swap3A_3922 = vector.load %arg11[%swap3A_3920, %swap3A_3921] : memref<64x1xf32, #tpu.memory_space<vmem>>, vector<64x1xf32>
      tpu.vector_store %arg11[%swap3A_3920, %swap3A_3921], %div3A_3919 {strides = array<i32>} : memref<64x1xf32, #tpu.memory_space<vmem>>, vector<64x1xf32>,
      %log3A_3923 = math.log %broadcast_in_dim3A_3916 : vector<64x1xf32>
      %swap3A_3924 = arith.constant 0 : index
      %swap3A_3925 = arith.constant 0 : index
      %swap3A_3926 = vector.load %arg12[%swap3A_3924, %swap3A_3925] : memref<64x1xf32, #tpu.memory_space<vmem>>, vector<64x1xf32>
      tpu.vector_store %arg12[%swap3A_3924, %swap3A_3925], %log3A_3923 {strides = array<i32>} : memref<64x1xf32, #tpu.memory_space<vmem>>, vector<64x1xf32>,
      %broadcast_in_dim3A_3927 = arith.constant 0.000000e+00 : f32
      %broadcast_in_dim3A_3928 = vector.broadcast %broadcast_in_dim3A_3927 : f32 to vector<64x1xf32>
      %swap3A_3929 = arith.constant 0 : index
      %swap3A_3930 = arith.constant 0 : index
      %swap3A_3931 = vector.load %arg10[%swap3A_3929, %swap3A_3930] : memref<64x1xf32, #tpu.memory_space<vmem>>, vector<64x1xf32>
      tpu.vector_store %arg10[%swap3A_3929, %swap3A_3930], %broadcast_in_dim3A_3928 {strides = array<i32>} : memref<64x1xf32, #tpu.memory_space<vmem>>, vector<64x1xf32>,
      %broadcast_in_dim3A_3932 = arith.constant 0.000000e+00 : f32
      %broadcast_in_dim3A_3933 = vector.broadcast %broadcast_in_dim3A_3932 : f32 to vector<64x48xf32>
      %swap3A_3934 = arith.constant 0 : index
      %swap3A_3935 = arith.constant 0 : index
      %swap3A_3936 = vector.load %arg13[%swap3A_3934, %swap3A_3935] : memref<64x48xf32, #tpu.memory_space<vmem>>, vector<64x48xf32>
      tpu.vector_store %arg13[%swap3A_3934, %swap3A_3935], %broadcast_in_dim3A_3933 {strides = array<i32>} : memref<64x48xf32, #tpu.memory_space<vmem>>, vector<64x48xf32>,
    } else {
    }
    %get3A_8 = arith.constant 0 : index
    %get3A_9 = arith.constant 0 : index
    %get3A_10 = vector.load %arg8[%get3A_8, %get3A_9] : memref<48x48xf32, #tpu.memory_space<vmem>>, vector<48x48xf32>
    %get3A_11 = arith.constant 0 : index
    %get3A_12 = arith.constant 0 : index
    %get3A_13 = vector.load %arg7[%get3A_11, %get3A_12] : memref<64x48xf32, #tpu.memory_space<vmem>>, vector<64x48xf32>
    %get3A_14 = arith.constant 0 : index
    %get3A_15 = arith.constant 0 : index
    %get3A_16 = vector.load %arg11[%get3A_14, %get3A_15] : memref<64x1xf32, #tpu.memory_space<vmem>>, vector<64x1xf32>
    %get3A_17 = arith.constant 0 : index
    %get3A_18 = arith.constant 0 : index
    %get3A_19 = vector.load %arg12[%get3A_17, %get3A_18] : memref<64x1xf32, #tpu.memory_space<vmem>>, vector<64x1xf32>
    %get3A_20 = arith.constant 0 : index
    %get3A_21 = arith.constant 0 : index
    %get3A_22 = vector.load %arg10[%get3A_20, %get3A_21] : memref<64x1xf32, #tpu.memory_space<vmem>>, vector<64x1xf32>
    %get3A_23 = arith.constant 0 : index
    %get3A_24 = arith.constant 0 : index
    %get3A_25 = vector.load %arg13[%get3A_23, %get3A_24] : memref<64x48xf32, #tpu.memory_space<vmem>>, vector<64x48xf32>
    %iota3A = tpu.iota {dimensions = array<i32: 1>} : vector<64x48xi32>
    %get3A_26 = arith.constant 0 : index
    %get3A_27 = arith.constant 0 : index
    %get3A_28 = arith.constant 0 : index
    %get3A_29 = vector.load %arg14[%get3A_26, %get3A_27, %get3A_28] : memref<64x128x48xf32, #tpu.memory_space<vmem>>, vector<64x1x48xf32>
    %get3A_30 = vector.shape_cast %get3A_29 : vector<64x1x48xf32> to vector<64x48xf32>
    %get3A_31 = arith.constant 0 : index
    %get3A_32 = arith.constant 0 : index
    %get3A_33 = arith.constant 0 : index
    %get3A_34 = vector.load %arg2[%get3A_31, %get3A_32, %get3A_33] : memref<1x64x128xi32, #tpu.memory_space<vmem>>, vector<1x64x1xi32>
    %get3A_35 = vector.shape_cast %get3A_34 : vector<1x64x1xi32> to vector<64x1xi32>
    %eq3A_36 = vector.broadcast %get3A_35 : vector<64x1xi32> to vector<64x48xi32>
    %eq3A_37 = arith.cmpi eq, %iota3A, %eq3A_36 : vector<64x48xi32>
    %jit3A = arith.constant 0.000000e+00 : f32
    %broadcast_in_dim3A = vector.broadcast %jit3A : f32 to vector<64x48xf32>
    %select_n3A = arith.select %eq3A_37, %get3A_30, %broadcast_in_dim3A : vector<64x48xi1>, vector<64x48xf32>
    %add3A = arith.addf %get3A_25, %select_n3A : vector<64x48xf32>
    %exp3A = math.exp %get3A_30 : vector<64x48xf32>
    %mul3A = vector.broadcast %get3A_16 : vector<64x1xf32> to vector<64x48xf32>
    %mul3A_38 = arith.mulf %exp3A, %mul3A : vector<64x48xf32>
    %dot_general3A = arith.constant dense<0.000000e+00> : vector<64x48xf32>
    %dot_general3A_39 = tpu.matmul %get3A_13, %get3A_10, %dot_general3A {dimension_numbers = #tpu.dot_dimension_numbers<[1], [0], [0], [1], [0, 0, 1, 1], [], []>, transpose_lhs_hint = false} : vector<64x48xf32>, vector<48x48xf32>, vector<64x48xf32> -> vector<64x48xf32>
    %mul3A_40 = arith.mulf %dot_general3A_39, %mul3A_38 : vector<64x48xf32>
    %add3A_41 = arith.addf %get3A_22, %get3A_19 : vector<64x1xf32>
    %reduce_sum3A = arith.constant dense<0.000000e+00> : vector<64xf32>
    %reduce_sum3A_42 = vector.multi_reduction <add>, %mul3A_40, %reduce_sum3A [1] : vector<64x48xf32> to vector<64xf32>
    %broadcast_in_dim3A_43 = vector.shape_cast %reduce_sum3A_42 : vector<64xf32> to vector<64x1xf32>
    %div3A = arith.constant 1.000000e+00 : f32
    %div3A_44 = vector.broadcast %div3A : f32 to vector<64x1xf32>
    %div3A_45 = arith.divf %div3A_44, %broadcast_in_dim3A_43 : vector<64x1xf32>
    %log3A = math.log %broadcast_in_dim3A_43 : vector<64x1xf32>
    %gt3A = arith.constant 0 : i32
    %gt3A_46 = arith.cmpi sgt, %arg0, %gt3A : i32
    %select_n3A_47 = arith.select %gt3A_46, %mul3A_40, %get3A_13 : vector<64x48xf32>
    %select_n3A_48 = arith.select %gt3A_46, %add3A_41, %get3A_22 : vector<64x1xf32>
    %select_n3A_49 = arith.select %gt3A_46, %div3A_45, %get3A_16 : vector<64x1xf32>
    %select_n3A_50 = arith.select %gt3A_46, %log3A, %get3A_19 : vector<64x1xf32>
    %get3A_51 = arith.constant 0 : index
    %get3A_52 = arith.constant 1 : index
    %get3A_53 = arith.constant 0 : index
    %get3A_54 = vector.load %arg14[%get3A_51, %get3A_52, %get3A_53] : memref<64x128x48xf32, #tpu.memory_space<vmem>>, vector<64x1x48xf32>
    %get3A_55 = vector.shape_cast %get3A_54 : vector<64x1x48xf32> to vector<64x48xf32>
    %get3A_56 = arith.constant 0 : index
    %get3A_57 = arith.constant 0 : index
    %get3A_58 = arith.constant 1 : index
    %get3A_59 = vector.load %arg2[%get3A_56, %get3A_57, %get3A_58] : memref<1x64x128xi32, #tpu.memory_space<vmem>>, vector<1x64x1xi32>
    %get3A_60 = vector.shape_cast %get3A_59 : vector<1x64x1xi32> to vector<64x1xi32>
    %eq3A_61 = vector.broadcast %get3A_60 : vector<64x1xi32> to vector<64x48xi32>
    %eq3A_62 = arith.cmpi eq, %iota3A, %eq3A_61 : vector<64x48xi32>
    %jit3A_63 = arith.constant 0.000000e+00 : f32
    %broadcast_in_dim3A_64 = vector.broadcast %jit3A_63 : f32 to vector<64x48xf32>
    %select_n3A_65 = arith.select %eq3A_62, %get3A_55, %broadcast_in_dim3A_64 : vector<64x48xi1>, vector<64x48xf32>
    %add3A_66 = arith.addf %add3A, %select_n3A_65 : vector<64x48xf32>
    %exp3A_67 = math.exp %get3A_55 : vector<64x48xf32>
    %mul3A_68 = vector.broadcast %select_n3A_49 : vector<64x1xf32> to vector<64x48xf32>
    %mul3A_69 = arith.mulf %exp3A_67, %mul3A_68 : vector<64x48xf32>
    %dot_general3A_70 = arith.constant dense<0.000000e+00> : vector<64x48xf32>
    %dot_general3A_71 = tpu.matmul %select_n3A_47, %get3A_10, %dot_general3A_70 {dimension_numbers = #tpu.dot_dimension_numbers<[1], [0], [0], [1], [0, 0, 1, 1], [], []>, transpose_lhs_hint = false} : vector<64x48xf32>, vector<48x48xf32>, vector<64x48xf32> -> vector<64x48xf32>
    %mul3A_72 = arith.mulf %dot_general3A_71, %mul3A_69 : vector<64x48xf32>
    %add3A_73 = arith.addf %select_n3A_48, %select_n3A_50 : vector<64x1xf32>
    %reduce_sum3A_74 = arith.constant dense<0.000000e+00> : vector<64xf32>
    %reduce_sum3A_75 = vector.multi_reduction <add>, %mul3A_72, %reduce_sum3A_74 [1] : vector<64x48xf32> to vector<64xf32>
    %broadcast_in_dim3A_76 = vector.shape_cast %reduce_sum3A_75 : vector<64xf32> to vector<64x1xf32>
    %div3A_77 = arith.constant 1.000000e+00 : f32
    %div3A_78 = vector.broadcast %div3A_77 : f32 to vector<64x1xf32>
    %div3A_79 = arith.divf %div3A_78, %broadcast_in_dim3A_76 : vector<64x1xf32>
    %log3A_80 = math.log %broadcast_in_dim3A_76 : vector<64x1xf32>
    %get3A_81 = arith.constant 0 : index
    %get3A_82 = arith.constant 2 : index
    %get3A_83 = arith.constant 0 : index
    %get3A_84 = vector.load %arg14[%get3A_81, %get3A_82, %get3A_83] : memref<64x128x48xf32, #tpu.memory_space<vmem>>, vector<64x1x48xf32>
    %get3A_85 = vector.shape_cast %get3A_84 : vector<64x1x48xf32> to vector<64x48xf32>
    %get3A_86 = arith.constant 0 : index
    %get3A_87 = arith.constant 0 : index
    %get3A_88 = arith.constant 2 : index
    %get3A_89 = vector.load %arg2[%get3A_86, %get3A_87, %get3A_88] : memref<1x64x128xi32, #tpu.memory_space<vmem>>, vector<1x64x1xi32>
    %get3A_90 = vector.shape_cast %get3A_89 : vector<1x64x1xi32> to vector<64x1xi32>
    %eq3A_91 = vector.broadcast %get3A_90 : vector<64x1xi32> to vector<64x48xi32>
    %eq3A_92 = arith.cmpi eq, %iota3A, %eq3A_91 : vector<64x48xi32>
    %jit3A_93 = arith.constant 0.000000e+00 : f32
    %broadcast_in_dim3A_94 = vector.broadcast %jit3A_93 : f32 to vector<64x48xf32>
    %select_n3A_95 = arith.select %eq3A_92, %get3A_85, %broadcast_in_dim3A_94 : vector<64x48xi1>, vector<64x48xf32>
    %add3A_96 = arith.addf %add3A_66, %select_n3A_95 : vector<64x48xf32>
    %exp3A_97 = math.exp %get3A_85 : vector<64x48xf32>
    %mul3A_98 = vector.broadcast %div3A_79 : vector<64x1xf32> to vector<64x48xf32>
    %mul3A_99 = arith.mulf %exp3A_97, %mul3A_98 : vector<64x48xf32>
    %dot_general3A_100 = arith.constant dense<0.000000e+00> : vector<64x48xf32>
    %dot_general3A_101 = tpu.matmul %mul3A_72, %get3A_10, %dot_general3A_100 {dimension_numbers = #tpu.dot_dimension_numbers<[1], [0], [0], [1], [0, 0, 1, 1], [], []>, transpose_lhs_hint = false} : vector<64x48xf32>, vector<48x48xf32>, vector<64x48xf32> -> vector<64x48xf32>
    %mul3A_102 = arith.mulf %dot_general3A_101, %mul3A_99 : vector<64x48xf32>
    %add3A_103 = arith.addf %add3A_73, %log3A_80 : vector<64x1xf32>
    %reduce_sum3A_104 = arith.constant dense<0.000000e+00> : vector<64xf32>
    %reduce_sum3A_105 = vector.multi_reduction <add>, %mul3A_102, %reduce_sum3A_104 [1] : vector<64x48xf32> to vector<64xf32>
    %broadcast_in_dim3A_106 = vector.shape_cast %reduce_sum3A_105 : vector<64xf32> to vector<64x1xf32>
    %div3A_107 = arith.constant 1.000000e+00 : f32
    %div3A_108 = vector.broadcast %div3A_107 : f32 to vector<64x1xf32>
    %div3A_109 = arith.divf %div3A_108, %broadcast_in_dim3A_106 : vector<64x1xf32>
    %log3A_110 = math.log %broadcast_in_dim3A_106 : vector<64x1xf32>
    %get3A_111 = arith.constant 0 : index
    %get3A_112 = arith.constant 3 : index
    %get3A_113 = arith.constant 0 : index
    %get3A_114 = vector.load %arg14[%get3A_111, %get3A_112, %get3A_113] : memref<64x128x48xf32, #tpu.memory_space<vmem>>, vector<64x1x48xf32>
    %get3A_115 = vector.shape_cast %get3A_114 : vector<64x1x48xf32> to vector<64x48xf32>
    %get3A_116 = arith.constant 0 : index
    %get3A_117 = arith.constant 0 : index
    %get3A_118 = arith.constant 3 : index
    %get3A_119 = vector.load %arg2[%get3A_116, %get3A_117, %get3A_118] : memref<1x64x128xi32, #tpu.memory_space<vmem>>, vector<1x64x1xi32>
    %get3A_120 = vector.shape_cast %get3A_119 : vector<1x64x1xi32> to vector<64x1xi32>
    %eq3A_121 = vector.broadcast %get3A_120 : vector<64x1xi32> to vector<64x48xi32>
    %eq3A_122 = arith.cmpi eq, %iota3A, %eq3A_121 : vector<64x48xi32>
    %jit3A_123 = arith.constant 0.000000e+00 : f32
    %broadcast_in_dim3A_124 = vector.broadcast %jit3A_123 : f32 to vector<64x48xf32>
    %select_n3A_125 = arith.select %eq3A_122, %get3A_115, %broadcast_in_dim3A_124 : vector<64x48xi1>, vector<64x48xf32>
    %add3A_126 = arith.addf %add3A_96, %select_n3A_125 : vector<64x48xf32>
    %exp3A_127 = math.exp %get3A_115 : vector<64x48xf32>
    %mul3A_128 = vector.broadcast %div3A_109 : vector<64x1xf32> to vector<64x48xf32>
    %mul3A_129 = arith.mulf %exp3A_127, %mul3A_128 : vector<64x48xf32>
    %dot_general3A_130 = arith.constant dense<0.000000e+00> : vector<64x48xf32>
    %dot_general3A_131 = tpu.matmul %mul3A_102, %get3A_10, %dot_general3A_130 {dimension_numbers = #tpu.dot_dimension_numbers<[1], [0], [0], [1], [0, 0, 1, 1], [], []>, transpose_lhs_hint = false} : vector<64x48xf32>, vector<48x48xf32>, vector<64x48xf32> -> vector<64x48xf32>
    %mul3A_132 = arith.mulf %dot_general3A_131, %mul3A_129 : vector<64x48xf32>
    %add3A_133 = arith.addf %add3A_103, %log3A_110 : vector<64x1xf32>
    %reduce_sum3A_134 = arith.constant dense<0.000000e+00> : vector<64xf32>
    %reduce_sum3A_135 = vector.multi_reduction <add>, %mul3A_132, %reduce_sum3A_134 [1] : vector<64x48xf32> to vector<64xf32>
    %broadcast_in_dim3A_136 = vector.shape_cast %reduce_sum3A_135 : vector<64xf32> to vector<64x1xf32>
    %div3A_137 = arith.constant 1.000000e+00 : f32
    %div3A_138 = vector.broadcast %div3A_137 : f32 to vector<64x1xf32>
    %div3A_139 = arith.divf %div3A_138, %broadcast_in_dim3A_136 : vector<64x1xf32>
    %log3A_140 = math.log %broadcast_in_dim3A_136 : vector<64x1xf32>
    %get3A_141 = arith.constant 0 : index
    %get3A_142 = arith.constant 4 : index
    %get3A_143 = arith.constant 0 : index
    %get3A_144 = vector.load %arg14[%get3A_141, %get3A_142, %get3A_143] : memref<64x128x48xf32, #tpu.memory_space<vmem>>, vector<64x1x48xf32>
    %get3A_145 = vector.shape_cast %get3A_144 : vector<64x1x48xf32> to vector<64x48xf32>
    %get3A_146 = arith.constant 0 : index
    %get3A_147 = arith.constant 0 : index
    %get3A_148 = arith.constant 4 : index
    %get3A_149 = vector.load %arg2[%get3A_146, %get3A_147, %get3A_148] : memref<1x64x128xi32, #tpu.memory_space<vmem>>, vector<1x64x1xi32>
    %get3A_150 = vector.shape_cast %get3A_149 : vector<1x64x1xi32> to vector<64x1xi32>
    %eq3A_151 = vector.broadcast %get3A_150 : vector<64x1xi32> to vector<64x48xi32>
    %eq3A_152 = arith.cmpi eq, %iota3A, %eq3A_151 : vector<64x48xi32>
    %jit3A_153 = arith.constant 0.000000e+00 : f32
    %broadcast_in_dim3A_154 = vector.broadcast %jit3A_153 : f32 to vector<64x48xf32>
    %select_n3A_155 = arith.select %eq3A_152, %get3A_145, %broadcast_in_dim3A_154 : vector<64x48xi1>, vector<64x48xf32>
    %add3A_156 = arith.addf %add3A_126, %select_n3A_155 : vector<64x48xf32>
    %exp3A_157 = math.exp %get3A_145 : vector<64x48xf32>
    %mul3A_158 = vector.broadcast %div3A_139 : vector<64x1xf32> to vector<64x48xf32>
    %mul3A_159 = arith.mulf %exp3A_157, %mul3A_158 : vector<64x48xf32>
    %dot_general3A_160 = arith.constant dense<0.000000e+00> : vector<64x48xf32>
    %dot_general3A_161 = tpu.matmul %mul3A_132, %get3A_10, %dot_general3A_160 {dimension_numbers = #tpu.dot_dimension_numbers<[1], [0], [0], [1], [0, 0, 1, 1], [], []>, transpose_lhs_hint = false} : vector<64x48xf32>, vector<48x48xf32>, vector<64x48xf32> -> vector<64x48xf32>
    %mul3A_162 = arith.mulf %dot_general3A_161, %mul3A_159 : vector<64x48xf32>
    %add3A_163 = arith.addf %add3A_133, %log3A_140 : vector<64x1xf32>
    %reduce_sum3A_164 = arith.constant dense<0.000000e+00> : vector<64xf32>
    %reduce_sum3A_165 = vector.multi_reduction <add>, %mul3A_162, %reduce_sum3A_164 [1] : vector<64x48xf32> to vector<64xf32>
    %broadcast_in_dim3A_166 = vector.shape_cast %reduce_sum3A_165 : vector<64xf32> to vector<64x1xf32>
    %div3A_167 = arith.constant 1.000000e+00 : f32
    %div3A_168 = vector.broadcast %div3A_167 : f32 to vector<64x1xf32>
    %div3A_169 = arith.divf %div3A_168, %broadcast_in_dim3A_166 : vector<64x1xf32>
    %log3A_170 = math.log %broadcast_in_dim3A_166 : vector<64x1xf32>
    %get3A_171 = arith.constant 0 : index
    %get3A_172 = arith.constant 5 : index
    %get3A_173 = arith.constant 0 : index
    %get3A_174 = vector.load %arg14[%get3A_171, %get3A_172, %get3A_173] : memref<64x128x48xf32, #tpu.memory_space<vmem>>, vector<64x1x48xf32>
    %get3A_175 = vector.shape_cast %get3A_174 : vector<64x1x48xf32> to vector<64x48xf32>
    %get3A_176 = arith.constant 0 : index
    %get3A_177 = arith.constant 0 : index
    %get3A_178 = arith.constant 5 : index
    %get3A_179 = vector.load %arg2[%get3A_176, %get3A_177, %get3A_178] : memref<1x64x128xi32, #tpu.memory_space<vmem>>, vector<1x64x1xi32>
    %get3A_180 = vector.shape_cast %get3A_179 : vector<1x64x1xi32> to vector<64x1xi32>
    %eq3A_181 = vector.broadcast %get3A_180 : vector<64x1xi32> to vector<64x48xi32>
    %eq3A_182 = arith.cmpi eq, %iota3A, %eq3A_181 : vector<64x48xi32>
    %jit3A_183 = arith.constant 0.000000e+00 : f32
    %broadcast_in_dim3A_184 = vector.broadcast %jit3A_183 : f32 to vector<64x48xf32>
    %select_n3A_185 = arith.select %eq3A_182, %get3A_175, %broadcast_in_dim3A_184 : vector<64x48xi1>, vector<64x48xf32>
    %add3A_186 = arith.addf %add3A_156, %select_n3A_185 : vector<64x48xf32>
    %exp3A_187 = math.exp %get3A_175 : vector<64x48xf32>
    %mul3A_188 = vector.broadcast %div3A_169 : vector<64x1xf32> to vector<64x48xf32>
    %mul3A_189 = arith.mulf %exp3A_187, %mul3A_188 : vector<64x48xf32>
    %dot_general3A_190 = arith.constant dense<0.000000e+00> : vector<64x48xf32>
    %dot_general3A_191 = tpu.matmul %mul3A_162, %get3A_10, %dot_general3A_190 {dimension_numbers = #tpu.dot_dimension_numbers<[1], [0], [0], [1], [0, 0, 1, 1], [], []>, transpose_lhs_hint = false} : vector<64x48xf32>, vector<48x48xf32>, vector<64x48xf32> -> vector<64x48xf32>
    %mul3A_192 = arith.mulf %dot_general3A_191, %mul3A_189 : vector<64x48xf32>
    %add3A_193 = arith.addf %add3A_163, %log3A_170 : vector<64x1xf32>
    %reduce_sum3A_194 = arith.constant dense<0.000000e+00> : vector<64xf32>
    %reduce_sum3A_195 = vector.multi_reduction <add>, %mul3A_192, %reduce_sum3A_194 [1] : vector<64x48xf32> to vector<64xf32>
    %broadcast_in_dim3A_196 = vector.shape_cast %reduce_sum3A_195 : vector<64xf32> to vector<64x1xf32>
    %div3A_197 = arith.constant 1.000000e+00 : f32
    %div3A_198 = vector.broadcast %div3A_197 : f32 to vector<64x1xf32>
    %div3A_199 = arith.divf %div3A_198, %broadcast_in_dim3A_196 : vector<64x1xf32>
    %log3A_200 = math.log %broadcast_in_dim3A_196 : vector<64x1xf32>
    %get3A_201 = arith.constant 0 : index
    %get3A_202 = arith.constant 6 : index
    %get3A_203 = arith.constant 0 : index
    %get3A_204 = vector.load %arg14[%get3A_201, %get3A_202, %get3A_203] : memref<64x128x48xf32, #tpu.memory_space<vmem>>, vector<64x1x48xf32>
    %get3A_205 = vector.shape_cast %get3A_204 : vector<64x1x48xf32> to vector<64x48xf32>
    %get3A_206 = arith.constant 0 : index
    %get3A_207 = arith.constant 0 : index
    %get3A_208 = arith.constant 6 : index
    %get3A_209 = vector.load %arg2[%get3A_206, %get3A_207, %get3A_208] : memref<1x64x128xi32, #tpu.memory_space<vmem>>, vector<1x64x1xi32>
    %get3A_210 = vector.shape_cast %get3A_209 : vector<1x64x1xi32> to vector<64x1xi32>
    %eq3A_211 = vector.broadcast %get3A_210 : vector<64x1xi32> to vector<64x48xi32>
    %eq3A_212 = arith.cmpi eq, %iota3A, %eq3A_211 : vector<64x48xi32>
    %jit3A_213 = arith.constant 0.000000e+00 : f32
    %broadcast_in_dim3A_214 = vector.broadcast %jit3A_213 : f32 to vector<64x48xf32>
    %select_n3A_215 = arith.select %eq3A_212, %get3A_205, %broadcast_in_dim3A_214 : vector<64x48xi1>, vector<64x48xf32>
    %add3A_216 = arith.addf %add3A_186, %select_n3A_215 : vector<64x48xf32>
    %exp3A_217 = math.exp %get3A_205 : vector<64x48xf32>
    %mul3A_218 = vector.broadcast %div3A_199 : vector<64x1xf32> to vector<64x48xf32>
    %mul3A_219 = arith.mulf %exp3A_217, %mul3A_218 : vector<64x48xf32>
    %dot_general3A_220 = arith.constant dense<0.000000e+00> : vector<64x48xf32>
    %dot_general3A_221 = tpu.matmul %mul3A_192, %get3A_10, %dot_general3A_220 {dimension_numbers = #tpu.dot_dimension_numbers<[1], [0], [0], [1], [0, 0, 1, 1], [], []>, transpose_lhs_hint = false} : vector<64x48xf32>, vector<48x48xf32>, vector<64x48xf32> -> vector<64x48xf32>
    %mul3A_222 = arith.mulf %dot_general3A_221, %mul3A_219 : vector<64x48xf32>
    %add3A_223 = arith.addf %add3A_193, %log3A_200 : vector<64x1xf32>
    %reduce_sum3A_224 = arith.constant dense<0.000000e+00> : vector<64xf32>
    %reduce_sum3A_225 = vector.multi_reduction <add>, %mul3A_222, %reduce_sum3A_224 [1] : vector<64x48xf32> to vector<64xf32>
    %broadcast_in_dim3A_226 = vector.shape_cast %reduce_sum3A_225 : vector<64xf32> to vector<64x1xf32>
    %div3A_227 = arith.constant 1.000000e+00 : f32
    %div3A_228 = vector.broadcast %div3A_227 : f32 to vector<64x1xf32>
    %div3A_229 = arith.divf %div3A_228, %broadcast_in_dim3A_226 : vector<64x1xf32>
    %log3A_230 = math.log %broadcast_in_dim3A_226 : vector<64x1xf32>
    %get3A_231 = arith.constant 0 : index
    %get3A_232 = arith.constant 7 : index
    %get3A_233 = arith.constant 0 : index
    %get3A_234 = vector.load %arg14[%get3A_231, %get3A_232, %get3A_233] : memref<64x128x48xf32, #tpu.memory_space<vmem>>, vector<64x1x48xf32>
    %get3A_235 = vector.shape_cast %get3A_234 : vector<64x1x48xf32> to vector<64x48xf32>
    %get3A_236 = arith.constant 0 : index
    %get3A_237 = arith.constant 0 : index
    %get3A_238 = arith.constant 7 : index
    %get3A_239 = vector.load %arg2[%get3A_236, %get3A_237, %get3A_238] : memref<1x64x128xi32, #tpu.memory_space<vmem>>, vector<1x64x1xi32>
    %get3A_240 = vector.shape_cast %get3A_239 : vector<1x64x1xi32> to vector<64x1xi32>
    %eq3A_241 = vector.broadcast %get3A_240 : vector<64x1xi32> to vector<64x48xi32>
    %eq3A_242 = arith.cmpi eq, %iota3A, %eq3A_241 : vector<64x48xi32>
    %jit3A_243 = arith.constant 0.000000e+00 : f32
    %broadcast_in_dim3A_244 = vector.broadcast %jit3A_243 : f32 to vector<64x48xf32>
    %select_n3A_245 = arith.select %eq3A_242, %get3A_235, %broadcast_in_dim3A_244 : vector<64x48xi1>, vector<64x48xf32>
    %add3A_246 = arith.addf %add3A_216, %select_n3A_245 : vector<64x48xf32>
    %exp3A_247 = math.exp %get3A_235 : vector<64x48xf32>
    %mul3A_248 = vector.broadcast %div3A_229 : vector<64x1xf32> to vector<64x48xf32>
    %mul3A_249 = arith.mulf %exp3A_247, %mul3A_248 : vector<64x48xf32>
    %dot_general3A_250 = arith.constant dense<0.000000e+00> : vector<64x48xf32>
    %dot_general3A_251 = tpu.matmul %mul3A_222, %get3A_10, %dot_general3A_250 {dimension_numbers = #tpu.dot_dimension_numbers<[1], [0], [0], [1], [0, 0, 1, 1], [], []>, transpose_lhs_hint = false} : vector<64x48xf32>, vector<48x48xf32>, vector<64x48xf32> -> vector<64x48xf32>
    %mul3A_252 = arith.mulf %dot_general3A_251, %mul3A_249 : vector<64x48xf32>
    %add3A_253 = arith.addf %add3A_223, %log3A_230 : vector<64x1xf32>
    %reduce_sum3A_254 = arith.constant dense<0.000000e+00> : vector<64xf32>
    %reduce_sum3A_255 = vector.multi_reduction <add>, %mul3A_252, %reduce_sum3A_254 [1] : vector<64x48xf32> to vector<64xf32>
    %broadcast_in_dim3A_256 = vector.shape_cast %reduce_sum3A_255 : vector<64xf32> to vector<64x1xf32>
    %div3A_257 = arith.constant 1.000000e+00 : f32
    %div3A_258 = vector.broadcast %div3A_257 : f32 to vector<64x1xf32>
    %div3A_259 = arith.divf %div3A_258, %broadcast_in_dim3A_256 : vector<64x1xf32>
    %log3A_260 = math.log %broadcast_in_dim3A_256 : vector<64x1xf32>
    %get3A_261 = arith.constant 0 : index
    %get3A_262 = arith.constant 8 : index
    %get3A_263 = arith.constant 0 : index
    %get3A_264 = vector.load %arg14[%get3A_261, %get3A_262, %get3A_263] : memref<64x128x48xf32, #tpu.memory_space<vmem>>, vector<64x1x48xf32>
    %get3A_265 = vector.shape_cast %get3A_264 : vector<64x1x48xf32> to vector<64x48xf32>
    %get3A_266 = arith.constant 0 : index
    %get3A_267 = arith.constant 0 : index
    %get3A_268 = arith.constant 8 : index
    %get3A_269 = vector.load %arg2[%get3A_266, %get3A_267, %get3A_268] : memref<1x64x128xi32, #tpu.memory_space<vmem>>, vector<1x64x1xi32>
    %get3A_270 = vector.shape_cast %get3A_269 : vector<1x64x1xi32> to vector<64x1xi32>
    %eq3A_271 = vector.broadcast %get3A_270 : vector<64x1xi32> to vector<64x48xi32>
    %eq3A_272 = arith.cmpi eq, %iota3A, %eq3A_271 : vector<64x48xi32>
    %jit3A_273 = arith.constant 0.000000e+00 : f32
    %broadcast_in_dim3A_274 = vector.broadcast %jit3A_273 : f32 to vector<64x48xf32>
    %select_n3A_275 = arith.select %eq3A_272, %get3A_265, %broadcast_in_dim3A_274 : vector<64x48xi1>, vector<64x48xf32>
    %add3A_276 = arith.addf %add3A_246, %select_n3A_275 : vector<64x48xf32>
    %exp3A_277 = math.exp %get3A_265 : vector<64x48xf32>
    %mul3A_278 = vector.broadcast %div3A_259 : vector<64x1xf32> to vector<64x48xf32>
    %mul3A_279 = arith.mulf %exp3A_277, %mul3A_278 : vector<64x48xf32>
    %dot_general3A_280 = arith.constant dense<0.000000e+00> : vector<64x48xf32>
    %dot_general3A_281 = tpu.matmul %mul3A_252, %get3A_10, %dot_general3A_280 {dimension_numbers = #tpu.dot_dimension_numbers<[1], [0], [0], [1], [0, 0, 1, 1], [], []>, transpose_lhs_hint = false} : vector<64x48xf32>, vector<48x48xf32>, vector<64x48xf32> -> vector<64x48xf32>
    %mul3A_282 = arith.mulf %dot_general3A_281, %mul3A_279 : vector<64x48xf32>
    %add3A_283 = arith.addf %add3A_253, %log3A_260 : vector<64x1xf32>
    %reduce_sum3A_284 = arith.constant dense<0.000000e+00> : vector<64xf32>
    %reduce_sum3A_285 = vector.multi_reduction <add>, %mul3A_282, %reduce_sum3A_284 [1] : vector<64x48xf32> to vector<64xf32>
    %broadcast_in_dim3A_286 = vector.shape_cast %reduce_sum3A_285 : vector<64xf32> to vector<64x1xf32>
    %div3A_287 = arith.constant 1.000000e+00 : f32
    %div3A_288 = vector.broadcast %div3A_287 : f32 to vector<64x1xf32>
    %div3A_289 = arith.divf %div3A_288, %broadcast_in_dim3A_286 : vector<64x1xf32>
    %log3A_290 = math.log %broadcast_in_dim3A_286 : vector<64x1xf32>
    %get3A_291 = arith.constant 0 : index
    %get3A_292 = arith.constant 9 : index
    %get3A_293 = arith.constant 0 : index
    %get3A_294 = vector.load %arg14[%get3A_291, %get3A_292, %get3A_293] : memref<64x128x48xf32, #tpu.memory_space<vmem>>, vector<64x1x48xf32>
    %get3A_295 = vector.shape_cast %get3A_294 : vector<64x1x48xf32> to vector<64x48xf32>
    %get3A_296 = arith.constant 0 : index
    %get3A_297 = arith.constant 0 : index
    %get3A_298 = arith.constant 9 : index
    %get3A_299 = vector.load %arg2[%get3A_296, %get3A_297, %get3A_298] : memref<1x64x128xi32, #tpu.memory_space<vmem>>, vector<1x64x1xi32>
    %get3A_300 = vector.shape_cast %get3A_299 : vector<1x64x1xi32> to vector<64x1xi32>
    %eq3A_301 = vector.broadcast %get3A_300 : vector<64x1xi32> to vector<64x48xi32>
    %eq3A_302 = arith.cmpi eq, %iota3A, %eq3A_301 : vector<64x48xi32>
    %jit3A_303 = arith.constant 0.000000e+00 : f32
    %broadcast_in_dim3A_304 = vector.broadcast %jit3A_303 : f32 to vector<64x48xf32>
    %select_n3A_305 = arith.select %eq3A_302, %get3A_295, %broadcast_in_dim3A_304 : vector<64x48xi1>, vector<64x48xf32>
    %add3A_306 = arith.addf %add3A_276, %select_n3A_305 : vector<64x48xf32>
    %exp3A_307 = math.exp %get3A_295 : vector<64x48xf32>
    %mul3A_308 = vector.broadcast %div3A_289 : vector<64x1xf32> to vector<64x48xf32>
    %mul3A_309 = arith.mulf %exp3A_307, %mul3A_308 : vector<64x48xf32>
    %dot_general3A_310 = arith.constant dense<0.000000e+00> : vector<64x48xf32>
    %dot_general3A_311 = tpu.matmul %mul3A_282, %get3A_10, %dot_general3A_310 {dimension_numbers = #tpu.dot_dimension_numbers<[1], [0], [0], [1], [0, 0, 1, 1], [], []>, transpose_lhs_hint = false} : vector<64x48xf32>, vector<48x48xf32>, vector<64x48xf32> -> vector<64x48xf32>
    %mul3A_312 = arith.mulf %dot_general3A_311, %mul3A_309 : vector<64x48xf32>
    %add3A_313 = arith.addf %add3A_283, %log3A_290 : vector<64x1xf32>
    %reduce_sum3A_314 = arith.constant dense<0.000000e+00> : vector<64xf32>
    %reduce_sum3A_315 = vector.multi_reduction <add>, %mul3A_312, %reduce_sum3A_314 [1] : vector<64x48xf32> to vector<64xf32>
    %broadcast_in_dim3A_316 = vector.shape_cast %reduce_sum3A_315 : vector<64xf32> to vector<64x1xf32>
    %div3A_317 = arith.constant 1.000000e+00 : f32
    %div3A_318 = vector.broadcast %div3A_317 : f32 to vector<64x1xf32>
    %div3A_319 = arith.divf %div3A_318, %broadcast_in_dim3A_316 : vector<64x1xf32>
    %log3A_320 = math.log %broadcast_in_dim3A_316 : vector<64x1xf32>
    %get3A_321 = arith.constant 0 : index
    %get3A_322 = arith.constant 10 : index
    %get3A_323 = arith.constant 0 : index
    %get3A_324 = vector.load %arg14[%get3A_321, %get3A_322, %get3A_323] : memref<64x128x48xf32, #tpu.memory_space<vmem>>, vector<64x1x48xf32>
    %get3A_325 = vector.shape_cast %get3A_324 : vector<64x1x48xf32> to vector<64x48xf32>
    %get3A_326 = arith.constant 0 : index
    %get3A_327 = arith.constant 0 : index
    %get3A_328 = arith.constant 10 : index
    %get3A_329 = vector.load %arg2[%get3A_326, %get3A_327, %get3A_328] : memref<1x64x128xi32, #tpu.memory_space<vmem>>, vector<1x64x1xi32>
    %get3A_330 = vector.shape_cast %get3A_329 : vector<1x64x1xi32> to vector<64x1xi32>
    %eq3A_331 = vector.broadcast %get3A_330 : vector<64x1xi32> to vector<64x48xi32>
    %eq3A_332 = arith.cmpi eq, %iota3A, %eq3A_331 : vector<64x48xi32>
    %jit3A_333 = arith.constant 0.000000e+00 : f32
    %broadcast_in_dim3A_334 = vector.broadcast %jit3A_333 : f32 to vector<64x48xf32>
    %select_n3A_335 = arith.select %eq3A_332, %get3A_325, %broadcast_in_dim3A_334 : vector<64x48xi1>, vector<64x48xf32>
    %add3A_336 = arith.addf %add3A_306, %select_n3A_335 : vector<64x48xf32>
    %exp3A_337 = math.exp %get3A_325 : vector<64x48xf32>
    %mul3A_338 = vector.broadcast %div3A_319 : vector<64x1xf32> to vector<64x48xf32>
    %mul3A_339 = arith.mulf %exp3A_337, %mul3A_338 : vector<64x48xf32>
    %dot_general3A_340 = arith.constant dense<0.000000e+00> : vector<64x48xf32>
    %dot_general3A_341 = tpu.matmul %mul3A_312, %get3A_10, %dot_general3A_340 {dimension_numbers = #tpu.dot_dimension_numbers<[1], [0], [0], [1], [0, 0, 1, 1], [], []>, transpose_lhs_hint = false} : vector<64x48xf32>, vector<48x48xf32>, vector<64x48xf32> -> vector<64x48xf32>
    %mul3A_342 = arith.mulf %dot_general3A_341, %mul3A_339 : vector<64x48xf32>
    %add3A_343 = arith.addf %add3A_313, %log3A_320 : vector<64x1xf32>
    %reduce_sum3A_344 = arith.constant dense<0.000000e+00> : vector<64xf32>
    %reduce_sum3A_345 = vector.multi_reduction <add>, %mul3A_342, %reduce_sum3A_344 [1] : vector<64x48xf32> to vector<64xf32>
    %broadcast_in_dim3A_346 = vector.shape_cast %reduce_sum3A_345 : vector<64xf32> to vector<64x1xf32>
    %div3A_347 = arith.constant 1.000000e+00 : f32
    %div3A_348 = vector.broadcast %div3A_347 : f32 to vector<64x1xf32>
    %div3A_349 = arith.divf %div3A_348, %broadcast_in_dim3A_346 : vector<64x1xf32>
    %log3A_350 = math.log %broadcast_in_dim3A_346 : vector<64x1xf32>
    %get3A_351 = arith.constant 0 : index
    %get3A_352 = arith.constant 11 : index
    %get3A_353 = arith.constant 0 : index
    %get3A_354 = vector.load %arg14[%get3A_351, %get3A_352, %get3A_353] : memref<64x128x48xf32, #tpu.memory_space<vmem>>, vector<64x1x48xf32>
    %get3A_355 = vector.shape_cast %get3A_354 : vector<64x1x48xf32> to vector<64x48xf32>
    %get3A_356 = arith.constant 0 : index
    %get3A_357 = arith.constant 0 : index
    %get3A_358 = arith.constant 11 : index
    %get3A_359 = vector.load %arg2[%get3A_356, %get3A_357, %get3A_358] : memref<1x64x128xi32, #tpu.memory_space<vmem>>, vector<1x64x1xi32>
    %get3A_360 = vector.shape_cast %get3A_359 : vector<1x64x1xi32> to vector<64x1xi32>
    %eq3A_361 = vector.broadcast %get3A_360 : vector<64x1xi32> to vector<64x48xi32>
    %eq3A_362 = arith.cmpi eq, %iota3A, %eq3A_361 : vector<64x48xi32>
    %jit3A_363 = arith.constant 0.000000e+00 : f32
    %broadcast_in_dim3A_364 = vector.broadcast %jit3A_363 : f32 to vector<64x48xf32>
    %select_n3A_365 = arith.select %eq3A_362, %get3A_355, %broadcast_in_dim3A_364 : vector<64x48xi1>, vector<64x48xf32>
    %add3A_366 = arith.addf %add3A_336, %select_n3A_365 : vector<64x48xf32>
    %exp3A_367 = math.exp %get3A_355 : vector<64x48xf32>
    %mul3A_368 = vector.broadcast %div3A_349 : vector<64x1xf32> to vector<64x48xf32>
    %mul3A_369 = arith.mulf %exp3A_367, %mul3A_368 : vector<64x48xf32>
    %dot_general3A_370 = arith.constant dense<0.000000e+00> : vector<64x48xf32>
    %dot_general3A_371 = tpu.matmul %mul3A_342, %get3A_10, %dot_general3A_370 {dimension_numbers = #tpu.dot_dimension_numbers<[1], [0], [0], [1], [0, 0, 1, 1], [], []>, transpose_lhs_hint = false} : vector<64x48xf32>, vector<48x48xf32>, vector<64x48xf32> -> vector<64x48xf32>
    %mul3A_372 = arith.mulf %dot_general3A_371, %mul3A_369 : vector<64x48xf32>
    %add3A_373 = arith.addf %add3A_343, %log3A_350 : vector<64x1xf32>
    %reduce_sum3A_374 = arith.constant dense<0.000000e+00> : vector<64xf32>
    %reduce_sum3A_375 = vector.multi_reduction <add>, %mul3A_372, %reduce_sum3A_374 [1] : vector<64x48xf32> to vector<64xf32>
    %broadcast_in_dim3A_376 = vector.shape_cast %reduce_sum3A_375 : vector<64xf32> to vector<64x1xf32>
    %div3A_377 = arith.constant 1.000000e+00 : f32
    %div3A_378 = vector.broadcast %div3A_377 : f32 to vector<64x1xf32>
    %div3A_379 = arith.divf %div3A_378, %broadcast_in_dim3A_376 : vector<64x1xf32>
    %log3A_380 = math.log %broadcast_in_dim3A_376 : vector<64x1xf32>
    %get3A_381 = arith.constant 0 : index
    %get3A_382 = arith.constant 12 : index
    %get3A_383 = arith.constant 0 : index
    %get3A_384 = vector.load %arg14[%get3A_381, %get3A_382, %get3A_383] : memref<64x128x48xf32, #tpu.memory_space<vmem>>, vector<64x1x48xf32>
    %get3A_385 = vector.shape_cast %get3A_384 : vector<64x1x48xf32> to vector<64x48xf32>
    %get3A_386 = arith.constant 0 : index
    %get3A_387 = arith.constant 0 : index
    %get3A_388 = arith.constant 12 : index
    %get3A_389 = vector.load %arg2[%get3A_386, %get3A_387, %get3A_388] : memref<1x64x128xi32, #tpu.memory_space<vmem>>, vector<1x64x1xi32>
    %get3A_390 = vector.shape_cast %get3A_389 : vector<1x64x1xi32> to vector<64x1xi32>
    %eq3A_391 = vector.broadcast %get3A_390 : vector<64x1xi32> to vector<64x48xi32>
    %eq3A_392 = arith.cmpi eq, %iota3A, %eq3A_391 : vector<64x48xi32>
    %jit3A_393 = arith.constant 0.000000e+00 : f32
    %broadcast_in_dim3A_394 = vector.broadcast %jit3A_393 : f32 to vector<64x48xf32>
    %select_n3A_395 = arith.select %eq3A_392, %get3A_385, %broadcast_in_dim3A_394 : vector<64x48xi1>, vector<64x48xf32>
    %add3A_396 = arith.addf %add3A_366, %select_n3A_395 : vector<64x48xf32>
    %exp3A_397 = math.exp %get3A_385 : vector<64x48xf32>
    %mul3A_398 = vector.broadcast %div3A_379 : vector<64x1xf32> to vector<64x48xf32>
    %mul3A_399 = arith.mulf %exp3A_397, %mul3A_398 : vector<64x48xf32>
    %dot_general3A_400 = arith.constant dense<0.000000e+00> : vector<64x48xf32>
    %dot_general3A_401 = tpu.matmul %mul3A_372, %get3A_10, %dot_general3A_400 {dimension_numbers = #tpu.dot_dimension_numbers<[1], [0], [0], [1], [0, 0, 1, 1], [], []>, transpose_lhs_hint = false} : vector<64x48xf32>, vector<48x48xf32>, vector<64x48xf32> -> vector<64x48xf32>
    %mul3A_402 = arith.mulf %dot_general3A_401, %mul3A_399 : vector<64x48xf32>
    %add3A_403 = arith.addf %add3A_373, %log3A_380 : vector<64x1xf32>
    %reduce_sum3A_404 = arith.constant dense<0.000000e+00> : vector<64xf32>
    %reduce_sum3A_405 = vector.multi_reduction <add>, %mul3A_402, %reduce_sum3A_404 [1] : vector<64x48xf32> to vector<64xf32>
    %broadcast_in_dim3A_406 = vector.shape_cast %reduce_sum3A_405 : vector<64xf32> to vector<64x1xf32>
    %div3A_407 = arith.constant 1.000000e+00 : f32
    %div3A_408 = vector.broadcast %div3A_407 : f32 to vector<64x1xf32>
    %div3A_409 = arith.divf %div3A_408, %broadcast_in_dim3A_406 : vector<64x1xf32>
    %log3A_410 = math.log %broadcast_in_dim3A_406 : vector<64x1xf32>
    %get3A_411 = arith.constant 0 : index
    %get3A_412 = arith.constant 13 : index
    %get3A_413 = arith.constant 0 : index
    %get3A_414 = vector.load %arg14[%get3A_411, %get3A_412, %get3A_413] : memref<64x128x48xf32, #tpu.memory_space<vmem>>, vector<64x1x48xf32>
    %get3A_415 = vector.shape_cast %get3A_414 : vector<64x1x48xf32> to vector<64x48xf32>
    %get3A_416 = arith.constant 0 : index
    %get3A_417 = arith.constant 0 : index
    %get3A_418 = arith.constant 13 : index
    %get3A_419 = vector.load %arg2[%get3A_416, %get3A_417, %get3A_418] : memref<1x64x128xi32, #tpu.memory_space<vmem>>, vector<1x64x1xi32>
    %get3A_420 = vector.shape_cast %get3A_419 : vector<1x64x1xi32> to vector<64x1xi32>
    %eq3A_421 = vector.broadcast %get3A_420 : vector<64x1xi32> to vector<64x48xi32>
    %eq3A_422 = arith.cmpi eq, %iota3A, %eq3A_421 : vector<64x48xi32>
    %jit3A_423 = arith.constant 0.000000e+00 : f32
    %broadcast_in_dim3A_424 = vector.broadcast %jit3A_423 : f32 to vector<64x48xf32>
    %select_n3A_425 = arith.select %eq3A_422, %get3A_415, %broadcast_in_dim3A_424 : vector<64x48xi1>, vector<64x48xf32>
    %add3A_426 = arith.addf %add3A_396, %select_n3A_425 : vector<64x48xf32>
    %exp3A_427 = math.exp %get3A_415 : vector<64x48xf32>
    %mul3A_428 = vector.broadcast %div3A_409 : vector<64x1xf32> to vector<64x48xf32>
    %mul3A_429 = arith.mulf %exp3A_427, %mul3A_428 : vector<64x48xf32>
    %dot_general3A_430 = arith.constant dense<0.000000e+00> : vector<64x48xf32>
    %dot_general3A_431 = tpu.matmul %mul3A_402, %get3A_10, %dot_general3A_430 {dimension_numbers = #tpu.dot_dimension_numbers<[1], [0], [0], [1], [0, 0, 1, 1], [], []>, transpose_lhs_hint = false} : vector<64x48xf32>, vector<48x48xf32>, vector<64x48xf32> -> vector<64x48xf32>
    %mul3A_432 = arith.mulf %dot_general3A_431, %mul3A_429 : vector<64x48xf32>
    %add3A_433 = arith.addf %add3A_403, %log3A_410 : vector<64x1xf32>
    %reduce_sum3A_434 = arith.constant dense<0.000000e+00> : vector<64xf32>
    %reduce_sum3A_435 = vector.multi_reduction <add>, %mul3A_432, %reduce_sum3A_434 [1] : vector<64x48xf32> to vector<64xf32>
    %broadcast_in_dim3A_436 = vector.shape_cast %reduce_sum3A_435 : vector<64xf32> to vector<64x1xf32>
    %div3A_437 = arith.constant 1.000000e+00 : f32
    %div3A_438 = vector.broadcast %div3A_437 : f32 to vector<64x1xf32>
    %div3A_439 = arith.divf %div3A_438, %broadcast_in_dim3A_436 : vector<64x1xf32>
    %log3A_440 = math.log %broadcast_in_dim3A_436 : vector<64x1xf32>
    %get3A_441 = arith.constant 0 : index
    %get3A_442 = arith.constant 14 : index
    %get3A_443 = arith.constant 0 : index
    %get3A_444 = vector.load %arg14[%get3A_441, %get3A_442, %get3A_443] : memref<64x128x48xf32, #tpu.memory_space<vmem>>, vector<64x1x48xf32>
    %get3A_445 = vector.shape_cast %get3A_444 : vector<64x1x48xf32> to vector<64x48xf32>
    %get3A_446 = arith.constant 0 : index
    %get3A_447 = arith.constant 0 : index
    %get3A_448 = arith.constant 14 : index
    %get3A_449 = vector.load %arg2[%get3A_446, %get3A_447, %get3A_448] : memref<1x64x128xi32, #tpu.memory_space<vmem>>, vector<1x64x1xi32>
    %get3A_450 = vector.shape_cast %get3A_449 : vector<1x64x1xi32> to vector<64x1xi32>
    %eq3A_451 = vector.broadcast %get3A_450 : vector<64x1xi32> to vector<64x48xi32>
    %eq3A_452 = arith.cmpi eq, %iota3A, %eq3A_451 : vector<64x48xi32>
    %jit3A_453 = arith.constant 0.000000e+00 : f32
    %broadcast_in_dim3A_454 = vector.broadcast %jit3A_453 : f32 to vector<64x48xf32>
    %select_n3A_455 = arith.select %eq3A_452, %get3A_445, %broadcast_in_dim3A_454 : vector<64x48xi1>, vector<64x48xf32>
    %add3A_456 = arith.addf %add3A_426, %select_n3A_455 : vector<64x48xf32>
    %exp3A_457 = math.exp %get3A_445 : vector<64x48xf32>
    %mul3A_458 = vector.broadcast %div3A_439 : vector<64x1xf32> to vector<64x48xf32>
    %mul3A_459 = arith.mulf %exp3A_457, %mul3A_458 : vector<64x48xf32>
    %dot_general3A_460 = arith.constant dense<0.000000e+00> : vector<64x48xf32>
    %dot_general3A_461 = tpu.matmul %mul3A_432, %get3A_10, %dot_general3A_460 {dimension_numbers = #tpu.dot_dimension_numbers<[1], [0], [0], [1], [0, 0, 1, 1], [], []>, transpose_lhs_hint = false} : vector<64x48xf32>, vector<48x48xf32>, vector<64x48xf32> -> vector<64x48xf32>
    %mul3A_462 = arith.mulf %dot_general3A_461, %mul3A_459 : vector<64x48xf32>
    %add3A_463 = arith.addf %add3A_433, %log3A_440 : vector<64x1xf32>
    %reduce_sum3A_464 = arith.constant dense<0.000000e+00> : vector<64xf32>
    %reduce_sum3A_465 = vector.multi_reduction <add>, %mul3A_462, %reduce_sum3A_464 [1] : vector<64x48xf32> to vector<64xf32>
    %broadcast_in_dim3A_466 = vector.shape_cast %reduce_sum3A_465 : vector<64xf32> to vector<64x1xf32>
    %div3A_467 = arith.constant 1.000000e+00 : f32
    %div3A_468 = vector.broadcast %div3A_467 : f32 to vector<64x1xf32>
    %div3A_469 = arith.divf %div3A_468, %broadcast_in_dim3A_466 : vector<64x1xf32>
    %log3A_470 = math.log %broadcast_in_dim3A_466 : vector<64x1xf32>
    %get3A_471 = arith.constant 0 : index
    %get3A_472 = arith.constant 15 : index
    %get3A_473 = arith.constant 0 : index
    %get3A_474 = vector.load %arg14[%get3A_471, %get3A_472, %get3A_473] : memref<64x128x48xf32, #tpu.memory_space<vmem>>, vector<64x1x48xf32>
    %get3A_475 = vector.shape_cast %get3A_474 : vector<64x1x48xf32> to vector<64x48xf32>
    %get3A_476 = arith.constant 0 : index
    %get3A_477 = arith.constant 0 : index
    %get3A_478 = arith.constant 15 : index
    %get3A_479 = vector.load %arg2[%get3A_476, %get3A_477, %get3A_478] : memref<1x64x128xi32, #tpu.memory_space<vmem>>, vector<1x64x1xi32>
    %get3A_480 = vector.shape_cast %get3A_479 : vector<1x64x1xi32> to vector<64x1xi32>
    %eq3A_481 = vector.broadcast %get3A_480 : vector<64x1xi32> to vector<64x48xi32>
    %eq3A_482 = arith.cmpi eq, %iota3A, %eq3A_481 : vector<64x48xi32>
    %jit3A_483 = arith.constant 0.000000e+00 : f32
    %broadcast_in_dim3A_484 = vector.broadcast %jit3A_483 : f32 to vector<64x48xf32>
    %select_n3A_485 = arith.select %eq3A_482, %get3A_475, %broadcast_in_dim3A_484 : vector<64x48xi1>, vector<64x48xf32>
    %add3A_486 = arith.addf %add3A_456, %select_n3A_485 : vector<64x48xf32>
    %exp3A_487 = math.exp %get3A_475 : vector<64x48xf32>
    %mul3A_488 = vector.broadcast %div3A_469 : vector<64x1xf32> to vector<64x48xf32>
    %mul3A_489 = arith.mulf %exp3A_487, %mul3A_488 : vector<64x48xf32>
    %dot_general3A_490 = arith.constant dense<0.000000e+00> : vector<64x48xf32>
    %dot_general3A_491 = tpu.matmul %mul3A_462, %get3A_10, %dot_general3A_490 {dimension_numbers = #tpu.dot_dimension_numbers<[1], [0], [0], [1], [0, 0, 1, 1], [], []>, transpose_lhs_hint = false} : vector<64x48xf32>, vector<48x48xf32>, vector<64x48xf32> -> vector<64x48xf32>
    %mul3A_492 = arith.mulf %dot_general3A_491, %mul3A_489 : vector<64x48xf32>
    %add3A_493 = arith.addf %add3A_463, %log3A_470 : vector<64x1xf32>
    %reduce_sum3A_494 = arith.constant dense<0.000000e+00> : vector<64xf32>
    %reduce_sum3A_495 = vector.multi_reduction <add>, %mul3A_492, %reduce_sum3A_494 [1] : vector<64x48xf32> to vector<64xf32>
    %broadcast_in_dim3A_496 = vector.shape_cast %reduce_sum3A_495 : vector<64xf32> to vector<64x1xf32>
    %div3A_497 = arith.constant 1.000000e+00 : f32
    %div3A_498 = vector.broadcast %div3A_497 : f32 to vector<64x1xf32>
    %div3A_499 = arith.divf %div3A_498, %broadcast_in_dim3A_496 : vector<64x1xf32>
    %log3A_500 = math.log %broadcast_in_dim3A_496 : vector<64x1xf32>
    %get3A_501 = arith.constant 0 : index
    %get3A_502 = arith.constant 16 : index
    %get3A_503 = arith.constant 0 : index
    %get3A_504 = vector.load %arg14[%get3A_501, %get3A_502, %get3A_503] : memref<64x128x48xf32, #tpu.memory_space<vmem>>, vector<64x1x48xf32>
    %get3A_505 = vector.shape_cast %get3A_504 : vector<64x1x48xf32> to vector<64x48xf32>
    %get3A_506 = arith.constant 0 : index
    %get3A_507 = arith.constant 0 : index
    %get3A_508 = arith.constant 16 : index
    %get3A_509 = vector.load %arg2[%get3A_506, %get3A_507, %get3A_508] : memref<1x64x128xi32, #tpu.memory_space<vmem>>, vector<1x64x1xi32>
    %get3A_510 = vector.shape_cast %get3A_509 : vector<1x64x1xi32> to vector<64x1xi32>
    %eq3A_511 = vector.broadcast %get3A_510 : vector<64x1xi32> to vector<64x48xi32>
    %eq3A_512 = arith.cmpi eq, %iota3A, %eq3A_511 : vector<64x48xi32>
    %jit3A_513 = arith.constant 0.000000e+00 : f32
    %broadcast_in_dim3A_514 = vector.broadcast %jit3A_513 : f32 to vector<64x48xf32>
    %select_n3A_515 = arith.select %eq3A_512, %get3A_505, %broadcast_in_dim3A_514 : vector<64x48xi1>, vector<64x48xf32>
    %add3A_516 = arith.addf %add3A_486, %select_n3A_515 : vector<64x48xf32>
    %exp3A_517 = math.exp %get3A_505 : vector<64x48xf32>
    %mul3A_518 = vector.broadcast %div3A_499 : vector<64x1xf32> to vector<64x48xf32>
    %mul3A_519 = arith.mulf %exp3A_517, %mul3A_518 : vector<64x48xf32>
    %dot_general3A_520 = arith.constant dense<0.000000e+00> : vector<64x48xf32>
    %dot_general3A_521 = tpu.matmul %mul3A_492, %get3A_10, %dot_general3A_520 {dimension_numbers = #tpu.dot_dimension_numbers<[1], [0], [0], [1], [0, 0, 1, 1], [], []>, transpose_lhs_hint = false} : vector<64x48xf32>, vector<48x48xf32>, vector<64x48xf32> -> vector<64x48xf32>
    %mul3A_522 = arith.mulf %dot_general3A_521, %mul3A_519 : vector<64x48xf32>
    %add3A_523 = arith.addf %add3A_493, %log3A_500 : vector<64x1xf32>
    %reduce_sum3A_524 = arith.constant dense<0.000000e+00> : vector<64xf32>
    %reduce_sum3A_525 = vector.multi_reduction <add>, %mul3A_522, %reduce_sum3A_524 [1] : vector<64x48xf32> to vector<64xf32>
    %broadcast_in_dim3A_526 = vector.shape_cast %reduce_sum3A_525 : vector<64xf32> to vector<64x1xf32>
    %div3A_527 = arith.constant 1.000000e+00 : f32
    %div3A_528 = vector.broadcast %div3A_527 : f32 to vector<64x1xf32>
    %div3A_529 = arith.divf %div3A_528, %broadcast_in_dim3A_526 : vector<64x1xf32>
    %log3A_530 = math.log %broadcast_in_dim3A_526 : vector<64x1xf32>
    %get3A_531 = arith.constant 0 : index
    %get3A_532 = arith.constant 17 : index
    %get3A_533 = arith.constant 0 : index
    %get3A_534 = vector.load %arg14[%get3A_531, %get3A_532, %get3A_533] : memref<64x128x48xf32, #tpu.memory_space<vmem>>, vector<64x1x48xf32>
    %get3A_535 = vector.shape_cast %get3A_534 : vector<64x1x48xf32> to vector<64x48xf32>
    %get3A_536 = arith.constant 0 : index
    %get3A_537 = arith.constant 0 : index
    %get3A_538 = arith.constant 17 : index
    %get3A_539 = vector.load %arg2[%get3A_536, %get3A_537, %get3A_538] : memref<1x64x128xi32, #tpu.memory_space<vmem>>, vector<1x64x1xi32>
    %get3A_540 = vector.shape_cast %get3A_539 : vector<1x64x1xi32> to vector<64x1xi32>
    %eq3A_541 = vector.broadcast %get3A_540 : vector<64x1xi32> to vector<64x48xi32>
    %eq3A_542 = arith.cmpi eq, %iota3A, %eq3A_541 : vector<64x48xi32>
    %jit3A_543 = arith.constant 0.000000e+00 : f32
    %broadcast_in_dim3A_544 = vector.broadcast %jit3A_543 : f32 to vector<64x48xf32>
    %select_n3A_545 = arith.select %eq3A_542, %get3A_535, %broadcast_in_dim3A_544 : vector<64x48xi1>, vector<64x48xf32>
    %add3A_546 = arith.addf %add3A_516, %select_n3A_545 : vector<64x48xf32>
    %exp3A_547 = math.exp %get3A_535 : vector<64x48xf32>
    %mul3A_548 = vector.broadcast %div3A_529 : vector<64x1xf32> to vector<64x48xf32>
    %mul3A_549 = arith.mulf %exp3A_547, %mul3A_548 : vector<64x48xf32>
    %dot_general3A_550 = arith.constant dense<0.000000e+00> : vector<64x48xf32>
    %dot_general3A_551 = tpu.matmul %mul3A_522, %get3A_10, %dot_general3A_550 {dimension_numbers = #tpu.dot_dimension_numbers<[1], [0], [0], [1], [0, 0, 1, 1], [], []>, transpose_lhs_hint = false} : vector<64x48xf32>, vector<48x48xf32>, vector<64x48xf32> -> vector<64x48xf32>
    %mul3A_552 = arith.mulf %dot_general3A_551, %mul3A_549 : vector<64x48xf32>
    %add3A_553 = arith.addf %add3A_523, %log3A_530 : vector<64x1xf32>
    %reduce_sum3A_554 = arith.constant dense<0.000000e+00> : vector<64xf32>
    %reduce_sum3A_555 = vector.multi_reduction <add>, %mul3A_552, %reduce_sum3A_554 [1] : vector<64x48xf32> to vector<64xf32>
    %broadcast_in_dim3A_556 = vector.shape_cast %reduce_sum3A_555 : vector<64xf32> to vector<64x1xf32>
    %div3A_557 = arith.constant 1.000000e+00 : f32
    %div3A_558 = vector.broadcast %div3A_557 : f32 to vector<64x1xf32>
    %div3A_559 = arith.divf %div3A_558, %broadcast_in_dim3A_556 : vector<64x1xf32>
    %log3A_560 = math.log %broadcast_in_dim3A_556 : vector<64x1xf32>
    %get3A_561 = arith.constant 0 : index
    %get3A_562 = arith.constant 18 : index
    %get3A_563 = arith.constant 0 : index
    %get3A_564 = vector.load %arg14[%get3A_561, %get3A_562, %get3A_563] : memref<64x128x48xf32, #tpu.memory_space<vmem>>, vector<64x1x48xf32>
    %get3A_565 = vector.shape_cast %get3A_564 : vector<64x1x48xf32> to vector<64x48xf32>
    %get3A_566 = arith.constant 0 : index
    %get3A_567 = arith.constant 0 : index
    %get3A_568 = arith.constant 18 : index
    %get3A_569 = vector.load %arg2[%get3A_566, %get3A_567, %get3A_568] : memref<1x64x128xi32, #tpu.memory_space<vmem>>, vector<1x64x1xi32>
    %get3A_570 = vector.shape_cast %get3A_569 : vector<1x64x1xi32> to vector<64x1xi32>
    %eq3A_571 = vector.broadcast %get3A_570 : vector<64x1xi32> to vector<64x48xi32>
    %eq3A_572 = arith.cmpi eq, %iota3A, %eq3A_571 : vector<64x48xi32>
    %jit3A_573 = arith.constant 0.000000e+00 : f32
    %broadcast_in_dim3A_574 = vector.broadcast %jit3A_573 : f32 to vector<64x48xf32>
    %select_n3A_575 = arith.select %eq3A_572, %get3A_565, %broadcast_in_dim3A_574 : vector<64x48xi1>, vector<64x48xf32>
    %add3A_576 = arith.addf %add3A_546, %select_n3A_575 : vector<64x48xf32>
    %exp3A_577 = math.exp %get3A_565 : vector<64x48xf32>
    %mul3A_578 = vector.broadcast %div3A_559 : vector<64x1xf32> to vector<64x48xf32>
    %mul3A_579 = arith.mulf %exp3A_577, %mul3A_578 : vector<64x48xf32>
    %dot_general3A_580 = arith.constant dense<0.000000e+00> : vector<64x48xf32>
    %dot_general3A_581 = tpu.matmul %mul3A_552, %get3A_10, %dot_general3A_580 {dimension_numbers = #tpu.dot_dimension_numbers<[1], [0], [0], [1], [0, 0, 1, 1], [], []>, transpose_lhs_hint = false} : vector<64x48xf32>, vector<48x48xf32>, vector<64x48xf32> -> vector<64x48xf32>
    %mul3A_582 = arith.mulf %dot_general3A_581, %mul3A_579 : vector<64x48xf32>
    %add3A_583 = arith.addf %add3A_553, %log3A_560 : vector<64x1xf32>
    %reduce_sum3A_584 = arith.constant dense<0.000000e+00> : vector<64xf32>
    %reduce_sum3A_585 = vector.multi_reduction <add>, %mul3A_582, %reduce_sum3A_584 [1] : vector<64x48xf32> to vector<64xf32>
    %broadcast_in_dim3A_586 = vector.shape_cast %reduce_sum3A_585 : vector<64xf32> to vector<64x1xf32>
    %div3A_587 = arith.constant 1.000000e+00 : f32
    %div3A_588 = vector.broadcast %div3A_587 : f32 to vector<64x1xf32>
    %div3A_589 = arith.divf %div3A_588, %broadcast_in_dim3A_586 : vector<64x1xf32>
    %log3A_590 = math.log %broadcast_in_dim3A_586 : vector<64x1xf32>
    %get3A_591 = arith.constant 0 : index
    %get3A_592 = arith.constant 19 : index
    %get3A_593 = arith.constant 0 : index
    %get3A_594 = vector.load %arg14[%get3A_591, %get3A_592, %get3A_593] : memref<64x128x48xf32, #tpu.memory_space<vmem>>, vector<64x1x48xf32>
    %get3A_595 = vector.shape_cast %get3A_594 : vector<64x1x48xf32> to vector<64x48xf32>
    %get3A_596 = arith.constant 0 : index
    %get3A_597 = arith.constant 0 : index
    %get3A_598 = arith.constant 19 : index
    %get3A_599 = vector.load %arg2[%get3A_596, %get3A_597, %get3A_598] : memref<1x64x128xi32, #tpu.memory_space<vmem>>, vector<1x64x1xi32>
    %get3A_600 = vector.shape_cast %get3A_599 : vector<1x64x1xi32> to vector<64x1xi32>
    %eq3A_601 = vector.broadcast %get3A_600 : vector<64x1xi32> to vector<64x48xi32>
    %eq3A_602 = arith.cmpi eq, %iota3A, %eq3A_601 : vector<64x48xi32>
    %jit3A_603 = arith.constant 0.000000e+00 : f32
    %broadcast_in_dim3A_604 = vector.broadcast %jit3A_603 : f32 to vector<64x48xf32>
    %select_n3A_605 = arith.select %eq3A_602, %get3A_595, %broadcast_in_dim3A_604 : vector<64x48xi1>, vector<64x48xf32>
    %add3A_606 = arith.addf %add3A_576, %select_n3A_605 : vector<64x48xf32>
    %exp3A_607 = math.exp %get3A_595 : vector<64x48xf32>
    %mul3A_608 = vector.broadcast %div3A_589 : vector<64x1xf32> to vector<64x48xf32>
    %mul3A_609 = arith.mulf %exp3A_607, %mul3A_608 : vector<64x48xf32>
    %dot_general3A_610 = arith.constant dense<0.000000e+00> : vector<64x48xf32>
    %dot_general3A_611 = tpu.matmul %mul3A_582, %get3A_10, %dot_general3A_610 {dimension_numbers = #tpu.dot_dimension_numbers<[1], [0], [0], [1], [0, 0, 1, 1], [], []>, transpose_lhs_hint = false} : vector<64x48xf32>, vector<48x48xf32>, vector<64x48xf32> -> vector<64x48xf32>
    %mul3A_612 = arith.mulf %dot_general3A_611, %mul3A_609 : vector<64x48xf32>
    %add3A_613 = arith.addf %add3A_583, %log3A_590 : vector<64x1xf32>
    %reduce_sum3A_614 = arith.constant dense<0.000000e+00> : vector<64xf32>
    %reduce_sum3A_615 = vector.multi_reduction <add>, %mul3A_612, %reduce_sum3A_614 [1] : vector<64x48xf32> to vector<64xf32>
    %broadcast_in_dim3A_616 = vector.shape_cast %reduce_sum3A_615 : vector<64xf32> to vector<64x1xf32>
    %div3A_617 = arith.constant 1.000000e+00 : f32
    %div3A_618 = vector.broadcast %div3A_617 : f32 to vector<64x1xf32>
    %div3A_619 = arith.divf %div3A_618, %broadcast_in_dim3A_616 : vector<64x1xf32>
    %log3A_620 = math.log %broadcast_in_dim3A_616 : vector<64x1xf32>
    %get3A_621 = arith.constant 0 : index
    %get3A_622 = arith.constant 20 : index
    %get3A_623 = arith.constant 0 : index
    %get3A_624 = vector.load %arg14[%get3A_621, %get3A_622, %get3A_623] : memref<64x128x48xf32, #tpu.memory_space<vmem>>, vector<64x1x48xf32>
    %get3A_625 = vector.shape_cast %get3A_624 : vector<64x1x48xf32> to vector<64x48xf32>
    %get3A_626 = arith.constant 0 : index
    %get3A_627 = arith.constant 0 : index
    %get3A_628 = arith.constant 20 : index
    %get3A_629 = vector.load %arg2[%get3A_626, %get3A_627, %get3A_628] : memref<1x64x128xi32, #tpu.memory_space<vmem>>, vector<1x64x1xi32>
    %get3A_630 = vector.shape_cast %get3A_629 : vector<1x64x1xi32> to vector<64x1xi32>
    %eq3A_631 = vector.broadcast %get3A_630 : vector<64x1xi32> to vector<64x48xi32>
    %eq3A_632 = arith.cmpi eq, %iota3A, %eq3A_631 : vector<64x48xi32>
    %jit3A_633 = arith.constant 0.000000e+00 : f32
    %broadcast_in_dim3A_634 = vector.broadcast %jit3A_633 : f32 to vector<64x48xf32>
    %select_n3A_635 = arith.select %eq3A_632, %get3A_625, %broadcast_in_dim3A_634 : vector<64x48xi1>, vector<64x48xf32>
    %add3A_636 = arith.addf %add3A_606, %select_n3A_635 : vector<64x48xf32>
    %exp3A_637 = math.exp %get3A_625 : vector<64x48xf32>
    %mul3A_638 = vector.broadcast %div3A_619 : vector<64x1xf32> to vector<64x48xf32>
    %mul3A_639 = arith.mulf %exp3A_637, %mul3A_638 : vector<64x48xf32>
    %dot_general3A_640 = arith.constant dense<0.000000e+00> : vector<64x48xf32>
    %dot_general3A_641 = tpu.matmul %mul3A_612, %get3A_10, %dot_general3A_640 {dimension_numbers = #tpu.dot_dimension_numbers<[1], [0], [0], [1], [0, 0, 1, 1], [], []>, transpose_lhs_hint = false} : vector<64x48xf32>, vector<48x48xf32>, vector<64x48xf32> -> vector<64x48xf32>
    %mul3A_642 = arith.mulf %dot_general3A_641, %mul3A_639 : vector<64x48xf32>
    %add3A_643 = arith.addf %add3A_613, %log3A_620 : vector<64x1xf32>
    %reduce_sum3A_644 = arith.constant dense<0.000000e+00> : vector<64xf32>
    %reduce_sum3A_645 = vector.multi_reduction <add>, %mul3A_642, %reduce_sum3A_644 [1] : vector<64x48xf32> to vector<64xf32>
    %broadcast_in_dim3A_646 = vector.shape_cast %reduce_sum3A_645 : vector<64xf32> to vector<64x1xf32>
    %div3A_647 = arith.constant 1.000000e+00 : f32
    %div3A_648 = vector.broadcast %div3A_647 : f32 to vector<64x1xf32>
    %div3A_649 = arith.divf %div3A_648, %broadcast_in_dim3A_646 : vector<64x1xf32>
    %log3A_650 = math.log %broadcast_in_dim3A_646 : vector<64x1xf32>
    %get3A_651 = arith.constant 0 : index
    %get3A_652 = arith.constant 21 : index
    %get3A_653 = arith.constant 0 : index
    %get3A_654 = vector.load %arg14[%get3A_651, %get3A_652, %get3A_653] : memref<64x128x48xf32, #tpu.memory_space<vmem>>, vector<64x1x48xf32>
    %get3A_655 = vector.shape_cast %get3A_654 : vector<64x1x48xf32> to vector<64x48xf32>
    %get3A_656 = arith.constant 0 : index
    %get3A_657 = arith.constant 0 : index
    %get3A_658 = arith.constant 21 : index
    %get3A_659 = vector.load %arg2[%get3A_656, %get3A_657, %get3A_658] : memref<1x64x128xi32, #tpu.memory_space<vmem>>, vector<1x64x1xi32>
    %get3A_660 = vector.shape_cast %get3A_659 : vector<1x64x1xi32> to vector<64x1xi32>
    %eq3A_661 = vector.broadcast %get3A_660 : vector<64x1xi32> to vector<64x48xi32>
    %eq3A_662 = arith.cmpi eq, %iota3A, %eq3A_661 : vector<64x48xi32>
    %jit3A_663 = arith.constant 0.000000e+00 : f32
    %broadcast_in_dim3A_664 = vector.broadcast %jit3A_663 : f32 to vector<64x48xf32>
    %select_n3A_665 = arith.select %eq3A_662, %get3A_655, %broadcast_in_dim3A_664 : vector<64x48xi1>, vector<64x48xf32>
    %add3A_666 = arith.addf %add3A_636, %select_n3A_665 : vector<64x48xf32>
    %exp3A_667 = math.exp %get3A_655 : vector<64x48xf32>
    %mul3A_668 = vector.broadcast %div3A_649 : vector<64x1xf32> to vector<64x48xf32>
    %mul3A_669 = arith.mulf %exp3A_667, %mul3A_668 : vector<64x48xf32>
    %dot_general3A_670 = arith.constant dense<0.000000e+00> : vector<64x48xf32>
    %dot_general3A_671 = tpu.matmul %mul3A_642, %get3A_10, %dot_general3A_670 {dimension_numbers = #tpu.dot_dimension_numbers<[1], [0], [0], [1], [0, 0, 1, 1], [], []>, transpose_lhs_hint = false} : vector<64x48xf32>, vector<48x48xf32>, vector<64x48xf32> -> vector<64x48xf32>
    %mul3A_672 = arith.mulf %dot_general3A_671, %mul3A_669 : vector<64x48xf32>
    %add3A_673 = arith.addf %add3A_643, %log3A_650 : vector<64x1xf32>
    %reduce_sum3A_674 = arith.constant dense<0.000000e+00> : vector<64xf32>
    %reduce_sum3A_675 = vector.multi_reduction <add>, %mul3A_672, %reduce_sum3A_674 [1] : vector<64x48xf32> to vector<64xf32>
    %broadcast_in_dim3A_676 = vector.shape_cast %reduce_sum3A_675 : vector<64xf32> to vector<64x1xf32>
    %div3A_677 = arith.constant 1.000000e+00 : f32
    %div3A_678 = vector.broadcast %div3A_677 : f32 to vector<64x1xf32>
    %div3A_679 = arith.divf %div3A_678, %broadcast_in_dim3A_676 : vector<64x1xf32>
    %log3A_680 = math.log %broadcast_in_dim3A_676 : vector<64x1xf32>
    %get3A_681 = arith.constant 0 : index
    %get3A_682 = arith.constant 22 : index
    %get3A_683 = arith.constant 0 : index
    %get3A_684 = vector.load %arg14[%get3A_681, %get3A_682, %get3A_683] : memref<64x128x48xf32, #tpu.memory_space<vmem>>, vector<64x1x48xf32>
    %get3A_685 = vector.shape_cast %get3A_684 : vector<64x1x48xf32> to vector<64x48xf32>
    %get3A_686 = arith.constant 0 : index
    %get3A_687 = arith.constant 0 : index
    %get3A_688 = arith.constant 22 : index
    %get3A_689 = vector.load %arg2[%get3A_686, %get3A_687, %get3A_688] : memref<1x64x128xi32, #tpu.memory_space<vmem>>, vector<1x64x1xi32>
    %get3A_690 = vector.shape_cast %get3A_689 : vector<1x64x1xi32> to vector<64x1xi32>
    %eq3A_691 = vector.broadcast %get3A_690 : vector<64x1xi32> to vector<64x48xi32>
    %eq3A_692 = arith.cmpi eq, %iota3A, %eq3A_691 : vector<64x48xi32>
    %jit3A_693 = arith.constant 0.000000e+00 : f32
    %broadcast_in_dim3A_694 = vector.broadcast %jit3A_693 : f32 to vector<64x48xf32>
    %select_n3A_695 = arith.select %eq3A_692, %get3A_685, %broadcast_in_dim3A_694 : vector<64x48xi1>, vector<64x48xf32>
    %add3A_696 = arith.addf %add3A_666, %select_n3A_695 : vector<64x48xf32>
    %exp3A_697 = math.exp %get3A_685 : vector<64x48xf32>
    %mul3A_698 = vector.broadcast %div3A_679 : vector<64x1xf32> to vector<64x48xf32>
    %mul3A_699 = arith.mulf %exp3A_697, %mul3A_698 : vector<64x48xf32>
    %dot_general3A_700 = arith.constant dense<0.000000e+00> : vector<64x48xf32>
    %dot_general3A_701 = tpu.matmul %mul3A_672, %get3A_10, %dot_general3A_700 {dimension_numbers = #tpu.dot_dimension_numbers<[1], [0], [0], [1], [0, 0, 1, 1], [], []>, transpose_lhs_hint = false} : vector<64x48xf32>, vector<48x48xf32>, vector<64x48xf32> -> vector<64x48xf32>
    %mul3A_702 = arith.mulf %dot_general3A_701, %mul3A_699 : vector<64x48xf32>
    %add3A_703 = arith.addf %add3A_673, %log3A_680 : vector<64x1xf32>
    %reduce_sum3A_704 = arith.constant dense<0.000000e+00> : vector<64xf32>
    %reduce_sum3A_705 = vector.multi_reduction <add>, %mul3A_702, %reduce_sum3A_704 [1] : vector<64x48xf32> to vector<64xf32>
    %broadcast_in_dim3A_706 = vector.shape_cast %reduce_sum3A_705 : vector<64xf32> to vector<64x1xf32>
    %div3A_707 = arith.constant 1.000000e+00 : f32
    %div3A_708 = vector.broadcast %div3A_707 : f32 to vector<64x1xf32>
    %div3A_709 = arith.divf %div3A_708, %broadcast_in_dim3A_706 : vector<64x1xf32>
    %log3A_710 = math.log %broadcast_in_dim3A_706 : vector<64x1xf32>
    %get3A_711 = arith.constant 0 : index
    %get3A_712 = arith.constant 23 : index
    %get3A_713 = arith.constant 0 : index
    %get3A_714 = vector.load %arg14[%get3A_711, %get3A_712, %get3A_713] : memref<64x128x48xf32, #tpu.memory_space<vmem>>, vector<64x1x48xf32>
    %get3A_715 = vector.shape_cast %get3A_714 : vector<64x1x48xf32> to vector<64x48xf32>
    %get3A_716 = arith.constant 0 : index
    %get3A_717 = arith.constant 0 : index
    %get3A_718 = arith.constant 23 : index
    %get3A_719 = vector.load %arg2[%get3A_716, %get3A_717, %get3A_718] : memref<1x64x128xi32, #tpu.memory_space<vmem>>, vector<1x64x1xi32>
    %get3A_720 = vector.shape_cast %get3A_719 : vector<1x64x1xi32> to vector<64x1xi32>
    %eq3A_721 = vector.broadcast %get3A_720 : vector<64x1xi32> to vector<64x48xi32>
    %eq3A_722 = arith.cmpi eq, %iota3A, %eq3A_721 : vector<64x48xi32>
    %jit3A_723 = arith.constant 0.000000e+00 : f32
    %broadcast_in_dim3A_724 = vector.broadcast %jit3A_723 : f32 to vector<64x48xf32>
    %select_n3A_725 = arith.select %eq3A_722, %get3A_715, %broadcast_in_dim3A_724 : vector<64x48xi1>, vector<64x48xf32>
    %add3A_726 = arith.addf %add3A_696, %select_n3A_725 : vector<64x48xf32>
    %exp3A_727 = math.exp %get3A_715 : vector<64x48xf32>
    %mul3A_728 = vector.broadcast %div3A_709 : vector<64x1xf32> to vector<64x48xf32>
    %mul3A_729 = arith.mulf %exp3A_727, %mul3A_728 : vector<64x48xf32>
    %dot_general3A_730 = arith.constant dense<0.000000e+00> : vector<64x48xf32>
    %dot_general3A_731 = tpu.matmul %mul3A_702, %get3A_10, %dot_general3A_730 {dimension_numbers = #tpu.dot_dimension_numbers<[1], [0], [0], [1], [0, 0, 1, 1], [], []>, transpose_lhs_hint = false} : vector<64x48xf32>, vector<48x48xf32>, vector<64x48xf32> -> vector<64x48xf32>
    %mul3A_732 = arith.mulf %dot_general3A_731, %mul3A_729 : vector<64x48xf32>
    %add3A_733 = arith.addf %add3A_703, %log3A_710 : vector<64x1xf32>
    %reduce_sum3A_734 = arith.constant dense<0.000000e+00> : vector<64xf32>
    %reduce_sum3A_735 = vector.multi_reduction <add>, %mul3A_732, %reduce_sum3A_734 [1] : vector<64x48xf32> to vector<64xf32>
    %broadcast_in_dim3A_736 = vector.shape_cast %reduce_sum3A_735 : vector<64xf32> to vector<64x1xf32>
    %div3A_737 = arith.constant 1.000000e+00 : f32
    %div3A_738 = vector.broadcast %div3A_737 : f32 to vector<64x1xf32>
    %div3A_739 = arith.divf %div3A_738, %broadcast_in_dim3A_736 : vector<64x1xf32>
    %log3A_740 = math.log %broadcast_in_dim3A_736 : vector<64x1xf32>
    %get3A_741 = arith.constant 0 : index
    %get3A_742 = arith.constant 24 : index
    %get3A_743 = arith.constant 0 : index
    %get3A_744 = vector.load %arg14[%get3A_741, %get3A_742, %get3A_743] : memref<64x128x48xf32, #tpu.memory_space<vmem>>, vector<64x1x48xf32>
    %get3A_745 = vector.shape_cast %get3A_744 : vector<64x1x48xf32> to vector<64x48xf32>
    %get3A_746 = arith.constant 0 : index
    %get3A_747 = arith.constant 0 : index
    %get3A_748 = arith.constant 24 : index
    %get3A_749 = vector.load %arg2[%get3A_746, %get3A_747, %get3A_748] : memref<1x64x128xi32, #tpu.memory_space<vmem>>, vector<1x64x1xi32>
    %get3A_750 = vector.shape_cast %get3A_749 : vector<1x64x1xi32> to vector<64x1xi32>
    %eq3A_751 = vector.broadcast %get3A_750 : vector<64x1xi32> to vector<64x48xi32>
    %eq3A_752 = arith.cmpi eq, %iota3A, %eq3A_751 : vector<64x48xi32>
    %jit3A_753 = arith.constant 0.000000e+00 : f32
    %broadcast_in_dim3A_754 = vector.broadcast %jit3A_753 : f32 to vector<64x48xf32>
    %select_n3A_755 = arith.select %eq3A_752, %get3A_745, %broadcast_in_dim3A_754 : vector<64x48xi1>, vector<64x48xf32>
    %add3A_756 = arith.addf %add3A_726, %select_n3A_755 : vector<64x48xf32>
    %exp3A_757 = math.exp %get3A_745 : vector<64x48xf32>
    %mul3A_758 = vector.broadcast %div3A_739 : vector<64x1xf32> to vector<64x48xf32>
    %mul3A_759 = arith.mulf %exp3A_757, %mul3A_758 : vector<64x48xf32>
    %dot_general3A_760 = arith.constant dense<0.000000e+00> : vector<64x48xf32>
    %dot_general3A_761 = tpu.matmul %mul3A_732, %get3A_10, %dot_general3A_760 {dimension_numbers = #tpu.dot_dimension_numbers<[1], [0], [0], [1], [0, 0, 1, 1], [], []>, transpose_lhs_hint = false} : vector<64x48xf32>, vector<48x48xf32>, vector<64x48xf32> -> vector<64x48xf32>
    %mul3A_762 = arith.mulf %dot_general3A_761, %mul3A_759 : vector<64x48xf32>
    %add3A_763 = arith.addf %add3A_733, %log3A_740 : vector<64x1xf32>
    %reduce_sum3A_764 = arith.constant dense<0.000000e+00> : vector<64xf32>
    %reduce_sum3A_765 = vector.multi_reduction <add>, %mul3A_762, %reduce_sum3A_764 [1] : vector<64x48xf32> to vector<64xf32>
    %broadcast_in_dim3A_766 = vector.shape_cast %reduce_sum3A_765 : vector<64xf32> to vector<64x1xf32>
    %div3A_767 = arith.constant 1.000000e+00 : f32
    %div3A_768 = vector.broadcast %div3A_767 : f32 to vector<64x1xf32>
    %div3A_769 = arith.divf %div3A_768, %broadcast_in_dim3A_766 : vector<64x1xf32>
    %log3A_770 = math.log %broadcast_in_dim3A_766 : vector<64x1xf32>
    %get3A_771 = arith.constant 0 : index
    %get3A_772 = arith.constant 25 : index
    %get3A_773 = arith.constant 0 : index
    %get3A_774 = vector.load %arg14[%get3A_771, %get3A_772, %get3A_773] : memref<64x128x48xf32, #tpu.memory_space<vmem>>, vector<64x1x48xf32>
    %get3A_775 = vector.shape_cast %get3A_774 : vector<64x1x48xf32> to vector<64x48xf32>
    %get3A_776 = arith.constant 0 : index
    %get3A_777 = arith.constant 0 : index
    %get3A_778 = arith.constant 25 : index
    %get3A_779 = vector.load %arg2[%get3A_776, %get3A_777, %get3A_778] : memref<1x64x128xi32, #tpu.memory_space<vmem>>, vector<1x64x1xi32>
    %get3A_780 = vector.shape_cast %get3A_779 : vector<1x64x1xi32> to vector<64x1xi32>
    %eq3A_781 = vector.broadcast %get3A_780 : vector<64x1xi32> to vector<64x48xi32>
    %eq3A_782 = arith.cmpi eq, %iota3A, %eq3A_781 : vector<64x48xi32>
    %jit3A_783 = arith.constant 0.000000e+00 : f32
    %broadcast_in_dim3A_784 = vector.broadcast %jit3A_783 : f32 to vector<64x48xf32>
    %select_n3A_785 = arith.select %eq3A_782, %get3A_775, %broadcast_in_dim3A_784 : vector<64x48xi1>, vector<64x48xf32>
    %add3A_786 = arith.addf %add3A_756, %select_n3A_785 : vector<64x48xf32>
    %exp3A_787 = math.exp %get3A_775 : vector<64x48xf32>
    %mul3A_788 = vector.broadcast %div3A_769 : vector<64x1xf32> to vector<64x48xf32>
    %mul3A_789 = arith.mulf %exp3A_787, %mul3A_788 : vector<64x48xf32>
    %dot_general3A_790 = arith.constant dense<0.000000e+00> : vector<64x48xf32>
    %dot_general3A_791 = tpu.matmul %mul3A_762, %get3A_10, %dot_general3A_790 {dimension_numbers = #tpu.dot_dimension_numbers<[1], [0], [0], [1], [0, 0, 1, 1], [], []>, transpose_lhs_hint = false} : vector<64x48xf32>, vector<48x48xf32>, vector<64x48xf32> -> vector<64x48xf32>
    %mul3A_792 = arith.mulf %dot_general3A_791, %mul3A_789 : vector<64x48xf32>
    %add3A_793 = arith.addf %add3A_763, %log3A_770 : vector<64x1xf32>
    %reduce_sum3A_794 = arith.constant dense<0.000000e+00> : vector<64xf32>
    %reduce_sum3A_795 = vector.multi_reduction <add>, %mul3A_792, %reduce_sum3A_794 [1] : vector<64x48xf32> to vector<64xf32>
    %broadcast_in_dim3A_796 = vector.shape_cast %reduce_sum3A_795 : vector<64xf32> to vector<64x1xf32>
    %div3A_797 = arith.constant 1.000000e+00 : f32
    %div3A_798 = vector.broadcast %div3A_797 : f32 to vector<64x1xf32>
    %div3A_799 = arith.divf %div3A_798, %broadcast_in_dim3A_796 : vector<64x1xf32>
    %log3A_800 = math.log %broadcast_in_dim3A_796 : vector<64x1xf32>
    %get3A_801 = arith.constant 0 : index
    %get3A_802 = arith.constant 26 : index
    %get3A_803 = arith.constant 0 : index
    %get3A_804 = vector.load %arg14[%get3A_801, %get3A_802, %get3A_803] : memref<64x128x48xf32, #tpu.memory_space<vmem>>, vector<64x1x48xf32>
    %get3A_805 = vector.shape_cast %get3A_804 : vector<64x1x48xf32> to vector<64x48xf32>
    %get3A_806 = arith.constant 0 : index
    %get3A_807 = arith.constant 0 : index
    %get3A_808 = arith.constant 26 : index
    %get3A_809 = vector.load %arg2[%get3A_806, %get3A_807, %get3A_808] : memref<1x64x128xi32, #tpu.memory_space<vmem>>, vector<1x64x1xi32>
    %get3A_810 = vector.shape_cast %get3A_809 : vector<1x64x1xi32> to vector<64x1xi32>
    %eq3A_811 = vector.broadcast %get3A_810 : vector<64x1xi32> to vector<64x48xi32>
    %eq3A_812 = arith.cmpi eq, %iota3A, %eq3A_811 : vector<64x48xi32>
    %jit3A_813 = arith.constant 0.000000e+00 : f32
    %broadcast_in_dim3A_814 = vector.broadcast %jit3A_813 : f32 to vector<64x48xf32>
    %select_n3A_815 = arith.select %eq3A_812, %get3A_805, %broadcast_in_dim3A_814 : vector<64x48xi1>, vector<64x48xf32>
    %add3A_816 = arith.addf %add3A_786, %select_n3A_815 : vector<64x48xf32>
    %exp3A_817 = math.exp %get3A_805 : vector<64x48xf32>
    %mul3A_818 = vector.broadcast %div3A_799 : vector<64x1xf32> to vector<64x48xf32>
    %mul3A_819 = arith.mulf %exp3A_817, %mul3A_818 : vector<64x48xf32>
    %dot_general3A_820 = arith.constant dense<0.000000e+00> : vector<64x48xf32>
    %dot_general3A_821 = tpu.matmul %mul3A_792, %get3A_10, %dot_general3A_820 {dimension_numbers = #tpu.dot_dimension_numbers<[1], [0], [0], [1], [0, 0, 1, 1], [], []>, transpose_lhs_hint = false} : vector<64x48xf32>, vector<48x48xf32>, vector<64x48xf32> -> vector<64x48xf32>
    %mul3A_822 = arith.mulf %dot_general3A_821, %mul3A_819 : vector<64x48xf32>
    %add3A_823 = arith.addf %add3A_793, %log3A_800 : vector<64x1xf32>
    %reduce_sum3A_824 = arith.constant dense<0.000000e+00> : vector<64xf32>
    %reduce_sum3A_825 = vector.multi_reduction <add>, %mul3A_822, %reduce_sum3A_824 [1] : vector<64x48xf32> to vector<64xf32>
    %broadcast_in_dim3A_826 = vector.shape_cast %reduce_sum3A_825 : vector<64xf32> to vector<64x1xf32>
    %div3A_827 = arith.constant 1.000000e+00 : f32
    %div3A_828 = vector.broadcast %div3A_827 : f32 to vector<64x1xf32>
    %div3A_829 = arith.divf %div3A_828, %broadcast_in_dim3A_826 : vector<64x1xf32>
    %log3A_830 = math.log %broadcast_in_dim3A_826 : vector<64x1xf32>
    %get3A_831 = arith.constant 0 : index
    %get3A_832 = arith.constant 27 : index
    %get3A_833 = arith.constant 0 : index
    %get3A_834 = vector.load %arg14[%get3A_831, %get3A_832, %get3A_833] : memref<64x128x48xf32, #tpu.memory_space<vmem>>, vector<64x1x48xf32>
    %get3A_835 = vector.shape_cast %get3A_834 : vector<64x1x48xf32> to vector<64x48xf32>
    %get3A_836 = arith.constant 0 : index
    %get3A_837 = arith.constant 0 : index
    %get3A_838 = arith.constant 27 : index
    %get3A_839 = vector.load %arg2[%get3A_836, %get3A_837, %get3A_838] : memref<1x64x128xi32, #tpu.memory_space<vmem>>, vector<1x64x1xi32>
    %get3A_840 = vector.shape_cast %get3A_839 : vector<1x64x1xi32> to vector<64x1xi32>
    %eq3A_841 = vector.broadcast %get3A_840 : vector<64x1xi32> to vector<64x48xi32>
    %eq3A_842 = arith.cmpi eq, %iota3A, %eq3A_841 : vector<64x48xi32>
    %jit3A_843 = arith.constant 0.000000e+00 : f32
    %broadcast_in_dim3A_844 = vector.broadcast %jit3A_843 : f32 to vector<64x48xf32>
    %select_n3A_845 = arith.select %eq3A_842, %get3A_835, %broadcast_in_dim3A_844 : vector<64x48xi1>, vector<64x48xf32>
    %add3A_846 = arith.addf %add3A_816, %select_n3A_845 : vector<64x48xf32>
    %exp3A_847 = math.exp %get3A_835 : vector<64x48xf32>
    %mul3A_848 = vector.broadcast %div3A_829 : vector<64x1xf32> to vector<64x48xf32>
    %mul3A_849 = arith.mulf %exp3A_847, %mul3A_848 : vector<64x48xf32>
    %dot_general3A_850 = arith.constant dense<0.000000e+00> : vector<64x48xf32>
    %dot_general3A_851 = tpu.matmul %mul3A_822, %get3A_10, %dot_general3A_850 {dimension_numbers = #tpu.dot_dimension_numbers<[1], [0], [0], [1], [0, 0, 1, 1], [], []>, transpose_lhs_hint = false} : vector<64x48xf32>, vector<48x48xf32>, vector<64x48xf32> -> vector<64x48xf32>
    %mul3A_852 = arith.mulf %dot_general3A_851, %mul3A_849 : vector<64x48xf32>
    %add3A_853 = arith.addf %add3A_823, %log3A_830 : vector<64x1xf32>
    %reduce_sum3A_854 = arith.constant dense<0.000000e+00> : vector<64xf32>
    %reduce_sum3A_855 = vector.multi_reduction <add>, %mul3A_852, %reduce_sum3A_854 [1] : vector<64x48xf32> to vector<64xf32>
    %broadcast_in_dim3A_856 = vector.shape_cast %reduce_sum3A_855 : vector<64xf32> to vector<64x1xf32>
    %div3A_857 = arith.constant 1.000000e+00 : f32
    %div3A_858 = vector.broadcast %div3A_857 : f32 to vector<64x1xf32>
    %div3A_859 = arith.divf %div3A_858, %broadcast_in_dim3A_856 : vector<64x1xf32>
    %log3A_860 = math.log %broadcast_in_dim3A_856 : vector<64x1xf32>
    %get3A_861 = arith.constant 0 : index
    %get3A_862 = arith.constant 28 : index
    %get3A_863 = arith.constant 0 : index
    %get3A_864 = vector.load %arg14[%get3A_861, %get3A_862, %get3A_863] : memref<64x128x48xf32, #tpu.memory_space<vmem>>, vector<64x1x48xf32>
    %get3A_865 = vector.shape_cast %get3A_864 : vector<64x1x48xf32> to vector<64x48xf32>
    %get3A_866 = arith.constant 0 : index
    %get3A_867 = arith.constant 0 : index
    %get3A_868 = arith.constant 28 : index
    %get3A_869 = vector.load %arg2[%get3A_866, %get3A_867, %get3A_868] : memref<1x64x128xi32, #tpu.memory_space<vmem>>, vector<1x64x1xi32>
    %get3A_870 = vector.shape_cast %get3A_869 : vector<1x64x1xi32> to vector<64x1xi32>
    %eq3A_871 = vector.broadcast %get3A_870 : vector<64x1xi32> to vector<64x48xi32>
    %eq3A_872 = arith.cmpi eq, %iota3A, %eq3A_871 : vector<64x48xi32>
    %jit3A_873 = arith.constant 0.000000e+00 : f32
    %broadcast_in_dim3A_874 = vector.broadcast %jit3A_873 : f32 to vector<64x48xf32>
    %select_n3A_875 = arith.select %eq3A_872, %get3A_865, %broadcast_in_dim3A_874 : vector<64x48xi1>, vector<64x48xf32>
    %add3A_876 = arith.addf %add3A_846, %select_n3A_875 : vector<64x48xf32>
    %exp3A_877 = math.exp %get3A_865 : vector<64x48xf32>
    %mul3A_878 = vector.broadcast %div3A_859 : vector<64x1xf32> to vector<64x48xf32>
    %mul3A_879 = arith.mulf %exp3A_877, %mul3A_878 : vector<64x48xf32>
    %dot_general3A_880 = arith.constant dense<0.000000e+00> : vector<64x48xf32>
    %dot_general3A_881 = tpu.matmul %mul3A_852, %get3A_10, %dot_general3A_880 {dimension_numbers = #tpu.dot_dimension_numbers<[1], [0], [0], [1], [0, 0, 1, 1], [], []>, transpose_lhs_hint = false} : vector<64x48xf32>, vector<48x48xf32>, vector<64x48xf32> -> vector<64x48xf32>
    %mul3A_882 = arith.mulf %dot_general3A_881, %mul3A_879 : vector<64x48xf32>
    %add3A_883 = arith.addf %add3A_853, %log3A_860 : vector<64x1xf32>
    %reduce_sum3A_884 = arith.constant dense<0.000000e+00> : vector<64xf32>
    %reduce_sum3A_885 = vector.multi_reduction <add>, %mul3A_882, %reduce_sum3A_884 [1] : vector<64x48xf32> to vector<64xf32>
    %broadcast_in_dim3A_886 = vector.shape_cast %reduce_sum3A_885 : vector<64xf32> to vector<64x1xf32>
    %div3A_887 = arith.constant 1.000000e+00 : f32
    %div3A_888 = vector.broadcast %div3A_887 : f32 to vector<64x1xf32>
    %div3A_889 = arith.divf %div3A_888, %broadcast_in_dim3A_886 : vector<64x1xf32>
    %log3A_890 = math.log %broadcast_in_dim3A_886 : vector<64x1xf32>
    %get3A_891 = arith.constant 0 : index
    %get3A_892 = arith.constant 29 : index
    %get3A_893 = arith.constant 0 : index
    %get3A_894 = vector.load %arg14[%get3A_891, %get3A_892, %get3A_893] : memref<64x128x48xf32, #tpu.memory_space<vmem>>, vector<64x1x48xf32>
    %get3A_895 = vector.shape_cast %get3A_894 : vector<64x1x48xf32> to vector<64x48xf32>
    %get3A_896 = arith.constant 0 : index
    %get3A_897 = arith.constant 0 : index
    %get3A_898 = arith.constant 29 : index
    %get3A_899 = vector.load %arg2[%get3A_896, %get3A_897, %get3A_898] : memref<1x64x128xi32, #tpu.memory_space<vmem>>, vector<1x64x1xi32>
    %get3A_900 = vector.shape_cast %get3A_899 : vector<1x64x1xi32> to vector<64x1xi32>
    %eq3A_901 = vector.broadcast %get3A_900 : vector<64x1xi32> to vector<64x48xi32>
    %eq3A_902 = arith.cmpi eq, %iota3A, %eq3A_901 : vector<64x48xi32>
    %jit3A_903 = arith.constant 0.000000e+00 : f32
    %broadcast_in_dim3A_904 = vector.broadcast %jit3A_903 : f32 to vector<64x48xf32>
    %select_n3A_905 = arith.select %eq3A_902, %get3A_895, %broadcast_in_dim3A_904 : vector<64x48xi1>, vector<64x48xf32>
    %add3A_906 = arith.addf %add3A_876, %select_n3A_905 : vector<64x48xf32>
    %exp3A_907 = math.exp %get3A_895 : vector<64x48xf32>
    %mul3A_908 = vector.broadcast %div3A_889 : vector<64x1xf32> to vector<64x48xf32>
    %mul3A_909 = arith.mulf %exp3A_907, %mul3A_908 : vector<64x48xf32>
    %dot_general3A_910 = arith.constant dense<0.000000e+00> : vector<64x48xf32>
    %dot_general3A_911 = tpu.matmul %mul3A_882, %get3A_10, %dot_general3A_910 {dimension_numbers = #tpu.dot_dimension_numbers<[1], [0], [0], [1], [0, 0, 1, 1], [], []>, transpose_lhs_hint = false} : vector<64x48xf32>, vector<48x48xf32>, vector<64x48xf32> -> vector<64x48xf32>
    %mul3A_912 = arith.mulf %dot_general3A_911, %mul3A_909 : vector<64x48xf32>
    %add3A_913 = arith.addf %add3A_883, %log3A_890 : vector<64x1xf32>
    %reduce_sum3A_914 = arith.constant dense<0.000000e+00> : vector<64xf32>
    %reduce_sum3A_915 = vector.multi_reduction <add>, %mul3A_912, %reduce_sum3A_914 [1] : vector<64x48xf32> to vector<64xf32>
    %broadcast_in_dim3A_916 = vector.shape_cast %reduce_sum3A_915 : vector<64xf32> to vector<64x1xf32>
    %div3A_917 = arith.constant 1.000000e+00 : f32
    %div3A_918 = vector.broadcast %div3A_917 : f32 to vector<64x1xf32>
    %div3A_919 = arith.divf %div3A_918, %broadcast_in_dim3A_916 : vector<64x1xf32>
    %log3A_920 = math.log %broadcast_in_dim3A_916 : vector<64x1xf32>
    %get3A_921 = arith.constant 0 : index
    %get3A_922 = arith.constant 30 : index
    %get3A_923 = arith.constant 0 : index
    %get3A_924 = vector.load %arg14[%get3A_921, %get3A_922, %get3A_923] : memref<64x128x48xf32, #tpu.memory_space<vmem>>, vector<64x1x48xf32>
    %get3A_925 = vector.shape_cast %get3A_924 : vector<64x1x48xf32> to vector<64x48xf32>
    %get3A_926 = arith.constant 0 : index
    %get3A_927 = arith.constant 0 : index
    %get3A_928 = arith.constant 30 : index
    %get3A_929 = vector.load %arg2[%get3A_926, %get3A_927, %get3A_928] : memref<1x64x128xi32, #tpu.memory_space<vmem>>, vector<1x64x1xi32>
    %get3A_930 = vector.shape_cast %get3A_929 : vector<1x64x1xi32> to vector<64x1xi32>
    %eq3A_931 = vector.broadcast %get3A_930 : vector<64x1xi32> to vector<64x48xi32>
    %eq3A_932 = arith.cmpi eq, %iota3A, %eq3A_931 : vector<64x48xi32>
    %jit3A_933 = arith.constant 0.000000e+00 : f32
    %broadcast_in_dim3A_934 = vector.broadcast %jit3A_933 : f32 to vector<64x48xf32>
    %select_n3A_935 = arith.select %eq3A_932, %get3A_925, %broadcast_in_dim3A_934 : vector<64x48xi1>, vector<64x48xf32>
    %add3A_936 = arith.addf %add3A_906, %select_n3A_935 : vector<64x48xf32>
    %exp3A_937 = math.exp %get3A_925 : vector<64x48xf32>
    %mul3A_938 = vector.broadcast %div3A_919 : vector<64x1xf32> to vector<64x48xf32>
    %mul3A_939 = arith.mulf %exp3A_937, %mul3A_938 : vector<64x48xf32>
    %dot_general3A_940 = arith.constant dense<0.000000e+00> : vector<64x48xf32>
    %dot_general3A_941 = tpu.matmul %mul3A_912, %get3A_10, %dot_general3A_940 {dimension_numbers = #tpu.dot_dimension_numbers<[1], [0], [0], [1], [0, 0, 1, 1], [], []>, transpose_lhs_hint = false} : vector<64x48xf32>, vector<48x48xf32>, vector<64x48xf32> -> vector<64x48xf32>
    %mul3A_942 = arith.mulf %dot_general3A_941, %mul3A_939 : vector<64x48xf32>
    %add3A_943 = arith.addf %add3A_913, %log3A_920 : vector<64x1xf32>
    %reduce_sum3A_944 = arith.constant dense<0.000000e+00> : vector<64xf32>
    %reduce_sum3A_945 = vector.multi_reduction <add>, %mul3A_942, %reduce_sum3A_944 [1] : vector<64x48xf32> to vector<64xf32>
    %broadcast_in_dim3A_946 = vector.shape_cast %reduce_sum3A_945 : vector<64xf32> to vector<64x1xf32>
    %div3A_947 = arith.constant 1.000000e+00 : f32
    %div3A_948 = vector.broadcast %div3A_947 : f32 to vector<64x1xf32>
    %div3A_949 = arith.divf %div3A_948, %broadcast_in_dim3A_946 : vector<64x1xf32>
    %log3A_950 = math.log %broadcast_in_dim3A_946 : vector<64x1xf32>
    %get3A_951 = arith.constant 0 : index
    %get3A_952 = arith.constant 31 : index
    %get3A_953 = arith.constant 0 : index
    %get3A_954 = vector.load %arg14[%get3A_951, %get3A_952, %get3A_953] : memref<64x128x48xf32, #tpu.memory_space<vmem>>, vector<64x1x48xf32>
    %get3A_955 = vector.shape_cast %get3A_954 : vector<64x1x48xf32> to vector<64x48xf32>
    %get3A_956 = arith.constant 0 : index
    %get3A_957 = arith.constant 0 : index
    %get3A_958 = arith.constant 31 : index
    %get3A_959 = vector.load %arg2[%get3A_956, %get3A_957, %get3A_958] : memref<1x64x128xi32, #tpu.memory_space<vmem>>, vector<1x64x1xi32>
    %get3A_960 = vector.shape_cast %get3A_959 : vector<1x64x1xi32> to vector<64x1xi32>
    %eq3A_961 = vector.broadcast %get3A_960 : vector<64x1xi32> to vector<64x48xi32>
    %eq3A_962 = arith.cmpi eq, %iota3A, %eq3A_961 : vector<64x48xi32>
    %jit3A_963 = arith.constant 0.000000e+00 : f32
    %broadcast_in_dim3A_964 = vector.broadcast %jit3A_963 : f32 to vector<64x48xf32>
    %select_n3A_965 = arith.select %eq3A_962, %get3A_955, %broadcast_in_dim3A_964 : vector<64x48xi1>, vector<64x48xf32>
    %add3A_966 = arith.addf %add3A_936, %select_n3A_965 : vector<64x48xf32>
    %exp3A_967 = math.exp %get3A_955 : vector<64x48xf32>
    %mul3A_968 = vector.broadcast %div3A_949 : vector<64x1xf32> to vector<64x48xf32>
    %mul3A_969 = arith.mulf %exp3A_967, %mul3A_968 : vector<64x48xf32>
    %dot_general3A_970 = arith.constant dense<0.000000e+00> : vector<64x48xf32>
    %dot_general3A_971 = tpu.matmul %mul3A_942, %get3A_10, %dot_general3A_970 {dimension_numbers = #tpu.dot_dimension_numbers<[1], [0], [0], [1], [0, 0, 1, 1], [], []>, transpose_lhs_hint = false} : vector<64x48xf32>, vector<48x48xf32>, vector<64x48xf32> -> vector<64x48xf32>
    %mul3A_972 = arith.mulf %dot_general3A_971, %mul3A_969 : vector<64x48xf32>
    %add3A_973 = arith.addf %add3A_943, %log3A_950 : vector<64x1xf32>
    %reduce_sum3A_974 = arith.constant dense<0.000000e+00> : vector<64xf32>
    %reduce_sum3A_975 = vector.multi_reduction <add>, %mul3A_972, %reduce_sum3A_974 [1] : vector<64x48xf32> to vector<64xf32>
    %broadcast_in_dim3A_976 = vector.shape_cast %reduce_sum3A_975 : vector<64xf32> to vector<64x1xf32>
    %div3A_977 = arith.constant 1.000000e+00 : f32
    %div3A_978 = vector.broadcast %div3A_977 : f32 to vector<64x1xf32>
    %div3A_979 = arith.divf %div3A_978, %broadcast_in_dim3A_976 : vector<64x1xf32>
    %log3A_980 = math.log %broadcast_in_dim3A_976 : vector<64x1xf32>
    %get3A_981 = arith.constant 0 : index
    %get3A_982 = arith.constant 32 : index
    %get3A_983 = arith.constant 0 : index
    %get3A_984 = vector.load %arg14[%get3A_981, %get3A_982, %get3A_983] : memref<64x128x48xf32, #tpu.memory_space<vmem>>, vector<64x1x48xf32>
    %get3A_985 = vector.shape_cast %get3A_984 : vector<64x1x48xf32> to vector<64x48xf32>
    %get3A_986 = arith.constant 0 : index
    %get3A_987 = arith.constant 0 : index
    %get3A_988 = arith.constant 32 : index
    %get3A_989 = vector.load %arg2[%get3A_986, %get3A_987, %get3A_988] : memref<1x64x128xi32, #tpu.memory_space<vmem>>, vector<1x64x1xi32>
    %get3A_990 = vector.shape_cast %get3A_989 : vector<1x64x1xi32> to vector<64x1xi32>
    %eq3A_991 = vector.broadcast %get3A_990 : vector<64x1xi32> to vector<64x48xi32>
    %eq3A_992 = arith.cmpi eq, %iota3A, %eq3A_991 : vector<64x48xi32>
    %jit3A_993 = arith.constant 0.000000e+00 : f32
    %broadcast_in_dim3A_994 = vector.broadcast %jit3A_993 : f32 to vector<64x48xf32>
    %select_n3A_995 = arith.select %eq3A_992, %get3A_985, %broadcast_in_dim3A_994 : vector<64x48xi1>, vector<64x48xf32>
    %add3A_996 = arith.addf %add3A_966, %select_n3A_995 : vector<64x48xf32>
    %exp3A_997 = math.exp %get3A_985 : vector<64x48xf32>
    %mul3A_998 = vector.broadcast %div3A_979 : vector<64x1xf32> to vector<64x48xf32>
    %mul3A_999 = arith.mulf %exp3A_997, %mul3A_998 : vector<64x48xf32>
    %dot_general3A_1000 = arith.constant dense<0.000000e+00> : vector<64x48xf32>
    %dot_general3A_1001 = tpu.matmul %mul3A_972, %get3A_10, %dot_general3A_1000 {dimension_numbers = #tpu.dot_dimension_numbers<[1], [0], [0], [1], [0, 0, 1, 1], [], []>, transpose_lhs_hint = false} : vector<64x48xf32>, vector<48x48xf32>, vector<64x48xf32> -> vector<64x48xf32>
    %mul3A_1002 = arith.mulf %dot_general3A_1001, %mul3A_999 : vector<64x48xf32>
    %add3A_1003 = arith.addf %add3A_973, %log3A_980 : vector<64x1xf32>
    %reduce_sum3A_1004 = arith.constant dense<0.000000e+00> : vector<64xf32>
    %reduce_sum3A_1005 = vector.multi_reduction <add>, %mul3A_1002, %reduce_sum3A_1004 [1] : vector<64x48xf32> to vector<64xf32>
    %broadcast_in_dim3A_1006 = vector.shape_cast %reduce_sum3A_1005 : vector<64xf32> to vector<64x1xf32>
    %div3A_1007 = arith.constant 1.000000e+00 : f32
    %div3A_1008 = vector.broadcast %div3A_1007 : f32 to vector<64x1xf32>
    %div3A_1009 = arith.divf %div3A_1008, %broadcast_in_dim3A_1006 : vector<64x1xf32>
    %log3A_1010 = math.log %broadcast_in_dim3A_1006 : vector<64x1xf32>
    %get3A_1011 = arith.constant 0 : index
    %get3A_1012 = arith.constant 33 : index
    %get3A_1013 = arith.constant 0 : index
    %get3A_1014 = vector.load %arg14[%get3A_1011, %get3A_1012, %get3A_1013] : memref<64x128x48xf32, #tpu.memory_space<vmem>>, vector<64x1x48xf32>
    %get3A_1015 = vector.shape_cast %get3A_1014 : vector<64x1x48xf32> to vector<64x48xf32>
    %get3A_1016 = arith.constant 0 : index
    %get3A_1017 = arith.constant 0 : index
    %get3A_1018 = arith.constant 33 : index
    %get3A_1019 = vector.load %arg2[%get3A_1016, %get3A_1017, %get3A_1018] : memref<1x64x128xi32, #tpu.memory_space<vmem>>, vector<1x64x1xi32>
    %get3A_1020 = vector.shape_cast %get3A_1019 : vector<1x64x1xi32> to vector<64x1xi32>
    %eq3A_1021 = vector.broadcast %get3A_1020 : vector<64x1xi32> to vector<64x48xi32>
    %eq3A_1022 = arith.cmpi eq, %iota3A, %eq3A_1021 : vector<64x48xi32>
    %jit3A_1023 = arith.constant 0.000000e+00 : f32
    %broadcast_in_dim3A_1024 = vector.broadcast %jit3A_1023 : f32 to vector<64x48xf32>
    %select_n3A_1025 = arith.select %eq3A_1022, %get3A_1015, %broadcast_in_dim3A_1024 : vector<64x48xi1>, vector<64x48xf32>
    %add3A_1026 = arith.addf %add3A_996, %select_n3A_1025 : vector<64x48xf32>
    %exp3A_1027 = math.exp %get3A_1015 : vector<64x48xf32>
    %mul3A_1028 = vector.broadcast %div3A_1009 : vector<64x1xf32> to vector<64x48xf32>
    %mul3A_1029 = arith.mulf %exp3A_1027, %mul3A_1028 : vector<64x48xf32>
    %dot_general3A_1030 = arith.constant dense<0.000000e+00> : vector<64x48xf32>
    %dot_general3A_1031 = tpu.matmul %mul3A_1002, %get3A_10, %dot_general3A_1030 {dimension_numbers = #tpu.dot_dimension_numbers<[1], [0], [0], [1], [0, 0, 1, 1], [], []>, transpose_lhs_hint = false} : vector<64x48xf32>, vector<48x48xf32>, vector<64x48xf32> -> vector<64x48xf32>
    %mul3A_1032 = arith.mulf %dot_general3A_1031, %mul3A_1029 : vector<64x48xf32>
    %add3A_1033 = arith.addf %add3A_1003, %log3A_1010 : vector<64x1xf32>
    %reduce_sum3A_1034 = arith.constant dense<0.000000e+00> : vector<64xf32>
    %reduce_sum3A_1035 = vector.multi_reduction <add>, %mul3A_1032, %reduce_sum3A_1034 [1] : vector<64x48xf32> to vector<64xf32>
    %broadcast_in_dim3A_1036 = vector.shape_cast %reduce_sum3A_1035 : vector<64xf32> to vector<64x1xf32>
    %div3A_1037 = arith.constant 1.000000e+00 : f32
    %div3A_1038 = vector.broadcast %div3A_1037 : f32 to vector<64x1xf32>
    %div3A_1039 = arith.divf %div3A_1038, %broadcast_in_dim3A_1036 : vector<64x1xf32>
    %log3A_1040 = math.log %broadcast_in_dim3A_1036 : vector<64x1xf32>
    %get3A_1041 = arith.constant 0 : index
    %get3A_1042 = arith.constant 34 : index
    %get3A_1043 = arith.constant 0 : index
    %get3A_1044 = vector.load %arg14[%get3A_1041, %get3A_1042, %get3A_1043] : memref<64x128x48xf32, #tpu.memory_space<vmem>>, vector<64x1x48xf32>
    %get3A_1045 = vector.shape_cast %get3A_1044 : vector<64x1x48xf32> to vector<64x48xf32>
    %get3A_1046 = arith.constant 0 : index
    %get3A_1047 = arith.constant 0 : index
    %get3A_1048 = arith.constant 34 : index
    %get3A_1049 = vector.load %arg2[%get3A_1046, %get3A_1047, %get3A_1048] : memref<1x64x128xi32, #tpu.memory_space<vmem>>, vector<1x64x1xi32>
    %get3A_1050 = vector.shape_cast %get3A_1049 : vector<1x64x1xi32> to vector<64x1xi32>
    %eq3A_1051 = vector.broadcast %get3A_1050 : vector<64x1xi32> to vector<64x48xi32>
    %eq3A_1052 = arith.cmpi eq, %iota3A, %eq3A_1051 : vector<64x48xi32>
    %jit3A_1053 = arith.constant 0.000000e+00 : f32
    %broadcast_in_dim3A_1054 = vector.broadcast %jit3A_1053 : f32 to vector<64x48xf32>
    %select_n3A_1055 = arith.select %eq3A_1052, %get3A_1045, %broadcast_in_dim3A_1054 : vector<64x48xi1>, vector<64x48xf32>
    %add3A_1056 = arith.addf %add3A_1026, %select_n3A_1055 : vector<64x48xf32>
    %exp3A_1057 = math.exp %get3A_1045 : vector<64x48xf32>
    %mul3A_1058 = vector.broadcast %div3A_1039 : vector<64x1xf32> to vector<64x48xf32>
    %mul3A_1059 = arith.mulf %exp3A_1057, %mul3A_1058 : vector<64x48xf32>
    %dot_general3A_1060 = arith.constant dense<0.000000e+00> : vector<64x48xf32>
    %dot_general3A_1061 = tpu.matmul %mul3A_1032, %get3A_10, %dot_general3A_1060 {dimension_numbers = #tpu.dot_dimension_numbers<[1], [0], [0], [1], [0, 0, 1, 1], [], []>, transpose_lhs_hint = false} : vector<64x48xf32>, vector<48x48xf32>, vector<64x48xf32> -> vector<64x48xf32>
    %mul3A_1062 = arith.mulf %dot_general3A_1061, %mul3A_1059 : vector<64x48xf32>
    %add3A_1063 = arith.addf %add3A_1033, %log3A_1040 : vector<64x1xf32>
    %reduce_sum3A_1064 = arith.constant dense<0.000000e+00> : vector<64xf32>
    %reduce_sum3A_1065 = vector.multi_reduction <add>, %mul3A_1062, %reduce_sum3A_1064 [1] : vector<64x48xf32> to vector<64xf32>
    %broadcast_in_dim3A_1066 = vector.shape_cast %reduce_sum3A_1065 : vector<64xf32> to vector<64x1xf32>
    %div3A_1067 = arith.constant 1.000000e+00 : f32
    %div3A_1068 = vector.broadcast %div3A_1067 : f32 to vector<64x1xf32>
    %div3A_1069 = arith.divf %div3A_1068, %broadcast_in_dim3A_1066 : vector<64x1xf32>
    %log3A_1070 = math.log %broadcast_in_dim3A_1066 : vector<64x1xf32>
    %get3A_1071 = arith.constant 0 : index
    %get3A_1072 = arith.constant 35 : index
    %get3A_1073 = arith.constant 0 : index
    %get3A_1074 = vector.load %arg14[%get3A_1071, %get3A_1072, %get3A_1073] : memref<64x128x48xf32, #tpu.memory_space<vmem>>, vector<64x1x48xf32>
    %get3A_1075 = vector.shape_cast %get3A_1074 : vector<64x1x48xf32> to vector<64x48xf32>
    %get3A_1076 = arith.constant 0 : index
    %get3A_1077 = arith.constant 0 : index
    %get3A_1078 = arith.constant 35 : index
    %get3A_1079 = vector.load %arg2[%get3A_1076, %get3A_1077, %get3A_1078] : memref<1x64x128xi32, #tpu.memory_space<vmem>>, vector<1x64x1xi32>
    %get3A_1080 = vector.shape_cast %get3A_1079 : vector<1x64x1xi32> to vector<64x1xi32>
    %eq3A_1081 = vector.broadcast %get3A_1080 : vector<64x1xi32> to vector<64x48xi32>
    %eq3A_1082 = arith.cmpi eq, %iota3A, %eq3A_1081 : vector<64x48xi32>
    %jit3A_1083 = arith.constant 0.000000e+00 : f32
    %broadcast_in_dim3A_1084 = vector.broadcast %jit3A_1083 : f32 to vector<64x48xf32>
    %select_n3A_1085 = arith.select %eq3A_1082, %get3A_1075, %broadcast_in_dim3A_1084 : vector<64x48xi1>, vector<64x48xf32>
    %add3A_1086 = arith.addf %add3A_1056, %select_n3A_1085 : vector<64x48xf32>
    %exp3A_1087 = math.exp %get3A_1075 : vector<64x48xf32>
    %mul3A_1088 = vector.broadcast %div3A_1069 : vector<64x1xf32> to vector<64x48xf32>
    %mul3A_1089 = arith.mulf %exp3A_1087, %mul3A_1088 : vector<64x48xf32>
    %dot_general3A_1090 = arith.constant dense<0.000000e+00> : vector<64x48xf32>
    %dot_general3A_1091 = tpu.matmul %mul3A_1062, %get3A_10, %dot_general3A_1090 {dimension_numbers = #tpu.dot_dimension_numbers<[1], [0], [0], [1], [0, 0, 1, 1], [], []>, transpose_lhs_hint = false} : vector<64x48xf32>, vector<48x48xf32>, vector<64x48xf32> -> vector<64x48xf32>
    %mul3A_1092 = arith.mulf %dot_general3A_1091, %mul3A_1089 : vector<64x48xf32>
    %add3A_1093 = arith.addf %add3A_1063, %log3A_1070 : vector<64x1xf32>
    %reduce_sum3A_1094 = arith.constant dense<0.000000e+00> : vector<64xf32>
    %reduce_sum3A_1095 = vector.multi_reduction <add>, %mul3A_1092, %reduce_sum3A_1094 [1] : vector<64x48xf32> to vector<64xf32>
    %broadcast_in_dim3A_1096 = vector.shape_cast %reduce_sum3A_1095 : vector<64xf32> to vector<64x1xf32>
    %div3A_1097 = arith.constant 1.000000e+00 : f32
    %div3A_1098 = vector.broadcast %div3A_1097 : f32 to vector<64x1xf32>
    %div3A_1099 = arith.divf %div3A_1098, %broadcast_in_dim3A_1096 : vector<64x1xf32>
    %log3A_1100 = math.log %broadcast_in_dim3A_1096 : vector<64x1xf32>
    %get3A_1101 = arith.constant 0 : index
    %get3A_1102 = arith.constant 36 : index
    %get3A_1103 = arith.constant 0 : index
    %get3A_1104 = vector.load %arg14[%get3A_1101, %get3A_1102, %get3A_1103] : memref<64x128x48xf32, #tpu.memory_space<vmem>>, vector<64x1x48xf32>
    %get3A_1105 = vector.shape_cast %get3A_1104 : vector<64x1x48xf32> to vector<64x48xf32>
    %get3A_1106 = arith.constant 0 : index
    %get3A_1107 = arith.constant 0 : index
    %get3A_1108 = arith.constant 36 : index
    %get3A_1109 = vector.load %arg2[%get3A_1106, %get3A_1107, %get3A_1108] : memref<1x64x128xi32, #tpu.memory_space<vmem>>, vector<1x64x1xi32>
    %get3A_1110 = vector.shape_cast %get3A_1109 : vector<1x64x1xi32> to vector<64x1xi32>
    %eq3A_1111 = vector.broadcast %get3A_1110 : vector<64x1xi32> to vector<64x48xi32>
    %eq3A_1112 = arith.cmpi eq, %iota3A, %eq3A_1111 : vector<64x48xi32>
    %jit3A_1113 = arith.constant 0.000000e+00 : f32
    %broadcast_in_dim3A_1114 = vector.broadcast %jit3A_1113 : f32 to vector<64x48xf32>
    %select_n3A_1115 = arith.select %eq3A_1112, %get3A_1105, %broadcast_in_dim3A_1114 : vector<64x48xi1>, vector<64x48xf32>
    %add3A_1116 = arith.addf %add3A_1086, %select_n3A_1115 : vector<64x48xf32>
    %exp3A_1117 = math.exp %get3A_1105 : vector<64x48xf32>
    %mul3A_1118 = vector.broadcast %div3A_1099 : vector<64x1xf32> to vector<64x48xf32>
    %mul3A_1119 = arith.mulf %exp3A_1117, %mul3A_1118 : vector<64x48xf32>
    %dot_general3A_1120 = arith.constant dense<0.000000e+00> : vector<64x48xf32>
    %dot_general3A_1121 = tpu.matmul %mul3A_1092, %get3A_10, %dot_general3A_1120 {dimension_numbers = #tpu.dot_dimension_numbers<[1], [0], [0], [1], [0, 0, 1, 1], [], []>, transpose_lhs_hint = false} : vector<64x48xf32>, vector<48x48xf32>, vector<64x48xf32> -> vector<64x48xf32>
    %mul3A_1122 = arith.mulf %dot_general3A_1121, %mul3A_1119 : vector<64x48xf32>
    %add3A_1123 = arith.addf %add3A_1093, %log3A_1100 : vector<64x1xf32>
    %reduce_sum3A_1124 = arith.constant dense<0.000000e+00> : vector<64xf32>
    %reduce_sum3A_1125 = vector.multi_reduction <add>, %mul3A_1122, %reduce_sum3A_1124 [1] : vector<64x48xf32> to vector<64xf32>
    %broadcast_in_dim3A_1126 = vector.shape_cast %reduce_sum3A_1125 : vector<64xf32> to vector<64x1xf32>
    %div3A_1127 = arith.constant 1.000000e+00 : f32
    %div3A_1128 = vector.broadcast %div3A_1127 : f32 to vector<64x1xf32>
    %div3A_1129 = arith.divf %div3A_1128, %broadcast_in_dim3A_1126 : vector<64x1xf32>
    %log3A_1130 = math.log %broadcast_in_dim3A_1126 : vector<64x1xf32>
    %get3A_1131 = arith.constant 0 : index
    %get3A_1132 = arith.constant 37 : index
    %get3A_1133 = arith.constant 0 : index
    %get3A_1134 = vector.load %arg14[%get3A_1131, %get3A_1132, %get3A_1133] : memref<64x128x48xf32, #tpu.memory_space<vmem>>, vector<64x1x48xf32>
    %get3A_1135 = vector.shape_cast %get3A_1134 : vector<64x1x48xf32> to vector<64x48xf32>
    %get3A_1136 = arith.constant 0 : index
    %get3A_1137 = arith.constant 0 : index
    %get3A_1138 = arith.constant 37 : index
    %get3A_1139 = vector.load %arg2[%get3A_1136, %get3A_1137, %get3A_1138] : memref<1x64x128xi32, #tpu.memory_space<vmem>>, vector<1x64x1xi32>
    %get3A_1140 = vector.shape_cast %get3A_1139 : vector<1x64x1xi32> to vector<64x1xi32>
    %eq3A_1141 = vector.broadcast %get3A_1140 : vector<64x1xi32> to vector<64x48xi32>
    %eq3A_1142 = arith.cmpi eq, %iota3A, %eq3A_1141 : vector<64x48xi32>
    %jit3A_1143 = arith.constant 0.000000e+00 : f32
    %broadcast_in_dim3A_1144 = vector.broadcast %jit3A_1143 : f32 to vector<64x48xf32>
    %select_n3A_1145 = arith.select %eq3A_1142, %get3A_1135, %broadcast_in_dim3A_1144 : vector<64x48xi1>, vector<64x48xf32>
    %add3A_1146 = arith.addf %add3A_1116, %select_n3A_1145 : vector<64x48xf32>
    %exp3A_1147 = math.exp %get3A_1135 : vector<64x48xf32>
    %mul3A_1148 = vector.broadcast %div3A_1129 : vector<64x1xf32> to vector<64x48xf32>
    %mul3A_1149 = arith.mulf %exp3A_1147, %mul3A_1148 : vector<64x48xf32>
    %dot_general3A_1150 = arith.constant dense<0.000000e+00> : vector<64x48xf32>
    %dot_general3A_1151 = tpu.matmul %mul3A_1122, %get3A_10, %dot_general3A_1150 {dimension_numbers = #tpu.dot_dimension_numbers<[1], [0], [0], [1], [0, 0, 1, 1], [], []>, transpose_lhs_hint = false} : vector<64x48xf32>, vector<48x48xf32>, vector<64x48xf32> -> vector<64x48xf32>
    %mul3A_1152 = arith.mulf %dot_general3A_1151, %mul3A_1149 : vector<64x48xf32>
    %add3A_1153 = arith.addf %add3A_1123, %log3A_1130 : vector<64x1xf32>
    %reduce_sum3A_1154 = arith.constant dense<0.000000e+00> : vector<64xf32>
    %reduce_sum3A_1155 = vector.multi_reduction <add>, %mul3A_1152, %reduce_sum3A_1154 [1] : vector<64x48xf32> to vector<64xf32>
    %broadcast_in_dim3A_1156 = vector.shape_cast %reduce_sum3A_1155 : vector<64xf32> to vector<64x1xf32>
    %div3A_1157 = arith.constant 1.000000e+00 : f32
    %div3A_1158 = vector.broadcast %div3A_1157 : f32 to vector<64x1xf32>
    %div3A_1159 = arith.divf %div3A_1158, %broadcast_in_dim3A_1156 : vector<64x1xf32>
    %log3A_1160 = math.log %broadcast_in_dim3A_1156 : vector<64x1xf32>
    %get3A_1161 = arith.constant 0 : index
    %get3A_1162 = arith.constant 38 : index
    %get3A_1163 = arith.constant 0 : index
    %get3A_1164 = vector.load %arg14[%get3A_1161, %get3A_1162, %get3A_1163] : memref<64x128x48xf32, #tpu.memory_space<vmem>>, vector<64x1x48xf32>
    %get3A_1165 = vector.shape_cast %get3A_1164 : vector<64x1x48xf32> to vector<64x48xf32>
    %get3A_1166 = arith.constant 0 : index
    %get3A_1167 = arith.constant 0 : index
    %get3A_1168 = arith.constant 38 : index
    %get3A_1169 = vector.load %arg2[%get3A_1166, %get3A_1167, %get3A_1168] : memref<1x64x128xi32, #tpu.memory_space<vmem>>, vector<1x64x1xi32>
    %get3A_1170 = vector.shape_cast %get3A_1169 : vector<1x64x1xi32> to vector<64x1xi32>
    %eq3A_1171 = vector.broadcast %get3A_1170 : vector<64x1xi32> to vector<64x48xi32>
    %eq3A_1172 = arith.cmpi eq, %iota3A, %eq3A_1171 : vector<64x48xi32>
    %jit3A_1173 = arith.constant 0.000000e+00 : f32
    %broadcast_in_dim3A_1174 = vector.broadcast %jit3A_1173 : f32 to vector<64x48xf32>
    %select_n3A_1175 = arith.select %eq3A_1172, %get3A_1165, %broadcast_in_dim3A_1174 : vector<64x48xi1>, vector<64x48xf32>
    %add3A_1176 = arith.addf %add3A_1146, %select_n3A_1175 : vector<64x48xf32>
    %exp3A_1177 = math.exp %get3A_1165 : vector<64x48xf32>
    %mul3A_1178 = vector.broadcast %div3A_1159 : vector<64x1xf32> to vector<64x48xf32>
    %mul3A_1179 = arith.mulf %exp3A_1177, %mul3A_1178 : vector<64x48xf32>
    %dot_general3A_1180 = arith.constant dense<0.000000e+00> : vector<64x48xf32>
    %dot_general3A_1181 = tpu.matmul %mul3A_1152, %get3A_10, %dot_general3A_1180 {dimension_numbers = #tpu.dot_dimension_numbers<[1], [0], [0], [1], [0, 0, 1, 1], [], []>, transpose_lhs_hint = false} : vector<64x48xf32>, vector<48x48xf32>, vector<64x48xf32> -> vector<64x48xf32>
    %mul3A_1182 = arith.mulf %dot_general3A_1181, %mul3A_1179 : vector<64x48xf32>
    %add3A_1183 = arith.addf %add3A_1153, %log3A_1160 : vector<64x1xf32>
    %reduce_sum3A_1184 = arith.constant dense<0.000000e+00> : vector<64xf32>
    %reduce_sum3A_1185 = vector.multi_reduction <add>, %mul3A_1182, %reduce_sum3A_1184 [1] : vector<64x48xf32> to vector<64xf32>
    %broadcast_in_dim3A_1186 = vector.shape_cast %reduce_sum3A_1185 : vector<64xf32> to vector<64x1xf32>
    %div3A_1187 = arith.constant 1.000000e+00 : f32
    %div3A_1188 = vector.broadcast %div3A_1187 : f32 to vector<64x1xf32>
    %div3A_1189 = arith.divf %div3A_1188, %broadcast_in_dim3A_1186 : vector<64x1xf32>
    %log3A_1190 = math.log %broadcast_in_dim3A_1186 : vector<64x1xf32>
    %get3A_1191 = arith.constant 0 : index
    %get3A_1192 = arith.constant 39 : index
    %get3A_1193 = arith.constant 0 : index
    %get3A_1194 = vector.load %arg14[%get3A_1191, %get3A_1192, %get3A_1193] : memref<64x128x48xf32, #tpu.memory_space<vmem>>, vector<64x1x48xf32>
    %get3A_1195 = vector.shape_cast %get3A_1194 : vector<64x1x48xf32> to vector<64x48xf32>
    %get3A_1196 = arith.constant 0 : index
    %get3A_1197 = arith.constant 0 : index
    %get3A_1198 = arith.constant 39 : index
    %get3A_1199 = vector.load %arg2[%get3A_1196, %get3A_1197, %get3A_1198] : memref<1x64x128xi32, #tpu.memory_space<vmem>>, vector<1x64x1xi32>
    %get3A_1200 = vector.shape_cast %get3A_1199 : vector<1x64x1xi32> to vector<64x1xi32>
    %eq3A_1201 = vector.broadcast %get3A_1200 : vector<64x1xi32> to vector<64x48xi32>
    %eq3A_1202 = arith.cmpi eq, %iota3A, %eq3A_1201 : vector<64x48xi32>
    %jit3A_1203 = arith.constant 0.000000e+00 : f32
    %broadcast_in_dim3A_1204 = vector.broadcast %jit3A_1203 : f32 to vector<64x48xf32>
    %select_n3A_1205 = arith.select %eq3A_1202, %get3A_1195, %broadcast_in_dim3A_1204 : vector<64x48xi1>, vector<64x48xf32>
    %add3A_1206 = arith.addf %add3A_1176, %select_n3A_1205 : vector<64x48xf32>
    %exp3A_1207 = math.exp %get3A_1195 : vector<64x48xf32>
    %mul3A_1208 = vector.broadcast %div3A_1189 : vector<64x1xf32> to vector<64x48xf32>
    %mul3A_1209 = arith.mulf %exp3A_1207, %mul3A_1208 : vector<64x48xf32>
    %dot_general3A_1210 = arith.constant dense<0.000000e+00> : vector<64x48xf32>
    %dot_general3A_1211 = tpu.matmul %mul3A_1182, %get3A_10, %dot_general3A_1210 {dimension_numbers = #tpu.dot_dimension_numbers<[1], [0], [0], [1], [0, 0, 1, 1], [], []>, transpose_lhs_hint = false} : vector<64x48xf32>, vector<48x48xf32>, vector<64x48xf32> -> vector<64x48xf32>
    %mul3A_1212 = arith.mulf %dot_general3A_1211, %mul3A_1209 : vector<64x48xf32>
    %add3A_1213 = arith.addf %add3A_1183, %log3A_1190 : vector<64x1xf32>
    %reduce_sum3A_1214 = arith.constant dense<0.000000e+00> : vector<64xf32>
    %reduce_sum3A_1215 = vector.multi_reduction <add>, %mul3A_1212, %reduce_sum3A_1214 [1] : vector<64x48xf32> to vector<64xf32>
    %broadcast_in_dim3A_1216 = vector.shape_cast %reduce_sum3A_1215 : vector<64xf32> to vector<64x1xf32>
    %div3A_1217 = arith.constant 1.000000e+00 : f32
    %div3A_1218 = vector.broadcast %div3A_1217 : f32 to vector<64x1xf32>
    %div3A_1219 = arith.divf %div3A_1218, %broadcast_in_dim3A_1216 : vector<64x1xf32>
    %log3A_1220 = math.log %broadcast_in_dim3A_1216 : vector<64x1xf32>
    %get3A_1221 = arith.constant 0 : index
    %get3A_1222 = arith.constant 40 : index
    %get3A_1223 = arith.constant 0 : index
    %get3A_1224 = vector.load %arg14[%get3A_1221, %get3A_1222, %get3A_1223] : memref<64x128x48xf32, #tpu.memory_space<vmem>>, vector<64x1x48xf32>
    %get3A_1225 = vector.shape_cast %get3A_1224 : vector<64x1x48xf32> to vector<64x48xf32>
    %get3A_1226 = arith.constant 0 : index
    %get3A_1227 = arith.constant 0 : index
    %get3A_1228 = arith.constant 40 : index
    %get3A_1229 = vector.load %arg2[%get3A_1226, %get3A_1227, %get3A_1228] : memref<1x64x128xi32, #tpu.memory_space<vmem>>, vector<1x64x1xi32>
    %get3A_1230 = vector.shape_cast %get3A_1229 : vector<1x64x1xi32> to vector<64x1xi32>
    %eq3A_1231 = vector.broadcast %get3A_1230 : vector<64x1xi32> to vector<64x48xi32>
    %eq3A_1232 = arith.cmpi eq, %iota3A, %eq3A_1231 : vector<64x48xi32>
    %jit3A_1233 = arith.constant 0.000000e+00 : f32
    %broadcast_in_dim3A_1234 = vector.broadcast %jit3A_1233 : f32 to vector<64x48xf32>
    %select_n3A_1235 = arith.select %eq3A_1232, %get3A_1225, %broadcast_in_dim3A_1234 : vector<64x48xi1>, vector<64x48xf32>
    %add3A_1236 = arith.addf %add3A_1206, %select_n3A_1235 : vector<64x48xf32>
    %exp3A_1237 = math.exp %get3A_1225 : vector<64x48xf32>
    %mul3A_1238 = vector.broadcast %div3A_1219 : vector<64x1xf32> to vector<64x48xf32>
    %mul3A_1239 = arith.mulf %exp3A_1237, %mul3A_1238 : vector<64x48xf32>
    %dot_general3A_1240 = arith.constant dense<0.000000e+00> : vector<64x48xf32>
    %dot_general3A_1241 = tpu.matmul %mul3A_1212, %get3A_10, %dot_general3A_1240 {dimension_numbers = #tpu.dot_dimension_numbers<[1], [0], [0], [1], [0, 0, 1, 1], [], []>, transpose_lhs_hint = false} : vector<64x48xf32>, vector<48x48xf32>, vector<64x48xf32> -> vector<64x48xf32>
    %mul3A_1242 = arith.mulf %dot_general3A_1241, %mul3A_1239 : vector<64x48xf32>
    %add3A_1243 = arith.addf %add3A_1213, %log3A_1220 : vector<64x1xf32>
    %reduce_sum3A_1244 = arith.constant dense<0.000000e+00> : vector<64xf32>
    %reduce_sum3A_1245 = vector.multi_reduction <add>, %mul3A_1242, %reduce_sum3A_1244 [1] : vector<64x48xf32> to vector<64xf32>
    %broadcast_in_dim3A_1246 = vector.shape_cast %reduce_sum3A_1245 : vector<64xf32> to vector<64x1xf32>
    %div3A_1247 = arith.constant 1.000000e+00 : f32
    %div3A_1248 = vector.broadcast %div3A_1247 : f32 to vector<64x1xf32>
    %div3A_1249 = arith.divf %div3A_1248, %broadcast_in_dim3A_1246 : vector<64x1xf32>
    %log3A_1250 = math.log %broadcast_in_dim3A_1246 : vector<64x1xf32>
    %get3A_1251 = arith.constant 0 : index
    %get3A_1252 = arith.constant 41 : index
    %get3A_1253 = arith.constant 0 : index
    %get3A_1254 = vector.load %arg14[%get3A_1251, %get3A_1252, %get3A_1253] : memref<64x128x48xf32, #tpu.memory_space<vmem>>, vector<64x1x48xf32>
    %get3A_1255 = vector.shape_cast %get3A_1254 : vector<64x1x48xf32> to vector<64x48xf32>
    %get3A_1256 = arith.constant 0 : index
    %get3A_1257 = arith.constant 0 : index
    %get3A_1258 = arith.constant 41 : index
    %get3A_1259 = vector.load %arg2[%get3A_1256, %get3A_1257, %get3A_1258] : memref<1x64x128xi32, #tpu.memory_space<vmem>>, vector<1x64x1xi32>
    %get3A_1260 = vector.shape_cast %get3A_1259 : vector<1x64x1xi32> to vector<64x1xi32>
    %eq3A_1261 = vector.broadcast %get3A_1260 : vector<64x1xi32> to vector<64x48xi32>
    %eq3A_1262 = arith.cmpi eq, %iota3A, %eq3A_1261 : vector<64x48xi32>
    %jit3A_1263 = arith.constant 0.000000e+00 : f32
    %broadcast_in_dim3A_1264 = vector.broadcast %jit3A_1263 : f32 to vector<64x48xf32>
    %select_n3A_1265 = arith.select %eq3A_1262, %get3A_1255, %broadcast_in_dim3A_1264 : vector<64x48xi1>, vector<64x48xf32>
    %add3A_1266 = arith.addf %add3A_1236, %select_n3A_1265 : vector<64x48xf32>
    %exp3A_1267 = math.exp %get3A_1255 : vector<64x48xf32>
    %mul3A_1268 = vector.broadcast %div3A_1249 : vector<64x1xf32> to vector<64x48xf32>
    %mul3A_1269 = arith.mulf %exp3A_1267, %mul3A_1268 : vector<64x48xf32>
    %dot_general3A_1270 = arith.constant dense<0.000000e+00> : vector<64x48xf32>
    %dot_general3A_1271 = tpu.matmul %mul3A_1242, %get3A_10, %dot_general3A_1270 {dimension_numbers = #tpu.dot_dimension_numbers<[1], [0], [0], [1], [0, 0, 1, 1], [], []>, transpose_lhs_hint = false} : vector<64x48xf32>, vector<48x48xf32>, vector<64x48xf32> -> vector<64x48xf32>
    %mul3A_1272 = arith.mulf %dot_general3A_1271, %mul3A_1269 : vector<64x48xf32>
    %add3A_1273 = arith.addf %add3A_1243, %log3A_1250 : vector<64x1xf32>
    %reduce_sum3A_1274 = arith.constant dense<0.000000e+00> : vector<64xf32>
    %reduce_sum3A_1275 = vector.multi_reduction <add>, %mul3A_1272, %reduce_sum3A_1274 [1] : vector<64x48xf32> to vector<64xf32>
    %broadcast_in_dim3A_1276 = vector.shape_cast %reduce_sum3A_1275 : vector<64xf32> to vector<64x1xf32>
    %div3A_1277 = arith.constant 1.000000e+00 : f32
    %div3A_1278 = vector.broadcast %div3A_1277 : f32 to vector<64x1xf32>
    %div3A_1279 = arith.divf %div3A_1278, %broadcast_in_dim3A_1276 : vector<64x1xf32>
    %log3A_1280 = math.log %broadcast_in_dim3A_1276 : vector<64x1xf32>
    %get3A_1281 = arith.constant 0 : index
    %get3A_1282 = arith.constant 42 : index
    %get3A_1283 = arith.constant 0 : index
    %get3A_1284 = vector.load %arg14[%get3A_1281, %get3A_1282, %get3A_1283] : memref<64x128x48xf32, #tpu.memory_space<vmem>>, vector<64x1x48xf32>
    %get3A_1285 = vector.shape_cast %get3A_1284 : vector<64x1x48xf32> to vector<64x48xf32>
    %get3A_1286 = arith.constant 0 : index
    %get3A_1287 = arith.constant 0 : index
    %get3A_1288 = arith.constant 42 : index
    %get3A_1289 = vector.load %arg2[%get3A_1286, %get3A_1287, %get3A_1288] : memref<1x64x128xi32, #tpu.memory_space<vmem>>, vector<1x64x1xi32>
    %get3A_1290 = vector.shape_cast %get3A_1289 : vector<1x64x1xi32> to vector<64x1xi32>
    %eq3A_1291 = vector.broadcast %get3A_1290 : vector<64x1xi32> to vector<64x48xi32>
    %eq3A_1292 = arith.cmpi eq, %iota3A, %eq3A_1291 : vector<64x48xi32>
    %jit3A_1293 = arith.constant 0.000000e+00 : f32
    %broadcast_in_dim3A_1294 = vector.broadcast %jit3A_1293 : f32 to vector<64x48xf32>
    %select_n3A_1295 = arith.select %eq3A_1292, %get3A_1285, %broadcast_in_dim3A_1294 : vector<64x48xi1>, vector<64x48xf32>
    %add3A_1296 = arith.addf %add3A_1266, %select_n3A_1295 : vector<64x48xf32>
    %exp3A_1297 = math.exp %get3A_1285 : vector<64x48xf32>
    %mul3A_1298 = vector.broadcast %div3A_1279 : vector<64x1xf32> to vector<64x48xf32>
    %mul3A_1299 = arith.mulf %exp3A_1297, %mul3A_1298 : vector<64x48xf32>
    %dot_general3A_1300 = arith.constant dense<0.000000e+00> : vector<64x48xf32>
    %dot_general3A_1301 = tpu.matmul %mul3A_1272, %get3A_10, %dot_general3A_1300 {dimension_numbers = #tpu.dot_dimension_numbers<[1], [0], [0], [1], [0, 0, 1, 1], [], []>, transpose_lhs_hint = false} : vector<64x48xf32>, vector<48x48xf32>, vector<64x48xf32> -> vector<64x48xf32>
    %mul3A_1302 = arith.mulf %dot_general3A_1301, %mul3A_1299 : vector<64x48xf32>
    %add3A_1303 = arith.addf %add3A_1273, %log3A_1280 : vector<64x1xf32>
    %reduce_sum3A_1304 = arith.constant dense<0.000000e+00> : vector<64xf32>
    %reduce_sum3A_1305 = vector.multi_reduction <add>, %mul3A_1302, %reduce_sum3A_1304 [1] : vector<64x48xf32> to vector<64xf32>
    %broadcast_in_dim3A_1306 = vector.shape_cast %reduce_sum3A_1305 : vector<64xf32> to vector<64x1xf32>
    %div3A_1307 = arith.constant 1.000000e+00 : f32
    %div3A_1308 = vector.broadcast %div3A_1307 : f32 to vector<64x1xf32>
    %div3A_1309 = arith.divf %div3A_1308, %broadcast_in_dim3A_1306 : vector<64x1xf32>
    %log3A_1310 = math.log %broadcast_in_dim3A_1306 : vector<64x1xf32>
    %get3A_1311 = arith.constant 0 : index
    %get3A_1312 = arith.constant 43 : index
    %get3A_1313 = arith.constant 0 : index
    %get3A_1314 = vector.load %arg14[%get3A_1311, %get3A_1312, %get3A_1313] : memref<64x128x48xf32, #tpu.memory_space<vmem>>, vector<64x1x48xf32>
    %get3A_1315 = vector.shape_cast %get3A_1314 : vector<64x1x48xf32> to vector<64x48xf32>
    %get3A_1316 = arith.constant 0 : index
    %get3A_1317 = arith.constant 0 : index
    %get3A_1318 = arith.constant 43 : index
    %get3A_1319 = vector.load %arg2[%get3A_1316, %get3A_1317, %get3A_1318] : memref<1x64x128xi32, #tpu.memory_space<vmem>>, vector<1x64x1xi32>
    %get3A_1320 = vector.shape_cast %get3A_1319 : vector<1x64x1xi32> to vector<64x1xi32>
    %eq3A_1321 = vector.broadcast %get3A_1320 : vector<64x1xi32> to vector<64x48xi32>
    %eq3A_1322 = arith.cmpi eq, %iota3A, %eq3A_1321 : vector<64x48xi32>
    %jit3A_1323 = arith.constant 0.000000e+00 : f32
    %broadcast_in_dim3A_1324 = vector.broadcast %jit3A_1323 : f32 to vector<64x48xf32>
    %select_n3A_1325 = arith.select %eq3A_1322, %get3A_1315, %broadcast_in_dim3A_1324 : vector<64x48xi1>, vector<64x48xf32>
    %add3A_1326 = arith.addf %add3A_1296, %select_n3A_1325 : vector<64x48xf32>
    %exp3A_1327 = math.exp %get3A_1315 : vector<64x48xf32>
    %mul3A_1328 = vector.broadcast %div3A_1309 : vector<64x1xf32> to vector<64x48xf32>
    %mul3A_1329 = arith.mulf %exp3A_1327, %mul3A_1328 : vector<64x48xf32>
    %dot_general3A_1330 = arith.constant dense<0.000000e+00> : vector<64x48xf32>
    %dot_general3A_1331 = tpu.matmul %mul3A_1302, %get3A_10, %dot_general3A_1330 {dimension_numbers = #tpu.dot_dimension_numbers<[1], [0], [0], [1], [0, 0, 1, 1], [], []>, transpose_lhs_hint = false} : vector<64x48xf32>, vector<48x48xf32>, vector<64x48xf32> -> vector<64x48xf32>
    %mul3A_1332 = arith.mulf %dot_general3A_1331, %mul3A_1329 : vector<64x48xf32>
    %add3A_1333 = arith.addf %add3A_1303, %log3A_1310 : vector<64x1xf32>
    %reduce_sum3A_1334 = arith.constant dense<0.000000e+00> : vector<64xf32>
    %reduce_sum3A_1335 = vector.multi_reduction <add>, %mul3A_1332, %reduce_sum3A_1334 [1] : vector<64x48xf32> to vector<64xf32>
    %broadcast_in_dim3A_1336 = vector.shape_cast %reduce_sum3A_1335 : vector<64xf32> to vector<64x1xf32>
    %div3A_1337 = arith.constant 1.000000e+00 : f32
    %div3A_1338 = vector.broadcast %div3A_1337 : f32 to vector<64x1xf32>
    %div3A_1339 = arith.divf %div3A_1338, %broadcast_in_dim3A_1336 : vector<64x1xf32>
    %log3A_1340 = math.log %broadcast_in_dim3A_1336 : vector<64x1xf32>
    %get3A_1341 = arith.constant 0 : index
    %get3A_1342 = arith.constant 44 : index
    %get3A_1343 = arith.constant 0 : index
    %get3A_1344 = vector.load %arg14[%get3A_1341, %get3A_1342, %get3A_1343] : memref<64x128x48xf32, #tpu.memory_space<vmem>>, vector<64x1x48xf32>
    %get3A_1345 = vector.shape_cast %get3A_1344 : vector<64x1x48xf32> to vector<64x48xf32>
    %get3A_1346 = arith.constant 0 : index
    %get3A_1347 = arith.constant 0 : index
    %get3A_1348 = arith.constant 44 : index
    %get3A_1349 = vector.load %arg2[%get3A_1346, %get3A_1347, %get3A_1348] : memref<1x64x128xi32, #tpu.memory_space<vmem>>, vector<1x64x1xi32>
    %get3A_1350 = vector.shape_cast %get3A_1349 : vector<1x64x1xi32> to vector<64x1xi32>
    %eq3A_1351 = vector.broadcast %get3A_1350 : vector<64x1xi32> to vector<64x48xi32>
    %eq3A_1352 = arith.cmpi eq, %iota3A, %eq3A_1351 : vector<64x48xi32>
    %jit3A_1353 = arith.constant 0.000000e+00 : f32
    %broadcast_in_dim3A_1354 = vector.broadcast %jit3A_1353 : f32 to vector<64x48xf32>
    %select_n3A_1355 = arith.select %eq3A_1352, %get3A_1345, %broadcast_in_dim3A_1354 : vector<64x48xi1>, vector<64x48xf32>
    %add3A_1356 = arith.addf %add3A_1326, %select_n3A_1355 : vector<64x48xf32>
    %exp3A_1357 = math.exp %get3A_1345 : vector<64x48xf32>
    %mul3A_1358 = vector.broadcast %div3A_1339 : vector<64x1xf32> to vector<64x48xf32>
    %mul3A_1359 = arith.mulf %exp3A_1357, %mul3A_1358 : vector<64x48xf32>
    %dot_general3A_1360 = arith.constant dense<0.000000e+00> : vector<64x48xf32>
    %dot_general3A_1361 = tpu.matmul %mul3A_1332, %get3A_10, %dot_general3A_1360 {dimension_numbers = #tpu.dot_dimension_numbers<[1], [0], [0], [1], [0, 0, 1, 1], [], []>, transpose_lhs_hint = false} : vector<64x48xf32>, vector<48x48xf32>, vector<64x48xf32> -> vector<64x48xf32>
    %mul3A_1362 = arith.mulf %dot_general3A_1361, %mul3A_1359 : vector<64x48xf32>
    %add3A_1363 = arith.addf %add3A_1333, %log3A_1340 : vector<64x1xf32>
    %reduce_sum3A_1364 = arith.constant dense<0.000000e+00> : vector<64xf32>
    %reduce_sum3A_1365 = vector.multi_reduction <add>, %mul3A_1362, %reduce_sum3A_1364 [1] : vector<64x48xf32> to vector<64xf32>
    %broadcast_in_dim3A_1366 = vector.shape_cast %reduce_sum3A_1365 : vector<64xf32> to vector<64x1xf32>
    %div3A_1367 = arith.constant 1.000000e+00 : f32
    %div3A_1368 = vector.broadcast %div3A_1367 : f32 to vector<64x1xf32>
    %div3A_1369 = arith.divf %div3A_1368, %broadcast_in_dim3A_1366 : vector<64x1xf32>
    %log3A_1370 = math.log %broadcast_in_dim3A_1366 : vector<64x1xf32>
    %get3A_1371 = arith.constant 0 : index
    %get3A_1372 = arith.constant 45 : index
    %get3A_1373 = arith.constant 0 : index
    %get3A_1374 = vector.load %arg14[%get3A_1371, %get3A_1372, %get3A_1373] : memref<64x128x48xf32, #tpu.memory_space<vmem>>, vector<64x1x48xf32>
    %get3A_1375 = vector.shape_cast %get3A_1374 : vector<64x1x48xf32> to vector<64x48xf32>
    %get3A_1376 = arith.constant 0 : index
    %get3A_1377 = arith.constant 0 : index
    %get3A_1378 = arith.constant 45 : index
    %get3A_1379 = vector.load %arg2[%get3A_1376, %get3A_1377, %get3A_1378] : memref<1x64x128xi32, #tpu.memory_space<vmem>>, vector<1x64x1xi32>
    %get3A_1380 = vector.shape_cast %get3A_1379 : vector<1x64x1xi32> to vector<64x1xi32>
    %eq3A_1381 = vector.broadcast %get3A_1380 : vector<64x1xi32> to vector<64x48xi32>
    %eq3A_1382 = arith.cmpi eq, %iota3A, %eq3A_1381 : vector<64x48xi32>
    %jit3A_1383 = arith.constant 0.000000e+00 : f32
    %broadcast_in_dim3A_1384 = vector.broadcast %jit3A_1383 : f32 to vector<64x48xf32>
    %select_n3A_1385 = arith.select %eq3A_1382, %get3A_1375, %broadcast_in_dim3A_1384 : vector<64x48xi1>, vector<64x48xf32>
    %add3A_1386 = arith.addf %add3A_1356, %select_n3A_1385 : vector<64x48xf32>
    %exp3A_1387 = math.exp %get3A_1375 : vector<64x48xf32>
    %mul3A_1388 = vector.broadcast %div3A_1369 : vector<64x1xf32> to vector<64x48xf32>
    %mul3A_1389 = arith.mulf %exp3A_1387, %mul3A_1388 : vector<64x48xf32>
    %dot_general3A_1390 = arith.constant dense<0.000000e+00> : vector<64x48xf32>
    %dot_general3A_1391 = tpu.matmul %mul3A_1362, %get3A_10, %dot_general3A_1390 {dimension_numbers = #tpu.dot_dimension_numbers<[1], [0], [0], [1], [0, 0, 1, 1], [], []>, transpose_lhs_hint = false} : vector<64x48xf32>, vector<48x48xf32>, vector<64x48xf32> -> vector<64x48xf32>
    %mul3A_1392 = arith.mulf %dot_general3A_1391, %mul3A_1389 : vector<64x48xf32>
    %add3A_1393 = arith.addf %add3A_1363, %log3A_1370 : vector<64x1xf32>
    %reduce_sum3A_1394 = arith.constant dense<0.000000e+00> : vector<64xf32>
    %reduce_sum3A_1395 = vector.multi_reduction <add>, %mul3A_1392, %reduce_sum3A_1394 [1] : vector<64x48xf32> to vector<64xf32>
    %broadcast_in_dim3A_1396 = vector.shape_cast %reduce_sum3A_1395 : vector<64xf32> to vector<64x1xf32>
    %div3A_1397 = arith.constant 1.000000e+00 : f32
    %div3A_1398 = vector.broadcast %div3A_1397 : f32 to vector<64x1xf32>
    %div3A_1399 = arith.divf %div3A_1398, %broadcast_in_dim3A_1396 : vector<64x1xf32>
    %log3A_1400 = math.log %broadcast_in_dim3A_1396 : vector<64x1xf32>
    %get3A_1401 = arith.constant 0 : index
    %get3A_1402 = arith.constant 46 : index
    %get3A_1403 = arith.constant 0 : index
    %get3A_1404 = vector.load %arg14[%get3A_1401, %get3A_1402, %get3A_1403] : memref<64x128x48xf32, #tpu.memory_space<vmem>>, vector<64x1x48xf32>
    %get3A_1405 = vector.shape_cast %get3A_1404 : vector<64x1x48xf32> to vector<64x48xf32>
    %get3A_1406 = arith.constant 0 : index
    %get3A_1407 = arith.constant 0 : index
    %get3A_1408 = arith.constant 46 : index
    %get3A_1409 = vector.load %arg2[%get3A_1406, %get3A_1407, %get3A_1408] : memref<1x64x128xi32, #tpu.memory_space<vmem>>, vector<1x64x1xi32>
    %get3A_1410 = vector.shape_cast %get3A_1409 : vector<1x64x1xi32> to vector<64x1xi32>
    %eq3A_1411 = vector.broadcast %get3A_1410 : vector<64x1xi32> to vector<64x48xi32>
    %eq3A_1412 = arith.cmpi eq, %iota3A, %eq3A_1411 : vector<64x48xi32>
    %jit3A_1413 = arith.constant 0.000000e+00 : f32
    %broadcast_in_dim3A_1414 = vector.broadcast %jit3A_1413 : f32 to vector<64x48xf32>
    %select_n3A_1415 = arith.select %eq3A_1412, %get3A_1405, %broadcast_in_dim3A_1414 : vector<64x48xi1>, vector<64x48xf32>
    %add3A_1416 = arith.addf %add3A_1386, %select_n3A_1415 : vector<64x48xf32>
    %exp3A_1417 = math.exp %get3A_1405 : vector<64x48xf32>
    %mul3A_1418 = vector.broadcast %div3A_1399 : vector<64x1xf32> to vector<64x48xf32>
    %mul3A_1419 = arith.mulf %exp3A_1417, %mul3A_1418 : vector<64x48xf32>
    %dot_general3A_1420 = arith.constant dense<0.000000e+00> : vector<64x48xf32>
    %dot_general3A_1421 = tpu.matmul %mul3A_1392, %get3A_10, %dot_general3A_1420 {dimension_numbers = #tpu.dot_dimension_numbers<[1], [0], [0], [1], [0, 0, 1, 1], [], []>, transpose_lhs_hint = false} : vector<64x48xf32>, vector<48x48xf32>, vector<64x48xf32> -> vector<64x48xf32>
    %mul3A_1422 = arith.mulf %dot_general3A_1421, %mul3A_1419 : vector<64x48xf32>
    %add3A_1423 = arith.addf %add3A_1393, %log3A_1400 : vector<64x1xf32>
    %reduce_sum3A_1424 = arith.constant dense<0.000000e+00> : vector<64xf32>
    %reduce_sum3A_1425 = vector.multi_reduction <add>, %mul3A_1422, %reduce_sum3A_1424 [1] : vector<64x48xf32> to vector<64xf32>
    %broadcast_in_dim3A_1426 = vector.shape_cast %reduce_sum3A_1425 : vector<64xf32> to vector<64x1xf32>
    %div3A_1427 = arith.constant 1.000000e+00 : f32
    %div3A_1428 = vector.broadcast %div3A_1427 : f32 to vector<64x1xf32>
    %div3A_1429 = arith.divf %div3A_1428, %broadcast_in_dim3A_1426 : vector<64x1xf32>
    %log3A_1430 = math.log %broadcast_in_dim3A_1426 : vector<64x1xf32>
    %get3A_1431 = arith.constant 0 : index
    %get3A_1432 = arith.constant 47 : index
    %get3A_1433 = arith.constant 0 : index
    %get3A_1434 = vector.load %arg14[%get3A_1431, %get3A_1432, %get3A_1433] : memref<64x128x48xf32, #tpu.memory_space<vmem>>, vector<64x1x48xf32>
    %get3A_1435 = vector.shape_cast %get3A_1434 : vector<64x1x48xf32> to vector<64x48xf32>
    %get3A_1436 = arith.constant 0 : index
    %get3A_1437 = arith.constant 0 : index
    %get3A_1438 = arith.constant 47 : index
    %get3A_1439 = vector.load %arg2[%get3A_1436, %get3A_1437, %get3A_1438] : memref<1x64x128xi32, #tpu.memory_space<vmem>>, vector<1x64x1xi32>
    %get3A_1440 = vector.shape_cast %get3A_1439 : vector<1x64x1xi32> to vector<64x1xi32>
    %eq3A_1441 = vector.broadcast %get3A_1440 : vector<64x1xi32> to vector<64x48xi32>
    %eq3A_1442 = arith.cmpi eq, %iota3A, %eq3A_1441 : vector<64x48xi32>
    %jit3A_1443 = arith.constant 0.000000e+00 : f32
    %broadcast_in_dim3A_1444 = vector.broadcast %jit3A_1443 : f32 to vector<64x48xf32>
    %select_n3A_1445 = arith.select %eq3A_1442, %get3A_1435, %broadcast_in_dim3A_1444 : vector<64x48xi1>, vector<64x48xf32>
    %add3A_1446 = arith.addf %add3A_1416, %select_n3A_1445 : vector<64x48xf32>
    %exp3A_1447 = math.exp %get3A_1435 : vector<64x48xf32>
    %mul3A_1448 = vector.broadcast %div3A_1429 : vector<64x1xf32> to vector<64x48xf32>
    %mul3A_1449 = arith.mulf %exp3A_1447, %mul3A_1448 : vector<64x48xf32>
    %dot_general3A_1450 = arith.constant dense<0.000000e+00> : vector<64x48xf32>
    %dot_general3A_1451 = tpu.matmul %mul3A_1422, %get3A_10, %dot_general3A_1450 {dimension_numbers = #tpu.dot_dimension_numbers<[1], [0], [0], [1], [0, 0, 1, 1], [], []>, transpose_lhs_hint = false} : vector<64x48xf32>, vector<48x48xf32>, vector<64x48xf32> -> vector<64x48xf32>
    %mul3A_1452 = arith.mulf %dot_general3A_1451, %mul3A_1449 : vector<64x48xf32>
    %add3A_1453 = arith.addf %add3A_1423, %log3A_1430 : vector<64x1xf32>
    %reduce_sum3A_1454 = arith.constant dense<0.000000e+00> : vector<64xf32>
    %reduce_sum3A_1455 = vector.multi_reduction <add>, %mul3A_1452, %reduce_sum3A_1454 [1] : vector<64x48xf32> to vector<64xf32>
    %broadcast_in_dim3A_1456 = vector.shape_cast %reduce_sum3A_1455 : vector<64xf32> to vector<64x1xf32>
    %div3A_1457 = arith.constant 1.000000e+00 : f32
    %div3A_1458 = vector.broadcast %div3A_1457 : f32 to vector<64x1xf32>
    %div3A_1459 = arith.divf %div3A_1458, %broadcast_in_dim3A_1456 : vector<64x1xf32>
    %log3A_1460 = math.log %broadcast_in_dim3A_1456 : vector<64x1xf32>
    %get3A_1461 = arith.constant 0 : index
    %get3A_1462 = arith.constant 48 : index
    %get3A_1463 = arith.constant 0 : index
    %get3A_1464 = vector.load %arg14[%get3A_1461, %get3A_1462, %get3A_1463] : memref<64x128x48xf32, #tpu.memory_space<vmem>>, vector<64x1x48xf32>
    %get3A_1465 = vector.shape_cast %get3A_1464 : vector<64x1x48xf32> to vector<64x48xf32>
    %get3A_1466 = arith.constant 0 : index
    %get3A_1467 = arith.constant 0 : index
    %get3A_1468 = arith.constant 48 : index
    %get3A_1469 = vector.load %arg2[%get3A_1466, %get3A_1467, %get3A_1468] : memref<1x64x128xi32, #tpu.memory_space<vmem>>, vector<1x64x1xi32>
    %get3A_1470 = vector.shape_cast %get3A_1469 : vector<1x64x1xi32> to vector<64x1xi32>
    %eq3A_1471 = vector.broadcast %get3A_1470 : vector<64x1xi32> to vector<64x48xi32>
    %eq3A_1472 = arith.cmpi eq, %iota3A, %eq3A_1471 : vector<64x48xi32>
    %jit3A_1473 = arith.constant 0.000000e+00 : f32
    %broadcast_in_dim3A_1474 = vector.broadcast %jit3A_1473 : f32 to vector<64x48xf32>
    %select_n3A_1475 = arith.select %eq3A_1472, %get3A_1465, %broadcast_in_dim3A_1474 : vector<64x48xi1>, vector<64x48xf32>
    %add3A_1476 = arith.addf %add3A_1446, %select_n3A_1475 : vector<64x48xf32>
    %exp3A_1477 = math.exp %get3A_1465 : vector<64x48xf32>
    %mul3A_1478 = vector.broadcast %div3A_1459 : vector<64x1xf32> to vector<64x48xf32>
    %mul3A_1479 = arith.mulf %exp3A_1477, %mul3A_1478 : vector<64x48xf32>
    %dot_general3A_1480 = arith.constant dense<0.000000e+00> : vector<64x48xf32>
    %dot_general3A_1481 = tpu.matmul %mul3A_1452, %get3A_10, %dot_general3A_1480 {dimension_numbers = #tpu.dot_dimension_numbers<[1], [0], [0], [1], [0, 0, 1, 1], [], []>, transpose_lhs_hint = false} : vector<64x48xf32>, vector<48x48xf32>, vector<64x48xf32> -> vector<64x48xf32>
    %mul3A_1482 = arith.mulf %dot_general3A_1481, %mul3A_1479 : vector<64x48xf32>
    %add3A_1483 = arith.addf %add3A_1453, %log3A_1460 : vector<64x1xf32>
    %reduce_sum3A_1484 = arith.constant dense<0.000000e+00> : vector<64xf32>
    %reduce_sum3A_1485 = vector.multi_reduction <add>, %mul3A_1482, %reduce_sum3A_1484 [1] : vector<64x48xf32> to vector<64xf32>
    %broadcast_in_dim3A_1486 = vector.shape_cast %reduce_sum3A_1485 : vector<64xf32> to vector<64x1xf32>
    %div3A_1487 = arith.constant 1.000000e+00 : f32
    %div3A_1488 = vector.broadcast %div3A_1487 : f32 to vector<64x1xf32>
    %div3A_1489 = arith.divf %div3A_1488, %broadcast_in_dim3A_1486 : vector<64x1xf32>
    %log3A_1490 = math.log %broadcast_in_dim3A_1486 : vector<64x1xf32>
    %get3A_1491 = arith.constant 0 : index
    %get3A_1492 = arith.constant 49 : index
    %get3A_1493 = arith.constant 0 : index
    %get3A_1494 = vector.load %arg14[%get3A_1491, %get3A_1492, %get3A_1493] : memref<64x128x48xf32, #tpu.memory_space<vmem>>, vector<64x1x48xf32>
    %get3A_1495 = vector.shape_cast %get3A_1494 : vector<64x1x48xf32> to vector<64x48xf32>
    %get3A_1496 = arith.constant 0 : index
    %get3A_1497 = arith.constant 0 : index
    %get3A_1498 = arith.constant 49 : index
    %get3A_1499 = vector.load %arg2[%get3A_1496, %get3A_1497, %get3A_1498] : memref<1x64x128xi32, #tpu.memory_space<vmem>>, vector<1x64x1xi32>
    %get3A_1500 = vector.shape_cast %get3A_1499 : vector<1x64x1xi32> to vector<64x1xi32>
    %eq3A_1501 = vector.broadcast %get3A_1500 : vector<64x1xi32> to vector<64x48xi32>
    %eq3A_1502 = arith.cmpi eq, %iota3A, %eq3A_1501 : vector<64x48xi32>
    %jit3A_1503 = arith.constant 0.000000e+00 : f32
    %broadcast_in_dim3A_1504 = vector.broadcast %jit3A_1503 : f32 to vector<64x48xf32>
    %select_n3A_1505 = arith.select %eq3A_1502, %get3A_1495, %broadcast_in_dim3A_1504 : vector<64x48xi1>, vector<64x48xf32>
    %add3A_1506 = arith.addf %add3A_1476, %select_n3A_1505 : vector<64x48xf32>
    %exp3A_1507 = math.exp %get3A_1495 : vector<64x48xf32>
    %mul3A_1508 = vector.broadcast %div3A_1489 : vector<64x1xf32> to vector<64x48xf32>
    %mul3A_1509 = arith.mulf %exp3A_1507, %mul3A_1508 : vector<64x48xf32>
    %dot_general3A_1510 = arith.constant dense<0.000000e+00> : vector<64x48xf32>
    %dot_general3A_1511 = tpu.matmul %mul3A_1482, %get3A_10, %dot_general3A_1510 {dimension_numbers = #tpu.dot_dimension_numbers<[1], [0], [0], [1], [0, 0, 1, 1], [], []>, transpose_lhs_hint = false} : vector<64x48xf32>, vector<48x48xf32>, vector<64x48xf32> -> vector<64x48xf32>
    %mul3A_1512 = arith.mulf %dot_general3A_1511, %mul3A_1509 : vector<64x48xf32>
    %add3A_1513 = arith.addf %add3A_1483, %log3A_1490 : vector<64x1xf32>
    %reduce_sum3A_1514 = arith.constant dense<0.000000e+00> : vector<64xf32>
    %reduce_sum3A_1515 = vector.multi_reduction <add>, %mul3A_1512, %reduce_sum3A_1514 [1] : vector<64x48xf32> to vector<64xf32>
    %broadcast_in_dim3A_1516 = vector.shape_cast %reduce_sum3A_1515 : vector<64xf32> to vector<64x1xf32>
    %div3A_1517 = arith.constant 1.000000e+00 : f32
    %div3A_1518 = vector.broadcast %div3A_1517 : f32 to vector<64x1xf32>
    %div3A_1519 = arith.divf %div3A_1518, %broadcast_in_dim3A_1516 : vector<64x1xf32>
    %log3A_1520 = math.log %broadcast_in_dim3A_1516 : vector<64x1xf32>
    %get3A_1521 = arith.constant 0 : index
    %get3A_1522 = arith.constant 50 : index
    %get3A_1523 = arith.constant 0 : index
    %get3A_1524 = vector.load %arg14[%get3A_1521, %get3A_1522, %get3A_1523] : memref<64x128x48xf32, #tpu.memory_space<vmem>>, vector<64x1x48xf32>
    %get3A_1525 = vector.shape_cast %get3A_1524 : vector<64x1x48xf32> to vector<64x48xf32>
    %get3A_1526 = arith.constant 0 : index
    %get3A_1527 = arith.constant 0 : index
    %get3A_1528 = arith.constant 50 : index
    %get3A_1529 = vector.load %arg2[%get3A_1526, %get3A_1527, %get3A_1528] : memref<1x64x128xi32, #tpu.memory_space<vmem>>, vector<1x64x1xi32>
    %get3A_1530 = vector.shape_cast %get3A_1529 : vector<1x64x1xi32> to vector<64x1xi32>
    %eq3A_1531 = vector.broadcast %get3A_1530 : vector<64x1xi32> to vector<64x48xi32>
    %eq3A_1532 = arith.cmpi eq, %iota3A, %eq3A_1531 : vector<64x48xi32>
    %jit3A_1533 = arith.constant 0.000000e+00 : f32
    %broadcast_in_dim3A_1534 = vector.broadcast %jit3A_1533 : f32 to vector<64x48xf32>
    %select_n3A_1535 = arith.select %eq3A_1532, %get3A_1525, %broadcast_in_dim3A_1534 : vector<64x48xi1>, vector<64x48xf32>
    %add3A_1536 = arith.addf %add3A_1506, %select_n3A_1535 : vector<64x48xf32>
    %exp3A_1537 = math.exp %get3A_1525 : vector<64x48xf32>
    %mul3A_1538 = vector.broadcast %div3A_1519 : vector<64x1xf32> to vector<64x48xf32>
    %mul3A_1539 = arith.mulf %exp3A_1537, %mul3A_1538 : vector<64x48xf32>
    %dot_general3A_1540 = arith.constant dense<0.000000e+00> : vector<64x48xf32>
    %dot_general3A_1541 = tpu.matmul %mul3A_1512, %get3A_10, %dot_general3A_1540 {dimension_numbers = #tpu.dot_dimension_numbers<[1], [0], [0], [1], [0, 0, 1, 1], [], []>, transpose_lhs_hint = false} : vector<64x48xf32>, vector<48x48xf32>, vector<64x48xf32> -> vector<64x48xf32>
    %mul3A_1542 = arith.mulf %dot_general3A_1541, %mul3A_1539 : vector<64x48xf32>
    %add3A_1543 = arith.addf %add3A_1513, %log3A_1520 : vector<64x1xf32>
    %reduce_sum3A_1544 = arith.constant dense<0.000000e+00> : vector<64xf32>
    %reduce_sum3A_1545 = vector.multi_reduction <add>, %mul3A_1542, %reduce_sum3A_1544 [1] : vector<64x48xf32> to vector<64xf32>
    %broadcast_in_dim3A_1546 = vector.shape_cast %reduce_sum3A_1545 : vector<64xf32> to vector<64x1xf32>
    %div3A_1547 = arith.constant 1.000000e+00 : f32
    %div3A_1548 = vector.broadcast %div3A_1547 : f32 to vector<64x1xf32>
    %div3A_1549 = arith.divf %div3A_1548, %broadcast_in_dim3A_1546 : vector<64x1xf32>
    %log3A_1550 = math.log %broadcast_in_dim3A_1546 : vector<64x1xf32>
    %get3A_1551 = arith.constant 0 : index
    %get3A_1552 = arith.constant 51 : index
    %get3A_1553 = arith.constant 0 : index
    %get3A_1554 = vector.load %arg14[%get3A_1551, %get3A_1552, %get3A_1553] : memref<64x128x48xf32, #tpu.memory_space<vmem>>, vector<64x1x48xf32>
    %get3A_1555 = vector.shape_cast %get3A_1554 : vector<64x1x48xf32> to vector<64x48xf32>
    %get3A_1556 = arith.constant 0 : index
    %get3A_1557 = arith.constant 0 : index
    %get3A_1558 = arith.constant 51 : index
    %get3A_1559 = vector.load %arg2[%get3A_1556, %get3A_1557, %get3A_1558] : memref<1x64x128xi32, #tpu.memory_space<vmem>>, vector<1x64x1xi32>
    %get3A_1560 = vector.shape_cast %get3A_1559 : vector<1x64x1xi32> to vector<64x1xi32>
    %eq3A_1561 = vector.broadcast %get3A_1560 : vector<64x1xi32> to vector<64x48xi32>
    %eq3A_1562 = arith.cmpi eq, %iota3A, %eq3A_1561 : vector<64x48xi32>
    %jit3A_1563 = arith.constant 0.000000e+00 : f32
    %broadcast_in_dim3A_1564 = vector.broadcast %jit3A_1563 : f32 to vector<64x48xf32>
    %select_n3A_1565 = arith.select %eq3A_1562, %get3A_1555, %broadcast_in_dim3A_1564 : vector<64x48xi1>, vector<64x48xf32>
    %add3A_1566 = arith.addf %add3A_1536, %select_n3A_1565 : vector<64x48xf32>
    %exp3A_1567 = math.exp %get3A_1555 : vector<64x48xf32>
    %mul3A_1568 = vector.broadcast %div3A_1549 : vector<64x1xf32> to vector<64x48xf32>
    %mul3A_1569 = arith.mulf %exp3A_1567, %mul3A_1568 : vector<64x48xf32>
    %dot_general3A_1570 = arith.constant dense<0.000000e+00> : vector<64x48xf32>
    %dot_general3A_1571 = tpu.matmul %mul3A_1542, %get3A_10, %dot_general3A_1570 {dimension_numbers = #tpu.dot_dimension_numbers<[1], [0], [0], [1], [0, 0, 1, 1], [], []>, transpose_lhs_hint = false} : vector<64x48xf32>, vector<48x48xf32>, vector<64x48xf32> -> vector<64x48xf32>
    %mul3A_1572 = arith.mulf %dot_general3A_1571, %mul3A_1569 : vector<64x48xf32>
    %add3A_1573 = arith.addf %add3A_1543, %log3A_1550 : vector<64x1xf32>
    %reduce_sum3A_1574 = arith.constant dense<0.000000e+00> : vector<64xf32>
    %reduce_sum3A_1575 = vector.multi_reduction <add>, %mul3A_1572, %reduce_sum3A_1574 [1] : vector<64x48xf32> to vector<64xf32>
    %broadcast_in_dim3A_1576 = vector.shape_cast %reduce_sum3A_1575 : vector<64xf32> to vector<64x1xf32>
    %div3A_1577 = arith.constant 1.000000e+00 : f32
    %div3A_1578 = vector.broadcast %div3A_1577 : f32 to vector<64x1xf32>
    %div3A_1579 = arith.divf %div3A_1578, %broadcast_in_dim3A_1576 : vector<64x1xf32>
    %log3A_1580 = math.log %broadcast_in_dim3A_1576 : vector<64x1xf32>
    %get3A_1581 = arith.constant 0 : index
    %get3A_1582 = arith.constant 52 : index
    %get3A_1583 = arith.constant 0 : index
    %get3A_1584 = vector.load %arg14[%get3A_1581, %get3A_1582, %get3A_1583] : memref<64x128x48xf32, #tpu.memory_space<vmem>>, vector<64x1x48xf32>
    %get3A_1585 = vector.shape_cast %get3A_1584 : vector<64x1x48xf32> to vector<64x48xf32>
    %get3A_1586 = arith.constant 0 : index
    %get3A_1587 = arith.constant 0 : index
    %get3A_1588 = arith.constant 52 : index
    %get3A_1589 = vector.load %arg2[%get3A_1586, %get3A_1587, %get3A_1588] : memref<1x64x128xi32, #tpu.memory_space<vmem>>, vector<1x64x1xi32>
    %get3A_1590 = vector.shape_cast %get3A_1589 : vector<1x64x1xi32> to vector<64x1xi32>
    %eq3A_1591 = vector.broadcast %get3A_1590 : vector<64x1xi32> to vector<64x48xi32>
    %eq3A_1592 = arith.cmpi eq, %iota3A, %eq3A_1591 : vector<64x48xi32>
    %jit3A_1593 = arith.constant 0.000000e+00 : f32
    %broadcast_in_dim3A_1594 = vector.broadcast %jit3A_1593 : f32 to vector<64x48xf32>
    %select_n3A_1595 = arith.select %eq3A_1592, %get3A_1585, %broadcast_in_dim3A_1594 : vector<64x48xi1>, vector<64x48xf32>
    %add3A_1596 = arith.addf %add3A_1566, %select_n3A_1595 : vector<64x48xf32>
    %exp3A_1597 = math.exp %get3A_1585 : vector<64x48xf32>
    %mul3A_1598 = vector.broadcast %div3A_1579 : vector<64x1xf32> to vector<64x48xf32>
    %mul3A_1599 = arith.mulf %exp3A_1597, %mul3A_1598 : vector<64x48xf32>
    %dot_general3A_1600 = arith.constant dense<0.000000e+00> : vector<64x48xf32>
    %dot_general3A_1601 = tpu.matmul %mul3A_1572, %get3A_10, %dot_general3A_1600 {dimension_numbers = #tpu.dot_dimension_numbers<[1], [0], [0], [1], [0, 0, 1, 1], [], []>, transpose_lhs_hint = false} : vector<64x48xf32>, vector<48x48xf32>, vector<64x48xf32> -> vector<64x48xf32>
    %mul3A_1602 = arith.mulf %dot_general3A_1601, %mul3A_1599 : vector<64x48xf32>
    %add3A_1603 = arith.addf %add3A_1573, %log3A_1580 : vector<64x1xf32>
    %reduce_sum3A_1604 = arith.constant dense<0.000000e+00> : vector<64xf32>
    %reduce_sum3A_1605 = vector.multi_reduction <add>, %mul3A_1602, %reduce_sum3A_1604 [1] : vector<64x48xf32> to vector<64xf32>
    %broadcast_in_dim3A_1606 = vector.shape_cast %reduce_sum3A_1605 : vector<64xf32> to vector<64x1xf32>
    %div3A_1607 = arith.constant 1.000000e+00 : f32
    %div3A_1608 = vector.broadcast %div3A_1607 : f32 to vector<64x1xf32>
    %div3A_1609 = arith.divf %div3A_1608, %broadcast_in_dim3A_1606 : vector<64x1xf32>
    %log3A_1610 = math.log %broadcast_in_dim3A_1606 : vector<64x1xf32>
    %get3A_1611 = arith.constant 0 : index
    %get3A_1612 = arith.constant 53 : index
    %get3A_1613 = arith.constant 0 : index
    %get3A_1614 = vector.load %arg14[%get3A_1611, %get3A_1612, %get3A_1613] : memref<64x128x48xf32, #tpu.memory_space<vmem>>, vector<64x1x48xf32>
    %get3A_1615 = vector.shape_cast %get3A_1614 : vector<64x1x48xf32> to vector<64x48xf32>
    %get3A_1616 = arith.constant 0 : index
    %get3A_1617 = arith.constant 0 : index
    %get3A_1618 = arith.constant 53 : index
    %get3A_1619 = vector.load %arg2[%get3A_1616, %get3A_1617, %get3A_1618] : memref<1x64x128xi32, #tpu.memory_space<vmem>>, vector<1x64x1xi32>
    %get3A_1620 = vector.shape_cast %get3A_1619 : vector<1x64x1xi32> to vector<64x1xi32>
    %eq3A_1621 = vector.broadcast %get3A_1620 : vector<64x1xi32> to vector<64x48xi32>
    %eq3A_1622 = arith.cmpi eq, %iota3A, %eq3A_1621 : vector<64x48xi32>
    %jit3A_1623 = arith.constant 0.000000e+00 : f32
    %broadcast_in_dim3A_1624 = vector.broadcast %jit3A_1623 : f32 to vector<64x48xf32>
    %select_n3A_1625 = arith.select %eq3A_1622, %get3A_1615, %broadcast_in_dim3A_1624 : vector<64x48xi1>, vector<64x48xf32>
    %add3A_1626 = arith.addf %add3A_1596, %select_n3A_1625 : vector<64x48xf32>
    %exp3A_1627 = math.exp %get3A_1615 : vector<64x48xf32>
    %mul3A_1628 = vector.broadcast %div3A_1609 : vector<64x1xf32> to vector<64x48xf32>
    %mul3A_1629 = arith.mulf %exp3A_1627, %mul3A_1628 : vector<64x48xf32>
    %dot_general3A_1630 = arith.constant dense<0.000000e+00> : vector<64x48xf32>
    %dot_general3A_1631 = tpu.matmul %mul3A_1602, %get3A_10, %dot_general3A_1630 {dimension_numbers = #tpu.dot_dimension_numbers<[1], [0], [0], [1], [0, 0, 1, 1], [], []>, transpose_lhs_hint = false} : vector<64x48xf32>, vector<48x48xf32>, vector<64x48xf32> -> vector<64x48xf32>
    %mul3A_1632 = arith.mulf %dot_general3A_1631, %mul3A_1629 : vector<64x48xf32>
    %add3A_1633 = arith.addf %add3A_1603, %log3A_1610 : vector<64x1xf32>
    %reduce_sum3A_1634 = arith.constant dense<0.000000e+00> : vector<64xf32>
    %reduce_sum3A_1635 = vector.multi_reduction <add>, %mul3A_1632, %reduce_sum3A_1634 [1] : vector<64x48xf32> to vector<64xf32>
    %broadcast_in_dim3A_1636 = vector.shape_cast %reduce_sum3A_1635 : vector<64xf32> to vector<64x1xf32>
    %div3A_1637 = arith.constant 1.000000e+00 : f32
    %div3A_1638 = vector.broadcast %div3A_1637 : f32 to vector<64x1xf32>
    %div3A_1639 = arith.divf %div3A_1638, %broadcast_in_dim3A_1636 : vector<64x1xf32>
    %log3A_1640 = math.log %broadcast_in_dim3A_1636 : vector<64x1xf32>
    %get3A_1641 = arith.constant 0 : index
    %get3A_1642 = arith.constant 54 : index
    %get3A_1643 = arith.constant 0 : index
    %get3A_1644 = vector.load %arg14[%get3A_1641, %get3A_1642, %get3A_1643] : memref<64x128x48xf32, #tpu.memory_space<vmem>>, vector<64x1x48xf32>
    %get3A_1645 = vector.shape_cast %get3A_1644 : vector<64x1x48xf32> to vector<64x48xf32>
    %get3A_1646 = arith.constant 0 : index
    %get3A_1647 = arith.constant 0 : index
    %get3A_1648 = arith.constant 54 : index
    %get3A_1649 = vector.load %arg2[%get3A_1646, %get3A_1647, %get3A_1648] : memref<1x64x128xi32, #tpu.memory_space<vmem>>, vector<1x64x1xi32>
    %get3A_1650 = vector.shape_cast %get3A_1649 : vector<1x64x1xi32> to vector<64x1xi32>
    %eq3A_1651 = vector.broadcast %get3A_1650 : vector<64x1xi32> to vector<64x48xi32>
    %eq3A_1652 = arith.cmpi eq, %iota3A, %eq3A_1651 : vector<64x48xi32>
    %jit3A_1653 = arith.constant 0.000000e+00 : f32
    %broadcast_in_dim3A_1654 = vector.broadcast %jit3A_1653 : f32 to vector<64x48xf32>
    %select_n3A_1655 = arith.select %eq3A_1652, %get3A_1645, %broadcast_in_dim3A_1654 : vector<64x48xi1>, vector<64x48xf32>
    %add3A_1656 = arith.addf %add3A_1626, %select_n3A_1655 : vector<64x48xf32>
    %exp3A_1657 = math.exp %get3A_1645 : vector<64x48xf32>
    %mul3A_1658 = vector.broadcast %div3A_1639 : vector<64x1xf32> to vector<64x48xf32>
    %mul3A_1659 = arith.mulf %exp3A_1657, %mul3A_1658 : vector<64x48xf32>
    %dot_general3A_1660 = arith.constant dense<0.000000e+00> : vector<64x48xf32>
    %dot_general3A_1661 = tpu.matmul %mul3A_1632, %get3A_10, %dot_general3A_1660 {dimension_numbers = #tpu.dot_dimension_numbers<[1], [0], [0], [1], [0, 0, 1, 1], [], []>, transpose_lhs_hint = false} : vector<64x48xf32>, vector<48x48xf32>, vector<64x48xf32> -> vector<64x48xf32>
    %mul3A_1662 = arith.mulf %dot_general3A_1661, %mul3A_1659 : vector<64x48xf32>
    %add3A_1663 = arith.addf %add3A_1633, %log3A_1640 : vector<64x1xf32>
    %reduce_sum3A_1664 = arith.constant dense<0.000000e+00> : vector<64xf32>
    %reduce_sum3A_1665 = vector.multi_reduction <add>, %mul3A_1662, %reduce_sum3A_1664 [1] : vector<64x48xf32> to vector<64xf32>
    %broadcast_in_dim3A_1666 = vector.shape_cast %reduce_sum3A_1665 : vector<64xf32> to vector<64x1xf32>
    %div3A_1667 = arith.constant 1.000000e+00 : f32
    %div3A_1668 = vector.broadcast %div3A_1667 : f32 to vector<64x1xf32>
    %div3A_1669 = arith.divf %div3A_1668, %broadcast_in_dim3A_1666 : vector<64x1xf32>
    %log3A_1670 = math.log %broadcast_in_dim3A_1666 : vector<64x1xf32>
    %get3A_1671 = arith.constant 0 : index
    %get3A_1672 = arith.constant 55 : index
    %get3A_1673 = arith.constant 0 : index
    %get3A_1674 = vector.load %arg14[%get3A_1671, %get3A_1672, %get3A_1673] : memref<64x128x48xf32, #tpu.memory_space<vmem>>, vector<64x1x48xf32>
    %get3A_1675 = vector.shape_cast %get3A_1674 : vector<64x1x48xf32> to vector<64x48xf32>
    %get3A_1676 = arith.constant 0 : index
    %get3A_1677 = arith.constant 0 : index
    %get3A_1678 = arith.constant 55 : index
    %get3A_1679 = vector.load %arg2[%get3A_1676, %get3A_1677, %get3A_1678] : memref<1x64x128xi32, #tpu.memory_space<vmem>>, vector<1x64x1xi32>
    %get3A_1680 = vector.shape_cast %get3A_1679 : vector<1x64x1xi32> to vector<64x1xi32>
    %eq3A_1681 = vector.broadcast %get3A_1680 : vector<64x1xi32> to vector<64x48xi32>
    %eq3A_1682 = arith.cmpi eq, %iota3A, %eq3A_1681 : vector<64x48xi32>
    %jit3A_1683 = arith.constant 0.000000e+00 : f32
    %broadcast_in_dim3A_1684 = vector.broadcast %jit3A_1683 : f32 to vector<64x48xf32>
    %select_n3A_1685 = arith.select %eq3A_1682, %get3A_1675, %broadcast_in_dim3A_1684 : vector<64x48xi1>, vector<64x48xf32>
    %add3A_1686 = arith.addf %add3A_1656, %select_n3A_1685 : vector<64x48xf32>
    %exp3A_1687 = math.exp %get3A_1675 : vector<64x48xf32>
    %mul3A_1688 = vector.broadcast %div3A_1669 : vector<64x1xf32> to vector<64x48xf32>
    %mul3A_1689 = arith.mulf %exp3A_1687, %mul3A_1688 : vector<64x48xf32>
    %dot_general3A_1690 = arith.constant dense<0.000000e+00> : vector<64x48xf32>
    %dot_general3A_1691 = tpu.matmul %mul3A_1662, %get3A_10, %dot_general3A_1690 {dimension_numbers = #tpu.dot_dimension_numbers<[1], [0], [0], [1], [0, 0, 1, 1], [], []>, transpose_lhs_hint = false} : vector<64x48xf32>, vector<48x48xf32>, vector<64x48xf32> -> vector<64x48xf32>
    %mul3A_1692 = arith.mulf %dot_general3A_1691, %mul3A_1689 : vector<64x48xf32>
    %add3A_1693 = arith.addf %add3A_1663, %log3A_1670 : vector<64x1xf32>
    %reduce_sum3A_1694 = arith.constant dense<0.000000e+00> : vector<64xf32>
    %reduce_sum3A_1695 = vector.multi_reduction <add>, %mul3A_1692, %reduce_sum3A_1694 [1] : vector<64x48xf32> to vector<64xf32>
    %broadcast_in_dim3A_1696 = vector.shape_cast %reduce_sum3A_1695 : vector<64xf32> to vector<64x1xf32>
    %div3A_1697 = arith.constant 1.000000e+00 : f32
    %div3A_1698 = vector.broadcast %div3A_1697 : f32 to vector<64x1xf32>
    %div3A_1699 = arith.divf %div3A_1698, %broadcast_in_dim3A_1696 : vector<64x1xf32>
    %log3A_1700 = math.log %broadcast_in_dim3A_1696 : vector<64x1xf32>
    %get3A_1701 = arith.constant 0 : index
    %get3A_1702 = arith.constant 56 : index
    %get3A_1703 = arith.constant 0 : index
    %get3A_1704 = vector.load %arg14[%get3A_1701, %get3A_1702, %get3A_1703] : memref<64x128x48xf32, #tpu.memory_space<vmem>>, vector<64x1x48xf32>
    %get3A_1705 = vector.shape_cast %get3A_1704 : vector<64x1x48xf32> to vector<64x48xf32>
    %get3A_1706 = arith.constant 0 : index
    %get3A_1707 = arith.constant 0 : index
    %get3A_1708 = arith.constant 56 : index
    %get3A_1709 = vector.load %arg2[%get3A_1706, %get3A_1707, %get3A_1708] : memref<1x64x128xi32, #tpu.memory_space<vmem>>, vector<1x64x1xi32>
    %get3A_1710 = vector.shape_cast %get3A_1709 : vector<1x64x1xi32> to vector<64x1xi32>
    %eq3A_1711 = vector.broadcast %get3A_1710 : vector<64x1xi32> to vector<64x48xi32>
    %eq3A_1712 = arith.cmpi eq, %iota3A, %eq3A_1711 : vector<64x48xi32>
    %jit3A_1713 = arith.constant 0.000000e+00 : f32
    %broadcast_in_dim3A_1714 = vector.broadcast %jit3A_1713 : f32 to vector<64x48xf32>
    %select_n3A_1715 = arith.select %eq3A_1712, %get3A_1705, %broadcast_in_dim3A_1714 : vector<64x48xi1>, vector<64x48xf32>
    %add3A_1716 = arith.addf %add3A_1686, %select_n3A_1715 : vector<64x48xf32>
    %exp3A_1717 = math.exp %get3A_1705 : vector<64x48xf32>
    %mul3A_1718 = vector.broadcast %div3A_1699 : vector<64x1xf32> to vector<64x48xf32>
    %mul3A_1719 = arith.mulf %exp3A_1717, %mul3A_1718 : vector<64x48xf32>
    %dot_general3A_1720 = arith.constant dense<0.000000e+00> : vector<64x48xf32>
    %dot_general3A_1721 = tpu.matmul %mul3A_1692, %get3A_10, %dot_general3A_1720 {dimension_numbers = #tpu.dot_dimension_numbers<[1], [0], [0], [1], [0, 0, 1, 1], [], []>, transpose_lhs_hint = false} : vector<64x48xf32>, vector<48x48xf32>, vector<64x48xf32> -> vector<64x48xf32>
    %mul3A_1722 = arith.mulf %dot_general3A_1721, %mul3A_1719 : vector<64x48xf32>
    %add3A_1723 = arith.addf %add3A_1693, %log3A_1700 : vector<64x1xf32>
    %reduce_sum3A_1724 = arith.constant dense<0.000000e+00> : vector<64xf32>
    %reduce_sum3A_1725 = vector.multi_reduction <add>, %mul3A_1722, %reduce_sum3A_1724 [1] : vector<64x48xf32> to vector<64xf32>
    %broadcast_in_dim3A_1726 = vector.shape_cast %reduce_sum3A_1725 : vector<64xf32> to vector<64x1xf32>
    %div3A_1727 = arith.constant 1.000000e+00 : f32
    %div3A_1728 = vector.broadcast %div3A_1727 : f32 to vector<64x1xf32>
    %div3A_1729 = arith.divf %div3A_1728, %broadcast_in_dim3A_1726 : vector<64x1xf32>
    %log3A_1730 = math.log %broadcast_in_dim3A_1726 : vector<64x1xf32>
    %get3A_1731 = arith.constant 0 : index
    %get3A_1732 = arith.constant 57 : index
    %get3A_1733 = arith.constant 0 : index
    %get3A_1734 = vector.load %arg14[%get3A_1731, %get3A_1732, %get3A_1733] : memref<64x128x48xf32, #tpu.memory_space<vmem>>, vector<64x1x48xf32>
    %get3A_1735 = vector.shape_cast %get3A_1734 : vector<64x1x48xf32> to vector<64x48xf32>
    %get3A_1736 = arith.constant 0 : index
    %get3A_1737 = arith.constant 0 : index
    %get3A_1738 = arith.constant 57 : index
    %get3A_1739 = vector.load %arg2[%get3A_1736, %get3A_1737, %get3A_1738] : memref<1x64x128xi32, #tpu.memory_space<vmem>>, vector<1x64x1xi32>
    %get3A_1740 = vector.shape_cast %get3A_1739 : vector<1x64x1xi32> to vector<64x1xi32>
    %eq3A_1741 = vector.broadcast %get3A_1740 : vector<64x1xi32> to vector<64x48xi32>
    %eq3A_1742 = arith.cmpi eq, %iota3A, %eq3A_1741 : vector<64x48xi32>
    %jit3A_1743 = arith.constant 0.000000e+00 : f32
    %broadcast_in_dim3A_1744 = vector.broadcast %jit3A_1743 : f32 to vector<64x48xf32>
    %select_n3A_1745 = arith.select %eq3A_1742, %get3A_1735, %broadcast_in_dim3A_1744 : vector<64x48xi1>, vector<64x48xf32>
    %add3A_1746 = arith.addf %add3A_1716, %select_n3A_1745 : vector<64x48xf32>
    %exp3A_1747 = math.exp %get3A_1735 : vector<64x48xf32>
    %mul3A_1748 = vector.broadcast %div3A_1729 : vector<64x1xf32> to vector<64x48xf32>
    %mul3A_1749 = arith.mulf %exp3A_1747, %mul3A_1748 : vector<64x48xf32>
    %dot_general3A_1750 = arith.constant dense<0.000000e+00> : vector<64x48xf32>
    %dot_general3A_1751 = tpu.matmul %mul3A_1722, %get3A_10, %dot_general3A_1750 {dimension_numbers = #tpu.dot_dimension_numbers<[1], [0], [0], [1], [0, 0, 1, 1], [], []>, transpose_lhs_hint = false} : vector<64x48xf32>, vector<48x48xf32>, vector<64x48xf32> -> vector<64x48xf32>
    %mul3A_1752 = arith.mulf %dot_general3A_1751, %mul3A_1749 : vector<64x48xf32>
    %add3A_1753 = arith.addf %add3A_1723, %log3A_1730 : vector<64x1xf32>
    %reduce_sum3A_1754 = arith.constant dense<0.000000e+00> : vector<64xf32>
    %reduce_sum3A_1755 = vector.multi_reduction <add>, %mul3A_1752, %reduce_sum3A_1754 [1] : vector<64x48xf32> to vector<64xf32>
    %broadcast_in_dim3A_1756 = vector.shape_cast %reduce_sum3A_1755 : vector<64xf32> to vector<64x1xf32>
    %div3A_1757 = arith.constant 1.000000e+00 : f32
    %div3A_1758 = vector.broadcast %div3A_1757 : f32 to vector<64x1xf32>
    %div3A_1759 = arith.divf %div3A_1758, %broadcast_in_dim3A_1756 : vector<64x1xf32>
    %log3A_1760 = math.log %broadcast_in_dim3A_1756 : vector<64x1xf32>
    %get3A_1761 = arith.constant 0 : index
    %get3A_1762 = arith.constant 58 : index
    %get3A_1763 = arith.constant 0 : index
    %get3A_1764 = vector.load %arg14[%get3A_1761, %get3A_1762, %get3A_1763] : memref<64x128x48xf32, #tpu.memory_space<vmem>>, vector<64x1x48xf32>
    %get3A_1765 = vector.shape_cast %get3A_1764 : vector<64x1x48xf32> to vector<64x48xf32>
    %get3A_1766 = arith.constant 0 : index
    %get3A_1767 = arith.constant 0 : index
    %get3A_1768 = arith.constant 58 : index
    %get3A_1769 = vector.load %arg2[%get3A_1766, %get3A_1767, %get3A_1768] : memref<1x64x128xi32, #tpu.memory_space<vmem>>, vector<1x64x1xi32>
    %get3A_1770 = vector.shape_cast %get3A_1769 : vector<1x64x1xi32> to vector<64x1xi32>
    %eq3A_1771 = vector.broadcast %get3A_1770 : vector<64x1xi32> to vector<64x48xi32>
    %eq3A_1772 = arith.cmpi eq, %iota3A, %eq3A_1771 : vector<64x48xi32>
    %jit3A_1773 = arith.constant 0.000000e+00 : f32
    %broadcast_in_dim3A_1774 = vector.broadcast %jit3A_1773 : f32 to vector<64x48xf32>
    %select_n3A_1775 = arith.select %eq3A_1772, %get3A_1765, %broadcast_in_dim3A_1774 : vector<64x48xi1>, vector<64x48xf32>
    %add3A_1776 = arith.addf %add3A_1746, %select_n3A_1775 : vector<64x48xf32>
    %exp3A_1777 = math.exp %get3A_1765 : vector<64x48xf32>
    %mul3A_1778 = vector.broadcast %div3A_1759 : vector<64x1xf32> to vector<64x48xf32>
    %mul3A_1779 = arith.mulf %exp3A_1777, %mul3A_1778 : vector<64x48xf32>
    %dot_general3A_1780 = arith.constant dense<0.000000e+00> : vector<64x48xf32>
    %dot_general3A_1781 = tpu.matmul %mul3A_1752, %get3A_10, %dot_general3A_1780 {dimension_numbers = #tpu.dot_dimension_numbers<[1], [0], [0], [1], [0, 0, 1, 1], [], []>, transpose_lhs_hint = false} : vector<64x48xf32>, vector<48x48xf32>, vector<64x48xf32> -> vector<64x48xf32>
    %mul3A_1782 = arith.mulf %dot_general3A_1781, %mul3A_1779 : vector<64x48xf32>
    %add3A_1783 = arith.addf %add3A_1753, %log3A_1760 : vector<64x1xf32>
    %reduce_sum3A_1784 = arith.constant dense<0.000000e+00> : vector<64xf32>
    %reduce_sum3A_1785 = vector.multi_reduction <add>, %mul3A_1782, %reduce_sum3A_1784 [1] : vector<64x48xf32> to vector<64xf32>
    %broadcast_in_dim3A_1786 = vector.shape_cast %reduce_sum3A_1785 : vector<64xf32> to vector<64x1xf32>
    %div3A_1787 = arith.constant 1.000000e+00 : f32
    %div3A_1788 = vector.broadcast %div3A_1787 : f32 to vector<64x1xf32>
    %div3A_1789 = arith.divf %div3A_1788, %broadcast_in_dim3A_1786 : vector<64x1xf32>
    %log3A_1790 = math.log %broadcast_in_dim3A_1786 : vector<64x1xf32>
    %get3A_1791 = arith.constant 0 : index
    %get3A_1792 = arith.constant 59 : index
    %get3A_1793 = arith.constant 0 : index
    %get3A_1794 = vector.load %arg14[%get3A_1791, %get3A_1792, %get3A_1793] : memref<64x128x48xf32, #tpu.memory_space<vmem>>, vector<64x1x48xf32>
    %get3A_1795 = vector.shape_cast %get3A_1794 : vector<64x1x48xf32> to vector<64x48xf32>
    %get3A_1796 = arith.constant 0 : index
    %get3A_1797 = arith.constant 0 : index
    %get3A_1798 = arith.constant 59 : index
    %get3A_1799 = vector.load %arg2[%get3A_1796, %get3A_1797, %get3A_1798] : memref<1x64x128xi32, #tpu.memory_space<vmem>>, vector<1x64x1xi32>
    %get3A_1800 = vector.shape_cast %get3A_1799 : vector<1x64x1xi32> to vector<64x1xi32>
    %eq3A_1801 = vector.broadcast %get3A_1800 : vector<64x1xi32> to vector<64x48xi32>
    %eq3A_1802 = arith.cmpi eq, %iota3A, %eq3A_1801 : vector<64x48xi32>
    %jit3A_1803 = arith.constant 0.000000e+00 : f32
    %broadcast_in_dim3A_1804 = vector.broadcast %jit3A_1803 : f32 to vector<64x48xf32>
    %select_n3A_1805 = arith.select %eq3A_1802, %get3A_1795, %broadcast_in_dim3A_1804 : vector<64x48xi1>, vector<64x48xf32>
    %add3A_1806 = arith.addf %add3A_1776, %select_n3A_1805 : vector<64x48xf32>
    %exp3A_1807 = math.exp %get3A_1795 : vector<64x48xf32>
    %mul3A_1808 = vector.broadcast %div3A_1789 : vector<64x1xf32> to vector<64x48xf32>
    %mul3A_1809 = arith.mulf %exp3A_1807, %mul3A_1808 : vector<64x48xf32>
    %dot_general3A_1810 = arith.constant dense<0.000000e+00> : vector<64x48xf32>
    %dot_general3A_1811 = tpu.matmul %mul3A_1782, %get3A_10, %dot_general3A_1810 {dimension_numbers = #tpu.dot_dimension_numbers<[1], [0], [0], [1], [0, 0, 1, 1], [], []>, transpose_lhs_hint = false} : vector<64x48xf32>, vector<48x48xf32>, vector<64x48xf32> -> vector<64x48xf32>
    %mul3A_1812 = arith.mulf %dot_general3A_1811, %mul3A_1809 : vector<64x48xf32>
    %add3A_1813 = arith.addf %add3A_1783, %log3A_1790 : vector<64x1xf32>
    %reduce_sum3A_1814 = arith.constant dense<0.000000e+00> : vector<64xf32>
    %reduce_sum3A_1815 = vector.multi_reduction <add>, %mul3A_1812, %reduce_sum3A_1814 [1] : vector<64x48xf32> to vector<64xf32>
    %broadcast_in_dim3A_1816 = vector.shape_cast %reduce_sum3A_1815 : vector<64xf32> to vector<64x1xf32>
    %div3A_1817 = arith.constant 1.000000e+00 : f32
    %div3A_1818 = vector.broadcast %div3A_1817 : f32 to vector<64x1xf32>
    %div3A_1819 = arith.divf %div3A_1818, %broadcast_in_dim3A_1816 : vector<64x1xf32>
    %log3A_1820 = math.log %broadcast_in_dim3A_1816 : vector<64x1xf32>
    %get3A_1821 = arith.constant 0 : index
    %get3A_1822 = arith.constant 60 : index
    %get3A_1823 = arith.constant 0 : index
    %get3A_1824 = vector.load %arg14[%get3A_1821, %get3A_1822, %get3A_1823] : memref<64x128x48xf32, #tpu.memory_space<vmem>>, vector<64x1x48xf32>
    %get3A_1825 = vector.shape_cast %get3A_1824 : vector<64x1x48xf32> to vector<64x48xf32>
    %get3A_1826 = arith.constant 0 : index
    %get3A_1827 = arith.constant 0 : index
    %get3A_1828 = arith.constant 60 : index
    %get3A_1829 = vector.load %arg2[%get3A_1826, %get3A_1827, %get3A_1828] : memref<1x64x128xi32, #tpu.memory_space<vmem>>, vector<1x64x1xi32>
    %get3A_1830 = vector.shape_cast %get3A_1829 : vector<1x64x1xi32> to vector<64x1xi32>
    %eq3A_1831 = vector.broadcast %get3A_1830 : vector<64x1xi32> to vector<64x48xi32>
    %eq3A_1832 = arith.cmpi eq, %iota3A, %eq3A_1831 : vector<64x48xi32>
    %jit3A_1833 = arith.constant 0.000000e+00 : f32
    %broadcast_in_dim3A_1834 = vector.broadcast %jit3A_1833 : f32 to vector<64x48xf32>
    %select_n3A_1835 = arith.select %eq3A_1832, %get3A_1825, %broadcast_in_dim3A_1834 : vector<64x48xi1>, vector<64x48xf32>
    %add3A_1836 = arith.addf %add3A_1806, %select_n3A_1835 : vector<64x48xf32>
    %exp3A_1837 = math.exp %get3A_1825 : vector<64x48xf32>
    %mul3A_1838 = vector.broadcast %div3A_1819 : vector<64x1xf32> to vector<64x48xf32>
    %mul3A_1839 = arith.mulf %exp3A_1837, %mul3A_1838 : vector<64x48xf32>
    %dot_general3A_1840 = arith.constant dense<0.000000e+00> : vector<64x48xf32>
    %dot_general3A_1841 = tpu.matmul %mul3A_1812, %get3A_10, %dot_general3A_1840 {dimension_numbers = #tpu.dot_dimension_numbers<[1], [0], [0], [1], [0, 0, 1, 1], [], []>, transpose_lhs_hint = false} : vector<64x48xf32>, vector<48x48xf32>, vector<64x48xf32> -> vector<64x48xf32>
    %mul3A_1842 = arith.mulf %dot_general3A_1841, %mul3A_1839 : vector<64x48xf32>
    %add3A_1843 = arith.addf %add3A_1813, %log3A_1820 : vector<64x1xf32>
    %reduce_sum3A_1844 = arith.constant dense<0.000000e+00> : vector<64xf32>
    %reduce_sum3A_1845 = vector.multi_reduction <add>, %mul3A_1842, %reduce_sum3A_1844 [1] : vector<64x48xf32> to vector<64xf32>
    %broadcast_in_dim3A_1846 = vector.shape_cast %reduce_sum3A_1845 : vector<64xf32> to vector<64x1xf32>
    %div3A_1847 = arith.constant 1.000000e+00 : f32
    %div3A_1848 = vector.broadcast %div3A_1847 : f32 to vector<64x1xf32>
    %div3A_1849 = arith.divf %div3A_1848, %broadcast_in_dim3A_1846 : vector<64x1xf32>
    %log3A_1850 = math.log %broadcast_in_dim3A_1846 : vector<64x1xf32>
    %get3A_1851 = arith.constant 0 : index
    %get3A_1852 = arith.constant 61 : index
    %get3A_1853 = arith.constant 0 : index
    %get3A_1854 = vector.load %arg14[%get3A_1851, %get3A_1852, %get3A_1853] : memref<64x128x48xf32, #tpu.memory_space<vmem>>, vector<64x1x48xf32>
    %get3A_1855 = vector.shape_cast %get3A_1854 : vector<64x1x48xf32> to vector<64x48xf32>
    %get3A_1856 = arith.constant 0 : index
    %get3A_1857 = arith.constant 0 : index
    %get3A_1858 = arith.constant 61 : index
    %get3A_1859 = vector.load %arg2[%get3A_1856, %get3A_1857, %get3A_1858] : memref<1x64x128xi32, #tpu.memory_space<vmem>>, vector<1x64x1xi32>
    %get3A_1860 = vector.shape_cast %get3A_1859 : vector<1x64x1xi32> to vector<64x1xi32>
    %eq3A_1861 = vector.broadcast %get3A_1860 : vector<64x1xi32> to vector<64x48xi32>
    %eq3A_1862 = arith.cmpi eq, %iota3A, %eq3A_1861 : vector<64x48xi32>
    %jit3A_1863 = arith.constant 0.000000e+00 : f32
    %broadcast_in_dim3A_1864 = vector.broadcast %jit3A_1863 : f32 to vector<64x48xf32>
    %select_n3A_1865 = arith.select %eq3A_1862, %get3A_1855, %broadcast_in_dim3A_1864 : vector<64x48xi1>, vector<64x48xf32>
    %add3A_1866 = arith.addf %add3A_1836, %select_n3A_1865 : vector<64x48xf32>
    %exp3A_1867 = math.exp %get3A_1855 : vector<64x48xf32>
    %mul3A_1868 = vector.broadcast %div3A_1849 : vector<64x1xf32> to vector<64x48xf32>
    %mul3A_1869 = arith.mulf %exp3A_1867, %mul3A_1868 : vector<64x48xf32>
    %dot_general3A_1870 = arith.constant dense<0.000000e+00> : vector<64x48xf32>
    %dot_general3A_1871 = tpu.matmul %mul3A_1842, %get3A_10, %dot_general3A_1870 {dimension_numbers = #tpu.dot_dimension_numbers<[1], [0], [0], [1], [0, 0, 1, 1], [], []>, transpose_lhs_hint = false} : vector<64x48xf32>, vector<48x48xf32>, vector<64x48xf32> -> vector<64x48xf32>
    %mul3A_1872 = arith.mulf %dot_general3A_1871, %mul3A_1869 : vector<64x48xf32>
    %add3A_1873 = arith.addf %add3A_1843, %log3A_1850 : vector<64x1xf32>
    %reduce_sum3A_1874 = arith.constant dense<0.000000e+00> : vector<64xf32>
    %reduce_sum3A_1875 = vector.multi_reduction <add>, %mul3A_1872, %reduce_sum3A_1874 [1] : vector<64x48xf32> to vector<64xf32>
    %broadcast_in_dim3A_1876 = vector.shape_cast %reduce_sum3A_1875 : vector<64xf32> to vector<64x1xf32>
    %div3A_1877 = arith.constant 1.000000e+00 : f32
    %div3A_1878 = vector.broadcast %div3A_1877 : f32 to vector<64x1xf32>
    %div3A_1879 = arith.divf %div3A_1878, %broadcast_in_dim3A_1876 : vector<64x1xf32>
    %log3A_1880 = math.log %broadcast_in_dim3A_1876 : vector<64x1xf32>
    %get3A_1881 = arith.constant 0 : index
    %get3A_1882 = arith.constant 62 : index
    %get3A_1883 = arith.constant 0 : index
    %get3A_1884 = vector.load %arg14[%get3A_1881, %get3A_1882, %get3A_1883] : memref<64x128x48xf32, #tpu.memory_space<vmem>>, vector<64x1x48xf32>
    %get3A_1885 = vector.shape_cast %get3A_1884 : vector<64x1x48xf32> to vector<64x48xf32>
    %get3A_1886 = arith.constant 0 : index
    %get3A_1887 = arith.constant 0 : index
    %get3A_1888 = arith.constant 62 : index
    %get3A_1889 = vector.load %arg2[%get3A_1886, %get3A_1887, %get3A_1888] : memref<1x64x128xi32, #tpu.memory_space<vmem>>, vector<1x64x1xi32>
    %get3A_1890 = vector.shape_cast %get3A_1889 : vector<1x64x1xi32> to vector<64x1xi32>
    %eq3A_1891 = vector.broadcast %get3A_1890 : vector<64x1xi32> to vector<64x48xi32>
    %eq3A_1892 = arith.cmpi eq, %iota3A, %eq3A_1891 : vector<64x48xi32>
    %jit3A_1893 = arith.constant 0.000000e+00 : f32
    %broadcast_in_dim3A_1894 = vector.broadcast %jit3A_1893 : f32 to vector<64x48xf32>
    %select_n3A_1895 = arith.select %eq3A_1892, %get3A_1885, %broadcast_in_dim3A_1894 : vector<64x48xi1>, vector<64x48xf32>
    %add3A_1896 = arith.addf %add3A_1866, %select_n3A_1895 : vector<64x48xf32>
    %exp3A_1897 = math.exp %get3A_1885 : vector<64x48xf32>
    %mul3A_1898 = vector.broadcast %div3A_1879 : vector<64x1xf32> to vector<64x48xf32>
    %mul3A_1899 = arith.mulf %exp3A_1897, %mul3A_1898 : vector<64x48xf32>
    %dot_general3A_1900 = arith.constant dense<0.000000e+00> : vector<64x48xf32>
    %dot_general3A_1901 = tpu.matmul %mul3A_1872, %get3A_10, %dot_general3A_1900 {dimension_numbers = #tpu.dot_dimension_numbers<[1], [0], [0], [1], [0, 0, 1, 1], [], []>, transpose_lhs_hint = false} : vector<64x48xf32>, vector<48x48xf32>, vector<64x48xf32> -> vector<64x48xf32>
    %mul3A_1902 = arith.mulf %dot_general3A_1901, %mul3A_1899 : vector<64x48xf32>
    %add3A_1903 = arith.addf %add3A_1873, %log3A_1880 : vector<64x1xf32>
    %reduce_sum3A_1904 = arith.constant dense<0.000000e+00> : vector<64xf32>
    %reduce_sum3A_1905 = vector.multi_reduction <add>, %mul3A_1902, %reduce_sum3A_1904 [1] : vector<64x48xf32> to vector<64xf32>
    %broadcast_in_dim3A_1906 = vector.shape_cast %reduce_sum3A_1905 : vector<64xf32> to vector<64x1xf32>
    %div3A_1907 = arith.constant 1.000000e+00 : f32
    %div3A_1908 = vector.broadcast %div3A_1907 : f32 to vector<64x1xf32>
    %div3A_1909 = arith.divf %div3A_1908, %broadcast_in_dim3A_1906 : vector<64x1xf32>
    %log3A_1910 = math.log %broadcast_in_dim3A_1906 : vector<64x1xf32>
    %get3A_1911 = arith.constant 0 : index
    %get3A_1912 = arith.constant 63 : index
    %get3A_1913 = arith.constant 0 : index
    %get3A_1914 = vector.load %arg14[%get3A_1911, %get3A_1912, %get3A_1913] : memref<64x128x48xf32, #tpu.memory_space<vmem>>, vector<64x1x48xf32>
    %get3A_1915 = vector.shape_cast %get3A_1914 : vector<64x1x48xf32> to vector<64x48xf32>
    %get3A_1916 = arith.constant 0 : index
    %get3A_1917 = arith.constant 0 : index
    %get3A_1918 = arith.constant 63 : index
    %get3A_1919 = vector.load %arg2[%get3A_1916, %get3A_1917, %get3A_1918] : memref<1x64x128xi32, #tpu.memory_space<vmem>>, vector<1x64x1xi32>
    %get3A_1920 = vector.shape_cast %get3A_1919 : vector<1x64x1xi32> to vector<64x1xi32>
    %eq3A_1921 = vector.broadcast %get3A_1920 : vector<64x1xi32> to vector<64x48xi32>
    %eq3A_1922 = arith.cmpi eq, %iota3A, %eq3A_1921 : vector<64x48xi32>
    %jit3A_1923 = arith.constant 0.000000e+00 : f32
    %broadcast_in_dim3A_1924 = vector.broadcast %jit3A_1923 : f32 to vector<64x48xf32>
    %select_n3A_1925 = arith.select %eq3A_1922, %get3A_1915, %broadcast_in_dim3A_1924 : vector<64x48xi1>, vector<64x48xf32>
    %add3A_1926 = arith.addf %add3A_1896, %select_n3A_1925 : vector<64x48xf32>
    %exp3A_1927 = math.exp %get3A_1915 : vector<64x48xf32>
    %mul3A_1928 = vector.broadcast %div3A_1909 : vector<64x1xf32> to vector<64x48xf32>
    %mul3A_1929 = arith.mulf %exp3A_1927, %mul3A_1928 : vector<64x48xf32>
    %dot_general3A_1930 = arith.constant dense<0.000000e+00> : vector<64x48xf32>
    %dot_general3A_1931 = tpu.matmul %mul3A_1902, %get3A_10, %dot_general3A_1930 {dimension_numbers = #tpu.dot_dimension_numbers<[1], [0], [0], [1], [0, 0, 1, 1], [], []>, transpose_lhs_hint = false} : vector<64x48xf32>, vector<48x48xf32>, vector<64x48xf32> -> vector<64x48xf32>
    %mul3A_1932 = arith.mulf %dot_general3A_1931, %mul3A_1929 : vector<64x48xf32>
    %add3A_1933 = arith.addf %add3A_1903, %log3A_1910 : vector<64x1xf32>
    %reduce_sum3A_1934 = arith.constant dense<0.000000e+00> : vector<64xf32>
    %reduce_sum3A_1935 = vector.multi_reduction <add>, %mul3A_1932, %reduce_sum3A_1934 [1] : vector<64x48xf32> to vector<64xf32>
    %broadcast_in_dim3A_1936 = vector.shape_cast %reduce_sum3A_1935 : vector<64xf32> to vector<64x1xf32>
    %div3A_1937 = arith.constant 1.000000e+00 : f32
    %div3A_1938 = vector.broadcast %div3A_1937 : f32 to vector<64x1xf32>
    %div3A_1939 = arith.divf %div3A_1938, %broadcast_in_dim3A_1936 : vector<64x1xf32>
    %log3A_1940 = math.log %broadcast_in_dim3A_1936 : vector<64x1xf32>
    %get3A_1941 = arith.constant 0 : index
    %get3A_1942 = arith.constant 64 : index
    %get3A_1943 = arith.constant 0 : index
    %get3A_1944 = vector.load %arg14[%get3A_1941, %get3A_1942, %get3A_1943] : memref<64x128x48xf32, #tpu.memory_space<vmem>>, vector<64x1x48xf32>
    %get3A_1945 = vector.shape_cast %get3A_1944 : vector<64x1x48xf32> to vector<64x48xf32>
    %get3A_1946 = arith.constant 0 : index
    %get3A_1947 = arith.constant 0 : index
    %get3A_1948 = arith.constant 64 : index
    %get3A_1949 = vector.load %arg2[%get3A_1946, %get3A_1947, %get3A_1948] : memref<1x64x128xi32, #tpu.memory_space<vmem>>, vector<1x64x1xi32>
    %get3A_1950 = vector.shape_cast %get3A_1949 : vector<1x64x1xi32> to vector<64x1xi32>
    %eq3A_1951 = vector.broadcast %get3A_1950 : vector<64x1xi32> to vector<64x48xi32>
    %eq3A_1952 = arith.cmpi eq, %iota3A, %eq3A_1951 : vector<64x48xi32>
    %jit3A_1953 = arith.constant 0.000000e+00 : f32
    %broadcast_in_dim3A_1954 = vector.broadcast %jit3A_1953 : f32 to vector<64x48xf32>
    %select_n3A_1955 = arith.select %eq3A_1952, %get3A_1945, %broadcast_in_dim3A_1954 : vector<64x48xi1>, vector<64x48xf32>
    %add3A_1956 = arith.addf %add3A_1926, %select_n3A_1955 : vector<64x48xf32>
    %exp3A_1957 = math.exp %get3A_1945 : vector<64x48xf32>
    %mul3A_1958 = vector.broadcast %div3A_1939 : vector<64x1xf32> to vector<64x48xf32>
    %mul3A_1959 = arith.mulf %exp3A_1957, %mul3A_1958 : vector<64x48xf32>
    %dot_general3A_1960 = arith.constant dense<0.000000e+00> : vector<64x48xf32>
    %dot_general3A_1961 = tpu.matmul %mul3A_1932, %get3A_10, %dot_general3A_1960 {dimension_numbers = #tpu.dot_dimension_numbers<[1], [0], [0], [1], [0, 0, 1, 1], [], []>, transpose_lhs_hint = false} : vector<64x48xf32>, vector<48x48xf32>, vector<64x48xf32> -> vector<64x48xf32>
    %mul3A_1962 = arith.mulf %dot_general3A_1961, %mul3A_1959 : vector<64x48xf32>
    %add3A_1963 = arith.addf %add3A_1933, %log3A_1940 : vector<64x1xf32>
    %reduce_sum3A_1964 = arith.constant dense<0.000000e+00> : vector<64xf32>
    %reduce_sum3A_1965 = vector.multi_reduction <add>, %mul3A_1962, %reduce_sum3A_1964 [1] : vector<64x48xf32> to vector<64xf32>
    %broadcast_in_dim3A_1966 = vector.shape_cast %reduce_sum3A_1965 : vector<64xf32> to vector<64x1xf32>
    %div3A_1967 = arith.constant 1.000000e+00 : f32
    %div3A_1968 = vector.broadcast %div3A_1967 : f32 to vector<64x1xf32>
    %div3A_1969 = arith.divf %div3A_1968, %broadcast_in_dim3A_1966 : vector<64x1xf32>
    %log3A_1970 = math.log %broadcast_in_dim3A_1966 : vector<64x1xf32>
    %get3A_1971 = arith.constant 0 : index
    %get3A_1972 = arith.constant 65 : index
    %get3A_1973 = arith.constant 0 : index
    %get3A_1974 = vector.load %arg14[%get3A_1971, %get3A_1972, %get3A_1973] : memref<64x128x48xf32, #tpu.memory_space<vmem>>, vector<64x1x48xf32>
    %get3A_1975 = vector.shape_cast %get3A_1974 : vector<64x1x48xf32> to vector<64x48xf32>
    %get3A_1976 = arith.constant 0 : index
    %get3A_1977 = arith.constant 0 : index
    %get3A_1978 = arith.constant 65 : index
    %get3A_1979 = vector.load %arg2[%get3A_1976, %get3A_1977, %get3A_1978] : memref<1x64x128xi32, #tpu.memory_space<vmem>>, vector<1x64x1xi32>
    %get3A_1980 = vector.shape_cast %get3A_1979 : vector<1x64x1xi32> to vector<64x1xi32>
    %eq3A_1981 = vector.broadcast %get3A_1980 : vector<64x1xi32> to vector<64x48xi32>
    %eq3A_1982 = arith.cmpi eq, %iota3A, %eq3A_1981 : vector<64x48xi32>
    %jit3A_1983 = arith.constant 0.000000e+00 : f32
    %broadcast_in_dim3A_1984 = vector.broadcast %jit3A_1983 : f32 to vector<64x48xf32>
    %select_n3A_1985 = arith.select %eq3A_1982, %get3A_1975, %broadcast_in_dim3A_1984 : vector<64x48xi1>, vector<64x48xf32>
    %add3A_1986 = arith.addf %add3A_1956, %select_n3A_1985 : vector<64x48xf32>
    %exp3A_1987 = math.exp %get3A_1975 : vector<64x48xf32>
    %mul3A_1988 = vector.broadcast %div3A_1969 : vector<64x1xf32> to vector<64x48xf32>
    %mul3A_1989 = arith.mulf %exp3A_1987, %mul3A_1988 : vector<64x48xf32>
    %dot_general3A_1990 = arith.constant dense<0.000000e+00> : vector<64x48xf32>
    %dot_general3A_1991 = tpu.matmul %mul3A_1962, %get3A_10, %dot_general3A_1990 {dimension_numbers = #tpu.dot_dimension_numbers<[1], [0], [0], [1], [0, 0, 1, 1], [], []>, transpose_lhs_hint = false} : vector<64x48xf32>, vector<48x48xf32>, vector<64x48xf32> -> vector<64x48xf32>
    %mul3A_1992 = arith.mulf %dot_general3A_1991, %mul3A_1989 : vector<64x48xf32>
    %add3A_1993 = arith.addf %add3A_1963, %log3A_1970 : vector<64x1xf32>
    %reduce_sum3A_1994 = arith.constant dense<0.000000e+00> : vector<64xf32>
    %reduce_sum3A_1995 = vector.multi_reduction <add>, %mul3A_1992, %reduce_sum3A_1994 [1] : vector<64x48xf32> to vector<64xf32>
    %broadcast_in_dim3A_1996 = vector.shape_cast %reduce_sum3A_1995 : vector<64xf32> to vector<64x1xf32>
    %div3A_1997 = arith.constant 1.000000e+00 : f32
    %div3A_1998 = vector.broadcast %div3A_1997 : f32 to vector<64x1xf32>
    %div3A_1999 = arith.divf %div3A_1998, %broadcast_in_dim3A_1996 : vector<64x1xf32>
    %log3A_2000 = math.log %broadcast_in_dim3A_1996 : vector<64x1xf32>
    %get3A_2001 = arith.constant 0 : index
    %get3A_2002 = arith.constant 66 : index
    %get3A_2003 = arith.constant 0 : index
    %get3A_2004 = vector.load %arg14[%get3A_2001, %get3A_2002, %get3A_2003] : memref<64x128x48xf32, #tpu.memory_space<vmem>>, vector<64x1x48xf32>
    %get3A_2005 = vector.shape_cast %get3A_2004 : vector<64x1x48xf32> to vector<64x48xf32>
    %get3A_2006 = arith.constant 0 : index
    %get3A_2007 = arith.constant 0 : index
    %get3A_2008 = arith.constant 66 : index
    %get3A_2009 = vector.load %arg2[%get3A_2006, %get3A_2007, %get3A_2008] : memref<1x64x128xi32, #tpu.memory_space<vmem>>, vector<1x64x1xi32>
    %get3A_2010 = vector.shape_cast %get3A_2009 : vector<1x64x1xi32> to vector<64x1xi32>
    %eq3A_2011 = vector.broadcast %get3A_2010 : vector<64x1xi32> to vector<64x48xi32>
    %eq3A_2012 = arith.cmpi eq, %iota3A, %eq3A_2011 : vector<64x48xi32>
    %jit3A_2013 = arith.constant 0.000000e+00 : f32
    %broadcast_in_dim3A_2014 = vector.broadcast %jit3A_2013 : f32 to vector<64x48xf32>
    %select_n3A_2015 = arith.select %eq3A_2012, %get3A_2005, %broadcast_in_dim3A_2014 : vector<64x48xi1>, vector<64x48xf32>
    %add3A_2016 = arith.addf %add3A_1986, %select_n3A_2015 : vector<64x48xf32>
    %exp3A_2017 = math.exp %get3A_2005 : vector<64x48xf32>
    %mul3A_2018 = vector.broadcast %div3A_1999 : vector<64x1xf32> to vector<64x48xf32>
    %mul3A_2019 = arith.mulf %exp3A_2017, %mul3A_2018 : vector<64x48xf32>
    %dot_general3A_2020 = arith.constant dense<0.000000e+00> : vector<64x48xf32>
    %dot_general3A_2021 = tpu.matmul %mul3A_1992, %get3A_10, %dot_general3A_2020 {dimension_numbers = #tpu.dot_dimension_numbers<[1], [0], [0], [1], [0, 0, 1, 1], [], []>, transpose_lhs_hint = false} : vector<64x48xf32>, vector<48x48xf32>, vector<64x48xf32> -> vector<64x48xf32>
    %mul3A_2022 = arith.mulf %dot_general3A_2021, %mul3A_2019 : vector<64x48xf32>
    %add3A_2023 = arith.addf %add3A_1993, %log3A_2000 : vector<64x1xf32>
    %reduce_sum3A_2024 = arith.constant dense<0.000000e+00> : vector<64xf32>
    %reduce_sum3A_2025 = vector.multi_reduction <add>, %mul3A_2022, %reduce_sum3A_2024 [1] : vector<64x48xf32> to vector<64xf32>
    %broadcast_in_dim3A_2026 = vector.shape_cast %reduce_sum3A_2025 : vector<64xf32> to vector<64x1xf32>
    %div3A_2027 = arith.constant 1.000000e+00 : f32
    %div3A_2028 = vector.broadcast %div3A_2027 : f32 to vector<64x1xf32>
    %div3A_2029 = arith.divf %div3A_2028, %broadcast_in_dim3A_2026 : vector<64x1xf32>
    %log3A_2030 = math.log %broadcast_in_dim3A_2026 : vector<64x1xf32>
    %get3A_2031 = arith.constant 0 : index
    %get3A_2032 = arith.constant 67 : index
    %get3A_2033 = arith.constant 0 : index
    %get3A_2034 = vector.load %arg14[%get3A_2031, %get3A_2032, %get3A_2033] : memref<64x128x48xf32, #tpu.memory_space<vmem>>, vector<64x1x48xf32>
    %get3A_2035 = vector.shape_cast %get3A_2034 : vector<64x1x48xf32> to vector<64x48xf32>
    %get3A_2036 = arith.constant 0 : index
    %get3A_2037 = arith.constant 0 : index
    %get3A_2038 = arith.constant 67 : index
    %get3A_2039 = vector.load %arg2[%get3A_2036, %get3A_2037, %get3A_2038] : memref<1x64x128xi32, #tpu.memory_space<vmem>>, vector<1x64x1xi32>
    %get3A_2040 = vector.shape_cast %get3A_2039 : vector<1x64x1xi32> to vector<64x1xi32>
    %eq3A_2041 = vector.broadcast %get3A_2040 : vector<64x1xi32> to vector<64x48xi32>
    %eq3A_2042 = arith.cmpi eq, %iota3A, %eq3A_2041 : vector<64x48xi32>
    %jit3A_2043 = arith.constant 0.000000e+00 : f32
    %broadcast_in_dim3A_2044 = vector.broadcast %jit3A_2043 : f32 to vector<64x48xf32>
    %select_n3A_2045 = arith.select %eq3A_2042, %get3A_2035, %broadcast_in_dim3A_2044 : vector<64x48xi1>, vector<64x48xf32>
    %add3A_2046 = arith.addf %add3A_2016, %select_n3A_2045 : vector<64x48xf32>
    %exp3A_2047 = math.exp %get3A_2035 : vector<64x48xf32>
    %mul3A_2048 = vector.broadcast %div3A_2029 : vector<64x1xf32> to vector<64x48xf32>
    %mul3A_2049 = arith.mulf %exp3A_2047, %mul3A_2048 : vector<64x48xf32>
    %dot_general3A_2050 = arith.constant dense<0.000000e+00> : vector<64x48xf32>
    %dot_general3A_2051 = tpu.matmul %mul3A_2022, %get3A_10, %dot_general3A_2050 {dimension_numbers = #tpu.dot_dimension_numbers<[1], [0], [0], [1], [0, 0, 1, 1], [], []>, transpose_lhs_hint = false} : vector<64x48xf32>, vector<48x48xf32>, vector<64x48xf32> -> vector<64x48xf32>
    %mul3A_2052 = arith.mulf %dot_general3A_2051, %mul3A_2049 : vector<64x48xf32>
    %add3A_2053 = arith.addf %add3A_2023, %log3A_2030 : vector<64x1xf32>
    %reduce_sum3A_2054 = arith.constant dense<0.000000e+00> : vector<64xf32>
    %reduce_sum3A_2055 = vector.multi_reduction <add>, %mul3A_2052, %reduce_sum3A_2054 [1] : vector<64x48xf32> to vector<64xf32>
    %broadcast_in_dim3A_2056 = vector.shape_cast %reduce_sum3A_2055 : vector<64xf32> to vector<64x1xf32>
    %div3A_2057 = arith.constant 1.000000e+00 : f32
    %div3A_2058 = vector.broadcast %div3A_2057 : f32 to vector<64x1xf32>
    %div3A_2059 = arith.divf %div3A_2058, %broadcast_in_dim3A_2056 : vector<64x1xf32>
    %log3A_2060 = math.log %broadcast_in_dim3A_2056 : vector<64x1xf32>
    %get3A_2061 = arith.constant 0 : index
    %get3A_2062 = arith.constant 68 : index
    %get3A_2063 = arith.constant 0 : index
    %get3A_2064 = vector.load %arg14[%get3A_2061, %get3A_2062, %get3A_2063] : memref<64x128x48xf32, #tpu.memory_space<vmem>>, vector<64x1x48xf32>
    %get3A_2065 = vector.shape_cast %get3A_2064 : vector<64x1x48xf32> to vector<64x48xf32>
    %get3A_2066 = arith.constant 0 : index
    %get3A_2067 = arith.constant 0 : index
    %get3A_2068 = arith.constant 68 : index
    %get3A_2069 = vector.load %arg2[%get3A_2066, %get3A_2067, %get3A_2068] : memref<1x64x128xi32, #tpu.memory_space<vmem>>, vector<1x64x1xi32>
    %get3A_2070 = vector.shape_cast %get3A_2069 : vector<1x64x1xi32> to vector<64x1xi32>
    %eq3A_2071 = vector.broadcast %get3A_2070 : vector<64x1xi32> to vector<64x48xi32>
    %eq3A_2072 = arith.cmpi eq, %iota3A, %eq3A_2071 : vector<64x48xi32>
    %jit3A_2073 = arith.constant 0.000000e+00 : f32
    %broadcast_in_dim3A_2074 = vector.broadcast %jit3A_2073 : f32 to vector<64x48xf32>
    %select_n3A_2075 = arith.select %eq3A_2072, %get3A_2065, %broadcast_in_dim3A_2074 : vector<64x48xi1>, vector<64x48xf32>
    %add3A_2076 = arith.addf %add3A_2046, %select_n3A_2075 : vector<64x48xf32>
    %exp3A_2077 = math.exp %get3A_2065 : vector<64x48xf32>
    %mul3A_2078 = vector.broadcast %div3A_2059 : vector<64x1xf32> to vector<64x48xf32>
    %mul3A_2079 = arith.mulf %exp3A_2077, %mul3A_2078 : vector<64x48xf32>
    %dot_general3A_2080 = arith.constant dense<0.000000e+00> : vector<64x48xf32>
    %dot_general3A_2081 = tpu.matmul %mul3A_2052, %get3A_10, %dot_general3A_2080 {dimension_numbers = #tpu.dot_dimension_numbers<[1], [0], [0], [1], [0, 0, 1, 1], [], []>, transpose_lhs_hint = false} : vector<64x48xf32>, vector<48x48xf32>, vector<64x48xf32> -> vector<64x48xf32>
    %mul3A_2082 = arith.mulf %dot_general3A_2081, %mul3A_2079 : vector<64x48xf32>
    %add3A_2083 = arith.addf %add3A_2053, %log3A_2060 : vector<64x1xf32>
    %reduce_sum3A_2084 = arith.constant dense<0.000000e+00> : vector<64xf32>
    %reduce_sum3A_2085 = vector.multi_reduction <add>, %mul3A_2082, %reduce_sum3A_2084 [1] : vector<64x48xf32> to vector<64xf32>
    %broadcast_in_dim3A_2086 = vector.shape_cast %reduce_sum3A_2085 : vector<64xf32> to vector<64x1xf32>
    %div3A_2087 = arith.constant 1.000000e+00 : f32
    %div3A_2088 = vector.broadcast %div3A_2087 : f32 to vector<64x1xf32>
    %div3A_2089 = arith.divf %div3A_2088, %broadcast_in_dim3A_2086 : vector<64x1xf32>
    %log3A_2090 = math.log %broadcast_in_dim3A_2086 : vector<64x1xf32>
    %get3A_2091 = arith.constant 0 : index
    %get3A_2092 = arith.constant 69 : index
    %get3A_2093 = arith.constant 0 : index
    %get3A_2094 = vector.load %arg14[%get3A_2091, %get3A_2092, %get3A_2093] : memref<64x128x48xf32, #tpu.memory_space<vmem>>, vector<64x1x48xf32>
    %get3A_2095 = vector.shape_cast %get3A_2094 : vector<64x1x48xf32> to vector<64x48xf32>
    %get3A_2096 = arith.constant 0 : index
    %get3A_2097 = arith.constant 0 : index
    %get3A_2098 = arith.constant 69 : index
    %get3A_2099 = vector.load %arg2[%get3A_2096, %get3A_2097, %get3A_2098] : memref<1x64x128xi32, #tpu.memory_space<vmem>>, vector<1x64x1xi32>
    %get3A_2100 = vector.shape_cast %get3A_2099 : vector<1x64x1xi32> to vector<64x1xi32>
    %eq3A_2101 = vector.broadcast %get3A_2100 : vector<64x1xi32> to vector<64x48xi32>
    %eq3A_2102 = arith.cmpi eq, %iota3A, %eq3A_2101 : vector<64x48xi32>
    %jit3A_2103 = arith.constant 0.000000e+00 : f32
    %broadcast_in_dim3A_2104 = vector.broadcast %jit3A_2103 : f32 to vector<64x48xf32>
    %select_n3A_2105 = arith.select %eq3A_2102, %get3A_2095, %broadcast_in_dim3A_2104 : vector<64x48xi1>, vector<64x48xf32>
    %add3A_2106 = arith.addf %add3A_2076, %select_n3A_2105 : vector<64x48xf32>
    %exp3A_2107 = math.exp %get3A_2095 : vector<64x48xf32>
    %mul3A_2108 = vector.broadcast %div3A_2089 : vector<64x1xf32> to vector<64x48xf32>
    %mul3A_2109 = arith.mulf %exp3A_2107, %mul3A_2108 : vector<64x48xf32>
    %dot_general3A_2110 = arith.constant dense<0.000000e+00> : vector<64x48xf32>
    %dot_general3A_2111 = tpu.matmul %mul3A_2082, %get3A_10, %dot_general3A_2110 {dimension_numbers = #tpu.dot_dimension_numbers<[1], [0], [0], [1], [0, 0, 1, 1], [], []>, transpose_lhs_hint = false} : vector<64x48xf32>, vector<48x48xf32>, vector<64x48xf32> -> vector<64x48xf32>
    %mul3A_2112 = arith.mulf %dot_general3A_2111, %mul3A_2109 : vector<64x48xf32>
    %add3A_2113 = arith.addf %add3A_2083, %log3A_2090 : vector<64x1xf32>
    %reduce_sum3A_2114 = arith.constant dense<0.000000e+00> : vector<64xf32>
    %reduce_sum3A_2115 = vector.multi_reduction <add>, %mul3A_2112, %reduce_sum3A_2114 [1] : vector<64x48xf32> to vector<64xf32>
    %broadcast_in_dim3A_2116 = vector.shape_cast %reduce_sum3A_2115 : vector<64xf32> to vector<64x1xf32>
    %div3A_2117 = arith.constant 1.000000e+00 : f32
    %div3A_2118 = vector.broadcast %div3A_2117 : f32 to vector<64x1xf32>
    %div3A_2119 = arith.divf %div3A_2118, %broadcast_in_dim3A_2116 : vector<64x1xf32>
    %log3A_2120 = math.log %broadcast_in_dim3A_2116 : vector<64x1xf32>
    %get3A_2121 = arith.constant 0 : index
    %get3A_2122 = arith.constant 70 : index
    %get3A_2123 = arith.constant 0 : index
    %get3A_2124 = vector.load %arg14[%get3A_2121, %get3A_2122, %get3A_2123] : memref<64x128x48xf32, #tpu.memory_space<vmem>>, vector<64x1x48xf32>
    %get3A_2125 = vector.shape_cast %get3A_2124 : vector<64x1x48xf32> to vector<64x48xf32>
    %get3A_2126 = arith.constant 0 : index
    %get3A_2127 = arith.constant 0 : index
    %get3A_2128 = arith.constant 70 : index
    %get3A_2129 = vector.load %arg2[%get3A_2126, %get3A_2127, %get3A_2128] : memref<1x64x128xi32, #tpu.memory_space<vmem>>, vector<1x64x1xi32>
    %get3A_2130 = vector.shape_cast %get3A_2129 : vector<1x64x1xi32> to vector<64x1xi32>
    %eq3A_2131 = vector.broadcast %get3A_2130 : vector<64x1xi32> to vector<64x48xi32>
    %eq3A_2132 = arith.cmpi eq, %iota3A, %eq3A_2131 : vector<64x48xi32>
    %jit3A_2133 = arith.constant 0.000000e+00 : f32
    %broadcast_in_dim3A_2134 = vector.broadcast %jit3A_2133 : f32 to vector<64x48xf32>
    %select_n3A_2135 = arith.select %eq3A_2132, %get3A_2125, %broadcast_in_dim3A_2134 : vector<64x48xi1>, vector<64x48xf32>
    %add3A_2136 = arith.addf %add3A_2106, %select_n3A_2135 : vector<64x48xf32>
    %exp3A_2137 = math.exp %get3A_2125 : vector<64x48xf32>
    %mul3A_2138 = vector.broadcast %div3A_2119 : vector<64x1xf32> to vector<64x48xf32>
    %mul3A_2139 = arith.mulf %exp3A_2137, %mul3A_2138 : vector<64x48xf32>
    %dot_general3A_2140 = arith.constant dense<0.000000e+00> : vector<64x48xf32>
    %dot_general3A_2141 = tpu.matmul %mul3A_2112, %get3A_10, %dot_general3A_2140 {dimension_numbers = #tpu.dot_dimension_numbers<[1], [0], [0], [1], [0, 0, 1, 1], [], []>, transpose_lhs_hint = false} : vector<64x48xf32>, vector<48x48xf32>, vector<64x48xf32> -> vector<64x48xf32>
    %mul3A_2142 = arith.mulf %dot_general3A_2141, %mul3A_2139 : vector<64x48xf32>
    %add3A_2143 = arith.addf %add3A_2113, %log3A_2120 : vector<64x1xf32>
    %reduce_sum3A_2144 = arith.constant dense<0.000000e+00> : vector<64xf32>
    %reduce_sum3A_2145 = vector.multi_reduction <add>, %mul3A_2142, %reduce_sum3A_2144 [1] : vector<64x48xf32> to vector<64xf32>
    %broadcast_in_dim3A_2146 = vector.shape_cast %reduce_sum3A_2145 : vector<64xf32> to vector<64x1xf32>
    %div3A_2147 = arith.constant 1.000000e+00 : f32
    %div3A_2148 = vector.broadcast %div3A_2147 : f32 to vector<64x1xf32>
    %div3A_2149 = arith.divf %div3A_2148, %broadcast_in_dim3A_2146 : vector<64x1xf32>
    %log3A_2150 = math.log %broadcast_in_dim3A_2146 : vector<64x1xf32>
    %get3A_2151 = arith.constant 0 : index
    %get3A_2152 = arith.constant 71 : index
    %get3A_2153 = arith.constant 0 : index
    %get3A_2154 = vector.load %arg14[%get3A_2151, %get3A_2152, %get3A_2153] : memref<64x128x48xf32, #tpu.memory_space<vmem>>, vector<64x1x48xf32>
    %get3A_2155 = vector.shape_cast %get3A_2154 : vector<64x1x48xf32> to vector<64x48xf32>
    %get3A_2156 = arith.constant 0 : index
    %get3A_2157 = arith.constant 0 : index
    %get3A_2158 = arith.constant 71 : index
    %get3A_2159 = vector.load %arg2[%get3A_2156, %get3A_2157, %get3A_2158] : memref<1x64x128xi32, #tpu.memory_space<vmem>>, vector<1x64x1xi32>
    %get3A_2160 = vector.shape_cast %get3A_2159 : vector<1x64x1xi32> to vector<64x1xi32>
    %eq3A_2161 = vector.broadcast %get3A_2160 : vector<64x1xi32> to vector<64x48xi32>
    %eq3A_2162 = arith.cmpi eq, %iota3A, %eq3A_2161 : vector<64x48xi32>
    %jit3A_2163 = arith.constant 0.000000e+00 : f32
    %broadcast_in_dim3A_2164 = vector.broadcast %jit3A_2163 : f32 to vector<64x48xf32>
    %select_n3A_2165 = arith.select %eq3A_2162, %get3A_2155, %broadcast_in_dim3A_2164 : vector<64x48xi1>, vector<64x48xf32>
    %add3A_2166 = arith.addf %add3A_2136, %select_n3A_2165 : vector<64x48xf32>
    %exp3A_2167 = math.exp %get3A_2155 : vector<64x48xf32>
    %mul3A_2168 = vector.broadcast %div3A_2149 : vector<64x1xf32> to vector<64x48xf32>
    %mul3A_2169 = arith.mulf %exp3A_2167, %mul3A_2168 : vector<64x48xf32>
    %dot_general3A_2170 = arith.constant dense<0.000000e+00> : vector<64x48xf32>
    %dot_general3A_2171 = tpu.matmul %mul3A_2142, %get3A_10, %dot_general3A_2170 {dimension_numbers = #tpu.dot_dimension_numbers<[1], [0], [0], [1], [0, 0, 1, 1], [], []>, transpose_lhs_hint = false} : vector<64x48xf32>, vector<48x48xf32>, vector<64x48xf32> -> vector<64x48xf32>
    %mul3A_2172 = arith.mulf %dot_general3A_2171, %mul3A_2169 : vector<64x48xf32>
    %add3A_2173 = arith.addf %add3A_2143, %log3A_2150 : vector<64x1xf32>
    %reduce_sum3A_2174 = arith.constant dense<0.000000e+00> : vector<64xf32>
    %reduce_sum3A_2175 = vector.multi_reduction <add>, %mul3A_2172, %reduce_sum3A_2174 [1] : vector<64x48xf32> to vector<64xf32>
    %broadcast_in_dim3A_2176 = vector.shape_cast %reduce_sum3A_2175 : vector<64xf32> to vector<64x1xf32>
    %div3A_2177 = arith.constant 1.000000e+00 : f32
    %div3A_2178 = vector.broadcast %div3A_2177 : f32 to vector<64x1xf32>
    %div3A_2179 = arith.divf %div3A_2178, %broadcast_in_dim3A_2176 : vector<64x1xf32>
    %log3A_2180 = math.log %broadcast_in_dim3A_2176 : vector<64x1xf32>
    %get3A_2181 = arith.constant 0 : index
    %get3A_2182 = arith.constant 72 : index
    %get3A_2183 = arith.constant 0 : index
    %get3A_2184 = vector.load %arg14[%get3A_2181, %get3A_2182, %get3A_2183] : memref<64x128x48xf32, #tpu.memory_space<vmem>>, vector<64x1x48xf32>
    %get3A_2185 = vector.shape_cast %get3A_2184 : vector<64x1x48xf32> to vector<64x48xf32>
    %get3A_2186 = arith.constant 0 : index
    %get3A_2187 = arith.constant 0 : index
    %get3A_2188 = arith.constant 72 : index
    %get3A_2189 = vector.load %arg2[%get3A_2186, %get3A_2187, %get3A_2188] : memref<1x64x128xi32, #tpu.memory_space<vmem>>, vector<1x64x1xi32>
    %get3A_2190 = vector.shape_cast %get3A_2189 : vector<1x64x1xi32> to vector<64x1xi32>
    %eq3A_2191 = vector.broadcast %get3A_2190 : vector<64x1xi32> to vector<64x48xi32>
    %eq3A_2192 = arith.cmpi eq, %iota3A, %eq3A_2191 : vector<64x48xi32>
    %jit3A_2193 = arith.constant 0.000000e+00 : f32
    %broadcast_in_dim3A_2194 = vector.broadcast %jit3A_2193 : f32 to vector<64x48xf32>
    %select_n3A_2195 = arith.select %eq3A_2192, %get3A_2185, %broadcast_in_dim3A_2194 : vector<64x48xi1>, vector<64x48xf32>
    %add3A_2196 = arith.addf %add3A_2166, %select_n3A_2195 : vector<64x48xf32>
    %exp3A_2197 = math.exp %get3A_2185 : vector<64x48xf32>
    %mul3A_2198 = vector.broadcast %div3A_2179 : vector<64x1xf32> to vector<64x48xf32>
    %mul3A_2199 = arith.mulf %exp3A_2197, %mul3A_2198 : vector<64x48xf32>
    %dot_general3A_2200 = arith.constant dense<0.000000e+00> : vector<64x48xf32>
    %dot_general3A_2201 = tpu.matmul %mul3A_2172, %get3A_10, %dot_general3A_2200 {dimension_numbers = #tpu.dot_dimension_numbers<[1], [0], [0], [1], [0, 0, 1, 1], [], []>, transpose_lhs_hint = false} : vector<64x48xf32>, vector<48x48xf32>, vector<64x48xf32> -> vector<64x48xf32>
    %mul3A_2202 = arith.mulf %dot_general3A_2201, %mul3A_2199 : vector<64x48xf32>
    %add3A_2203 = arith.addf %add3A_2173, %log3A_2180 : vector<64x1xf32>
    %reduce_sum3A_2204 = arith.constant dense<0.000000e+00> : vector<64xf32>
    %reduce_sum3A_2205 = vector.multi_reduction <add>, %mul3A_2202, %reduce_sum3A_2204 [1] : vector<64x48xf32> to vector<64xf32>
    %broadcast_in_dim3A_2206 = vector.shape_cast %reduce_sum3A_2205 : vector<64xf32> to vector<64x1xf32>
    %div3A_2207 = arith.constant 1.000000e+00 : f32
    %div3A_2208 = vector.broadcast %div3A_2207 : f32 to vector<64x1xf32>
    %div3A_2209 = arith.divf %div3A_2208, %broadcast_in_dim3A_2206 : vector<64x1xf32>
    %log3A_2210 = math.log %broadcast_in_dim3A_2206 : vector<64x1xf32>
    %get3A_2211 = arith.constant 0 : index
    %get3A_2212 = arith.constant 73 : index
    %get3A_2213 = arith.constant 0 : index
    %get3A_2214 = vector.load %arg14[%get3A_2211, %get3A_2212, %get3A_2213] : memref<64x128x48xf32, #tpu.memory_space<vmem>>, vector<64x1x48xf32>
    %get3A_2215 = vector.shape_cast %get3A_2214 : vector<64x1x48xf32> to vector<64x48xf32>
    %get3A_2216 = arith.constant 0 : index
    %get3A_2217 = arith.constant 0 : index
    %get3A_2218 = arith.constant 73 : index
    %get3A_2219 = vector.load %arg2[%get3A_2216, %get3A_2217, %get3A_2218] : memref<1x64x128xi32, #tpu.memory_space<vmem>>, vector<1x64x1xi32>
    %get3A_2220 = vector.shape_cast %get3A_2219 : vector<1x64x1xi32> to vector<64x1xi32>
    %eq3A_2221 = vector.broadcast %get3A_2220 : vector<64x1xi32> to vector<64x48xi32>
    %eq3A_2222 = arith.cmpi eq, %iota3A, %eq3A_2221 : vector<64x48xi32>
    %jit3A_2223 = arith.constant 0.000000e+00 : f32
    %broadcast_in_dim3A_2224 = vector.broadcast %jit3A_2223 : f32 to vector<64x48xf32>
    %select_n3A_2225 = arith.select %eq3A_2222, %get3A_2215, %broadcast_in_dim3A_2224 : vector<64x48xi1>, vector<64x48xf32>
    %add3A_2226 = arith.addf %add3A_2196, %select_n3A_2225 : vector<64x48xf32>
    %exp3A_2227 = math.exp %get3A_2215 : vector<64x48xf32>
    %mul3A_2228 = vector.broadcast %div3A_2209 : vector<64x1xf32> to vector<64x48xf32>
    %mul3A_2229 = arith.mulf %exp3A_2227, %mul3A_2228 : vector<64x48xf32>
    %dot_general3A_2230 = arith.constant dense<0.000000e+00> : vector<64x48xf32>
    %dot_general3A_2231 = tpu.matmul %mul3A_2202, %get3A_10, %dot_general3A_2230 {dimension_numbers = #tpu.dot_dimension_numbers<[1], [0], [0], [1], [0, 0, 1, 1], [], []>, transpose_lhs_hint = false} : vector<64x48xf32>, vector<48x48xf32>, vector<64x48xf32> -> vector<64x48xf32>
    %mul3A_2232 = arith.mulf %dot_general3A_2231, %mul3A_2229 : vector<64x48xf32>
    %add3A_2233 = arith.addf %add3A_2203, %log3A_2210 : vector<64x1xf32>
    %reduce_sum3A_2234 = arith.constant dense<0.000000e+00> : vector<64xf32>
    %reduce_sum3A_2235 = vector.multi_reduction <add>, %mul3A_2232, %reduce_sum3A_2234 [1] : vector<64x48xf32> to vector<64xf32>
    %broadcast_in_dim3A_2236 = vector.shape_cast %reduce_sum3A_2235 : vector<64xf32> to vector<64x1xf32>
    %div3A_2237 = arith.constant 1.000000e+00 : f32
    %div3A_2238 = vector.broadcast %div3A_2237 : f32 to vector<64x1xf32>
    %div3A_2239 = arith.divf %div3A_2238, %broadcast_in_dim3A_2236 : vector<64x1xf32>
    %log3A_2240 = math.log %broadcast_in_dim3A_2236 : vector<64x1xf32>
    %get3A_2241 = arith.constant 0 : index
    %get3A_2242 = arith.constant 74 : index
    %get3A_2243 = arith.constant 0 : index
    %get3A_2244 = vector.load %arg14[%get3A_2241, %get3A_2242, %get3A_2243] : memref<64x128x48xf32, #tpu.memory_space<vmem>>, vector<64x1x48xf32>
    %get3A_2245 = vector.shape_cast %get3A_2244 : vector<64x1x48xf32> to vector<64x48xf32>
    %get3A_2246 = arith.constant 0 : index
    %get3A_2247 = arith.constant 0 : index
    %get3A_2248 = arith.constant 74 : index
    %get3A_2249 = vector.load %arg2[%get3A_2246, %get3A_2247, %get3A_2248] : memref<1x64x128xi32, #tpu.memory_space<vmem>>, vector<1x64x1xi32>
    %get3A_2250 = vector.shape_cast %get3A_2249 : vector<1x64x1xi32> to vector<64x1xi32>
    %eq3A_2251 = vector.broadcast %get3A_2250 : vector<64x1xi32> to vector<64x48xi32>
    %eq3A_2252 = arith.cmpi eq, %iota3A, %eq3A_2251 : vector<64x48xi32>
    %jit3A_2253 = arith.constant 0.000000e+00 : f32
    %broadcast_in_dim3A_2254 = vector.broadcast %jit3A_2253 : f32 to vector<64x48xf32>
    %select_n3A_2255 = arith.select %eq3A_2252, %get3A_2245, %broadcast_in_dim3A_2254 : vector<64x48xi1>, vector<64x48xf32>
    %add3A_2256 = arith.addf %add3A_2226, %select_n3A_2255 : vector<64x48xf32>
    %exp3A_2257 = math.exp %get3A_2245 : vector<64x48xf32>
    %mul3A_2258 = vector.broadcast %div3A_2239 : vector<64x1xf32> to vector<64x48xf32>
    %mul3A_2259 = arith.mulf %exp3A_2257, %mul3A_2258 : vector<64x48xf32>
    %dot_general3A_2260 = arith.constant dense<0.000000e+00> : vector<64x48xf32>
    %dot_general3A_2261 = tpu.matmul %mul3A_2232, %get3A_10, %dot_general3A_2260 {dimension_numbers = #tpu.dot_dimension_numbers<[1], [0], [0], [1], [0, 0, 1, 1], [], []>, transpose_lhs_hint = false} : vector<64x48xf32>, vector<48x48xf32>, vector<64x48xf32> -> vector<64x48xf32>
    %mul3A_2262 = arith.mulf %dot_general3A_2261, %mul3A_2259 : vector<64x48xf32>
    %add3A_2263 = arith.addf %add3A_2233, %log3A_2240 : vector<64x1xf32>
    %reduce_sum3A_2264 = arith.constant dense<0.000000e+00> : vector<64xf32>
    %reduce_sum3A_2265 = vector.multi_reduction <add>, %mul3A_2262, %reduce_sum3A_2264 [1] : vector<64x48xf32> to vector<64xf32>
    %broadcast_in_dim3A_2266 = vector.shape_cast %reduce_sum3A_2265 : vector<64xf32> to vector<64x1xf32>
    %div3A_2267 = arith.constant 1.000000e+00 : f32
    %div3A_2268 = vector.broadcast %div3A_2267 : f32 to vector<64x1xf32>
    %div3A_2269 = arith.divf %div3A_2268, %broadcast_in_dim3A_2266 : vector<64x1xf32>
    %log3A_2270 = math.log %broadcast_in_dim3A_2266 : vector<64x1xf32>
    %get3A_2271 = arith.constant 0 : index
    %get3A_2272 = arith.constant 75 : index
    %get3A_2273 = arith.constant 0 : index
    %get3A_2274 = vector.load %arg14[%get3A_2271, %get3A_2272, %get3A_2273] : memref<64x128x48xf32, #tpu.memory_space<vmem>>, vector<64x1x48xf32>
    %get3A_2275 = vector.shape_cast %get3A_2274 : vector<64x1x48xf32> to vector<64x48xf32>
    %get3A_2276 = arith.constant 0 : index
    %get3A_2277 = arith.constant 0 : index
    %get3A_2278 = arith.constant 75 : index
    %get3A_2279 = vector.load %arg2[%get3A_2276, %get3A_2277, %get3A_2278] : memref<1x64x128xi32, #tpu.memory_space<vmem>>, vector<1x64x1xi32>
    %get3A_2280 = vector.shape_cast %get3A_2279 : vector<1x64x1xi32> to vector<64x1xi32>
    %eq3A_2281 = vector.broadcast %get3A_2280 : vector<64x1xi32> to vector<64x48xi32>
    %eq3A_2282 = arith.cmpi eq, %iota3A, %eq3A_2281 : vector<64x48xi32>
    %jit3A_2283 = arith.constant 0.000000e+00 : f32
    %broadcast_in_dim3A_2284 = vector.broadcast %jit3A_2283 : f32 to vector<64x48xf32>
    %select_n3A_2285 = arith.select %eq3A_2282, %get3A_2275, %broadcast_in_dim3A_2284 : vector<64x48xi1>, vector<64x48xf32>
    %add3A_2286 = arith.addf %add3A_2256, %select_n3A_2285 : vector<64x48xf32>
    %exp3A_2287 = math.exp %get3A_2275 : vector<64x48xf32>
    %mul3A_2288 = vector.broadcast %div3A_2269 : vector<64x1xf32> to vector<64x48xf32>
    %mul3A_2289 = arith.mulf %exp3A_2287, %mul3A_2288 : vector<64x48xf32>
    %dot_general3A_2290 = arith.constant dense<0.000000e+00> : vector<64x48xf32>
    %dot_general3A_2291 = tpu.matmul %mul3A_2262, %get3A_10, %dot_general3A_2290 {dimension_numbers = #tpu.dot_dimension_numbers<[1], [0], [0], [1], [0, 0, 1, 1], [], []>, transpose_lhs_hint = false} : vector<64x48xf32>, vector<48x48xf32>, vector<64x48xf32> -> vector<64x48xf32>
    %mul3A_2292 = arith.mulf %dot_general3A_2291, %mul3A_2289 : vector<64x48xf32>
    %add3A_2293 = arith.addf %add3A_2263, %log3A_2270 : vector<64x1xf32>
    %reduce_sum3A_2294 = arith.constant dense<0.000000e+00> : vector<64xf32>
    %reduce_sum3A_2295 = vector.multi_reduction <add>, %mul3A_2292, %reduce_sum3A_2294 [1] : vector<64x48xf32> to vector<64xf32>
    %broadcast_in_dim3A_2296 = vector.shape_cast %reduce_sum3A_2295 : vector<64xf32> to vector<64x1xf32>
    %div3A_2297 = arith.constant 1.000000e+00 : f32
    %div3A_2298 = vector.broadcast %div3A_2297 : f32 to vector<64x1xf32>
    %div3A_2299 = arith.divf %div3A_2298, %broadcast_in_dim3A_2296 : vector<64x1xf32>
    %log3A_2300 = math.log %broadcast_in_dim3A_2296 : vector<64x1xf32>
    %get3A_2301 = arith.constant 0 : index
    %get3A_2302 = arith.constant 76 : index
    %get3A_2303 = arith.constant 0 : index
    %get3A_2304 = vector.load %arg14[%get3A_2301, %get3A_2302, %get3A_2303] : memref<64x128x48xf32, #tpu.memory_space<vmem>>, vector<64x1x48xf32>
    %get3A_2305 = vector.shape_cast %get3A_2304 : vector<64x1x48xf32> to vector<64x48xf32>
    %get3A_2306 = arith.constant 0 : index
    %get3A_2307 = arith.constant 0 : index
    %get3A_2308 = arith.constant 76 : index
    %get3A_2309 = vector.load %arg2[%get3A_2306, %get3A_2307, %get3A_2308] : memref<1x64x128xi32, #tpu.memory_space<vmem>>, vector<1x64x1xi32>
    %get3A_2310 = vector.shape_cast %get3A_2309 : vector<1x64x1xi32> to vector<64x1xi32>
    %eq3A_2311 = vector.broadcast %get3A_2310 : vector<64x1xi32> to vector<64x48xi32>
    %eq3A_2312 = arith.cmpi eq, %iota3A, %eq3A_2311 : vector<64x48xi32>
    %jit3A_2313 = arith.constant 0.000000e+00 : f32
    %broadcast_in_dim3A_2314 = vector.broadcast %jit3A_2313 : f32 to vector<64x48xf32>
    %select_n3A_2315 = arith.select %eq3A_2312, %get3A_2305, %broadcast_in_dim3A_2314 : vector<64x48xi1>, vector<64x48xf32>
    %add3A_2316 = arith.addf %add3A_2286, %select_n3A_2315 : vector<64x48xf32>
    %exp3A_2317 = math.exp %get3A_2305 : vector<64x48xf32>
    %mul3A_2318 = vector.broadcast %div3A_2299 : vector<64x1xf32> to vector<64x48xf32>
    %mul3A_2319 = arith.mulf %exp3A_2317, %mul3A_2318 : vector<64x48xf32>
    %dot_general3A_2320 = arith.constant dense<0.000000e+00> : vector<64x48xf32>
    %dot_general3A_2321 = tpu.matmul %mul3A_2292, %get3A_10, %dot_general3A_2320 {dimension_numbers = #tpu.dot_dimension_numbers<[1], [0], [0], [1], [0, 0, 1, 1], [], []>, transpose_lhs_hint = false} : vector<64x48xf32>, vector<48x48xf32>, vector<64x48xf32> -> vector<64x48xf32>
    %mul3A_2322 = arith.mulf %dot_general3A_2321, %mul3A_2319 : vector<64x48xf32>
    %add3A_2323 = arith.addf %add3A_2293, %log3A_2300 : vector<64x1xf32>
    %reduce_sum3A_2324 = arith.constant dense<0.000000e+00> : vector<64xf32>
    %reduce_sum3A_2325 = vector.multi_reduction <add>, %mul3A_2322, %reduce_sum3A_2324 [1] : vector<64x48xf32> to vector<64xf32>
    %broadcast_in_dim3A_2326 = vector.shape_cast %reduce_sum3A_2325 : vector<64xf32> to vector<64x1xf32>
    %div3A_2327 = arith.constant 1.000000e+00 : f32
    %div3A_2328 = vector.broadcast %div3A_2327 : f32 to vector<64x1xf32>
    %div3A_2329 = arith.divf %div3A_2328, %broadcast_in_dim3A_2326 : vector<64x1xf32>
    %log3A_2330 = math.log %broadcast_in_dim3A_2326 : vector<64x1xf32>
    %get3A_2331 = arith.constant 0 : index
    %get3A_2332 = arith.constant 77 : index
    %get3A_2333 = arith.constant 0 : index
    %get3A_2334 = vector.load %arg14[%get3A_2331, %get3A_2332, %get3A_2333] : memref<64x128x48xf32, #tpu.memory_space<vmem>>, vector<64x1x48xf32>
    %get3A_2335 = vector.shape_cast %get3A_2334 : vector<64x1x48xf32> to vector<64x48xf32>
    %get3A_2336 = arith.constant 0 : index
    %get3A_2337 = arith.constant 0 : index
    %get3A_2338 = arith.constant 77 : index
    %get3A_2339 = vector.load %arg2[%get3A_2336, %get3A_2337, %get3A_2338] : memref<1x64x128xi32, #tpu.memory_space<vmem>>, vector<1x64x1xi32>
    %get3A_2340 = vector.shape_cast %get3A_2339 : vector<1x64x1xi32> to vector<64x1xi32>
    %eq3A_2341 = vector.broadcast %get3A_2340 : vector<64x1xi32> to vector<64x48xi32>
    %eq3A_2342 = arith.cmpi eq, %iota3A, %eq3A_2341 : vector<64x48xi32>
    %jit3A_2343 = arith.constant 0.000000e+00 : f32
    %broadcast_in_dim3A_2344 = vector.broadcast %jit3A_2343 : f32 to vector<64x48xf32>
    %select_n3A_2345 = arith.select %eq3A_2342, %get3A_2335, %broadcast_in_dim3A_2344 : vector<64x48xi1>, vector<64x48xf32>
    %add3A_2346 = arith.addf %add3A_2316, %select_n3A_2345 : vector<64x48xf32>
    %exp3A_2347 = math.exp %get3A_2335 : vector<64x48xf32>
    %mul3A_2348 = vector.broadcast %div3A_2329 : vector<64x1xf32> to vector<64x48xf32>
    %mul3A_2349 = arith.mulf %exp3A_2347, %mul3A_2348 : vector<64x48xf32>
    %dot_general3A_2350 = arith.constant dense<0.000000e+00> : vector<64x48xf32>
    %dot_general3A_2351 = tpu.matmul %mul3A_2322, %get3A_10, %dot_general3A_2350 {dimension_numbers = #tpu.dot_dimension_numbers<[1], [0], [0], [1], [0, 0, 1, 1], [], []>, transpose_lhs_hint = false} : vector<64x48xf32>, vector<48x48xf32>, vector<64x48xf32> -> vector<64x48xf32>
    %mul3A_2352 = arith.mulf %dot_general3A_2351, %mul3A_2349 : vector<64x48xf32>
    %add3A_2353 = arith.addf %add3A_2323, %log3A_2330 : vector<64x1xf32>
    %reduce_sum3A_2354 = arith.constant dense<0.000000e+00> : vector<64xf32>
    %reduce_sum3A_2355 = vector.multi_reduction <add>, %mul3A_2352, %reduce_sum3A_2354 [1] : vector<64x48xf32> to vector<64xf32>
    %broadcast_in_dim3A_2356 = vector.shape_cast %reduce_sum3A_2355 : vector<64xf32> to vector<64x1xf32>
    %div3A_2357 = arith.constant 1.000000e+00 : f32
    %div3A_2358 = vector.broadcast %div3A_2357 : f32 to vector<64x1xf32>
    %div3A_2359 = arith.divf %div3A_2358, %broadcast_in_dim3A_2356 : vector<64x1xf32>
    %log3A_2360 = math.log %broadcast_in_dim3A_2356 : vector<64x1xf32>
    %get3A_2361 = arith.constant 0 : index
    %get3A_2362 = arith.constant 78 : index
    %get3A_2363 = arith.constant 0 : index
    %get3A_2364 = vector.load %arg14[%get3A_2361, %get3A_2362, %get3A_2363] : memref<64x128x48xf32, #tpu.memory_space<vmem>>, vector<64x1x48xf32>
    %get3A_2365 = vector.shape_cast %get3A_2364 : vector<64x1x48xf32> to vector<64x48xf32>
    %get3A_2366 = arith.constant 0 : index
    %get3A_2367 = arith.constant 0 : index
    %get3A_2368 = arith.constant 78 : index
    %get3A_2369 = vector.load %arg2[%get3A_2366, %get3A_2367, %get3A_2368] : memref<1x64x128xi32, #tpu.memory_space<vmem>>, vector<1x64x1xi32>
    %get3A_2370 = vector.shape_cast %get3A_2369 : vector<1x64x1xi32> to vector<64x1xi32>
    %eq3A_2371 = vector.broadcast %get3A_2370 : vector<64x1xi32> to vector<64x48xi32>
    %eq3A_2372 = arith.cmpi eq, %iota3A, %eq3A_2371 : vector<64x48xi32>
    %jit3A_2373 = arith.constant 0.000000e+00 : f32
    %broadcast_in_dim3A_2374 = vector.broadcast %jit3A_2373 : f32 to vector<64x48xf32>
    %select_n3A_2375 = arith.select %eq3A_2372, %get3A_2365, %broadcast_in_dim3A_2374 : vector<64x48xi1>, vector<64x48xf32>
    %add3A_2376 = arith.addf %add3A_2346, %select_n3A_2375 : vector<64x48xf32>
    %exp3A_2377 = math.exp %get3A_2365 : vector<64x48xf32>
    %mul3A_2378 = vector.broadcast %div3A_2359 : vector<64x1xf32> to vector<64x48xf32>
    %mul3A_2379 = arith.mulf %exp3A_2377, %mul3A_2378 : vector<64x48xf32>
    %dot_general3A_2380 = arith.constant dense<0.000000e+00> : vector<64x48xf32>
    %dot_general3A_2381 = tpu.matmul %mul3A_2352, %get3A_10, %dot_general3A_2380 {dimension_numbers = #tpu.dot_dimension_numbers<[1], [0], [0], [1], [0, 0, 1, 1], [], []>, transpose_lhs_hint = false} : vector<64x48xf32>, vector<48x48xf32>, vector<64x48xf32> -> vector<64x48xf32>
    %mul3A_2382 = arith.mulf %dot_general3A_2381, %mul3A_2379 : vector<64x48xf32>
    %add3A_2383 = arith.addf %add3A_2353, %log3A_2360 : vector<64x1xf32>
    %reduce_sum3A_2384 = arith.constant dense<0.000000e+00> : vector<64xf32>
    %reduce_sum3A_2385 = vector.multi_reduction <add>, %mul3A_2382, %reduce_sum3A_2384 [1] : vector<64x48xf32> to vector<64xf32>
    %broadcast_in_dim3A_2386 = vector.shape_cast %reduce_sum3A_2385 : vector<64xf32> to vector<64x1xf32>
    %div3A_2387 = arith.constant 1.000000e+00 : f32
    %div3A_2388 = vector.broadcast %div3A_2387 : f32 to vector<64x1xf32>
    %div3A_2389 = arith.divf %div3A_2388, %broadcast_in_dim3A_2386 : vector<64x1xf32>
    %log3A_2390 = math.log %broadcast_in_dim3A_2386 : vector<64x1xf32>
    %get3A_2391 = arith.constant 0 : index
    %get3A_2392 = arith.constant 79 : index
    %get3A_2393 = arith.constant 0 : index
    %get3A_2394 = vector.load %arg14[%get3A_2391, %get3A_2392, %get3A_2393] : memref<64x128x48xf32, #tpu.memory_space<vmem>>, vector<64x1x48xf32>
    %get3A_2395 = vector.shape_cast %get3A_2394 : vector<64x1x48xf32> to vector<64x48xf32>
    %get3A_2396 = arith.constant 0 : index
    %get3A_2397 = arith.constant 0 : index
    %get3A_2398 = arith.constant 79 : index
    %get3A_2399 = vector.load %arg2[%get3A_2396, %get3A_2397, %get3A_2398] : memref<1x64x128xi32, #tpu.memory_space<vmem>>, vector<1x64x1xi32>
    %get3A_2400 = vector.shape_cast %get3A_2399 : vector<1x64x1xi32> to vector<64x1xi32>
    %eq3A_2401 = vector.broadcast %get3A_2400 : vector<64x1xi32> to vector<64x48xi32>
    %eq3A_2402 = arith.cmpi eq, %iota3A, %eq3A_2401 : vector<64x48xi32>
    %jit3A_2403 = arith.constant 0.000000e+00 : f32
    %broadcast_in_dim3A_2404 = vector.broadcast %jit3A_2403 : f32 to vector<64x48xf32>
    %select_n3A_2405 = arith.select %eq3A_2402, %get3A_2395, %broadcast_in_dim3A_2404 : vector<64x48xi1>, vector<64x48xf32>
    %add3A_2406 = arith.addf %add3A_2376, %select_n3A_2405 : vector<64x48xf32>
    %exp3A_2407 = math.exp %get3A_2395 : vector<64x48xf32>
    %mul3A_2408 = vector.broadcast %div3A_2389 : vector<64x1xf32> to vector<64x48xf32>
    %mul3A_2409 = arith.mulf %exp3A_2407, %mul3A_2408 : vector<64x48xf32>
    %dot_general3A_2410 = arith.constant dense<0.000000e+00> : vector<64x48xf32>
    %dot_general3A_2411 = tpu.matmul %mul3A_2382, %get3A_10, %dot_general3A_2410 {dimension_numbers = #tpu.dot_dimension_numbers<[1], [0], [0], [1], [0, 0, 1, 1], [], []>, transpose_lhs_hint = false} : vector<64x48xf32>, vector<48x48xf32>, vector<64x48xf32> -> vector<64x48xf32>
    %mul3A_2412 = arith.mulf %dot_general3A_2411, %mul3A_2409 : vector<64x48xf32>
    %add3A_2413 = arith.addf %add3A_2383, %log3A_2390 : vector<64x1xf32>
    %reduce_sum3A_2414 = arith.constant dense<0.000000e+00> : vector<64xf32>
    %reduce_sum3A_2415 = vector.multi_reduction <add>, %mul3A_2412, %reduce_sum3A_2414 [1] : vector<64x48xf32> to vector<64xf32>
    %broadcast_in_dim3A_2416 = vector.shape_cast %reduce_sum3A_2415 : vector<64xf32> to vector<64x1xf32>
    %div3A_2417 = arith.constant 1.000000e+00 : f32
    %div3A_2418 = vector.broadcast %div3A_2417 : f32 to vector<64x1xf32>
    %div3A_2419 = arith.divf %div3A_2418, %broadcast_in_dim3A_2416 : vector<64x1xf32>
    %log3A_2420 = math.log %broadcast_in_dim3A_2416 : vector<64x1xf32>
    %get3A_2421 = arith.constant 0 : index
    %get3A_2422 = arith.constant 80 : index
    %get3A_2423 = arith.constant 0 : index
    %get3A_2424 = vector.load %arg14[%get3A_2421, %get3A_2422, %get3A_2423] : memref<64x128x48xf32, #tpu.memory_space<vmem>>, vector<64x1x48xf32>
    %get3A_2425 = vector.shape_cast %get3A_2424 : vector<64x1x48xf32> to vector<64x48xf32>
    %get3A_2426 = arith.constant 0 : index
    %get3A_2427 = arith.constant 0 : index
    %get3A_2428 = arith.constant 80 : index
    %get3A_2429 = vector.load %arg2[%get3A_2426, %get3A_2427, %get3A_2428] : memref<1x64x128xi32, #tpu.memory_space<vmem>>, vector<1x64x1xi32>
    %get3A_2430 = vector.shape_cast %get3A_2429 : vector<1x64x1xi32> to vector<64x1xi32>
    %eq3A_2431 = vector.broadcast %get3A_2430 : vector<64x1xi32> to vector<64x48xi32>
    %eq3A_2432 = arith.cmpi eq, %iota3A, %eq3A_2431 : vector<64x48xi32>
    %jit3A_2433 = arith.constant 0.000000e+00 : f32
    %broadcast_in_dim3A_2434 = vector.broadcast %jit3A_2433 : f32 to vector<64x48xf32>
    %select_n3A_2435 = arith.select %eq3A_2432, %get3A_2425, %broadcast_in_dim3A_2434 : vector<64x48xi1>, vector<64x48xf32>
    %add3A_2436 = arith.addf %add3A_2406, %select_n3A_2435 : vector<64x48xf32>
    %exp3A_2437 = math.exp %get3A_2425 : vector<64x48xf32>
    %mul3A_2438 = vector.broadcast %div3A_2419 : vector<64x1xf32> to vector<64x48xf32>
    %mul3A_2439 = arith.mulf %exp3A_2437, %mul3A_2438 : vector<64x48xf32>
    %dot_general3A_2440 = arith.constant dense<0.000000e+00> : vector<64x48xf32>
    %dot_general3A_2441 = tpu.matmul %mul3A_2412, %get3A_10, %dot_general3A_2440 {dimension_numbers = #tpu.dot_dimension_numbers<[1], [0], [0], [1], [0, 0, 1, 1], [], []>, transpose_lhs_hint = false} : vector<64x48xf32>, vector<48x48xf32>, vector<64x48xf32> -> vector<64x48xf32>
    %mul3A_2442 = arith.mulf %dot_general3A_2441, %mul3A_2439 : vector<64x48xf32>
    %add3A_2443 = arith.addf %add3A_2413, %log3A_2420 : vector<64x1xf32>
    %reduce_sum3A_2444 = arith.constant dense<0.000000e+00> : vector<64xf32>
    %reduce_sum3A_2445 = vector.multi_reduction <add>, %mul3A_2442, %reduce_sum3A_2444 [1] : vector<64x48xf32> to vector<64xf32>
    %broadcast_in_dim3A_2446 = vector.shape_cast %reduce_sum3A_2445 : vector<64xf32> to vector<64x1xf32>
    %div3A_2447 = arith.constant 1.000000e+00 : f32
    %div3A_2448 = vector.broadcast %div3A_2447 : f32 to vector<64x1xf32>
    %div3A_2449 = arith.divf %div3A_2448, %broadcast_in_dim3A_2446 : vector<64x1xf32>
    %log3A_2450 = math.log %broadcast_in_dim3A_2446 : vector<64x1xf32>
    %get3A_2451 = arith.constant 0 : index
    %get3A_2452 = arith.constant 81 : index
    %get3A_2453 = arith.constant 0 : index
    %get3A_2454 = vector.load %arg14[%get3A_2451, %get3A_2452, %get3A_2453] : memref<64x128x48xf32, #tpu.memory_space<vmem>>, vector<64x1x48xf32>
    %get3A_2455 = vector.shape_cast %get3A_2454 : vector<64x1x48xf32> to vector<64x48xf32>
    %get3A_2456 = arith.constant 0 : index
    %get3A_2457 = arith.constant 0 : index
    %get3A_2458 = arith.constant 81 : index
    %get3A_2459 = vector.load %arg2[%get3A_2456, %get3A_2457, %get3A_2458] : memref<1x64x128xi32, #tpu.memory_space<vmem>>, vector<1x64x1xi32>
    %get3A_2460 = vector.shape_cast %get3A_2459 : vector<1x64x1xi32> to vector<64x1xi32>
    %eq3A_2461 = vector.broadcast %get3A_2460 : vector<64x1xi32> to vector<64x48xi32>
    %eq3A_2462 = arith.cmpi eq, %iota3A, %eq3A_2461 : vector<64x48xi32>
    %jit3A_2463 = arith.constant 0.000000e+00 : f32
    %broadcast_in_dim3A_2464 = vector.broadcast %jit3A_2463 : f32 to vector<64x48xf32>
    %select_n3A_2465 = arith.select %eq3A_2462, %get3A_2455, %broadcast_in_dim3A_2464 : vector<64x48xi1>, vector<64x48xf32>
    %add3A_2466 = arith.addf %add3A_2436, %select_n3A_2465 : vector<64x48xf32>
    %exp3A_2467 = math.exp %get3A_2455 : vector<64x48xf32>
    %mul3A_2468 = vector.broadcast %div3A_2449 : vector<64x1xf32> to vector<64x48xf32>
    %mul3A_2469 = arith.mulf %exp3A_2467, %mul3A_2468 : vector<64x48xf32>
    %dot_general3A_2470 = arith.constant dense<0.000000e+00> : vector<64x48xf32>
    %dot_general3A_2471 = tpu.matmul %mul3A_2442, %get3A_10, %dot_general3A_2470 {dimension_numbers = #tpu.dot_dimension_numbers<[1], [0], [0], [1], [0, 0, 1, 1], [], []>, transpose_lhs_hint = false} : vector<64x48xf32>, vector<48x48xf32>, vector<64x48xf32> -> vector<64x48xf32>
    %mul3A_2472 = arith.mulf %dot_general3A_2471, %mul3A_2469 : vector<64x48xf32>
    %add3A_2473 = arith.addf %add3A_2443, %log3A_2450 : vector<64x1xf32>
    %reduce_sum3A_2474 = arith.constant dense<0.000000e+00> : vector<64xf32>
    %reduce_sum3A_2475 = vector.multi_reduction <add>, %mul3A_2472, %reduce_sum3A_2474 [1] : vector<64x48xf32> to vector<64xf32>
    %broadcast_in_dim3A_2476 = vector.shape_cast %reduce_sum3A_2475 : vector<64xf32> to vector<64x1xf32>
    %div3A_2477 = arith.constant 1.000000e+00 : f32
    %div3A_2478 = vector.broadcast %div3A_2477 : f32 to vector<64x1xf32>
    %div3A_2479 = arith.divf %div3A_2478, %broadcast_in_dim3A_2476 : vector<64x1xf32>
    %log3A_2480 = math.log %broadcast_in_dim3A_2476 : vector<64x1xf32>
    %get3A_2481 = arith.constant 0 : index
    %get3A_2482 = arith.constant 82 : index
    %get3A_2483 = arith.constant 0 : index
    %get3A_2484 = vector.load %arg14[%get3A_2481, %get3A_2482, %get3A_2483] : memref<64x128x48xf32, #tpu.memory_space<vmem>>, vector<64x1x48xf32>
    %get3A_2485 = vector.shape_cast %get3A_2484 : vector<64x1x48xf32> to vector<64x48xf32>
    %get3A_2486 = arith.constant 0 : index
    %get3A_2487 = arith.constant 0 : index
    %get3A_2488 = arith.constant 82 : index
    %get3A_2489 = vector.load %arg2[%get3A_2486, %get3A_2487, %get3A_2488] : memref<1x64x128xi32, #tpu.memory_space<vmem>>, vector<1x64x1xi32>
    %get3A_2490 = vector.shape_cast %get3A_2489 : vector<1x64x1xi32> to vector<64x1xi32>
    %eq3A_2491 = vector.broadcast %get3A_2490 : vector<64x1xi32> to vector<64x48xi32>
    %eq3A_2492 = arith.cmpi eq, %iota3A, %eq3A_2491 : vector<64x48xi32>
    %jit3A_2493 = arith.constant 0.000000e+00 : f32
    %broadcast_in_dim3A_2494 = vector.broadcast %jit3A_2493 : f32 to vector<64x48xf32>
    %select_n3A_2495 = arith.select %eq3A_2492, %get3A_2485, %broadcast_in_dim3A_2494 : vector<64x48xi1>, vector<64x48xf32>
    %add3A_2496 = arith.addf %add3A_2466, %select_n3A_2495 : vector<64x48xf32>
    %exp3A_2497 = math.exp %get3A_2485 : vector<64x48xf32>
    %mul3A_2498 = vector.broadcast %div3A_2479 : vector<64x1xf32> to vector<64x48xf32>
    %mul3A_2499 = arith.mulf %exp3A_2497, %mul3A_2498 : vector<64x48xf32>
    %dot_general3A_2500 = arith.constant dense<0.000000e+00> : vector<64x48xf32>
    %dot_general3A_2501 = tpu.matmul %mul3A_2472, %get3A_10, %dot_general3A_2500 {dimension_numbers = #tpu.dot_dimension_numbers<[1], [0], [0], [1], [0, 0, 1, 1], [], []>, transpose_lhs_hint = false} : vector<64x48xf32>, vector<48x48xf32>, vector<64x48xf32> -> vector<64x48xf32>
    %mul3A_2502 = arith.mulf %dot_general3A_2501, %mul3A_2499 : vector<64x48xf32>
    %add3A_2503 = arith.addf %add3A_2473, %log3A_2480 : vector<64x1xf32>
    %reduce_sum3A_2504 = arith.constant dense<0.000000e+00> : vector<64xf32>
    %reduce_sum3A_2505 = vector.multi_reduction <add>, %mul3A_2502, %reduce_sum3A_2504 [1] : vector<64x48xf32> to vector<64xf32>
    %broadcast_in_dim3A_2506 = vector.shape_cast %reduce_sum3A_2505 : vector<64xf32> to vector<64x1xf32>
    %div3A_2507 = arith.constant 1.000000e+00 : f32
    %div3A_2508 = vector.broadcast %div3A_2507 : f32 to vector<64x1xf32>
    %div3A_2509 = arith.divf %div3A_2508, %broadcast_in_dim3A_2506 : vector<64x1xf32>
    %log3A_2510 = math.log %broadcast_in_dim3A_2506 : vector<64x1xf32>
    %get3A_2511 = arith.constant 0 : index
    %get3A_2512 = arith.constant 83 : index
    %get3A_2513 = arith.constant 0 : index
    %get3A_2514 = vector.load %arg14[%get3A_2511, %get3A_2512, %get3A_2513] : memref<64x128x48xf32, #tpu.memory_space<vmem>>, vector<64x1x48xf32>
    %get3A_2515 = vector.shape_cast %get3A_2514 : vector<64x1x48xf32> to vector<64x48xf32>
    %get3A_2516 = arith.constant 0 : index
    %get3A_2517 = arith.constant 0 : index
    %get3A_2518 = arith.constant 83 : index
    %get3A_2519 = vector.load %arg2[%get3A_2516, %get3A_2517, %get3A_2518] : memref<1x64x128xi32, #tpu.memory_space<vmem>>, vector<1x64x1xi32>
    %get3A_2520 = vector.shape_cast %get3A_2519 : vector<1x64x1xi32> to vector<64x1xi32>
    %eq3A_2521 = vector.broadcast %get3A_2520 : vector<64x1xi32> to vector<64x48xi32>
    %eq3A_2522 = arith.cmpi eq, %iota3A, %eq3A_2521 : vector<64x48xi32>
    %jit3A_2523 = arith.constant 0.000000e+00 : f32
    %broadcast_in_dim3A_2524 = vector.broadcast %jit3A_2523 : f32 to vector<64x48xf32>
    %select_n3A_2525 = arith.select %eq3A_2522, %get3A_2515, %broadcast_in_dim3A_2524 : vector<64x48xi1>, vector<64x48xf32>
    %add3A_2526 = arith.addf %add3A_2496, %select_n3A_2525 : vector<64x48xf32>
    %exp3A_2527 = math.exp %get3A_2515 : vector<64x48xf32>
    %mul3A_2528 = vector.broadcast %div3A_2509 : vector<64x1xf32> to vector<64x48xf32>
    %mul3A_2529 = arith.mulf %exp3A_2527, %mul3A_2528 : vector<64x48xf32>
    %dot_general3A_2530 = arith.constant dense<0.000000e+00> : vector<64x48xf32>
    %dot_general3A_2531 = tpu.matmul %mul3A_2502, %get3A_10, %dot_general3A_2530 {dimension_numbers = #tpu.dot_dimension_numbers<[1], [0], [0], [1], [0, 0, 1, 1], [], []>, transpose_lhs_hint = false} : vector<64x48xf32>, vector<48x48xf32>, vector<64x48xf32> -> vector<64x48xf32>
    %mul3A_2532 = arith.mulf %dot_general3A_2531, %mul3A_2529 : vector<64x48xf32>
    %add3A_2533 = arith.addf %add3A_2503, %log3A_2510 : vector<64x1xf32>
    %reduce_sum3A_2534 = arith.constant dense<0.000000e+00> : vector<64xf32>
    %reduce_sum3A_2535 = vector.multi_reduction <add>, %mul3A_2532, %reduce_sum3A_2534 [1] : vector<64x48xf32> to vector<64xf32>
    %broadcast_in_dim3A_2536 = vector.shape_cast %reduce_sum3A_2535 : vector<64xf32> to vector<64x1xf32>
    %div3A_2537 = arith.constant 1.000000e+00 : f32
    %div3A_2538 = vector.broadcast %div3A_2537 : f32 to vector<64x1xf32>
    %div3A_2539 = arith.divf %div3A_2538, %broadcast_in_dim3A_2536 : vector<64x1xf32>
    %log3A_2540 = math.log %broadcast_in_dim3A_2536 : vector<64x1xf32>
    %get3A_2541 = arith.constant 0 : index
    %get3A_2542 = arith.constant 84 : index
    %get3A_2543 = arith.constant 0 : index
    %get3A_2544 = vector.load %arg14[%get3A_2541, %get3A_2542, %get3A_2543] : memref<64x128x48xf32, #tpu.memory_space<vmem>>, vector<64x1x48xf32>
    %get3A_2545 = vector.shape_cast %get3A_2544 : vector<64x1x48xf32> to vector<64x48xf32>
    %get3A_2546 = arith.constant 0 : index
    %get3A_2547 = arith.constant 0 : index
    %get3A_2548 = arith.constant 84 : index
    %get3A_2549 = vector.load %arg2[%get3A_2546, %get3A_2547, %get3A_2548] : memref<1x64x128xi32, #tpu.memory_space<vmem>>, vector<1x64x1xi32>
    %get3A_2550 = vector.shape_cast %get3A_2549 : vector<1x64x1xi32> to vector<64x1xi32>
    %eq3A_2551 = vector.broadcast %get3A_2550 : vector<64x1xi32> to vector<64x48xi32>
    %eq3A_2552 = arith.cmpi eq, %iota3A, %eq3A_2551 : vector<64x48xi32>
    %jit3A_2553 = arith.constant 0.000000e+00 : f32
    %broadcast_in_dim3A_2554 = vector.broadcast %jit3A_2553 : f32 to vector<64x48xf32>
    %select_n3A_2555 = arith.select %eq3A_2552, %get3A_2545, %broadcast_in_dim3A_2554 : vector<64x48xi1>, vector<64x48xf32>
    %add3A_2556 = arith.addf %add3A_2526, %select_n3A_2555 : vector<64x48xf32>
    %exp3A_2557 = math.exp %get3A_2545 : vector<64x48xf32>
    %mul3A_2558 = vector.broadcast %div3A_2539 : vector<64x1xf32> to vector<64x48xf32>
    %mul3A_2559 = arith.mulf %exp3A_2557, %mul3A_2558 : vector<64x48xf32>
    %dot_general3A_2560 = arith.constant dense<0.000000e+00> : vector<64x48xf32>
    %dot_general3A_2561 = tpu.matmul %mul3A_2532, %get3A_10, %dot_general3A_2560 {dimension_numbers = #tpu.dot_dimension_numbers<[1], [0], [0], [1], [0, 0, 1, 1], [], []>, transpose_lhs_hint = false} : vector<64x48xf32>, vector<48x48xf32>, vector<64x48xf32> -> vector<64x48xf32>
    %mul3A_2562 = arith.mulf %dot_general3A_2561, %mul3A_2559 : vector<64x48xf32>
    %add3A_2563 = arith.addf %add3A_2533, %log3A_2540 : vector<64x1xf32>
    %reduce_sum3A_2564 = arith.constant dense<0.000000e+00> : vector<64xf32>
    %reduce_sum3A_2565 = vector.multi_reduction <add>, %mul3A_2562, %reduce_sum3A_2564 [1] : vector<64x48xf32> to vector<64xf32>
    %broadcast_in_dim3A_2566 = vector.shape_cast %reduce_sum3A_2565 : vector<64xf32> to vector<64x1xf32>
    %div3A_2567 = arith.constant 1.000000e+00 : f32
    %div3A_2568 = vector.broadcast %div3A_2567 : f32 to vector<64x1xf32>
    %div3A_2569 = arith.divf %div3A_2568, %broadcast_in_dim3A_2566 : vector<64x1xf32>
    %log3A_2570 = math.log %broadcast_in_dim3A_2566 : vector<64x1xf32>
    %get3A_2571 = arith.constant 0 : index
    %get3A_2572 = arith.constant 85 : index
    %get3A_2573 = arith.constant 0 : index
    %get3A_2574 = vector.load %arg14[%get3A_2571, %get3A_2572, %get3A_2573] : memref<64x128x48xf32, #tpu.memory_space<vmem>>, vector<64x1x48xf32>
    %get3A_2575 = vector.shape_cast %get3A_2574 : vector<64x1x48xf32> to vector<64x48xf32>
    %get3A_2576 = arith.constant 0 : index
    %get3A_2577 = arith.constant 0 : index
    %get3A_2578 = arith.constant 85 : index
    %get3A_2579 = vector.load %arg2[%get3A_2576, %get3A_2577, %get3A_2578] : memref<1x64x128xi32, #tpu.memory_space<vmem>>, vector<1x64x1xi32>
    %get3A_2580 = vector.shape_cast %get3A_2579 : vector<1x64x1xi32> to vector<64x1xi32>
    %eq3A_2581 = vector.broadcast %get3A_2580 : vector<64x1xi32> to vector<64x48xi32>
    %eq3A_2582 = arith.cmpi eq, %iota3A, %eq3A_2581 : vector<64x48xi32>
    %jit3A_2583 = arith.constant 0.000000e+00 : f32
    %broadcast_in_dim3A_2584 = vector.broadcast %jit3A_2583 : f32 to vector<64x48xf32>
    %select_n3A_2585 = arith.select %eq3A_2582, %get3A_2575, %broadcast_in_dim3A_2584 : vector<64x48xi1>, vector<64x48xf32>
    %add3A_2586 = arith.addf %add3A_2556, %select_n3A_2585 : vector<64x48xf32>
    %exp3A_2587 = math.exp %get3A_2575 : vector<64x48xf32>
    %mul3A_2588 = vector.broadcast %div3A_2569 : vector<64x1xf32> to vector<64x48xf32>
    %mul3A_2589 = arith.mulf %exp3A_2587, %mul3A_2588 : vector<64x48xf32>
    %dot_general3A_2590 = arith.constant dense<0.000000e+00> : vector<64x48xf32>
    %dot_general3A_2591 = tpu.matmul %mul3A_2562, %get3A_10, %dot_general3A_2590 {dimension_numbers = #tpu.dot_dimension_numbers<[1], [0], [0], [1], [0, 0, 1, 1], [], []>, transpose_lhs_hint = false} : vector<64x48xf32>, vector<48x48xf32>, vector<64x48xf32> -> vector<64x48xf32>
    %mul3A_2592 = arith.mulf %dot_general3A_2591, %mul3A_2589 : vector<64x48xf32>
    %add3A_2593 = arith.addf %add3A_2563, %log3A_2570 : vector<64x1xf32>
    %reduce_sum3A_2594 = arith.constant dense<0.000000e+00> : vector<64xf32>
    %reduce_sum3A_2595 = vector.multi_reduction <add>, %mul3A_2592, %reduce_sum3A_2594 [1] : vector<64x48xf32> to vector<64xf32>
    %broadcast_in_dim3A_2596 = vector.shape_cast %reduce_sum3A_2595 : vector<64xf32> to vector<64x1xf32>
    %div3A_2597 = arith.constant 1.000000e+00 : f32
    %div3A_2598 = vector.broadcast %div3A_2597 : f32 to vector<64x1xf32>
    %div3A_2599 = arith.divf %div3A_2598, %broadcast_in_dim3A_2596 : vector<64x1xf32>
    %log3A_2600 = math.log %broadcast_in_dim3A_2596 : vector<64x1xf32>
    %get3A_2601 = arith.constant 0 : index
    %get3A_2602 = arith.constant 86 : index
    %get3A_2603 = arith.constant 0 : index
    %get3A_2604 = vector.load %arg14[%get3A_2601, %get3A_2602, %get3A_2603] : memref<64x128x48xf32, #tpu.memory_space<vmem>>, vector<64x1x48xf32>
    %get3A_2605 = vector.shape_cast %get3A_2604 : vector<64x1x48xf32> to vector<64x48xf32>
    %get3A_2606 = arith.constant 0 : index
    %get3A_2607 = arith.constant 0 : index
    %get3A_2608 = arith.constant 86 : index
    %get3A_2609 = vector.load %arg2[%get3A_2606, %get3A_2607, %get3A_2608] : memref<1x64x128xi32, #tpu.memory_space<vmem>>, vector<1x64x1xi32>
    %get3A_2610 = vector.shape_cast %get3A_2609 : vector<1x64x1xi32> to vector<64x1xi32>
    %eq3A_2611 = vector.broadcast %get3A_2610 : vector<64x1xi32> to vector<64x48xi32>
    %eq3A_2612 = arith.cmpi eq, %iota3A, %eq3A_2611 : vector<64x48xi32>
    %jit3A_2613 = arith.constant 0.000000e+00 : f32
    %broadcast_in_dim3A_2614 = vector.broadcast %jit3A_2613 : f32 to vector<64x48xf32>
    %select_n3A_2615 = arith.select %eq3A_2612, %get3A_2605, %broadcast_in_dim3A_2614 : vector<64x48xi1>, vector<64x48xf32>
    %add3A_2616 = arith.addf %add3A_2586, %select_n3A_2615 : vector<64x48xf32>
    %exp3A_2617 = math.exp %get3A_2605 : vector<64x48xf32>
    %mul3A_2618 = vector.broadcast %div3A_2599 : vector<64x1xf32> to vector<64x48xf32>
    %mul3A_2619 = arith.mulf %exp3A_2617, %mul3A_2618 : vector<64x48xf32>
    %dot_general3A_2620 = arith.constant dense<0.000000e+00> : vector<64x48xf32>
    %dot_general3A_2621 = tpu.matmul %mul3A_2592, %get3A_10, %dot_general3A_2620 {dimension_numbers = #tpu.dot_dimension_numbers<[1], [0], [0], [1], [0, 0, 1, 1], [], []>, transpose_lhs_hint = false} : vector<64x48xf32>, vector<48x48xf32>, vector<64x48xf32> -> vector<64x48xf32>
    %mul3A_2622 = arith.mulf %dot_general3A_2621, %mul3A_2619 : vector<64x48xf32>
    %add3A_2623 = arith.addf %add3A_2593, %log3A_2600 : vector<64x1xf32>
    %reduce_sum3A_2624 = arith.constant dense<0.000000e+00> : vector<64xf32>
    %reduce_sum3A_2625 = vector.multi_reduction <add>, %mul3A_2622, %reduce_sum3A_2624 [1] : vector<64x48xf32> to vector<64xf32>
    %broadcast_in_dim3A_2626 = vector.shape_cast %reduce_sum3A_2625 : vector<64xf32> to vector<64x1xf32>
    %div3A_2627 = arith.constant 1.000000e+00 : f32
    %div3A_2628 = vector.broadcast %div3A_2627 : f32 to vector<64x1xf32>
    %div3A_2629 = arith.divf %div3A_2628, %broadcast_in_dim3A_2626 : vector<64x1xf32>
    %log3A_2630 = math.log %broadcast_in_dim3A_2626 : vector<64x1xf32>
    %get3A_2631 = arith.constant 0 : index
    %get3A_2632 = arith.constant 87 : index
    %get3A_2633 = arith.constant 0 : index
    %get3A_2634 = vector.load %arg14[%get3A_2631, %get3A_2632, %get3A_2633] : memref<64x128x48xf32, #tpu.memory_space<vmem>>, vector<64x1x48xf32>
    %get3A_2635 = vector.shape_cast %get3A_2634 : vector<64x1x48xf32> to vector<64x48xf32>
    %get3A_2636 = arith.constant 0 : index
    %get3A_2637 = arith.constant 0 : index
    %get3A_2638 = arith.constant 87 : index
    %get3A_2639 = vector.load %arg2[%get3A_2636, %get3A_2637, %get3A_2638] : memref<1x64x128xi32, #tpu.memory_space<vmem>>, vector<1x64x1xi32>
    %get3A_2640 = vector.shape_cast %get3A_2639 : vector<1x64x1xi32> to vector<64x1xi32>
    %eq3A_2641 = vector.broadcast %get3A_2640 : vector<64x1xi32> to vector<64x48xi32>
    %eq3A_2642 = arith.cmpi eq, %iota3A, %eq3A_2641 : vector<64x48xi32>
    %jit3A_2643 = arith.constant 0.000000e+00 : f32
    %broadcast_in_dim3A_2644 = vector.broadcast %jit3A_2643 : f32 to vector<64x48xf32>
    %select_n3A_2645 = arith.select %eq3A_2642, %get3A_2635, %broadcast_in_dim3A_2644 : vector<64x48xi1>, vector<64x48xf32>
    %add3A_2646 = arith.addf %add3A_2616, %select_n3A_2645 : vector<64x48xf32>
    %exp3A_2647 = math.exp %get3A_2635 : vector<64x48xf32>
    %mul3A_2648 = vector.broadcast %div3A_2629 : vector<64x1xf32> to vector<64x48xf32>
    %mul3A_2649 = arith.mulf %exp3A_2647, %mul3A_2648 : vector<64x48xf32>
    %dot_general3A_2650 = arith.constant dense<0.000000e+00> : vector<64x48xf32>
    %dot_general3A_2651 = tpu.matmul %mul3A_2622, %get3A_10, %dot_general3A_2650 {dimension_numbers = #tpu.dot_dimension_numbers<[1], [0], [0], [1], [0, 0, 1, 1], [], []>, transpose_lhs_hint = false} : vector<64x48xf32>, vector<48x48xf32>, vector<64x48xf32> -> vector<64x48xf32>
    %mul3A_2652 = arith.mulf %dot_general3A_2651, %mul3A_2649 : vector<64x48xf32>
    %add3A_2653 = arith.addf %add3A_2623, %log3A_2630 : vector<64x1xf32>
    %reduce_sum3A_2654 = arith.constant dense<0.000000e+00> : vector<64xf32>
    %reduce_sum3A_2655 = vector.multi_reduction <add>, %mul3A_2652, %reduce_sum3A_2654 [1] : vector<64x48xf32> to vector<64xf32>
    %broadcast_in_dim3A_2656 = vector.shape_cast %reduce_sum3A_2655 : vector<64xf32> to vector<64x1xf32>
    %div3A_2657 = arith.constant 1.000000e+00 : f32
    %div3A_2658 = vector.broadcast %div3A_2657 : f32 to vector<64x1xf32>
    %div3A_2659 = arith.divf %div3A_2658, %broadcast_in_dim3A_2656 : vector<64x1xf32>
    %log3A_2660 = math.log %broadcast_in_dim3A_2656 : vector<64x1xf32>
    %get3A_2661 = arith.constant 0 : index
    %get3A_2662 = arith.constant 88 : index
    %get3A_2663 = arith.constant 0 : index
    %get3A_2664 = vector.load %arg14[%get3A_2661, %get3A_2662, %get3A_2663] : memref<64x128x48xf32, #tpu.memory_space<vmem>>, vector<64x1x48xf32>
    %get3A_2665 = vector.shape_cast %get3A_2664 : vector<64x1x48xf32> to vector<64x48xf32>
    %get3A_2666 = arith.constant 0 : index
    %get3A_2667 = arith.constant 0 : index
    %get3A_2668 = arith.constant 88 : index
    %get3A_2669 = vector.load %arg2[%get3A_2666, %get3A_2667, %get3A_2668] : memref<1x64x128xi32, #tpu.memory_space<vmem>>, vector<1x64x1xi32>
    %get3A_2670 = vector.shape_cast %get3A_2669 : vector<1x64x1xi32> to vector<64x1xi32>
    %eq3A_2671 = vector.broadcast %get3A_2670 : vector<64x1xi32> to vector<64x48xi32>
    %eq3A_2672 = arith.cmpi eq, %iota3A, %eq3A_2671 : vector<64x48xi32>
    %jit3A_2673 = arith.constant 0.000000e+00 : f32
    %broadcast_in_dim3A_2674 = vector.broadcast %jit3A_2673 : f32 to vector<64x48xf32>
    %select_n3A_2675 = arith.select %eq3A_2672, %get3A_2665, %broadcast_in_dim3A_2674 : vector<64x48xi1>, vector<64x48xf32>
    %add3A_2676 = arith.addf %add3A_2646, %select_n3A_2675 : vector<64x48xf32>
    %exp3A_2677 = math.exp %get3A_2665 : vector<64x48xf32>
    %mul3A_2678 = vector.broadcast %div3A_2659 : vector<64x1xf32> to vector<64x48xf32>
    %mul3A_2679 = arith.mulf %exp3A_2677, %mul3A_2678 : vector<64x48xf32>
    %dot_general3A_2680 = arith.constant dense<0.000000e+00> : vector<64x48xf32>
    %dot_general3A_2681 = tpu.matmul %mul3A_2652, %get3A_10, %dot_general3A_2680 {dimension_numbers = #tpu.dot_dimension_numbers<[1], [0], [0], [1], [0, 0, 1, 1], [], []>, transpose_lhs_hint = false} : vector<64x48xf32>, vector<48x48xf32>, vector<64x48xf32> -> vector<64x48xf32>
    %mul3A_2682 = arith.mulf %dot_general3A_2681, %mul3A_2679 : vector<64x48xf32>
    %add3A_2683 = arith.addf %add3A_2653, %log3A_2660 : vector<64x1xf32>
    %reduce_sum3A_2684 = arith.constant dense<0.000000e+00> : vector<64xf32>
    %reduce_sum3A_2685 = vector.multi_reduction <add>, %mul3A_2682, %reduce_sum3A_2684 [1] : vector<64x48xf32> to vector<64xf32>
    %broadcast_in_dim3A_2686 = vector.shape_cast %reduce_sum3A_2685 : vector<64xf32> to vector<64x1xf32>
    %div3A_2687 = arith.constant 1.000000e+00 : f32
    %div3A_2688 = vector.broadcast %div3A_2687 : f32 to vector<64x1xf32>
    %div3A_2689 = arith.divf %div3A_2688, %broadcast_in_dim3A_2686 : vector<64x1xf32>
    %log3A_2690 = math.log %broadcast_in_dim3A_2686 : vector<64x1xf32>
    %get3A_2691 = arith.constant 0 : index
    %get3A_2692 = arith.constant 89 : index
    %get3A_2693 = arith.constant 0 : index
    %get3A_2694 = vector.load %arg14[%get3A_2691, %get3A_2692, %get3A_2693] : memref<64x128x48xf32, #tpu.memory_space<vmem>>, vector<64x1x48xf32>
    %get3A_2695 = vector.shape_cast %get3A_2694 : vector<64x1x48xf32> to vector<64x48xf32>
    %get3A_2696 = arith.constant 0 : index
    %get3A_2697 = arith.constant 0 : index
    %get3A_2698 = arith.constant 89 : index
    %get3A_2699 = vector.load %arg2[%get3A_2696, %get3A_2697, %get3A_2698] : memref<1x64x128xi32, #tpu.memory_space<vmem>>, vector<1x64x1xi32>
    %get3A_2700 = vector.shape_cast %get3A_2699 : vector<1x64x1xi32> to vector<64x1xi32>
    %eq3A_2701 = vector.broadcast %get3A_2700 : vector<64x1xi32> to vector<64x48xi32>
    %eq3A_2702 = arith.cmpi eq, %iota3A, %eq3A_2701 : vector<64x48xi32>
    %jit3A_2703 = arith.constant 0.000000e+00 : f32
    %broadcast_in_dim3A_2704 = vector.broadcast %jit3A_2703 : f32 to vector<64x48xf32>
    %select_n3A_2705 = arith.select %eq3A_2702, %get3A_2695, %broadcast_in_dim3A_2704 : vector<64x48xi1>, vector<64x48xf32>
    %add3A_2706 = arith.addf %add3A_2676, %select_n3A_2705 : vector<64x48xf32>
    %exp3A_2707 = math.exp %get3A_2695 : vector<64x48xf32>
    %mul3A_2708 = vector.broadcast %div3A_2689 : vector<64x1xf32> to vector<64x48xf32>
    %mul3A_2709 = arith.mulf %exp3A_2707, %mul3A_2708 : vector<64x48xf32>
    %dot_general3A_2710 = arith.constant dense<0.000000e+00> : vector<64x48xf32>
    %dot_general3A_2711 = tpu.matmul %mul3A_2682, %get3A_10, %dot_general3A_2710 {dimension_numbers = #tpu.dot_dimension_numbers<[1], [0], [0], [1], [0, 0, 1, 1], [], []>, transpose_lhs_hint = false} : vector<64x48xf32>, vector<48x48xf32>, vector<64x48xf32> -> vector<64x48xf32>
    %mul3A_2712 = arith.mulf %dot_general3A_2711, %mul3A_2709 : vector<64x48xf32>
    %add3A_2713 = arith.addf %add3A_2683, %log3A_2690 : vector<64x1xf32>
    %reduce_sum3A_2714 = arith.constant dense<0.000000e+00> : vector<64xf32>
    %reduce_sum3A_2715 = vector.multi_reduction <add>, %mul3A_2712, %reduce_sum3A_2714 [1] : vector<64x48xf32> to vector<64xf32>
    %broadcast_in_dim3A_2716 = vector.shape_cast %reduce_sum3A_2715 : vector<64xf32> to vector<64x1xf32>
    %div3A_2717 = arith.constant 1.000000e+00 : f32
    %div3A_2718 = vector.broadcast %div3A_2717 : f32 to vector<64x1xf32>
    %div3A_2719 = arith.divf %div3A_2718, %broadcast_in_dim3A_2716 : vector<64x1xf32>
    %log3A_2720 = math.log %broadcast_in_dim3A_2716 : vector<64x1xf32>
    %get3A_2721 = arith.constant 0 : index
    %get3A_2722 = arith.constant 90 : index
    %get3A_2723 = arith.constant 0 : index
    %get3A_2724 = vector.load %arg14[%get3A_2721, %get3A_2722, %get3A_2723] : memref<64x128x48xf32, #tpu.memory_space<vmem>>, vector<64x1x48xf32>
    %get3A_2725 = vector.shape_cast %get3A_2724 : vector<64x1x48xf32> to vector<64x48xf32>
    %get3A_2726 = arith.constant 0 : index
    %get3A_2727 = arith.constant 0 : index
    %get3A_2728 = arith.constant 90 : index
    %get3A_2729 = vector.load %arg2[%get3A_2726, %get3A_2727, %get3A_2728] : memref<1x64x128xi32, #tpu.memory_space<vmem>>, vector<1x64x1xi32>
    %get3A_2730 = vector.shape_cast %get3A_2729 : vector<1x64x1xi32> to vector<64x1xi32>
    %eq3A_2731 = vector.broadcast %get3A_2730 : vector<64x1xi32> to vector<64x48xi32>
    %eq3A_2732 = arith.cmpi eq, %iota3A, %eq3A_2731 : vector<64x48xi32>
    %jit3A_2733 = arith.constant 0.000000e+00 : f32
    %broadcast_in_dim3A_2734 = vector.broadcast %jit3A_2733 : f32 to vector<64x48xf32>
    %select_n3A_2735 = arith.select %eq3A_2732, %get3A_2725, %broadcast_in_dim3A_2734 : vector<64x48xi1>, vector<64x48xf32>
    %add3A_2736 = arith.addf %add3A_2706, %select_n3A_2735 : vector<64x48xf32>
    %exp3A_2737 = math.exp %get3A_2725 : vector<64x48xf32>
    %mul3A_2738 = vector.broadcast %div3A_2719 : vector<64x1xf32> to vector<64x48xf32>
    %mul3A_2739 = arith.mulf %exp3A_2737, %mul3A_2738 : vector<64x48xf32>
    %dot_general3A_2740 = arith.constant dense<0.000000e+00> : vector<64x48xf32>
    %dot_general3A_2741 = tpu.matmul %mul3A_2712, %get3A_10, %dot_general3A_2740 {dimension_numbers = #tpu.dot_dimension_numbers<[1], [0], [0], [1], [0, 0, 1, 1], [], []>, transpose_lhs_hint = false} : vector<64x48xf32>, vector<48x48xf32>, vector<64x48xf32> -> vector<64x48xf32>
    %mul3A_2742 = arith.mulf %dot_general3A_2741, %mul3A_2739 : vector<64x48xf32>
    %add3A_2743 = arith.addf %add3A_2713, %log3A_2720 : vector<64x1xf32>
    %reduce_sum3A_2744 = arith.constant dense<0.000000e+00> : vector<64xf32>
    %reduce_sum3A_2745 = vector.multi_reduction <add>, %mul3A_2742, %reduce_sum3A_2744 [1] : vector<64x48xf32> to vector<64xf32>
    %broadcast_in_dim3A_2746 = vector.shape_cast %reduce_sum3A_2745 : vector<64xf32> to vector<64x1xf32>
    %div3A_2747 = arith.constant 1.000000e+00 : f32
    %div3A_2748 = vector.broadcast %div3A_2747 : f32 to vector<64x1xf32>
    %div3A_2749 = arith.divf %div3A_2748, %broadcast_in_dim3A_2746 : vector<64x1xf32>
    %log3A_2750 = math.log %broadcast_in_dim3A_2746 : vector<64x1xf32>
    %get3A_2751 = arith.constant 0 : index
    %get3A_2752 = arith.constant 91 : index
    %get3A_2753 = arith.constant 0 : index
    %get3A_2754 = vector.load %arg14[%get3A_2751, %get3A_2752, %get3A_2753] : memref<64x128x48xf32, #tpu.memory_space<vmem>>, vector<64x1x48xf32>
    %get3A_2755 = vector.shape_cast %get3A_2754 : vector<64x1x48xf32> to vector<64x48xf32>
    %get3A_2756 = arith.constant 0 : index
    %get3A_2757 = arith.constant 0 : index
    %get3A_2758 = arith.constant 91 : index
    %get3A_2759 = vector.load %arg2[%get3A_2756, %get3A_2757, %get3A_2758] : memref<1x64x128xi32, #tpu.memory_space<vmem>>, vector<1x64x1xi32>
    %get3A_2760 = vector.shape_cast %get3A_2759 : vector<1x64x1xi32> to vector<64x1xi32>
    %eq3A_2761 = vector.broadcast %get3A_2760 : vector<64x1xi32> to vector<64x48xi32>
    %eq3A_2762 = arith.cmpi eq, %iota3A, %eq3A_2761 : vector<64x48xi32>
    %jit3A_2763 = arith.constant 0.000000e+00 : f32
    %broadcast_in_dim3A_2764 = vector.broadcast %jit3A_2763 : f32 to vector<64x48xf32>
    %select_n3A_2765 = arith.select %eq3A_2762, %get3A_2755, %broadcast_in_dim3A_2764 : vector<64x48xi1>, vector<64x48xf32>
    %add3A_2766 = arith.addf %add3A_2736, %select_n3A_2765 : vector<64x48xf32>
    %exp3A_2767 = math.exp %get3A_2755 : vector<64x48xf32>
    %mul3A_2768 = vector.broadcast %div3A_2749 : vector<64x1xf32> to vector<64x48xf32>
    %mul3A_2769 = arith.mulf %exp3A_2767, %mul3A_2768 : vector<64x48xf32>
    %dot_general3A_2770 = arith.constant dense<0.000000e+00> : vector<64x48xf32>
    %dot_general3A_2771 = tpu.matmul %mul3A_2742, %get3A_10, %dot_general3A_2770 {dimension_numbers = #tpu.dot_dimension_numbers<[1], [0], [0], [1], [0, 0, 1, 1], [], []>, transpose_lhs_hint = false} : vector<64x48xf32>, vector<48x48xf32>, vector<64x48xf32> -> vector<64x48xf32>
    %mul3A_2772 = arith.mulf %dot_general3A_2771, %mul3A_2769 : vector<64x48xf32>
    %add3A_2773 = arith.addf %add3A_2743, %log3A_2750 : vector<64x1xf32>
    %reduce_sum3A_2774 = arith.constant dense<0.000000e+00> : vector<64xf32>
    %reduce_sum3A_2775 = vector.multi_reduction <add>, %mul3A_2772, %reduce_sum3A_2774 [1] : vector<64x48xf32> to vector<64xf32>
    %broadcast_in_dim3A_2776 = vector.shape_cast %reduce_sum3A_2775 : vector<64xf32> to vector<64x1xf32>
    %div3A_2777 = arith.constant 1.000000e+00 : f32
    %div3A_2778 = vector.broadcast %div3A_2777 : f32 to vector<64x1xf32>
    %div3A_2779 = arith.divf %div3A_2778, %broadcast_in_dim3A_2776 : vector<64x1xf32>
    %log3A_2780 = math.log %broadcast_in_dim3A_2776 : vector<64x1xf32>
    %get3A_2781 = arith.constant 0 : index
    %get3A_2782 = arith.constant 92 : index
    %get3A_2783 = arith.constant 0 : index
    %get3A_2784 = vector.load %arg14[%get3A_2781, %get3A_2782, %get3A_2783] : memref<64x128x48xf32, #tpu.memory_space<vmem>>, vector<64x1x48xf32>
    %get3A_2785 = vector.shape_cast %get3A_2784 : vector<64x1x48xf32> to vector<64x48xf32>
    %get3A_2786 = arith.constant 0 : index
    %get3A_2787 = arith.constant 0 : index
    %get3A_2788 = arith.constant 92 : index
    %get3A_2789 = vector.load %arg2[%get3A_2786, %get3A_2787, %get3A_2788] : memref<1x64x128xi32, #tpu.memory_space<vmem>>, vector<1x64x1xi32>
    %get3A_2790 = vector.shape_cast %get3A_2789 : vector<1x64x1xi32> to vector<64x1xi32>
    %eq3A_2791 = vector.broadcast %get3A_2790 : vector<64x1xi32> to vector<64x48xi32>
    %eq3A_2792 = arith.cmpi eq, %iota3A, %eq3A_2791 : vector<64x48xi32>
    %jit3A_2793 = arith.constant 0.000000e+00 : f32
    %broadcast_in_dim3A_2794 = vector.broadcast %jit3A_2793 : f32 to vector<64x48xf32>
    %select_n3A_2795 = arith.select %eq3A_2792, %get3A_2785, %broadcast_in_dim3A_2794 : vector<64x48xi1>, vector<64x48xf32>
    %add3A_2796 = arith.addf %add3A_2766, %select_n3A_2795 : vector<64x48xf32>
    %exp3A_2797 = math.exp %get3A_2785 : vector<64x48xf32>
    %mul3A_2798 = vector.broadcast %div3A_2779 : vector<64x1xf32> to vector<64x48xf32>
    %mul3A_2799 = arith.mulf %exp3A_2797, %mul3A_2798 : vector<64x48xf32>
    %dot_general3A_2800 = arith.constant dense<0.000000e+00> : vector<64x48xf32>
    %dot_general3A_2801 = tpu.matmul %mul3A_2772, %get3A_10, %dot_general3A_2800 {dimension_numbers = #tpu.dot_dimension_numbers<[1], [0], [0], [1], [0, 0, 1, 1], [], []>, transpose_lhs_hint = false} : vector<64x48xf32>, vector<48x48xf32>, vector<64x48xf32> -> vector<64x48xf32>
    %mul3A_2802 = arith.mulf %dot_general3A_2801, %mul3A_2799 : vector<64x48xf32>
    %add3A_2803 = arith.addf %add3A_2773, %log3A_2780 : vector<64x1xf32>
    %reduce_sum3A_2804 = arith.constant dense<0.000000e+00> : vector<64xf32>
    %reduce_sum3A_2805 = vector.multi_reduction <add>, %mul3A_2802, %reduce_sum3A_2804 [1] : vector<64x48xf32> to vector<64xf32>
    %broadcast_in_dim3A_2806 = vector.shape_cast %reduce_sum3A_2805 : vector<64xf32> to vector<64x1xf32>
    %div3A_2807 = arith.constant 1.000000e+00 : f32
    %div3A_2808 = vector.broadcast %div3A_2807 : f32 to vector<64x1xf32>
    %div3A_2809 = arith.divf %div3A_2808, %broadcast_in_dim3A_2806 : vector<64x1xf32>
    %log3A_2810 = math.log %broadcast_in_dim3A_2806 : vector<64x1xf32>
    %get3A_2811 = arith.constant 0 : index
    %get3A_2812 = arith.constant 93 : index
    %get3A_2813 = arith.constant 0 : index
    %get3A_2814 = vector.load %arg14[%get3A_2811, %get3A_2812, %get3A_2813] : memref<64x128x48xf32, #tpu.memory_space<vmem>>, vector<64x1x48xf32>
    %get3A_2815 = vector.shape_cast %get3A_2814 : vector<64x1x48xf32> to vector<64x48xf32>
    %get3A_2816 = arith.constant 0 : index
    %get3A_2817 = arith.constant 0 : index
    %get3A_2818 = arith.constant 93 : index
    %get3A_2819 = vector.load %arg2[%get3A_2816, %get3A_2817, %get3A_2818] : memref<1x64x128xi32, #tpu.memory_space<vmem>>, vector<1x64x1xi32>
    %get3A_2820 = vector.shape_cast %get3A_2819 : vector<1x64x1xi32> to vector<64x1xi32>
    %eq3A_2821 = vector.broadcast %get3A_2820 : vector<64x1xi32> to vector<64x48xi32>
    %eq3A_2822 = arith.cmpi eq, %iota3A, %eq3A_2821 : vector<64x48xi32>
    %jit3A_2823 = arith.constant 0.000000e+00 : f32
    %broadcast_in_dim3A_2824 = vector.broadcast %jit3A_2823 : f32 to vector<64x48xf32>
    %select_n3A_2825 = arith.select %eq3A_2822, %get3A_2815, %broadcast_in_dim3A_2824 : vector<64x48xi1>, vector<64x48xf32>
    %add3A_2826 = arith.addf %add3A_2796, %select_n3A_2825 : vector<64x48xf32>
    %exp3A_2827 = math.exp %get3A_2815 : vector<64x48xf32>
    %mul3A_2828 = vector.broadcast %div3A_2809 : vector<64x1xf32> to vector<64x48xf32>
    %mul3A_2829 = arith.mulf %exp3A_2827, %mul3A_2828 : vector<64x48xf32>
    %dot_general3A_2830 = arith.constant dense<0.000000e+00> : vector<64x48xf32>
    %dot_general3A_2831 = tpu.matmul %mul3A_2802, %get3A_10, %dot_general3A_2830 {dimension_numbers = #tpu.dot_dimension_numbers<[1], [0], [0], [1], [0, 0, 1, 1], [], []>, transpose_lhs_hint = false} : vector<64x48xf32>, vector<48x48xf32>, vector<64x48xf32> -> vector<64x48xf32>
    %mul3A_2832 = arith.mulf %dot_general3A_2831, %mul3A_2829 : vector<64x48xf32>
    %add3A_2833 = arith.addf %add3A_2803, %log3A_2810 : vector<64x1xf32>
    %reduce_sum3A_2834 = arith.constant dense<0.000000e+00> : vector<64xf32>
    %reduce_sum3A_2835 = vector.multi_reduction <add>, %mul3A_2832, %reduce_sum3A_2834 [1] : vector<64x48xf32> to vector<64xf32>
    %broadcast_in_dim3A_2836 = vector.shape_cast %reduce_sum3A_2835 : vector<64xf32> to vector<64x1xf32>
    %div3A_2837 = arith.constant 1.000000e+00 : f32
    %div3A_2838 = vector.broadcast %div3A_2837 : f32 to vector<64x1xf32>
    %div3A_2839 = arith.divf %div3A_2838, %broadcast_in_dim3A_2836 : vector<64x1xf32>
    %log3A_2840 = math.log %broadcast_in_dim3A_2836 : vector<64x1xf32>
    %get3A_2841 = arith.constant 0 : index
    %get3A_2842 = arith.constant 94 : index
    %get3A_2843 = arith.constant 0 : index
    %get3A_2844 = vector.load %arg14[%get3A_2841, %get3A_2842, %get3A_2843] : memref<64x128x48xf32, #tpu.memory_space<vmem>>, vector<64x1x48xf32>
    %get3A_2845 = vector.shape_cast %get3A_2844 : vector<64x1x48xf32> to vector<64x48xf32>
    %get3A_2846 = arith.constant 0 : index
    %get3A_2847 = arith.constant 0 : index
    %get3A_2848 = arith.constant 94 : index
    %get3A_2849 = vector.load %arg2[%get3A_2846, %get3A_2847, %get3A_2848] : memref<1x64x128xi32, #tpu.memory_space<vmem>>, vector<1x64x1xi32>
    %get3A_2850 = vector.shape_cast %get3A_2849 : vector<1x64x1xi32> to vector<64x1xi32>
    %eq3A_2851 = vector.broadcast %get3A_2850 : vector<64x1xi32> to vector<64x48xi32>
    %eq3A_2852 = arith.cmpi eq, %iota3A, %eq3A_2851 : vector<64x48xi32>
    %jit3A_2853 = arith.constant 0.000000e+00 : f32
    %broadcast_in_dim3A_2854 = vector.broadcast %jit3A_2853 : f32 to vector<64x48xf32>
    %select_n3A_2855 = arith.select %eq3A_2852, %get3A_2845, %broadcast_in_dim3A_2854 : vector<64x48xi1>, vector<64x48xf32>
    %add3A_2856 = arith.addf %add3A_2826, %select_n3A_2855 : vector<64x48xf32>
    %exp3A_2857 = math.exp %get3A_2845 : vector<64x48xf32>
    %mul3A_2858 = vector.broadcast %div3A_2839 : vector<64x1xf32> to vector<64x48xf32>
    %mul3A_2859 = arith.mulf %exp3A_2857, %mul3A_2858 : vector<64x48xf32>
    %dot_general3A_2860 = arith.constant dense<0.000000e+00> : vector<64x48xf32>
    %dot_general3A_2861 = tpu.matmul %mul3A_2832, %get3A_10, %dot_general3A_2860 {dimension_numbers = #tpu.dot_dimension_numbers<[1], [0], [0], [1], [0, 0, 1, 1], [], []>, transpose_lhs_hint = false} : vector<64x48xf32>, vector<48x48xf32>, vector<64x48xf32> -> vector<64x48xf32>
    %mul3A_2862 = arith.mulf %dot_general3A_2861, %mul3A_2859 : vector<64x48xf32>
    %add3A_2863 = arith.addf %add3A_2833, %log3A_2840 : vector<64x1xf32>
    %reduce_sum3A_2864 = arith.constant dense<0.000000e+00> : vector<64xf32>
    %reduce_sum3A_2865 = vector.multi_reduction <add>, %mul3A_2862, %reduce_sum3A_2864 [1] : vector<64x48xf32> to vector<64xf32>
    %broadcast_in_dim3A_2866 = vector.shape_cast %reduce_sum3A_2865 : vector<64xf32> to vector<64x1xf32>
    %div3A_2867 = arith.constant 1.000000e+00 : f32
    %div3A_2868 = vector.broadcast %div3A_2867 : f32 to vector<64x1xf32>
    %div3A_2869 = arith.divf %div3A_2868, %broadcast_in_dim3A_2866 : vector<64x1xf32>
    %log3A_2870 = math.log %broadcast_in_dim3A_2866 : vector<64x1xf32>
    %get3A_2871 = arith.constant 0 : index
    %get3A_2872 = arith.constant 95 : index
    %get3A_2873 = arith.constant 0 : index
    %get3A_2874 = vector.load %arg14[%get3A_2871, %get3A_2872, %get3A_2873] : memref<64x128x48xf32, #tpu.memory_space<vmem>>, vector<64x1x48xf32>
    %get3A_2875 = vector.shape_cast %get3A_2874 : vector<64x1x48xf32> to vector<64x48xf32>
    %get3A_2876 = arith.constant 0 : index
    %get3A_2877 = arith.constant 0 : index
    %get3A_2878 = arith.constant 95 : index
    %get3A_2879 = vector.load %arg2[%get3A_2876, %get3A_2877, %get3A_2878] : memref<1x64x128xi32, #tpu.memory_space<vmem>>, vector<1x64x1xi32>
    %get3A_2880 = vector.shape_cast %get3A_2879 : vector<1x64x1xi32> to vector<64x1xi32>
    %eq3A_2881 = vector.broadcast %get3A_2880 : vector<64x1xi32> to vector<64x48xi32>
    %eq3A_2882 = arith.cmpi eq, %iota3A, %eq3A_2881 : vector<64x48xi32>
    %jit3A_2883 = arith.constant 0.000000e+00 : f32
    %broadcast_in_dim3A_2884 = vector.broadcast %jit3A_2883 : f32 to vector<64x48xf32>
    %select_n3A_2885 = arith.select %eq3A_2882, %get3A_2875, %broadcast_in_dim3A_2884 : vector<64x48xi1>, vector<64x48xf32>
    %add3A_2886 = arith.addf %add3A_2856, %select_n3A_2885 : vector<64x48xf32>
    %exp3A_2887 = math.exp %get3A_2875 : vector<64x48xf32>
    %mul3A_2888 = vector.broadcast %div3A_2869 : vector<64x1xf32> to vector<64x48xf32>
    %mul3A_2889 = arith.mulf %exp3A_2887, %mul3A_2888 : vector<64x48xf32>
    %dot_general3A_2890 = arith.constant dense<0.000000e+00> : vector<64x48xf32>
    %dot_general3A_2891 = tpu.matmul %mul3A_2862, %get3A_10, %dot_general3A_2890 {dimension_numbers = #tpu.dot_dimension_numbers<[1], [0], [0], [1], [0, 0, 1, 1], [], []>, transpose_lhs_hint = false} : vector<64x48xf32>, vector<48x48xf32>, vector<64x48xf32> -> vector<64x48xf32>
    %mul3A_2892 = arith.mulf %dot_general3A_2891, %mul3A_2889 : vector<64x48xf32>
    %add3A_2893 = arith.addf %add3A_2863, %log3A_2870 : vector<64x1xf32>
    %reduce_sum3A_2894 = arith.constant dense<0.000000e+00> : vector<64xf32>
    %reduce_sum3A_2895 = vector.multi_reduction <add>, %mul3A_2892, %reduce_sum3A_2894 [1] : vector<64x48xf32> to vector<64xf32>
    %broadcast_in_dim3A_2896 = vector.shape_cast %reduce_sum3A_2895 : vector<64xf32> to vector<64x1xf32>
    %div3A_2897 = arith.constant 1.000000e+00 : f32
    %div3A_2898 = vector.broadcast %div3A_2897 : f32 to vector<64x1xf32>
    %div3A_2899 = arith.divf %div3A_2898, %broadcast_in_dim3A_2896 : vector<64x1xf32>
    %log3A_2900 = math.log %broadcast_in_dim3A_2896 : vector<64x1xf32>
    %get3A_2901 = arith.constant 0 : index
    %get3A_2902 = arith.constant 96 : index
    %get3A_2903 = arith.constant 0 : index
    %get3A_2904 = vector.load %arg14[%get3A_2901, %get3A_2902, %get3A_2903] : memref<64x128x48xf32, #tpu.memory_space<vmem>>, vector<64x1x48xf32>
    %get3A_2905 = vector.shape_cast %get3A_2904 : vector<64x1x48xf32> to vector<64x48xf32>
    %get3A_2906 = arith.constant 0 : index
    %get3A_2907 = arith.constant 0 : index
    %get3A_2908 = arith.constant 96 : index
    %get3A_2909 = vector.load %arg2[%get3A_2906, %get3A_2907, %get3A_2908] : memref<1x64x128xi32, #tpu.memory_space<vmem>>, vector<1x64x1xi32>
    %get3A_2910 = vector.shape_cast %get3A_2909 : vector<1x64x1xi32> to vector<64x1xi32>
    %eq3A_2911 = vector.broadcast %get3A_2910 : vector<64x1xi32> to vector<64x48xi32>
    %eq3A_2912 = arith.cmpi eq, %iota3A, %eq3A_2911 : vector<64x48xi32>
    %jit3A_2913 = arith.constant 0.000000e+00 : f32
    %broadcast_in_dim3A_2914 = vector.broadcast %jit3A_2913 : f32 to vector<64x48xf32>
    %select_n3A_2915 = arith.select %eq3A_2912, %get3A_2905, %broadcast_in_dim3A_2914 : vector<64x48xi1>, vector<64x48xf32>
    %add3A_2916 = arith.addf %add3A_2886, %select_n3A_2915 : vector<64x48xf32>
    %exp3A_2917 = math.exp %get3A_2905 : vector<64x48xf32>
    %mul3A_2918 = vector.broadcast %div3A_2899 : vector<64x1xf32> to vector<64x48xf32>
    %mul3A_2919 = arith.mulf %exp3A_2917, %mul3A_2918 : vector<64x48xf32>
    %dot_general3A_2920 = arith.constant dense<0.000000e+00> : vector<64x48xf32>
    %dot_general3A_2921 = tpu.matmul %mul3A_2892, %get3A_10, %dot_general3A_2920 {dimension_numbers = #tpu.dot_dimension_numbers<[1], [0], [0], [1], [0, 0, 1, 1], [], []>, transpose_lhs_hint = false} : vector<64x48xf32>, vector<48x48xf32>, vector<64x48xf32> -> vector<64x48xf32>
    %mul3A_2922 = arith.mulf %dot_general3A_2921, %mul3A_2919 : vector<64x48xf32>
    %add3A_2923 = arith.addf %add3A_2893, %log3A_2900 : vector<64x1xf32>
    %reduce_sum3A_2924 = arith.constant dense<0.000000e+00> : vector<64xf32>
    %reduce_sum3A_2925 = vector.multi_reduction <add>, %mul3A_2922, %reduce_sum3A_2924 [1] : vector<64x48xf32> to vector<64xf32>
    %broadcast_in_dim3A_2926 = vector.shape_cast %reduce_sum3A_2925 : vector<64xf32> to vector<64x1xf32>
    %div3A_2927 = arith.constant 1.000000e+00 : f32
    %div3A_2928 = vector.broadcast %div3A_2927 : f32 to vector<64x1xf32>
    %div3A_2929 = arith.divf %div3A_2928, %broadcast_in_dim3A_2926 : vector<64x1xf32>
    %log3A_2930 = math.log %broadcast_in_dim3A_2926 : vector<64x1xf32>
    %get3A_2931 = arith.constant 0 : index
    %get3A_2932 = arith.constant 97 : index
    %get3A_2933 = arith.constant 0 : index
    %get3A_2934 = vector.load %arg14[%get3A_2931, %get3A_2932, %get3A_2933] : memref<64x128x48xf32, #tpu.memory_space<vmem>>, vector<64x1x48xf32>
    %get3A_2935 = vector.shape_cast %get3A_2934 : vector<64x1x48xf32> to vector<64x48xf32>
    %get3A_2936 = arith.constant 0 : index
    %get3A_2937 = arith.constant 0 : index
    %get3A_2938 = arith.constant 97 : index
    %get3A_2939 = vector.load %arg2[%get3A_2936, %get3A_2937, %get3A_2938] : memref<1x64x128xi32, #tpu.memory_space<vmem>>, vector<1x64x1xi32>
    %get3A_2940 = vector.shape_cast %get3A_2939 : vector<1x64x1xi32> to vector<64x1xi32>
    %eq3A_2941 = vector.broadcast %get3A_2940 : vector<64x1xi32> to vector<64x48xi32>
    %eq3A_2942 = arith.cmpi eq, %iota3A, %eq3A_2941 : vector<64x48xi32>
    %jit3A_2943 = arith.constant 0.000000e+00 : f32
    %broadcast_in_dim3A_2944 = vector.broadcast %jit3A_2943 : f32 to vector<64x48xf32>
    %select_n3A_2945 = arith.select %eq3A_2942, %get3A_2935, %broadcast_in_dim3A_2944 : vector<64x48xi1>, vector<64x48xf32>
    %add3A_2946 = arith.addf %add3A_2916, %select_n3A_2945 : vector<64x48xf32>
    %exp3A_2947 = math.exp %get3A_2935 : vector<64x48xf32>
    %mul3A_2948 = vector.broadcast %div3A_2929 : vector<64x1xf32> to vector<64x48xf32>
    %mul3A_2949 = arith.mulf %exp3A_2947, %mul3A_2948 : vector<64x48xf32>
    %dot_general3A_2950 = arith.constant dense<0.000000e+00> : vector<64x48xf32>
    %dot_general3A_2951 = tpu.matmul %mul3A_2922, %get3A_10, %dot_general3A_2950 {dimension_numbers = #tpu.dot_dimension_numbers<[1], [0], [0], [1], [0, 0, 1, 1], [], []>, transpose_lhs_hint = false} : vector<64x48xf32>, vector<48x48xf32>, vector<64x48xf32> -> vector<64x48xf32>
    %mul3A_2952 = arith.mulf %dot_general3A_2951, %mul3A_2949 : vector<64x48xf32>
    %add3A_2953 = arith.addf %add3A_2923, %log3A_2930 : vector<64x1xf32>
    %reduce_sum3A_2954 = arith.constant dense<0.000000e+00> : vector<64xf32>
    %reduce_sum3A_2955 = vector.multi_reduction <add>, %mul3A_2952, %reduce_sum3A_2954 [1] : vector<64x48xf32> to vector<64xf32>
    %broadcast_in_dim3A_2956 = vector.shape_cast %reduce_sum3A_2955 : vector<64xf32> to vector<64x1xf32>
    %div3A_2957 = arith.constant 1.000000e+00 : f32
    %div3A_2958 = vector.broadcast %div3A_2957 : f32 to vector<64x1xf32>
    %div3A_2959 = arith.divf %div3A_2958, %broadcast_in_dim3A_2956 : vector<64x1xf32>
    %log3A_2960 = math.log %broadcast_in_dim3A_2956 : vector<64x1xf32>
    %get3A_2961 = arith.constant 0 : index
    %get3A_2962 = arith.constant 98 : index
    %get3A_2963 = arith.constant 0 : index
    %get3A_2964 = vector.load %arg14[%get3A_2961, %get3A_2962, %get3A_2963] : memref<64x128x48xf32, #tpu.memory_space<vmem>>, vector<64x1x48xf32>
    %get3A_2965 = vector.shape_cast %get3A_2964 : vector<64x1x48xf32> to vector<64x48xf32>
    %get3A_2966 = arith.constant 0 : index
    %get3A_2967 = arith.constant 0 : index
    %get3A_2968 = arith.constant 98 : index
    %get3A_2969 = vector.load %arg2[%get3A_2966, %get3A_2967, %get3A_2968] : memref<1x64x128xi32, #tpu.memory_space<vmem>>, vector<1x64x1xi32>
    %get3A_2970 = vector.shape_cast %get3A_2969 : vector<1x64x1xi32> to vector<64x1xi32>
    %eq3A_2971 = vector.broadcast %get3A_2970 : vector<64x1xi32> to vector<64x48xi32>
    %eq3A_2972 = arith.cmpi eq, %iota3A, %eq3A_2971 : vector<64x48xi32>
    %jit3A_2973 = arith.constant 0.000000e+00 : f32
    %broadcast_in_dim3A_2974 = vector.broadcast %jit3A_2973 : f32 to vector<64x48xf32>
    %select_n3A_2975 = arith.select %eq3A_2972, %get3A_2965, %broadcast_in_dim3A_2974 : vector<64x48xi1>, vector<64x48xf32>
    %add3A_2976 = arith.addf %add3A_2946, %select_n3A_2975 : vector<64x48xf32>
    %exp3A_2977 = math.exp %get3A_2965 : vector<64x48xf32>
    %mul3A_2978 = vector.broadcast %div3A_2959 : vector<64x1xf32> to vector<64x48xf32>
    %mul3A_2979 = arith.mulf %exp3A_2977, %mul3A_2978 : vector<64x48xf32>
    %dot_general3A_2980 = arith.constant dense<0.000000e+00> : vector<64x48xf32>
    %dot_general3A_2981 = tpu.matmul %mul3A_2952, %get3A_10, %dot_general3A_2980 {dimension_numbers = #tpu.dot_dimension_numbers<[1], [0], [0], [1], [0, 0, 1, 1], [], []>, transpose_lhs_hint = false} : vector<64x48xf32>, vector<48x48xf32>, vector<64x48xf32> -> vector<64x48xf32>
    %mul3A_2982 = arith.mulf %dot_general3A_2981, %mul3A_2979 : vector<64x48xf32>
    %add3A_2983 = arith.addf %add3A_2953, %log3A_2960 : vector<64x1xf32>
    %reduce_sum3A_2984 = arith.constant dense<0.000000e+00> : vector<64xf32>
    %reduce_sum3A_2985 = vector.multi_reduction <add>, %mul3A_2982, %reduce_sum3A_2984 [1] : vector<64x48xf32> to vector<64xf32>
    %broadcast_in_dim3A_2986 = vector.shape_cast %reduce_sum3A_2985 : vector<64xf32> to vector<64x1xf32>
    %div3A_2987 = arith.constant 1.000000e+00 : f32
    %div3A_2988 = vector.broadcast %div3A_2987 : f32 to vector<64x1xf32>
    %div3A_2989 = arith.divf %div3A_2988, %broadcast_in_dim3A_2986 : vector<64x1xf32>
    %log3A_2990 = math.log %broadcast_in_dim3A_2986 : vector<64x1xf32>
    %get3A_2991 = arith.constant 0 : index
    %get3A_2992 = arith.constant 99 : index
    %get3A_2993 = arith.constant 0 : index
    %get3A_2994 = vector.load %arg14[%get3A_2991, %get3A_2992, %get3A_2993] : memref<64x128x48xf32, #tpu.memory_space<vmem>>, vector<64x1x48xf32>
    %get3A_2995 = vector.shape_cast %get3A_2994 : vector<64x1x48xf32> to vector<64x48xf32>
    %get3A_2996 = arith.constant 0 : index
    %get3A_2997 = arith.constant 0 : index
    %get3A_2998 = arith.constant 99 : index
    %get3A_2999 = vector.load %arg2[%get3A_2996, %get3A_2997, %get3A_2998] : memref<1x64x128xi32, #tpu.memory_space<vmem>>, vector<1x64x1xi32>
    %get3A_3000 = vector.shape_cast %get3A_2999 : vector<1x64x1xi32> to vector<64x1xi32>
    %eq3A_3001 = vector.broadcast %get3A_3000 : vector<64x1xi32> to vector<64x48xi32>
    %eq3A_3002 = arith.cmpi eq, %iota3A, %eq3A_3001 : vector<64x48xi32>
    %jit3A_3003 = arith.constant 0.000000e+00 : f32
    %broadcast_in_dim3A_3004 = vector.broadcast %jit3A_3003 : f32 to vector<64x48xf32>
    %select_n3A_3005 = arith.select %eq3A_3002, %get3A_2995, %broadcast_in_dim3A_3004 : vector<64x48xi1>, vector<64x48xf32>
    %add3A_3006 = arith.addf %add3A_2976, %select_n3A_3005 : vector<64x48xf32>
    %exp3A_3007 = math.exp %get3A_2995 : vector<64x48xf32>
    %mul3A_3008 = vector.broadcast %div3A_2989 : vector<64x1xf32> to vector<64x48xf32>
    %mul3A_3009 = arith.mulf %exp3A_3007, %mul3A_3008 : vector<64x48xf32>
    %dot_general3A_3010 = arith.constant dense<0.000000e+00> : vector<64x48xf32>
    %dot_general3A_3011 = tpu.matmul %mul3A_2982, %get3A_10, %dot_general3A_3010 {dimension_numbers = #tpu.dot_dimension_numbers<[1], [0], [0], [1], [0, 0, 1, 1], [], []>, transpose_lhs_hint = false} : vector<64x48xf32>, vector<48x48xf32>, vector<64x48xf32> -> vector<64x48xf32>
    %mul3A_3012 = arith.mulf %dot_general3A_3011, %mul3A_3009 : vector<64x48xf32>
    %add3A_3013 = arith.addf %add3A_2983, %log3A_2990 : vector<64x1xf32>
    %reduce_sum3A_3014 = arith.constant dense<0.000000e+00> : vector<64xf32>
    %reduce_sum3A_3015 = vector.multi_reduction <add>, %mul3A_3012, %reduce_sum3A_3014 [1] : vector<64x48xf32> to vector<64xf32>
    %broadcast_in_dim3A_3016 = vector.shape_cast %reduce_sum3A_3015 : vector<64xf32> to vector<64x1xf32>
    %div3A_3017 = arith.constant 1.000000e+00 : f32
    %div3A_3018 = vector.broadcast %div3A_3017 : f32 to vector<64x1xf32>
    %div3A_3019 = arith.divf %div3A_3018, %broadcast_in_dim3A_3016 : vector<64x1xf32>
    %log3A_3020 = math.log %broadcast_in_dim3A_3016 : vector<64x1xf32>
    %get3A_3021 = arith.constant 0 : index
    %get3A_3022 = arith.constant 100 : index
    %get3A_3023 = arith.constant 0 : index
    %get3A_3024 = vector.load %arg14[%get3A_3021, %get3A_3022, %get3A_3023] : memref<64x128x48xf32, #tpu.memory_space<vmem>>, vector<64x1x48xf32>
    %get3A_3025 = vector.shape_cast %get3A_3024 : vector<64x1x48xf32> to vector<64x48xf32>
    %get3A_3026 = arith.constant 0 : index
    %get3A_3027 = arith.constant 0 : index
    %get3A_3028 = arith.constant 100 : index
    %get3A_3029 = vector.load %arg2[%get3A_3026, %get3A_3027, %get3A_3028] : memref<1x64x128xi32, #tpu.memory_space<vmem>>, vector<1x64x1xi32>
    %get3A_3030 = vector.shape_cast %get3A_3029 : vector<1x64x1xi32> to vector<64x1xi32>
    %eq3A_3031 = vector.broadcast %get3A_3030 : vector<64x1xi32> to vector<64x48xi32>
    %eq3A_3032 = arith.cmpi eq, %iota3A, %eq3A_3031 : vector<64x48xi32>
    %jit3A_3033 = arith.constant 0.000000e+00 : f32
    %broadcast_in_dim3A_3034 = vector.broadcast %jit3A_3033 : f32 to vector<64x48xf32>
    %select_n3A_3035 = arith.select %eq3A_3032, %get3A_3025, %broadcast_in_dim3A_3034 : vector<64x48xi1>, vector<64x48xf32>
    %add3A_3036 = arith.addf %add3A_3006, %select_n3A_3035 : vector<64x48xf32>
    %exp3A_3037 = math.exp %get3A_3025 : vector<64x48xf32>
    %mul3A_3038 = vector.broadcast %div3A_3019 : vector<64x1xf32> to vector<64x48xf32>
    %mul3A_3039 = arith.mulf %exp3A_3037, %mul3A_3038 : vector<64x48xf32>
    %dot_general3A_3040 = arith.constant dense<0.000000e+00> : vector<64x48xf32>
    %dot_general3A_3041 = tpu.matmul %mul3A_3012, %get3A_10, %dot_general3A_3040 {dimension_numbers = #tpu.dot_dimension_numbers<[1], [0], [0], [1], [0, 0, 1, 1], [], []>, transpose_lhs_hint = false} : vector<64x48xf32>, vector<48x48xf32>, vector<64x48xf32> -> vector<64x48xf32>
    %mul3A_3042 = arith.mulf %dot_general3A_3041, %mul3A_3039 : vector<64x48xf32>
    %add3A_3043 = arith.addf %add3A_3013, %log3A_3020 : vector<64x1xf32>
    %reduce_sum3A_3044 = arith.constant dense<0.000000e+00> : vector<64xf32>
    %reduce_sum3A_3045 = vector.multi_reduction <add>, %mul3A_3042, %reduce_sum3A_3044 [1] : vector<64x48xf32> to vector<64xf32>
    %broadcast_in_dim3A_3046 = vector.shape_cast %reduce_sum3A_3045 : vector<64xf32> to vector<64x1xf32>
    %div3A_3047 = arith.constant 1.000000e+00 : f32
    %div3A_3048 = vector.broadcast %div3A_3047 : f32 to vector<64x1xf32>
    %div3A_3049 = arith.divf %div3A_3048, %broadcast_in_dim3A_3046 : vector<64x1xf32>
    %log3A_3050 = math.log %broadcast_in_dim3A_3046 : vector<64x1xf32>
    %get3A_3051 = arith.constant 0 : index
    %get3A_3052 = arith.constant 101 : index
    %get3A_3053 = arith.constant 0 : index
    %get3A_3054 = vector.load %arg14[%get3A_3051, %get3A_3052, %get3A_3053] : memref<64x128x48xf32, #tpu.memory_space<vmem>>, vector<64x1x48xf32>
    %get3A_3055 = vector.shape_cast %get3A_3054 : vector<64x1x48xf32> to vector<64x48xf32>
    %get3A_3056 = arith.constant 0 : index
    %get3A_3057 = arith.constant 0 : index
    %get3A_3058 = arith.constant 101 : index
    %get3A_3059 = vector.load %arg2[%get3A_3056, %get3A_3057, %get3A_3058] : memref<1x64x128xi32, #tpu.memory_space<vmem>>, vector<1x64x1xi32>
    %get3A_3060 = vector.shape_cast %get3A_3059 : vector<1x64x1xi32> to vector<64x1xi32>
    %eq3A_3061 = vector.broadcast %get3A_3060 : vector<64x1xi32> to vector<64x48xi32>
    %eq3A_3062 = arith.cmpi eq, %iota3A, %eq3A_3061 : vector<64x48xi32>
    %jit3A_3063 = arith.constant 0.000000e+00 : f32
    %broadcast_in_dim3A_3064 = vector.broadcast %jit3A_3063 : f32 to vector<64x48xf32>
    %select_n3A_3065 = arith.select %eq3A_3062, %get3A_3055, %broadcast_in_dim3A_3064 : vector<64x48xi1>, vector<64x48xf32>
    %add3A_3066 = arith.addf %add3A_3036, %select_n3A_3065 : vector<64x48xf32>
    %exp3A_3067 = math.exp %get3A_3055 : vector<64x48xf32>
    %mul3A_3068 = vector.broadcast %div3A_3049 : vector<64x1xf32> to vector<64x48xf32>
    %mul3A_3069 = arith.mulf %exp3A_3067, %mul3A_3068 : vector<64x48xf32>
    %dot_general3A_3070 = arith.constant dense<0.000000e+00> : vector<64x48xf32>
    %dot_general3A_3071 = tpu.matmul %mul3A_3042, %get3A_10, %dot_general3A_3070 {dimension_numbers = #tpu.dot_dimension_numbers<[1], [0], [0], [1], [0, 0, 1, 1], [], []>, transpose_lhs_hint = false} : vector<64x48xf32>, vector<48x48xf32>, vector<64x48xf32> -> vector<64x48xf32>
    %mul3A_3072 = arith.mulf %dot_general3A_3071, %mul3A_3069 : vector<64x48xf32>
    %add3A_3073 = arith.addf %add3A_3043, %log3A_3050 : vector<64x1xf32>
    %reduce_sum3A_3074 = arith.constant dense<0.000000e+00> : vector<64xf32>
    %reduce_sum3A_3075 = vector.multi_reduction <add>, %mul3A_3072, %reduce_sum3A_3074 [1] : vector<64x48xf32> to vector<64xf32>
    %broadcast_in_dim3A_3076 = vector.shape_cast %reduce_sum3A_3075 : vector<64xf32> to vector<64x1xf32>
    %div3A_3077 = arith.constant 1.000000e+00 : f32
    %div3A_3078 = vector.broadcast %div3A_3077 : f32 to vector<64x1xf32>
    %div3A_3079 = arith.divf %div3A_3078, %broadcast_in_dim3A_3076 : vector<64x1xf32>
    %log3A_3080 = math.log %broadcast_in_dim3A_3076 : vector<64x1xf32>
    %get3A_3081 = arith.constant 0 : index
    %get3A_3082 = arith.constant 102 : index
    %get3A_3083 = arith.constant 0 : index
    %get3A_3084 = vector.load %arg14[%get3A_3081, %get3A_3082, %get3A_3083] : memref<64x128x48xf32, #tpu.memory_space<vmem>>, vector<64x1x48xf32>
    %get3A_3085 = vector.shape_cast %get3A_3084 : vector<64x1x48xf32> to vector<64x48xf32>
    %get3A_3086 = arith.constant 0 : index
    %get3A_3087 = arith.constant 0 : index
    %get3A_3088 = arith.constant 102 : index
    %get3A_3089 = vector.load %arg2[%get3A_3086, %get3A_3087, %get3A_3088] : memref<1x64x128xi32, #tpu.memory_space<vmem>>, vector<1x64x1xi32>
    %get3A_3090 = vector.shape_cast %get3A_3089 : vector<1x64x1xi32> to vector<64x1xi32>
    %eq3A_3091 = vector.broadcast %get3A_3090 : vector<64x1xi32> to vector<64x48xi32>
    %eq3A_3092 = arith.cmpi eq, %iota3A, %eq3A_3091 : vector<64x48xi32>
    %jit3A_3093 = arith.constant 0.000000e+00 : f32
    %broadcast_in_dim3A_3094 = vector.broadcast %jit3A_3093 : f32 to vector<64x48xf32>
    %select_n3A_3095 = arith.select %eq3A_3092, %get3A_3085, %broadcast_in_dim3A_3094 : vector<64x48xi1>, vector<64x48xf32>
    %add3A_3096 = arith.addf %add3A_3066, %select_n3A_3095 : vector<64x48xf32>
    %exp3A_3097 = math.exp %get3A_3085 : vector<64x48xf32>
    %mul3A_3098 = vector.broadcast %div3A_3079 : vector<64x1xf32> to vector<64x48xf32>
    %mul3A_3099 = arith.mulf %exp3A_3097, %mul3A_3098 : vector<64x48xf32>
    %dot_general3A_3100 = arith.constant dense<0.000000e+00> : vector<64x48xf32>
    %dot_general3A_3101 = tpu.matmul %mul3A_3072, %get3A_10, %dot_general3A_3100 {dimension_numbers = #tpu.dot_dimension_numbers<[1], [0], [0], [1], [0, 0, 1, 1], [], []>, transpose_lhs_hint = false} : vector<64x48xf32>, vector<48x48xf32>, vector<64x48xf32> -> vector<64x48xf32>
    %mul3A_3102 = arith.mulf %dot_general3A_3101, %mul3A_3099 : vector<64x48xf32>
    %add3A_3103 = arith.addf %add3A_3073, %log3A_3080 : vector<64x1xf32>
    %reduce_sum3A_3104 = arith.constant dense<0.000000e+00> : vector<64xf32>
    %reduce_sum3A_3105 = vector.multi_reduction <add>, %mul3A_3102, %reduce_sum3A_3104 [1] : vector<64x48xf32> to vector<64xf32>
    %broadcast_in_dim3A_3106 = vector.shape_cast %reduce_sum3A_3105 : vector<64xf32> to vector<64x1xf32>
    %div3A_3107 = arith.constant 1.000000e+00 : f32
    %div3A_3108 = vector.broadcast %div3A_3107 : f32 to vector<64x1xf32>
    %div3A_3109 = arith.divf %div3A_3108, %broadcast_in_dim3A_3106 : vector<64x1xf32>
    %log3A_3110 = math.log %broadcast_in_dim3A_3106 : vector<64x1xf32>
    %get3A_3111 = arith.constant 0 : index
    %get3A_3112 = arith.constant 103 : index
    %get3A_3113 = arith.constant 0 : index
    %get3A_3114 = vector.load %arg14[%get3A_3111, %get3A_3112, %get3A_3113] : memref<64x128x48xf32, #tpu.memory_space<vmem>>, vector<64x1x48xf32>
    %get3A_3115 = vector.shape_cast %get3A_3114 : vector<64x1x48xf32> to vector<64x48xf32>
    %get3A_3116 = arith.constant 0 : index
    %get3A_3117 = arith.constant 0 : index
    %get3A_3118 = arith.constant 103 : index
    %get3A_3119 = vector.load %arg2[%get3A_3116, %get3A_3117, %get3A_3118] : memref<1x64x128xi32, #tpu.memory_space<vmem>>, vector<1x64x1xi32>
    %get3A_3120 = vector.shape_cast %get3A_3119 : vector<1x64x1xi32> to vector<64x1xi32>
    %eq3A_3121 = vector.broadcast %get3A_3120 : vector<64x1xi32> to vector<64x48xi32>
    %eq3A_3122 = arith.cmpi eq, %iota3A, %eq3A_3121 : vector<64x48xi32>
    %jit3A_3123 = arith.constant 0.000000e+00 : f32
    %broadcast_in_dim3A_3124 = vector.broadcast %jit3A_3123 : f32 to vector<64x48xf32>
    %select_n3A_3125 = arith.select %eq3A_3122, %get3A_3115, %broadcast_in_dim3A_3124 : vector<64x48xi1>, vector<64x48xf32>
    %add3A_3126 = arith.addf %add3A_3096, %select_n3A_3125 : vector<64x48xf32>
    %exp3A_3127 = math.exp %get3A_3115 : vector<64x48xf32>
    %mul3A_3128 = vector.broadcast %div3A_3109 : vector<64x1xf32> to vector<64x48xf32>
    %mul3A_3129 = arith.mulf %exp3A_3127, %mul3A_3128 : vector<64x48xf32>
    %dot_general3A_3130 = arith.constant dense<0.000000e+00> : vector<64x48xf32>
    %dot_general3A_3131 = tpu.matmul %mul3A_3102, %get3A_10, %dot_general3A_3130 {dimension_numbers = #tpu.dot_dimension_numbers<[1], [0], [0], [1], [0, 0, 1, 1], [], []>, transpose_lhs_hint = false} : vector<64x48xf32>, vector<48x48xf32>, vector<64x48xf32> -> vector<64x48xf32>
    %mul3A_3132 = arith.mulf %dot_general3A_3131, %mul3A_3129 : vector<64x48xf32>
    %add3A_3133 = arith.addf %add3A_3103, %log3A_3110 : vector<64x1xf32>
    %reduce_sum3A_3134 = arith.constant dense<0.000000e+00> : vector<64xf32>
    %reduce_sum3A_3135 = vector.multi_reduction <add>, %mul3A_3132, %reduce_sum3A_3134 [1] : vector<64x48xf32> to vector<64xf32>
    %broadcast_in_dim3A_3136 = vector.shape_cast %reduce_sum3A_3135 : vector<64xf32> to vector<64x1xf32>
    %div3A_3137 = arith.constant 1.000000e+00 : f32
    %div3A_3138 = vector.broadcast %div3A_3137 : f32 to vector<64x1xf32>
    %div3A_3139 = arith.divf %div3A_3138, %broadcast_in_dim3A_3136 : vector<64x1xf32>
    %log3A_3140 = math.log %broadcast_in_dim3A_3136 : vector<64x1xf32>
    %get3A_3141 = arith.constant 0 : index
    %get3A_3142 = arith.constant 104 : index
    %get3A_3143 = arith.constant 0 : index
    %get3A_3144 = vector.load %arg14[%get3A_3141, %get3A_3142, %get3A_3143] : memref<64x128x48xf32, #tpu.memory_space<vmem>>, vector<64x1x48xf32>
    %get3A_3145 = vector.shape_cast %get3A_3144 : vector<64x1x48xf32> to vector<64x48xf32>
    %get3A_3146 = arith.constant 0 : index
    %get3A_3147 = arith.constant 0 : index
    %get3A_3148 = arith.constant 104 : index
    %get3A_3149 = vector.load %arg2[%get3A_3146, %get3A_3147, %get3A_3148] : memref<1x64x128xi32, #tpu.memory_space<vmem>>, vector<1x64x1xi32>
    %get3A_3150 = vector.shape_cast %get3A_3149 : vector<1x64x1xi32> to vector<64x1xi32>
    %eq3A_3151 = vector.broadcast %get3A_3150 : vector<64x1xi32> to vector<64x48xi32>
    %eq3A_3152 = arith.cmpi eq, %iota3A, %eq3A_3151 : vector<64x48xi32>
    %jit3A_3153 = arith.constant 0.000000e+00 : f32
    %broadcast_in_dim3A_3154 = vector.broadcast %jit3A_3153 : f32 to vector<64x48xf32>
    %select_n3A_3155 = arith.select %eq3A_3152, %get3A_3145, %broadcast_in_dim3A_3154 : vector<64x48xi1>, vector<64x48xf32>
    %add3A_3156 = arith.addf %add3A_3126, %select_n3A_3155 : vector<64x48xf32>
    %exp3A_3157 = math.exp %get3A_3145 : vector<64x48xf32>
    %mul3A_3158 = vector.broadcast %div3A_3139 : vector<64x1xf32> to vector<64x48xf32>
    %mul3A_3159 = arith.mulf %exp3A_3157, %mul3A_3158 : vector<64x48xf32>
    %dot_general3A_3160 = arith.constant dense<0.000000e+00> : vector<64x48xf32>
    %dot_general3A_3161 = tpu.matmul %mul3A_3132, %get3A_10, %dot_general3A_3160 {dimension_numbers = #tpu.dot_dimension_numbers<[1], [0], [0], [1], [0, 0, 1, 1], [], []>, transpose_lhs_hint = false} : vector<64x48xf32>, vector<48x48xf32>, vector<64x48xf32> -> vector<64x48xf32>
    %mul3A_3162 = arith.mulf %dot_general3A_3161, %mul3A_3159 : vector<64x48xf32>
    %add3A_3163 = arith.addf %add3A_3133, %log3A_3140 : vector<64x1xf32>
    %reduce_sum3A_3164 = arith.constant dense<0.000000e+00> : vector<64xf32>
    %reduce_sum3A_3165 = vector.multi_reduction <add>, %mul3A_3162, %reduce_sum3A_3164 [1] : vector<64x48xf32> to vector<64xf32>
    %broadcast_in_dim3A_3166 = vector.shape_cast %reduce_sum3A_3165 : vector<64xf32> to vector<64x1xf32>
    %div3A_3167 = arith.constant 1.000000e+00 : f32
    %div3A_3168 = vector.broadcast %div3A_3167 : f32 to vector<64x1xf32>
    %div3A_3169 = arith.divf %div3A_3168, %broadcast_in_dim3A_3166 : vector<64x1xf32>
    %log3A_3170 = math.log %broadcast_in_dim3A_3166 : vector<64x1xf32>
    %get3A_3171 = arith.constant 0 : index
    %get3A_3172 = arith.constant 105 : index
    %get3A_3173 = arith.constant 0 : index
    %get3A_3174 = vector.load %arg14[%get3A_3171, %get3A_3172, %get3A_3173] : memref<64x128x48xf32, #tpu.memory_space<vmem>>, vector<64x1x48xf32>
    %get3A_3175 = vector.shape_cast %get3A_3174 : vector<64x1x48xf32> to vector<64x48xf32>
    %get3A_3176 = arith.constant 0 : index
    %get3A_3177 = arith.constant 0 : index
    %get3A_3178 = arith.constant 105 : index
    %get3A_3179 = vector.load %arg2[%get3A_3176, %get3A_3177, %get3A_3178] : memref<1x64x128xi32, #tpu.memory_space<vmem>>, vector<1x64x1xi32>
    %get3A_3180 = vector.shape_cast %get3A_3179 : vector<1x64x1xi32> to vector<64x1xi32>
    %eq3A_3181 = vector.broadcast %get3A_3180 : vector<64x1xi32> to vector<64x48xi32>
    %eq3A_3182 = arith.cmpi eq, %iota3A, %eq3A_3181 : vector<64x48xi32>
    %jit3A_3183 = arith.constant 0.000000e+00 : f32
    %broadcast_in_dim3A_3184 = vector.broadcast %jit3A_3183 : f32 to vector<64x48xf32>
    %select_n3A_3185 = arith.select %eq3A_3182, %get3A_3175, %broadcast_in_dim3A_3184 : vector<64x48xi1>, vector<64x48xf32>
    %add3A_3186 = arith.addf %add3A_3156, %select_n3A_3185 : vector<64x48xf32>
    %exp3A_3187 = math.exp %get3A_3175 : vector<64x48xf32>
    %mul3A_3188 = vector.broadcast %div3A_3169 : vector<64x1xf32> to vector<64x48xf32>
    %mul3A_3189 = arith.mulf %exp3A_3187, %mul3A_3188 : vector<64x48xf32>
    %dot_general3A_3190 = arith.constant dense<0.000000e+00> : vector<64x48xf32>
    %dot_general3A_3191 = tpu.matmul %mul3A_3162, %get3A_10, %dot_general3A_3190 {dimension_numbers = #tpu.dot_dimension_numbers<[1], [0], [0], [1], [0, 0, 1, 1], [], []>, transpose_lhs_hint = false} : vector<64x48xf32>, vector<48x48xf32>, vector<64x48xf32> -> vector<64x48xf32>
    %mul3A_3192 = arith.mulf %dot_general3A_3191, %mul3A_3189 : vector<64x48xf32>
    %add3A_3193 = arith.addf %add3A_3163, %log3A_3170 : vector<64x1xf32>
    %reduce_sum3A_3194 = arith.constant dense<0.000000e+00> : vector<64xf32>
    %reduce_sum3A_3195 = vector.multi_reduction <add>, %mul3A_3192, %reduce_sum3A_3194 [1] : vector<64x48xf32> to vector<64xf32>
    %broadcast_in_dim3A_3196 = vector.shape_cast %reduce_sum3A_3195 : vector<64xf32> to vector<64x1xf32>
    %div3A_3197 = arith.constant 1.000000e+00 : f32
    %div3A_3198 = vector.broadcast %div3A_3197 : f32 to vector<64x1xf32>
    %div3A_3199 = arith.divf %div3A_3198, %broadcast_in_dim3A_3196 : vector<64x1xf32>
    %log3A_3200 = math.log %broadcast_in_dim3A_3196 : vector<64x1xf32>
    %get3A_3201 = arith.constant 0 : index
    %get3A_3202 = arith.constant 106 : index
    %get3A_3203 = arith.constant 0 : index
    %get3A_3204 = vector.load %arg14[%get3A_3201, %get3A_3202, %get3A_3203] : memref<64x128x48xf32, #tpu.memory_space<vmem>>, vector<64x1x48xf32>
    %get3A_3205 = vector.shape_cast %get3A_3204 : vector<64x1x48xf32> to vector<64x48xf32>
    %get3A_3206 = arith.constant 0 : index
    %get3A_3207 = arith.constant 0 : index
    %get3A_3208 = arith.constant 106 : index
    %get3A_3209 = vector.load %arg2[%get3A_3206, %get3A_3207, %get3A_3208] : memref<1x64x128xi32, #tpu.memory_space<vmem>>, vector<1x64x1xi32>
    %get3A_3210 = vector.shape_cast %get3A_3209 : vector<1x64x1xi32> to vector<64x1xi32>
    %eq3A_3211 = vector.broadcast %get3A_3210 : vector<64x1xi32> to vector<64x48xi32>
    %eq3A_3212 = arith.cmpi eq, %iota3A, %eq3A_3211 : vector<64x48xi32>
    %jit3A_3213 = arith.constant 0.000000e+00 : f32
    %broadcast_in_dim3A_3214 = vector.broadcast %jit3A_3213 : f32 to vector<64x48xf32>
    %select_n3A_3215 = arith.select %eq3A_3212, %get3A_3205, %broadcast_in_dim3A_3214 : vector<64x48xi1>, vector<64x48xf32>
    %add3A_3216 = arith.addf %add3A_3186, %select_n3A_3215 : vector<64x48xf32>
    %exp3A_3217 = math.exp %get3A_3205 : vector<64x48xf32>
    %mul3A_3218 = vector.broadcast %div3A_3199 : vector<64x1xf32> to vector<64x48xf32>
    %mul3A_3219 = arith.mulf %exp3A_3217, %mul3A_3218 : vector<64x48xf32>
    %dot_general3A_3220 = arith.constant dense<0.000000e+00> : vector<64x48xf32>
    %dot_general3A_3221 = tpu.matmul %mul3A_3192, %get3A_10, %dot_general3A_3220 {dimension_numbers = #tpu.dot_dimension_numbers<[1], [0], [0], [1], [0, 0, 1, 1], [], []>, transpose_lhs_hint = false} : vector<64x48xf32>, vector<48x48xf32>, vector<64x48xf32> -> vector<64x48xf32>
    %mul3A_3222 = arith.mulf %dot_general3A_3221, %mul3A_3219 : vector<64x48xf32>
    %add3A_3223 = arith.addf %add3A_3193, %log3A_3200 : vector<64x1xf32>
    %reduce_sum3A_3224 = arith.constant dense<0.000000e+00> : vector<64xf32>
    %reduce_sum3A_3225 = vector.multi_reduction <add>, %mul3A_3222, %reduce_sum3A_3224 [1] : vector<64x48xf32> to vector<64xf32>
    %broadcast_in_dim3A_3226 = vector.shape_cast %reduce_sum3A_3225 : vector<64xf32> to vector<64x1xf32>
    %div3A_3227 = arith.constant 1.000000e+00 : f32
    %div3A_3228 = vector.broadcast %div3A_3227 : f32 to vector<64x1xf32>
    %div3A_3229 = arith.divf %div3A_3228, %broadcast_in_dim3A_3226 : vector<64x1xf32>
    %log3A_3230 = math.log %broadcast_in_dim3A_3226 : vector<64x1xf32>
    %get3A_3231 = arith.constant 0 : index
    %get3A_3232 = arith.constant 107 : index
    %get3A_3233 = arith.constant 0 : index
    %get3A_3234 = vector.load %arg14[%get3A_3231, %get3A_3232, %get3A_3233] : memref<64x128x48xf32, #tpu.memory_space<vmem>>, vector<64x1x48xf32>
    %get3A_3235 = vector.shape_cast %get3A_3234 : vector<64x1x48xf32> to vector<64x48xf32>
    %get3A_3236 = arith.constant 0 : index
    %get3A_3237 = arith.constant 0 : index
    %get3A_3238 = arith.constant 107 : index
    %get3A_3239 = vector.load %arg2[%get3A_3236, %get3A_3237, %get3A_3238] : memref<1x64x128xi32, #tpu.memory_space<vmem>>, vector<1x64x1xi32>
    %get3A_3240 = vector.shape_cast %get3A_3239 : vector<1x64x1xi32> to vector<64x1xi32>
    %eq3A_3241 = vector.broadcast %get3A_3240 : vector<64x1xi32> to vector<64x48xi32>
    %eq3A_3242 = arith.cmpi eq, %iota3A, %eq3A_3241 : vector<64x48xi32>
    %jit3A_3243 = arith.constant 0.000000e+00 : f32
    %broadcast_in_dim3A_3244 = vector.broadcast %jit3A_3243 : f32 to vector<64x48xf32>
    %select_n3A_3245 = arith.select %eq3A_3242, %get3A_3235, %broadcast_in_dim3A_3244 : vector<64x48xi1>, vector<64x48xf32>
    %add3A_3246 = arith.addf %add3A_3216, %select_n3A_3245 : vector<64x48xf32>
    %exp3A_3247 = math.exp %get3A_3235 : vector<64x48xf32>
    %mul3A_3248 = vector.broadcast %div3A_3229 : vector<64x1xf32> to vector<64x48xf32>
    %mul3A_3249 = arith.mulf %exp3A_3247, %mul3A_3248 : vector<64x48xf32>
    %dot_general3A_3250 = arith.constant dense<0.000000e+00> : vector<64x48xf32>
    %dot_general3A_3251 = tpu.matmul %mul3A_3222, %get3A_10, %dot_general3A_3250 {dimension_numbers = #tpu.dot_dimension_numbers<[1], [0], [0], [1], [0, 0, 1, 1], [], []>, transpose_lhs_hint = false} : vector<64x48xf32>, vector<48x48xf32>, vector<64x48xf32> -> vector<64x48xf32>
    %mul3A_3252 = arith.mulf %dot_general3A_3251, %mul3A_3249 : vector<64x48xf32>
    %add3A_3253 = arith.addf %add3A_3223, %log3A_3230 : vector<64x1xf32>
    %reduce_sum3A_3254 = arith.constant dense<0.000000e+00> : vector<64xf32>
    %reduce_sum3A_3255 = vector.multi_reduction <add>, %mul3A_3252, %reduce_sum3A_3254 [1] : vector<64x48xf32> to vector<64xf32>
    %broadcast_in_dim3A_3256 = vector.shape_cast %reduce_sum3A_3255 : vector<64xf32> to vector<64x1xf32>
    %div3A_3257 = arith.constant 1.000000e+00 : f32
    %div3A_3258 = vector.broadcast %div3A_3257 : f32 to vector<64x1xf32>
    %div3A_3259 = arith.divf %div3A_3258, %broadcast_in_dim3A_3256 : vector<64x1xf32>
    %log3A_3260 = math.log %broadcast_in_dim3A_3256 : vector<64x1xf32>
    %get3A_3261 = arith.constant 0 : index
    %get3A_3262 = arith.constant 108 : index
    %get3A_3263 = arith.constant 0 : index
    %get3A_3264 = vector.load %arg14[%get3A_3261, %get3A_3262, %get3A_3263] : memref<64x128x48xf32, #tpu.memory_space<vmem>>, vector<64x1x48xf32>
    %get3A_3265 = vector.shape_cast %get3A_3264 : vector<64x1x48xf32> to vector<64x48xf32>
    %get3A_3266 = arith.constant 0 : index
    %get3A_3267 = arith.constant 0 : index
    %get3A_3268 = arith.constant 108 : index
    %get3A_3269 = vector.load %arg2[%get3A_3266, %get3A_3267, %get3A_3268] : memref<1x64x128xi32, #tpu.memory_space<vmem>>, vector<1x64x1xi32>
    %get3A_3270 = vector.shape_cast %get3A_3269 : vector<1x64x1xi32> to vector<64x1xi32>
    %eq3A_3271 = vector.broadcast %get3A_3270 : vector<64x1xi32> to vector<64x48xi32>
    %eq3A_3272 = arith.cmpi eq, %iota3A, %eq3A_3271 : vector<64x48xi32>
    %jit3A_3273 = arith.constant 0.000000e+00 : f32
    %broadcast_in_dim3A_3274 = vector.broadcast %jit3A_3273 : f32 to vector<64x48xf32>
    %select_n3A_3275 = arith.select %eq3A_3272, %get3A_3265, %broadcast_in_dim3A_3274 : vector<64x48xi1>, vector<64x48xf32>
    %add3A_3276 = arith.addf %add3A_3246, %select_n3A_3275 : vector<64x48xf32>
    %exp3A_3277 = math.exp %get3A_3265 : vector<64x48xf32>
    %mul3A_3278 = vector.broadcast %div3A_3259 : vector<64x1xf32> to vector<64x48xf32>
    %mul3A_3279 = arith.mulf %exp3A_3277, %mul3A_3278 : vector<64x48xf32>
    %dot_general3A_3280 = arith.constant dense<0.000000e+00> : vector<64x48xf32>
    %dot_general3A_3281 = tpu.matmul %mul3A_3252, %get3A_10, %dot_general3A_3280 {dimension_numbers = #tpu.dot_dimension_numbers<[1], [0], [0], [1], [0, 0, 1, 1], [], []>, transpose_lhs_hint = false} : vector<64x48xf32>, vector<48x48xf32>, vector<64x48xf32> -> vector<64x48xf32>
    %mul3A_3282 = arith.mulf %dot_general3A_3281, %mul3A_3279 : vector<64x48xf32>
    %add3A_3283 = arith.addf %add3A_3253, %log3A_3260 : vector<64x1xf32>
    %reduce_sum3A_3284 = arith.constant dense<0.000000e+00> : vector<64xf32>
    %reduce_sum3A_3285 = vector.multi_reduction <add>, %mul3A_3282, %reduce_sum3A_3284 [1] : vector<64x48xf32> to vector<64xf32>
    %broadcast_in_dim3A_3286 = vector.shape_cast %reduce_sum3A_3285 : vector<64xf32> to vector<64x1xf32>
    %div3A_3287 = arith.constant 1.000000e+00 : f32
    %div3A_3288 = vector.broadcast %div3A_3287 : f32 to vector<64x1xf32>
    %div3A_3289 = arith.divf %div3A_3288, %broadcast_in_dim3A_3286 : vector<64x1xf32>
    %log3A_3290 = math.log %broadcast_in_dim3A_3286 : vector<64x1xf32>
    %get3A_3291 = arith.constant 0 : index
    %get3A_3292 = arith.constant 109 : index
    %get3A_3293 = arith.constant 0 : index
    %get3A_3294 = vector.load %arg14[%get3A_3291, %get3A_3292, %get3A_3293] : memref<64x128x48xf32, #tpu.memory_space<vmem>>, vector<64x1x48xf32>
    %get3A_3295 = vector.shape_cast %get3A_3294 : vector<64x1x48xf32> to vector<64x48xf32>
    %get3A_3296 = arith.constant 0 : index
    %get3A_3297 = arith.constant 0 : index
    %get3A_3298 = arith.constant 109 : index
    %get3A_3299 = vector.load %arg2[%get3A_3296, %get3A_3297, %get3A_3298] : memref<1x64x128xi32, #tpu.memory_space<vmem>>, vector<1x64x1xi32>
    %get3A_3300 = vector.shape_cast %get3A_3299 : vector<1x64x1xi32> to vector<64x1xi32>
    %eq3A_3301 = vector.broadcast %get3A_3300 : vector<64x1xi32> to vector<64x48xi32>
    %eq3A_3302 = arith.cmpi eq, %iota3A, %eq3A_3301 : vector<64x48xi32>
    %jit3A_3303 = arith.constant 0.000000e+00 : f32
    %broadcast_in_dim3A_3304 = vector.broadcast %jit3A_3303 : f32 to vector<64x48xf32>
    %select_n3A_3305 = arith.select %eq3A_3302, %get3A_3295, %broadcast_in_dim3A_3304 : vector<64x48xi1>, vector<64x48xf32>
    %add3A_3306 = arith.addf %add3A_3276, %select_n3A_3305 : vector<64x48xf32>
    %exp3A_3307 = math.exp %get3A_3295 : vector<64x48xf32>
    %mul3A_3308 = vector.broadcast %div3A_3289 : vector<64x1xf32> to vector<64x48xf32>
    %mul3A_3309 = arith.mulf %exp3A_3307, %mul3A_3308 : vector<64x48xf32>
    %dot_general3A_3310 = arith.constant dense<0.000000e+00> : vector<64x48xf32>
    %dot_general3A_3311 = tpu.matmul %mul3A_3282, %get3A_10, %dot_general3A_3310 {dimension_numbers = #tpu.dot_dimension_numbers<[1], [0], [0], [1], [0, 0, 1, 1], [], []>, transpose_lhs_hint = false} : vector<64x48xf32>, vector<48x48xf32>, vector<64x48xf32> -> vector<64x48xf32>
    %mul3A_3312 = arith.mulf %dot_general3A_3311, %mul3A_3309 : vector<64x48xf32>
    %add3A_3313 = arith.addf %add3A_3283, %log3A_3290 : vector<64x1xf32>
    %reduce_sum3A_3314 = arith.constant dense<0.000000e+00> : vector<64xf32>
    %reduce_sum3A_3315 = vector.multi_reduction <add>, %mul3A_3312, %reduce_sum3A_3314 [1] : vector<64x48xf32> to vector<64xf32>
    %broadcast_in_dim3A_3316 = vector.shape_cast %reduce_sum3A_3315 : vector<64xf32> to vector<64x1xf32>
    %div3A_3317 = arith.constant 1.000000e+00 : f32
    %div3A_3318 = vector.broadcast %div3A_3317 : f32 to vector<64x1xf32>
    %div3A_3319 = arith.divf %div3A_3318, %broadcast_in_dim3A_3316 : vector<64x1xf32>
    %log3A_3320 = math.log %broadcast_in_dim3A_3316 : vector<64x1xf32>
    %get3A_3321 = arith.constant 0 : index
    %get3A_3322 = arith.constant 110 : index
    %get3A_3323 = arith.constant 0 : index
    %get3A_3324 = vector.load %arg14[%get3A_3321, %get3A_3322, %get3A_3323] : memref<64x128x48xf32, #tpu.memory_space<vmem>>, vector<64x1x48xf32>
    %get3A_3325 = vector.shape_cast %get3A_3324 : vector<64x1x48xf32> to vector<64x48xf32>
    %get3A_3326 = arith.constant 0 : index
    %get3A_3327 = arith.constant 0 : index
    %get3A_3328 = arith.constant 110 : index
    %get3A_3329 = vector.load %arg2[%get3A_3326, %get3A_3327, %get3A_3328] : memref<1x64x128xi32, #tpu.memory_space<vmem>>, vector<1x64x1xi32>
    %get3A_3330 = vector.shape_cast %get3A_3329 : vector<1x64x1xi32> to vector<64x1xi32>
    %eq3A_3331 = vector.broadcast %get3A_3330 : vector<64x1xi32> to vector<64x48xi32>
    %eq3A_3332 = arith.cmpi eq, %iota3A, %eq3A_3331 : vector<64x48xi32>
    %jit3A_3333 = arith.constant 0.000000e+00 : f32
    %broadcast_in_dim3A_3334 = vector.broadcast %jit3A_3333 : f32 to vector<64x48xf32>
    %select_n3A_3335 = arith.select %eq3A_3332, %get3A_3325, %broadcast_in_dim3A_3334 : vector<64x48xi1>, vector<64x48xf32>
    %add3A_3336 = arith.addf %add3A_3306, %select_n3A_3335 : vector<64x48xf32>
    %exp3A_3337 = math.exp %get3A_3325 : vector<64x48xf32>
    %mul3A_3338 = vector.broadcast %div3A_3319 : vector<64x1xf32> to vector<64x48xf32>
    %mul3A_3339 = arith.mulf %exp3A_3337, %mul3A_3338 : vector<64x48xf32>
    %dot_general3A_3340 = arith.constant dense<0.000000e+00> : vector<64x48xf32>
    %dot_general3A_3341 = tpu.matmul %mul3A_3312, %get3A_10, %dot_general3A_3340 {dimension_numbers = #tpu.dot_dimension_numbers<[1], [0], [0], [1], [0, 0, 1, 1], [], []>, transpose_lhs_hint = false} : vector<64x48xf32>, vector<48x48xf32>, vector<64x48xf32> -> vector<64x48xf32>
    %mul3A_3342 = arith.mulf %dot_general3A_3341, %mul3A_3339 : vector<64x48xf32>
    %add3A_3343 = arith.addf %add3A_3313, %log3A_3320 : vector<64x1xf32>
    %reduce_sum3A_3344 = arith.constant dense<0.000000e+00> : vector<64xf32>
    %reduce_sum3A_3345 = vector.multi_reduction <add>, %mul3A_3342, %reduce_sum3A_3344 [1] : vector<64x48xf32> to vector<64xf32>
    %broadcast_in_dim3A_3346 = vector.shape_cast %reduce_sum3A_3345 : vector<64xf32> to vector<64x1xf32>
    %div3A_3347 = arith.constant 1.000000e+00 : f32
    %div3A_3348 = vector.broadcast %div3A_3347 : f32 to vector<64x1xf32>
    %div3A_3349 = arith.divf %div3A_3348, %broadcast_in_dim3A_3346 : vector<64x1xf32>
    %log3A_3350 = math.log %broadcast_in_dim3A_3346 : vector<64x1xf32>
    %get3A_3351 = arith.constant 0 : index
    %get3A_3352 = arith.constant 111 : index
    %get3A_3353 = arith.constant 0 : index
    %get3A_3354 = vector.load %arg14[%get3A_3351, %get3A_3352, %get3A_3353] : memref<64x128x48xf32, #tpu.memory_space<vmem>>, vector<64x1x48xf32>
    %get3A_3355 = vector.shape_cast %get3A_3354 : vector<64x1x48xf32> to vector<64x48xf32>
    %get3A_3356 = arith.constant 0 : index
    %get3A_3357 = arith.constant 0 : index
    %get3A_3358 = arith.constant 111 : index
    %get3A_3359 = vector.load %arg2[%get3A_3356, %get3A_3357, %get3A_3358] : memref<1x64x128xi32, #tpu.memory_space<vmem>>, vector<1x64x1xi32>
    %get3A_3360 = vector.shape_cast %get3A_3359 : vector<1x64x1xi32> to vector<64x1xi32>
    %eq3A_3361 = vector.broadcast %get3A_3360 : vector<64x1xi32> to vector<64x48xi32>
    %eq3A_3362 = arith.cmpi eq, %iota3A, %eq3A_3361 : vector<64x48xi32>
    %jit3A_3363 = arith.constant 0.000000e+00 : f32
    %broadcast_in_dim3A_3364 = vector.broadcast %jit3A_3363 : f32 to vector<64x48xf32>
    %select_n3A_3365 = arith.select %eq3A_3362, %get3A_3355, %broadcast_in_dim3A_3364 : vector<64x48xi1>, vector<64x48xf32>
    %add3A_3366 = arith.addf %add3A_3336, %select_n3A_3365 : vector<64x48xf32>
    %exp3A_3367 = math.exp %get3A_3355 : vector<64x48xf32>
    %mul3A_3368 = vector.broadcast %div3A_3349 : vector<64x1xf32> to vector<64x48xf32>
    %mul3A_3369 = arith.mulf %exp3A_3367, %mul3A_3368 : vector<64x48xf32>
    %dot_general3A_3370 = arith.constant dense<0.000000e+00> : vector<64x48xf32>
    %dot_general3A_3371 = tpu.matmul %mul3A_3342, %get3A_10, %dot_general3A_3370 {dimension_numbers = #tpu.dot_dimension_numbers<[1], [0], [0], [1], [0, 0, 1, 1], [], []>, transpose_lhs_hint = false} : vector<64x48xf32>, vector<48x48xf32>, vector<64x48xf32> -> vector<64x48xf32>
    %mul3A_3372 = arith.mulf %dot_general3A_3371, %mul3A_3369 : vector<64x48xf32>
    %add3A_3373 = arith.addf %add3A_3343, %log3A_3350 : vector<64x1xf32>
    %reduce_sum3A_3374 = arith.constant dense<0.000000e+00> : vector<64xf32>
    %reduce_sum3A_3375 = vector.multi_reduction <add>, %mul3A_3372, %reduce_sum3A_3374 [1] : vector<64x48xf32> to vector<64xf32>
    %broadcast_in_dim3A_3376 = vector.shape_cast %reduce_sum3A_3375 : vector<64xf32> to vector<64x1xf32>
    %div3A_3377 = arith.constant 1.000000e+00 : f32
    %div3A_3378 = vector.broadcast %div3A_3377 : f32 to vector<64x1xf32>
    %div3A_3379 = arith.divf %div3A_3378, %broadcast_in_dim3A_3376 : vector<64x1xf32>
    %log3A_3380 = math.log %broadcast_in_dim3A_3376 : vector<64x1xf32>
    %get3A_3381 = arith.constant 0 : index
    %get3A_3382 = arith.constant 112 : index
    %get3A_3383 = arith.constant 0 : index
    %get3A_3384 = vector.load %arg14[%get3A_3381, %get3A_3382, %get3A_3383] : memref<64x128x48xf32, #tpu.memory_space<vmem>>, vector<64x1x48xf32>
    %get3A_3385 = vector.shape_cast %get3A_3384 : vector<64x1x48xf32> to vector<64x48xf32>
    %get3A_3386 = arith.constant 0 : index
    %get3A_3387 = arith.constant 0 : index
    %get3A_3388 = arith.constant 112 : index
    %get3A_3389 = vector.load %arg2[%get3A_3386, %get3A_3387, %get3A_3388] : memref<1x64x128xi32, #tpu.memory_space<vmem>>, vector<1x64x1xi32>
    %get3A_3390 = vector.shape_cast %get3A_3389 : vector<1x64x1xi32> to vector<64x1xi32>
    %eq3A_3391 = vector.broadcast %get3A_3390 : vector<64x1xi32> to vector<64x48xi32>
    %eq3A_3392 = arith.cmpi eq, %iota3A, %eq3A_3391 : vector<64x48xi32>
    %jit3A_3393 = arith.constant 0.000000e+00 : f32
    %broadcast_in_dim3A_3394 = vector.broadcast %jit3A_3393 : f32 to vector<64x48xf32>
    %select_n3A_3395 = arith.select %eq3A_3392, %get3A_3385, %broadcast_in_dim3A_3394 : vector<64x48xi1>, vector<64x48xf32>
    %add3A_3396 = arith.addf %add3A_3366, %select_n3A_3395 : vector<64x48xf32>
    %exp3A_3397 = math.exp %get3A_3385 : vector<64x48xf32>
    %mul3A_3398 = vector.broadcast %div3A_3379 : vector<64x1xf32> to vector<64x48xf32>
    %mul3A_3399 = arith.mulf %exp3A_3397, %mul3A_3398 : vector<64x48xf32>
    %dot_general3A_3400 = arith.constant dense<0.000000e+00> : vector<64x48xf32>
    %dot_general3A_3401 = tpu.matmul %mul3A_3372, %get3A_10, %dot_general3A_3400 {dimension_numbers = #tpu.dot_dimension_numbers<[1], [0], [0], [1], [0, 0, 1, 1], [], []>, transpose_lhs_hint = false} : vector<64x48xf32>, vector<48x48xf32>, vector<64x48xf32> -> vector<64x48xf32>
    %mul3A_3402 = arith.mulf %dot_general3A_3401, %mul3A_3399 : vector<64x48xf32>
    %add3A_3403 = arith.addf %add3A_3373, %log3A_3380 : vector<64x1xf32>
    %reduce_sum3A_3404 = arith.constant dense<0.000000e+00> : vector<64xf32>
    %reduce_sum3A_3405 = vector.multi_reduction <add>, %mul3A_3402, %reduce_sum3A_3404 [1] : vector<64x48xf32> to vector<64xf32>
    %broadcast_in_dim3A_3406 = vector.shape_cast %reduce_sum3A_3405 : vector<64xf32> to vector<64x1xf32>
    %div3A_3407 = arith.constant 1.000000e+00 : f32
    %div3A_3408 = vector.broadcast %div3A_3407 : f32 to vector<64x1xf32>
    %div3A_3409 = arith.divf %div3A_3408, %broadcast_in_dim3A_3406 : vector<64x1xf32>
    %log3A_3410 = math.log %broadcast_in_dim3A_3406 : vector<64x1xf32>
    %get3A_3411 = arith.constant 0 : index
    %get3A_3412 = arith.constant 113 : index
    %get3A_3413 = arith.constant 0 : index
    %get3A_3414 = vector.load %arg14[%get3A_3411, %get3A_3412, %get3A_3413] : memref<64x128x48xf32, #tpu.memory_space<vmem>>, vector<64x1x48xf32>
    %get3A_3415 = vector.shape_cast %get3A_3414 : vector<64x1x48xf32> to vector<64x48xf32>
    %get3A_3416 = arith.constant 0 : index
    %get3A_3417 = arith.constant 0 : index
    %get3A_3418 = arith.constant 113 : index
    %get3A_3419 = vector.load %arg2[%get3A_3416, %get3A_3417, %get3A_3418] : memref<1x64x128xi32, #tpu.memory_space<vmem>>, vector<1x64x1xi32>
    %get3A_3420 = vector.shape_cast %get3A_3419 : vector<1x64x1xi32> to vector<64x1xi32>
    %eq3A_3421 = vector.broadcast %get3A_3420 : vector<64x1xi32> to vector<64x48xi32>
    %eq3A_3422 = arith.cmpi eq, %iota3A, %eq3A_3421 : vector<64x48xi32>
    %jit3A_3423 = arith.constant 0.000000e+00 : f32
    %broadcast_in_dim3A_3424 = vector.broadcast %jit3A_3423 : f32 to vector<64x48xf32>
    %select_n3A_3425 = arith.select %eq3A_3422, %get3A_3415, %broadcast_in_dim3A_3424 : vector<64x48xi1>, vector<64x48xf32>
    %add3A_3426 = arith.addf %add3A_3396, %select_n3A_3425 : vector<64x48xf32>
    %exp3A_3427 = math.exp %get3A_3415 : vector<64x48xf32>
    %mul3A_3428 = vector.broadcast %div3A_3409 : vector<64x1xf32> to vector<64x48xf32>
    %mul3A_3429 = arith.mulf %exp3A_3427, %mul3A_3428 : vector<64x48xf32>
    %dot_general3A_3430 = arith.constant dense<0.000000e+00> : vector<64x48xf32>
    %dot_general3A_3431 = tpu.matmul %mul3A_3402, %get3A_10, %dot_general3A_3430 {dimension_numbers = #tpu.dot_dimension_numbers<[1], [0], [0], [1], [0, 0, 1, 1], [], []>, transpose_lhs_hint = false} : vector<64x48xf32>, vector<48x48xf32>, vector<64x48xf32> -> vector<64x48xf32>
    %mul3A_3432 = arith.mulf %dot_general3A_3431, %mul3A_3429 : vector<64x48xf32>
    %add3A_3433 = arith.addf %add3A_3403, %log3A_3410 : vector<64x1xf32>
    %reduce_sum3A_3434 = arith.constant dense<0.000000e+00> : vector<64xf32>
    %reduce_sum3A_3435 = vector.multi_reduction <add>, %mul3A_3432, %reduce_sum3A_3434 [1] : vector<64x48xf32> to vector<64xf32>
    %broadcast_in_dim3A_3436 = vector.shape_cast %reduce_sum3A_3435 : vector<64xf32> to vector<64x1xf32>
    %div3A_3437 = arith.constant 1.000000e+00 : f32
    %div3A_3438 = vector.broadcast %div3A_3437 : f32 to vector<64x1xf32>
    %div3A_3439 = arith.divf %div3A_3438, %broadcast_in_dim3A_3436 : vector<64x1xf32>
    %log3A_3440 = math.log %broadcast_in_dim3A_3436 : vector<64x1xf32>
    %get3A_3441 = arith.constant 0 : index
    %get3A_3442 = arith.constant 114 : index
    %get3A_3443 = arith.constant 0 : index
    %get3A_3444 = vector.load %arg14[%get3A_3441, %get3A_3442, %get3A_3443] : memref<64x128x48xf32, #tpu.memory_space<vmem>>, vector<64x1x48xf32>
    %get3A_3445 = vector.shape_cast %get3A_3444 : vector<64x1x48xf32> to vector<64x48xf32>
    %get3A_3446 = arith.constant 0 : index
    %get3A_3447 = arith.constant 0 : index
    %get3A_3448 = arith.constant 114 : index
    %get3A_3449 = vector.load %arg2[%get3A_3446, %get3A_3447, %get3A_3448] : memref<1x64x128xi32, #tpu.memory_space<vmem>>, vector<1x64x1xi32>
    %get3A_3450 = vector.shape_cast %get3A_3449 : vector<1x64x1xi32> to vector<64x1xi32>
    %eq3A_3451 = vector.broadcast %get3A_3450 : vector<64x1xi32> to vector<64x48xi32>
    %eq3A_3452 = arith.cmpi eq, %iota3A, %eq3A_3451 : vector<64x48xi32>
    %jit3A_3453 = arith.constant 0.000000e+00 : f32
    %broadcast_in_dim3A_3454 = vector.broadcast %jit3A_3453 : f32 to vector<64x48xf32>
    %select_n3A_3455 = arith.select %eq3A_3452, %get3A_3445, %broadcast_in_dim3A_3454 : vector<64x48xi1>, vector<64x48xf32>
    %add3A_3456 = arith.addf %add3A_3426, %select_n3A_3455 : vector<64x48xf32>
    %exp3A_3457 = math.exp %get3A_3445 : vector<64x48xf32>
    %mul3A_3458 = vector.broadcast %div3A_3439 : vector<64x1xf32> to vector<64x48xf32>
    %mul3A_3459 = arith.mulf %exp3A_3457, %mul3A_3458 : vector<64x48xf32>
    %dot_general3A_3460 = arith.constant dense<0.000000e+00> : vector<64x48xf32>
    %dot_general3A_3461 = tpu.matmul %mul3A_3432, %get3A_10, %dot_general3A_3460 {dimension_numbers = #tpu.dot_dimension_numbers<[1], [0], [0], [1], [0, 0, 1, 1], [], []>, transpose_lhs_hint = false} : vector<64x48xf32>, vector<48x48xf32>, vector<64x48xf32> -> vector<64x48xf32>
    %mul3A_3462 = arith.mulf %dot_general3A_3461, %mul3A_3459 : vector<64x48xf32>
    %add3A_3463 = arith.addf %add3A_3433, %log3A_3440 : vector<64x1xf32>
    %reduce_sum3A_3464 = arith.constant dense<0.000000e+00> : vector<64xf32>
    %reduce_sum3A_3465 = vector.multi_reduction <add>, %mul3A_3462, %reduce_sum3A_3464 [1] : vector<64x48xf32> to vector<64xf32>
    %broadcast_in_dim3A_3466 = vector.shape_cast %reduce_sum3A_3465 : vector<64xf32> to vector<64x1xf32>
    %div3A_3467 = arith.constant 1.000000e+00 : f32
    %div3A_3468 = vector.broadcast %div3A_3467 : f32 to vector<64x1xf32>
    %div3A_3469 = arith.divf %div3A_3468, %broadcast_in_dim3A_3466 : vector<64x1xf32>
    %log3A_3470 = math.log %broadcast_in_dim3A_3466 : vector<64x1xf32>
    %get3A_3471 = arith.constant 0 : index
    %get3A_3472 = arith.constant 115 : index
    %get3A_3473 = arith.constant 0 : index
    %get3A_3474 = vector.load %arg14[%get3A_3471, %get3A_3472, %get3A_3473] : memref<64x128x48xf32, #tpu.memory_space<vmem>>, vector<64x1x48xf32>
    %get3A_3475 = vector.shape_cast %get3A_3474 : vector<64x1x48xf32> to vector<64x48xf32>
    %get3A_3476 = arith.constant 0 : index
    %get3A_3477 = arith.constant 0 : index
    %get3A_3478 = arith.constant 115 : index
    %get3A_3479 = vector.load %arg2[%get3A_3476, %get3A_3477, %get3A_3478] : memref<1x64x128xi32, #tpu.memory_space<vmem>>, vector<1x64x1xi32>
    %get3A_3480 = vector.shape_cast %get3A_3479 : vector<1x64x1xi32> to vector<64x1xi32>
    %eq3A_3481 = vector.broadcast %get3A_3480 : vector<64x1xi32> to vector<64x48xi32>
    %eq3A_3482 = arith.cmpi eq, %iota3A, %eq3A_3481 : vector<64x48xi32>
    %jit3A_3483 = arith.constant 0.000000e+00 : f32
    %broadcast_in_dim3A_3484 = vector.broadcast %jit3A_3483 : f32 to vector<64x48xf32>
    %select_n3A_3485 = arith.select %eq3A_3482, %get3A_3475, %broadcast_in_dim3A_3484 : vector<64x48xi1>, vector<64x48xf32>
    %add3A_3486 = arith.addf %add3A_3456, %select_n3A_3485 : vector<64x48xf32>
    %exp3A_3487 = math.exp %get3A_3475 : vector<64x48xf32>
    %mul3A_3488 = vector.broadcast %div3A_3469 : vector<64x1xf32> to vector<64x48xf32>
    %mul3A_3489 = arith.mulf %exp3A_3487, %mul3A_3488 : vector<64x48xf32>
    %dot_general3A_3490 = arith.constant dense<0.000000e+00> : vector<64x48xf32>
    %dot_general3A_3491 = tpu.matmul %mul3A_3462, %get3A_10, %dot_general3A_3490 {dimension_numbers = #tpu.dot_dimension_numbers<[1], [0], [0], [1], [0, 0, 1, 1], [], []>, transpose_lhs_hint = false} : vector<64x48xf32>, vector<48x48xf32>, vector<64x48xf32> -> vector<64x48xf32>
    %mul3A_3492 = arith.mulf %dot_general3A_3491, %mul3A_3489 : vector<64x48xf32>
    %add3A_3493 = arith.addf %add3A_3463, %log3A_3470 : vector<64x1xf32>
    %reduce_sum3A_3494 = arith.constant dense<0.000000e+00> : vector<64xf32>
    %reduce_sum3A_3495 = vector.multi_reduction <add>, %mul3A_3492, %reduce_sum3A_3494 [1] : vector<64x48xf32> to vector<64xf32>
    %broadcast_in_dim3A_3496 = vector.shape_cast %reduce_sum3A_3495 : vector<64xf32> to vector<64x1xf32>
    %div3A_3497 = arith.constant 1.000000e+00 : f32
    %div3A_3498 = vector.broadcast %div3A_3497 : f32 to vector<64x1xf32>
    %div3A_3499 = arith.divf %div3A_3498, %broadcast_in_dim3A_3496 : vector<64x1xf32>
    %log3A_3500 = math.log %broadcast_in_dim3A_3496 : vector<64x1xf32>
    %get3A_3501 = arith.constant 0 : index
    %get3A_3502 = arith.constant 116 : index
    %get3A_3503 = arith.constant 0 : index
    %get3A_3504 = vector.load %arg14[%get3A_3501, %get3A_3502, %get3A_3503] : memref<64x128x48xf32, #tpu.memory_space<vmem>>, vector<64x1x48xf32>
    %get3A_3505 = vector.shape_cast %get3A_3504 : vector<64x1x48xf32> to vector<64x48xf32>
    %get3A_3506 = arith.constant 0 : index
    %get3A_3507 = arith.constant 0 : index
    %get3A_3508 = arith.constant 116 : index
    %get3A_3509 = vector.load %arg2[%get3A_3506, %get3A_3507, %get3A_3508] : memref<1x64x128xi32, #tpu.memory_space<vmem>>, vector<1x64x1xi32>
    %get3A_3510 = vector.shape_cast %get3A_3509 : vector<1x64x1xi32> to vector<64x1xi32>
    %eq3A_3511 = vector.broadcast %get3A_3510 : vector<64x1xi32> to vector<64x48xi32>
    %eq3A_3512 = arith.cmpi eq, %iota3A, %eq3A_3511 : vector<64x48xi32>
    %jit3A_3513 = arith.constant 0.000000e+00 : f32
    %broadcast_in_dim3A_3514 = vector.broadcast %jit3A_3513 : f32 to vector<64x48xf32>
    %select_n3A_3515 = arith.select %eq3A_3512, %get3A_3505, %broadcast_in_dim3A_3514 : vector<64x48xi1>, vector<64x48xf32>
    %add3A_3516 = arith.addf %add3A_3486, %select_n3A_3515 : vector<64x48xf32>
    %exp3A_3517 = math.exp %get3A_3505 : vector<64x48xf32>
    %mul3A_3518 = vector.broadcast %div3A_3499 : vector<64x1xf32> to vector<64x48xf32>
    %mul3A_3519 = arith.mulf %exp3A_3517, %mul3A_3518 : vector<64x48xf32>
    %dot_general3A_3520 = arith.constant dense<0.000000e+00> : vector<64x48xf32>
    %dot_general3A_3521 = tpu.matmul %mul3A_3492, %get3A_10, %dot_general3A_3520 {dimension_numbers = #tpu.dot_dimension_numbers<[1], [0], [0], [1], [0, 0, 1, 1], [], []>, transpose_lhs_hint = false} : vector<64x48xf32>, vector<48x48xf32>, vector<64x48xf32> -> vector<64x48xf32>
    %mul3A_3522 = arith.mulf %dot_general3A_3521, %mul3A_3519 : vector<64x48xf32>
    %add3A_3523 = arith.addf %add3A_3493, %log3A_3500 : vector<64x1xf32>
    %reduce_sum3A_3524 = arith.constant dense<0.000000e+00> : vector<64xf32>
    %reduce_sum3A_3525 = vector.multi_reduction <add>, %mul3A_3522, %reduce_sum3A_3524 [1] : vector<64x48xf32> to vector<64xf32>
    %broadcast_in_dim3A_3526 = vector.shape_cast %reduce_sum3A_3525 : vector<64xf32> to vector<64x1xf32>
    %div3A_3527 = arith.constant 1.000000e+00 : f32
    %div3A_3528 = vector.broadcast %div3A_3527 : f32 to vector<64x1xf32>
    %div3A_3529 = arith.divf %div3A_3528, %broadcast_in_dim3A_3526 : vector<64x1xf32>
    %log3A_3530 = math.log %broadcast_in_dim3A_3526 : vector<64x1xf32>
    %get3A_3531 = arith.constant 0 : index
    %get3A_3532 = arith.constant 117 : index
    %get3A_3533 = arith.constant 0 : index
    %get3A_3534 = vector.load %arg14[%get3A_3531, %get3A_3532, %get3A_3533] : memref<64x128x48xf32, #tpu.memory_space<vmem>>, vector<64x1x48xf32>
    %get3A_3535 = vector.shape_cast %get3A_3534 : vector<64x1x48xf32> to vector<64x48xf32>
    %get3A_3536 = arith.constant 0 : index
    %get3A_3537 = arith.constant 0 : index
    %get3A_3538 = arith.constant 117 : index
    %get3A_3539 = vector.load %arg2[%get3A_3536, %get3A_3537, %get3A_3538] : memref<1x64x128xi32, #tpu.memory_space<vmem>>, vector<1x64x1xi32>
    %get3A_3540 = vector.shape_cast %get3A_3539 : vector<1x64x1xi32> to vector<64x1xi32>
    %eq3A_3541 = vector.broadcast %get3A_3540 : vector<64x1xi32> to vector<64x48xi32>
    %eq3A_3542 = arith.cmpi eq, %iota3A, %eq3A_3541 : vector<64x48xi32>
    %jit3A_3543 = arith.constant 0.000000e+00 : f32
    %broadcast_in_dim3A_3544 = vector.broadcast %jit3A_3543 : f32 to vector<64x48xf32>
    %select_n3A_3545 = arith.select %eq3A_3542, %get3A_3535, %broadcast_in_dim3A_3544 : vector<64x48xi1>, vector<64x48xf32>
    %add3A_3546 = arith.addf %add3A_3516, %select_n3A_3545 : vector<64x48xf32>
    %exp3A_3547 = math.exp %get3A_3535 : vector<64x48xf32>
    %mul3A_3548 = vector.broadcast %div3A_3529 : vector<64x1xf32> to vector<64x48xf32>
    %mul3A_3549 = arith.mulf %exp3A_3547, %mul3A_3548 : vector<64x48xf32>
    %dot_general3A_3550 = arith.constant dense<0.000000e+00> : vector<64x48xf32>
    %dot_general3A_3551 = tpu.matmul %mul3A_3522, %get3A_10, %dot_general3A_3550 {dimension_numbers = #tpu.dot_dimension_numbers<[1], [0], [0], [1], [0, 0, 1, 1], [], []>, transpose_lhs_hint = false} : vector<64x48xf32>, vector<48x48xf32>, vector<64x48xf32> -> vector<64x48xf32>
    %mul3A_3552 = arith.mulf %dot_general3A_3551, %mul3A_3549 : vector<64x48xf32>
    %add3A_3553 = arith.addf %add3A_3523, %log3A_3530 : vector<64x1xf32>
    %reduce_sum3A_3554 = arith.constant dense<0.000000e+00> : vector<64xf32>
    %reduce_sum3A_3555 = vector.multi_reduction <add>, %mul3A_3552, %reduce_sum3A_3554 [1] : vector<64x48xf32> to vector<64xf32>
    %broadcast_in_dim3A_3556 = vector.shape_cast %reduce_sum3A_3555 : vector<64xf32> to vector<64x1xf32>
    %div3A_3557 = arith.constant 1.000000e+00 : f32
    %div3A_3558 = vector.broadcast %div3A_3557 : f32 to vector<64x1xf32>
    %div3A_3559 = arith.divf %div3A_3558, %broadcast_in_dim3A_3556 : vector<64x1xf32>
    %log3A_3560 = math.log %broadcast_in_dim3A_3556 : vector<64x1xf32>
    %get3A_3561 = arith.constant 0 : index
    %get3A_3562 = arith.constant 118 : index
    %get3A_3563 = arith.constant 0 : index
    %get3A_3564 = vector.load %arg14[%get3A_3561, %get3A_3562, %get3A_3563] : memref<64x128x48xf32, #tpu.memory_space<vmem>>, vector<64x1x48xf32>
    %get3A_3565 = vector.shape_cast %get3A_3564 : vector<64x1x48xf32> to vector<64x48xf32>
    %get3A_3566 = arith.constant 0 : index
    %get3A_3567 = arith.constant 0 : index
    %get3A_3568 = arith.constant 118 : index
    %get3A_3569 = vector.load %arg2[%get3A_3566, %get3A_3567, %get3A_3568] : memref<1x64x128xi32, #tpu.memory_space<vmem>>, vector<1x64x1xi32>
    %get3A_3570 = vector.shape_cast %get3A_3569 : vector<1x64x1xi32> to vector<64x1xi32>
    %eq3A_3571 = vector.broadcast %get3A_3570 : vector<64x1xi32> to vector<64x48xi32>
    %eq3A_3572 = arith.cmpi eq, %iota3A, %eq3A_3571 : vector<64x48xi32>
    %jit3A_3573 = arith.constant 0.000000e+00 : f32
    %broadcast_in_dim3A_3574 = vector.broadcast %jit3A_3573 : f32 to vector<64x48xf32>
    %select_n3A_3575 = arith.select %eq3A_3572, %get3A_3565, %broadcast_in_dim3A_3574 : vector<64x48xi1>, vector<64x48xf32>
    %add3A_3576 = arith.addf %add3A_3546, %select_n3A_3575 : vector<64x48xf32>
    %exp3A_3577 = math.exp %get3A_3565 : vector<64x48xf32>
    %mul3A_3578 = vector.broadcast %div3A_3559 : vector<64x1xf32> to vector<64x48xf32>
    %mul3A_3579 = arith.mulf %exp3A_3577, %mul3A_3578 : vector<64x48xf32>
    %dot_general3A_3580 = arith.constant dense<0.000000e+00> : vector<64x48xf32>
    %dot_general3A_3581 = tpu.matmul %mul3A_3552, %get3A_10, %dot_general3A_3580 {dimension_numbers = #tpu.dot_dimension_numbers<[1], [0], [0], [1], [0, 0, 1, 1], [], []>, transpose_lhs_hint = false} : vector<64x48xf32>, vector<48x48xf32>, vector<64x48xf32> -> vector<64x48xf32>
    %mul3A_3582 = arith.mulf %dot_general3A_3581, %mul3A_3579 : vector<64x48xf32>
    %add3A_3583 = arith.addf %add3A_3553, %log3A_3560 : vector<64x1xf32>
    %reduce_sum3A_3584 = arith.constant dense<0.000000e+00> : vector<64xf32>
    %reduce_sum3A_3585 = vector.multi_reduction <add>, %mul3A_3582, %reduce_sum3A_3584 [1] : vector<64x48xf32> to vector<64xf32>
    %broadcast_in_dim3A_3586 = vector.shape_cast %reduce_sum3A_3585 : vector<64xf32> to vector<64x1xf32>
    %div3A_3587 = arith.constant 1.000000e+00 : f32
    %div3A_3588 = vector.broadcast %div3A_3587 : f32 to vector<64x1xf32>
    %div3A_3589 = arith.divf %div3A_3588, %broadcast_in_dim3A_3586 : vector<64x1xf32>
    %log3A_3590 = math.log %broadcast_in_dim3A_3586 : vector<64x1xf32>
    %get3A_3591 = arith.constant 0 : index
    %get3A_3592 = arith.constant 119 : index
    %get3A_3593 = arith.constant 0 : index
    %get3A_3594 = vector.load %arg14[%get3A_3591, %get3A_3592, %get3A_3593] : memref<64x128x48xf32, #tpu.memory_space<vmem>>, vector<64x1x48xf32>
    %get3A_3595 = vector.shape_cast %get3A_3594 : vector<64x1x48xf32> to vector<64x48xf32>
    %get3A_3596 = arith.constant 0 : index
    %get3A_3597 = arith.constant 0 : index
    %get3A_3598 = arith.constant 119 : index
    %get3A_3599 = vector.load %arg2[%get3A_3596, %get3A_3597, %get3A_3598] : memref<1x64x128xi32, #tpu.memory_space<vmem>>, vector<1x64x1xi32>
    %get3A_3600 = vector.shape_cast %get3A_3599 : vector<1x64x1xi32> to vector<64x1xi32>
    %eq3A_3601 = vector.broadcast %get3A_3600 : vector<64x1xi32> to vector<64x48xi32>
    %eq3A_3602 = arith.cmpi eq, %iota3A, %eq3A_3601 : vector<64x48xi32>
    %jit3A_3603 = arith.constant 0.000000e+00 : f32
    %broadcast_in_dim3A_3604 = vector.broadcast %jit3A_3603 : f32 to vector<64x48xf32>
    %select_n3A_3605 = arith.select %eq3A_3602, %get3A_3595, %broadcast_in_dim3A_3604 : vector<64x48xi1>, vector<64x48xf32>
    %add3A_3606 = arith.addf %add3A_3576, %select_n3A_3605 : vector<64x48xf32>
    %exp3A_3607 = math.exp %get3A_3595 : vector<64x48xf32>
    %mul3A_3608 = vector.broadcast %div3A_3589 : vector<64x1xf32> to vector<64x48xf32>
    %mul3A_3609 = arith.mulf %exp3A_3607, %mul3A_3608 : vector<64x48xf32>
    %dot_general3A_3610 = arith.constant dense<0.000000e+00> : vector<64x48xf32>
    %dot_general3A_3611 = tpu.matmul %mul3A_3582, %get3A_10, %dot_general3A_3610 {dimension_numbers = #tpu.dot_dimension_numbers<[1], [0], [0], [1], [0, 0, 1, 1], [], []>, transpose_lhs_hint = false} : vector<64x48xf32>, vector<48x48xf32>, vector<64x48xf32> -> vector<64x48xf32>
    %mul3A_3612 = arith.mulf %dot_general3A_3611, %mul3A_3609 : vector<64x48xf32>
    %add3A_3613 = arith.addf %add3A_3583, %log3A_3590 : vector<64x1xf32>
    %reduce_sum3A_3614 = arith.constant dense<0.000000e+00> : vector<64xf32>
    %reduce_sum3A_3615 = vector.multi_reduction <add>, %mul3A_3612, %reduce_sum3A_3614 [1] : vector<64x48xf32> to vector<64xf32>
    %broadcast_in_dim3A_3616 = vector.shape_cast %reduce_sum3A_3615 : vector<64xf32> to vector<64x1xf32>
    %div3A_3617 = arith.constant 1.000000e+00 : f32
    %div3A_3618 = vector.broadcast %div3A_3617 : f32 to vector<64x1xf32>
    %div3A_3619 = arith.divf %div3A_3618, %broadcast_in_dim3A_3616 : vector<64x1xf32>
    %log3A_3620 = math.log %broadcast_in_dim3A_3616 : vector<64x1xf32>
    %get3A_3621 = arith.constant 0 : index
    %get3A_3622 = arith.constant 120 : index
    %get3A_3623 = arith.constant 0 : index
    %get3A_3624 = vector.load %arg14[%get3A_3621, %get3A_3622, %get3A_3623] : memref<64x128x48xf32, #tpu.memory_space<vmem>>, vector<64x1x48xf32>
    %get3A_3625 = vector.shape_cast %get3A_3624 : vector<64x1x48xf32> to vector<64x48xf32>
    %get3A_3626 = arith.constant 0 : index
    %get3A_3627 = arith.constant 0 : index
    %get3A_3628 = arith.constant 120 : index
    %get3A_3629 = vector.load %arg2[%get3A_3626, %get3A_3627, %get3A_3628] : memref<1x64x128xi32, #tpu.memory_space<vmem>>, vector<1x64x1xi32>
    %get3A_3630 = vector.shape_cast %get3A_3629 : vector<1x64x1xi32> to vector<64x1xi32>
    %eq3A_3631 = vector.broadcast %get3A_3630 : vector<64x1xi32> to vector<64x48xi32>
    %eq3A_3632 = arith.cmpi eq, %iota3A, %eq3A_3631 : vector<64x48xi32>
    %jit3A_3633 = arith.constant 0.000000e+00 : f32
    %broadcast_in_dim3A_3634 = vector.broadcast %jit3A_3633 : f32 to vector<64x48xf32>
    %select_n3A_3635 = arith.select %eq3A_3632, %get3A_3625, %broadcast_in_dim3A_3634 : vector<64x48xi1>, vector<64x48xf32>
    %add3A_3636 = arith.addf %add3A_3606, %select_n3A_3635 : vector<64x48xf32>
    %exp3A_3637 = math.exp %get3A_3625 : vector<64x48xf32>
    %mul3A_3638 = vector.broadcast %div3A_3619 : vector<64x1xf32> to vector<64x48xf32>
    %mul3A_3639 = arith.mulf %exp3A_3637, %mul3A_3638 : vector<64x48xf32>
    %dot_general3A_3640 = arith.constant dense<0.000000e+00> : vector<64x48xf32>
    %dot_general3A_3641 = tpu.matmul %mul3A_3612, %get3A_10, %dot_general3A_3640 {dimension_numbers = #tpu.dot_dimension_numbers<[1], [0], [0], [1], [0, 0, 1, 1], [], []>, transpose_lhs_hint = false} : vector<64x48xf32>, vector<48x48xf32>, vector<64x48xf32> -> vector<64x48xf32>
    %mul3A_3642 = arith.mulf %dot_general3A_3641, %mul3A_3639 : vector<64x48xf32>
    %add3A_3643 = arith.addf %add3A_3613, %log3A_3620 : vector<64x1xf32>
    %reduce_sum3A_3644 = arith.constant dense<0.000000e+00> : vector<64xf32>
    %reduce_sum3A_3645 = vector.multi_reduction <add>, %mul3A_3642, %reduce_sum3A_3644 [1] : vector<64x48xf32> to vector<64xf32>
    %broadcast_in_dim3A_3646 = vector.shape_cast %reduce_sum3A_3645 : vector<64xf32> to vector<64x1xf32>
    %div3A_3647 = arith.constant 1.000000e+00 : f32
    %div3A_3648 = vector.broadcast %div3A_3647 : f32 to vector<64x1xf32>
    %div3A_3649 = arith.divf %div3A_3648, %broadcast_in_dim3A_3646 : vector<64x1xf32>
    %log3A_3650 = math.log %broadcast_in_dim3A_3646 : vector<64x1xf32>
    %get3A_3651 = arith.constant 0 : index
    %get3A_3652 = arith.constant 121 : index
    %get3A_3653 = arith.constant 0 : index
    %get3A_3654 = vector.load %arg14[%get3A_3651, %get3A_3652, %get3A_3653] : memref<64x128x48xf32, #tpu.memory_space<vmem>>, vector<64x1x48xf32>
    %get3A_3655 = vector.shape_cast %get3A_3654 : vector<64x1x48xf32> to vector<64x48xf32>
    %get3A_3656 = arith.constant 0 : index
    %get3A_3657 = arith.constant 0 : index
    %get3A_3658 = arith.constant 121 : index
    %get3A_3659 = vector.load %arg2[%get3A_3656, %get3A_3657, %get3A_3658] : memref<1x64x128xi32, #tpu.memory_space<vmem>>, vector<1x64x1xi32>
    %get3A_3660 = vector.shape_cast %get3A_3659 : vector<1x64x1xi32> to vector<64x1xi32>
    %eq3A_3661 = vector.broadcast %get3A_3660 : vector<64x1xi32> to vector<64x48xi32>
    %eq3A_3662 = arith.cmpi eq, %iota3A, %eq3A_3661 : vector<64x48xi32>
    %jit3A_3663 = arith.constant 0.000000e+00 : f32
    %broadcast_in_dim3A_3664 = vector.broadcast %jit3A_3663 : f32 to vector<64x48xf32>
    %select_n3A_3665 = arith.select %eq3A_3662, %get3A_3655, %broadcast_in_dim3A_3664 : vector<64x48xi1>, vector<64x48xf32>
    %add3A_3666 = arith.addf %add3A_3636, %select_n3A_3665 : vector<64x48xf32>
    %exp3A_3667 = math.exp %get3A_3655 : vector<64x48xf32>
    %mul3A_3668 = vector.broadcast %div3A_3649 : vector<64x1xf32> to vector<64x48xf32>
    %mul3A_3669 = arith.mulf %exp3A_3667, %mul3A_3668 : vector<64x48xf32>
    %dot_general3A_3670 = arith.constant dense<0.000000e+00> : vector<64x48xf32>
    %dot_general3A_3671 = tpu.matmul %mul3A_3642, %get3A_10, %dot_general3A_3670 {dimension_numbers = #tpu.dot_dimension_numbers<[1], [0], [0], [1], [0, 0, 1, 1], [], []>, transpose_lhs_hint = false} : vector<64x48xf32>, vector<48x48xf32>, vector<64x48xf32> -> vector<64x48xf32>
    %mul3A_3672 = arith.mulf %dot_general3A_3671, %mul3A_3669 : vector<64x48xf32>
    %add3A_3673 = arith.addf %add3A_3643, %log3A_3650 : vector<64x1xf32>
    %reduce_sum3A_3674 = arith.constant dense<0.000000e+00> : vector<64xf32>
    %reduce_sum3A_3675 = vector.multi_reduction <add>, %mul3A_3672, %reduce_sum3A_3674 [1] : vector<64x48xf32> to vector<64xf32>
    %broadcast_in_dim3A_3676 = vector.shape_cast %reduce_sum3A_3675 : vector<64xf32> to vector<64x1xf32>
    %div3A_3677 = arith.constant 1.000000e+00 : f32
    %div3A_3678 = vector.broadcast %div3A_3677 : f32 to vector<64x1xf32>
    %div3A_3679 = arith.divf %div3A_3678, %broadcast_in_dim3A_3676 : vector<64x1xf32>
    %log3A_3680 = math.log %broadcast_in_dim3A_3676 : vector<64x1xf32>
    %get3A_3681 = arith.constant 0 : index
    %get3A_3682 = arith.constant 122 : index
    %get3A_3683 = arith.constant 0 : index
    %get3A_3684 = vector.load %arg14[%get3A_3681, %get3A_3682, %get3A_3683] : memref<64x128x48xf32, #tpu.memory_space<vmem>>, vector<64x1x48xf32>
    %get3A_3685 = vector.shape_cast %get3A_3684 : vector<64x1x48xf32> to vector<64x48xf32>
    %get3A_3686 = arith.constant 0 : index
    %get3A_3687 = arith.constant 0 : index
    %get3A_3688 = arith.constant 122 : index
    %get3A_3689 = vector.load %arg2[%get3A_3686, %get3A_3687, %get3A_3688] : memref<1x64x128xi32, #tpu.memory_space<vmem>>, vector<1x64x1xi32>
    %get3A_3690 = vector.shape_cast %get3A_3689 : vector<1x64x1xi32> to vector<64x1xi32>
    %eq3A_3691 = vector.broadcast %get3A_3690 : vector<64x1xi32> to vector<64x48xi32>
    %eq3A_3692 = arith.cmpi eq, %iota3A, %eq3A_3691 : vector<64x48xi32>
    %jit3A_3693 = arith.constant 0.000000e+00 : f32
    %broadcast_in_dim3A_3694 = vector.broadcast %jit3A_3693 : f32 to vector<64x48xf32>
    %select_n3A_3695 = arith.select %eq3A_3692, %get3A_3685, %broadcast_in_dim3A_3694 : vector<64x48xi1>, vector<64x48xf32>
    %add3A_3696 = arith.addf %add3A_3666, %select_n3A_3695 : vector<64x48xf32>
    %exp3A_3697 = math.exp %get3A_3685 : vector<64x48xf32>
    %mul3A_3698 = vector.broadcast %div3A_3679 : vector<64x1xf32> to vector<64x48xf32>
    %mul3A_3699 = arith.mulf %exp3A_3697, %mul3A_3698 : vector<64x48xf32>
    %dot_general3A_3700 = arith.constant dense<0.000000e+00> : vector<64x48xf32>
    %dot_general3A_3701 = tpu.matmul %mul3A_3672, %get3A_10, %dot_general3A_3700 {dimension_numbers = #tpu.dot_dimension_numbers<[1], [0], [0], [1], [0, 0, 1, 1], [], []>, transpose_lhs_hint = false} : vector<64x48xf32>, vector<48x48xf32>, vector<64x48xf32> -> vector<64x48xf32>
    %mul3A_3702 = arith.mulf %dot_general3A_3701, %mul3A_3699 : vector<64x48xf32>
    %add3A_3703 = arith.addf %add3A_3673, %log3A_3680 : vector<64x1xf32>
    %reduce_sum3A_3704 = arith.constant dense<0.000000e+00> : vector<64xf32>
    %reduce_sum3A_3705 = vector.multi_reduction <add>, %mul3A_3702, %reduce_sum3A_3704 [1] : vector<64x48xf32> to vector<64xf32>
    %broadcast_in_dim3A_3706 = vector.shape_cast %reduce_sum3A_3705 : vector<64xf32> to vector<64x1xf32>
    %div3A_3707 = arith.constant 1.000000e+00 : f32
    %div3A_3708 = vector.broadcast %div3A_3707 : f32 to vector<64x1xf32>
    %div3A_3709 = arith.divf %div3A_3708, %broadcast_in_dim3A_3706 : vector<64x1xf32>
    %log3A_3710 = math.log %broadcast_in_dim3A_3706 : vector<64x1xf32>
    %get3A_3711 = arith.constant 0 : index
    %get3A_3712 = arith.constant 123 : index
    %get3A_3713 = arith.constant 0 : index
    %get3A_3714 = vector.load %arg14[%get3A_3711, %get3A_3712, %get3A_3713] : memref<64x128x48xf32, #tpu.memory_space<vmem>>, vector<64x1x48xf32>
    %get3A_3715 = vector.shape_cast %get3A_3714 : vector<64x1x48xf32> to vector<64x48xf32>
    %get3A_3716 = arith.constant 0 : index
    %get3A_3717 = arith.constant 0 : index
    %get3A_3718 = arith.constant 123 : index
    %get3A_3719 = vector.load %arg2[%get3A_3716, %get3A_3717, %get3A_3718] : memref<1x64x128xi32, #tpu.memory_space<vmem>>, vector<1x64x1xi32>
    %get3A_3720 = vector.shape_cast %get3A_3719 : vector<1x64x1xi32> to vector<64x1xi32>
    %eq3A_3721 = vector.broadcast %get3A_3720 : vector<64x1xi32> to vector<64x48xi32>
    %eq3A_3722 = arith.cmpi eq, %iota3A, %eq3A_3721 : vector<64x48xi32>
    %jit3A_3723 = arith.constant 0.000000e+00 : f32
    %broadcast_in_dim3A_3724 = vector.broadcast %jit3A_3723 : f32 to vector<64x48xf32>
    %select_n3A_3725 = arith.select %eq3A_3722, %get3A_3715, %broadcast_in_dim3A_3724 : vector<64x48xi1>, vector<64x48xf32>
    %add3A_3726 = arith.addf %add3A_3696, %select_n3A_3725 : vector<64x48xf32>
    %exp3A_3727 = math.exp %get3A_3715 : vector<64x48xf32>
    %mul3A_3728 = vector.broadcast %div3A_3709 : vector<64x1xf32> to vector<64x48xf32>
    %mul3A_3729 = arith.mulf %exp3A_3727, %mul3A_3728 : vector<64x48xf32>
    %dot_general3A_3730 = arith.constant dense<0.000000e+00> : vector<64x48xf32>
    %dot_general3A_3731 = tpu.matmul %mul3A_3702, %get3A_10, %dot_general3A_3730 {dimension_numbers = #tpu.dot_dimension_numbers<[1], [0], [0], [1], [0, 0, 1, 1], [], []>, transpose_lhs_hint = false} : vector<64x48xf32>, vector<48x48xf32>, vector<64x48xf32> -> vector<64x48xf32>
    %mul3A_3732 = arith.mulf %dot_general3A_3731, %mul3A_3729 : vector<64x48xf32>
    %add3A_3733 = arith.addf %add3A_3703, %log3A_3710 : vector<64x1xf32>
    %reduce_sum3A_3734 = arith.constant dense<0.000000e+00> : vector<64xf32>
    %reduce_sum3A_3735 = vector.multi_reduction <add>, %mul3A_3732, %reduce_sum3A_3734 [1] : vector<64x48xf32> to vector<64xf32>
    %broadcast_in_dim3A_3736 = vector.shape_cast %reduce_sum3A_3735 : vector<64xf32> to vector<64x1xf32>
    %div3A_3737 = arith.constant 1.000000e+00 : f32
    %div3A_3738 = vector.broadcast %div3A_3737 : f32 to vector<64x1xf32>
    %div3A_3739 = arith.divf %div3A_3738, %broadcast_in_dim3A_3736 : vector<64x1xf32>
    %log3A_3740 = math.log %broadcast_in_dim3A_3736 : vector<64x1xf32>
    %get3A_3741 = arith.constant 0 : index
    %get3A_3742 = arith.constant 124 : index
    %get3A_3743 = arith.constant 0 : index
    %get3A_3744 = vector.load %arg14[%get3A_3741, %get3A_3742, %get3A_3743] : memref<64x128x48xf32, #tpu.memory_space<vmem>>, vector<64x1x48xf32>
    %get3A_3745 = vector.shape_cast %get3A_3744 : vector<64x1x48xf32> to vector<64x48xf32>
    %get3A_3746 = arith.constant 0 : index
    %get3A_3747 = arith.constant 0 : index
    %get3A_3748 = arith.constant 124 : index
    %get3A_3749 = vector.load %arg2[%get3A_3746, %get3A_3747, %get3A_3748] : memref<1x64x128xi32, #tpu.memory_space<vmem>>, vector<1x64x1xi32>
    %get3A_3750 = vector.shape_cast %get3A_3749 : vector<1x64x1xi32> to vector<64x1xi32>
    %eq3A_3751 = vector.broadcast %get3A_3750 : vector<64x1xi32> to vector<64x48xi32>
    %eq3A_3752 = arith.cmpi eq, %iota3A, %eq3A_3751 : vector<64x48xi32>
    %jit3A_3753 = arith.constant 0.000000e+00 : f32
    %broadcast_in_dim3A_3754 = vector.broadcast %jit3A_3753 : f32 to vector<64x48xf32>
    %select_n3A_3755 = arith.select %eq3A_3752, %get3A_3745, %broadcast_in_dim3A_3754 : vector<64x48xi1>, vector<64x48xf32>
    %add3A_3756 = arith.addf %add3A_3726, %select_n3A_3755 : vector<64x48xf32>
    %exp3A_3757 = math.exp %get3A_3745 : vector<64x48xf32>
    %mul3A_3758 = vector.broadcast %div3A_3739 : vector<64x1xf32> to vector<64x48xf32>
    %mul3A_3759 = arith.mulf %exp3A_3757, %mul3A_3758 : vector<64x48xf32>
    %dot_general3A_3760 = arith.constant dense<0.000000e+00> : vector<64x48xf32>
    %dot_general3A_3761 = tpu.matmul %mul3A_3732, %get3A_10, %dot_general3A_3760 {dimension_numbers = #tpu.dot_dimension_numbers<[1], [0], [0], [1], [0, 0, 1, 1], [], []>, transpose_lhs_hint = false} : vector<64x48xf32>, vector<48x48xf32>, vector<64x48xf32> -> vector<64x48xf32>
    %mul3A_3762 = arith.mulf %dot_general3A_3761, %mul3A_3759 : vector<64x48xf32>
    %add3A_3763 = arith.addf %add3A_3733, %log3A_3740 : vector<64x1xf32>
    %reduce_sum3A_3764 = arith.constant dense<0.000000e+00> : vector<64xf32>
    %reduce_sum3A_3765 = vector.multi_reduction <add>, %mul3A_3762, %reduce_sum3A_3764 [1] : vector<64x48xf32> to vector<64xf32>
    %broadcast_in_dim3A_3766 = vector.shape_cast %reduce_sum3A_3765 : vector<64xf32> to vector<64x1xf32>
    %div3A_3767 = arith.constant 1.000000e+00 : f32
    %div3A_3768 = vector.broadcast %div3A_3767 : f32 to vector<64x1xf32>
    %div3A_3769 = arith.divf %div3A_3768, %broadcast_in_dim3A_3766 : vector<64x1xf32>
    %log3A_3770 = math.log %broadcast_in_dim3A_3766 : vector<64x1xf32>
    %get3A_3771 = arith.constant 0 : index
    %get3A_3772 = arith.constant 125 : index
    %get3A_3773 = arith.constant 0 : index
    %get3A_3774 = vector.load %arg14[%get3A_3771, %get3A_3772, %get3A_3773] : memref<64x128x48xf32, #tpu.memory_space<vmem>>, vector<64x1x48xf32>
    %get3A_3775 = vector.shape_cast %get3A_3774 : vector<64x1x48xf32> to vector<64x48xf32>
    %get3A_3776 = arith.constant 0 : index
    %get3A_3777 = arith.constant 0 : index
    %get3A_3778 = arith.constant 125 : index
    %get3A_3779 = vector.load %arg2[%get3A_3776, %get3A_3777, %get3A_3778] : memref<1x64x128xi32, #tpu.memory_space<vmem>>, vector<1x64x1xi32>
    %get3A_3780 = vector.shape_cast %get3A_3779 : vector<1x64x1xi32> to vector<64x1xi32>
    %eq3A_3781 = vector.broadcast %get3A_3780 : vector<64x1xi32> to vector<64x48xi32>
    %eq3A_3782 = arith.cmpi eq, %iota3A, %eq3A_3781 : vector<64x48xi32>
    %jit3A_3783 = arith.constant 0.000000e+00 : f32
    %broadcast_in_dim3A_3784 = vector.broadcast %jit3A_3783 : f32 to vector<64x48xf32>
    %select_n3A_3785 = arith.select %eq3A_3782, %get3A_3775, %broadcast_in_dim3A_3784 : vector<64x48xi1>, vector<64x48xf32>
    %add3A_3786 = arith.addf %add3A_3756, %select_n3A_3785 : vector<64x48xf32>
    %exp3A_3787 = math.exp %get3A_3775 : vector<64x48xf32>
    %mul3A_3788 = vector.broadcast %div3A_3769 : vector<64x1xf32> to vector<64x48xf32>
    %mul3A_3789 = arith.mulf %exp3A_3787, %mul3A_3788 : vector<64x48xf32>
    %dot_general3A_3790 = arith.constant dense<0.000000e+00> : vector<64x48xf32>
    %dot_general3A_3791 = tpu.matmul %mul3A_3762, %get3A_10, %dot_general3A_3790 {dimension_numbers = #tpu.dot_dimension_numbers<[1], [0], [0], [1], [0, 0, 1, 1], [], []>, transpose_lhs_hint = false} : vector<64x48xf32>, vector<48x48xf32>, vector<64x48xf32> -> vector<64x48xf32>
    %mul3A_3792 = arith.mulf %dot_general3A_3791, %mul3A_3789 : vector<64x48xf32>
    %add3A_3793 = arith.addf %add3A_3763, %log3A_3770 : vector<64x1xf32>
    %reduce_sum3A_3794 = arith.constant dense<0.000000e+00> : vector<64xf32>
    %reduce_sum3A_3795 = vector.multi_reduction <add>, %mul3A_3792, %reduce_sum3A_3794 [1] : vector<64x48xf32> to vector<64xf32>
    %broadcast_in_dim3A_3796 = vector.shape_cast %reduce_sum3A_3795 : vector<64xf32> to vector<64x1xf32>
    %div3A_3797 = arith.constant 1.000000e+00 : f32
    %div3A_3798 = vector.broadcast %div3A_3797 : f32 to vector<64x1xf32>
    %div3A_3799 = arith.divf %div3A_3798, %broadcast_in_dim3A_3796 : vector<64x1xf32>
    %log3A_3800 = math.log %broadcast_in_dim3A_3796 : vector<64x1xf32>
    %get3A_3801 = arith.constant 0 : index
    %get3A_3802 = arith.constant 126 : index
    %get3A_3803 = arith.constant 0 : index
    %get3A_3804 = vector.load %arg14[%get3A_3801, %get3A_3802, %get3A_3803] : memref<64x128x48xf32, #tpu.memory_space<vmem>>, vector<64x1x48xf32>
    %get3A_3805 = vector.shape_cast %get3A_3804 : vector<64x1x48xf32> to vector<64x48xf32>
    %get3A_3806 = arith.constant 0 : index
    %get3A_3807 = arith.constant 0 : index
    %get3A_3808 = arith.constant 126 : index
    %get3A_3809 = vector.load %arg2[%get3A_3806, %get3A_3807, %get3A_3808] : memref<1x64x128xi32, #tpu.memory_space<vmem>>, vector<1x64x1xi32>
    %get3A_3810 = vector.shape_cast %get3A_3809 : vector<1x64x1xi32> to vector<64x1xi32>
    %eq3A_3811 = vector.broadcast %get3A_3810 : vector<64x1xi32> to vector<64x48xi32>
    %eq3A_3812 = arith.cmpi eq, %iota3A, %eq3A_3811 : vector<64x48xi32>
    %jit3A_3813 = arith.constant 0.000000e+00 : f32
    %broadcast_in_dim3A_3814 = vector.broadcast %jit3A_3813 : f32 to vector<64x48xf32>
    %select_n3A_3815 = arith.select %eq3A_3812, %get3A_3805, %broadcast_in_dim3A_3814 : vector<64x48xi1>, vector<64x48xf32>
    %add3A_3816 = arith.addf %add3A_3786, %select_n3A_3815 : vector<64x48xf32>
    %exp3A_3817 = math.exp %get3A_3805 : vector<64x48xf32>
    %mul3A_3818 = vector.broadcast %div3A_3799 : vector<64x1xf32> to vector<64x48xf32>
    %mul3A_3819 = arith.mulf %exp3A_3817, %mul3A_3818 : vector<64x48xf32>
    %dot_general3A_3820 = arith.constant dense<0.000000e+00> : vector<64x48xf32>
    %dot_general3A_3821 = tpu.matmul %mul3A_3792, %get3A_10, %dot_general3A_3820 {dimension_numbers = #tpu.dot_dimension_numbers<[1], [0], [0], [1], [0, 0, 1, 1], [], []>, transpose_lhs_hint = false} : vector<64x48xf32>, vector<48x48xf32>, vector<64x48xf32> -> vector<64x48xf32>
    %mul3A_3822 = arith.mulf %dot_general3A_3821, %mul3A_3819 : vector<64x48xf32>
    %add3A_3823 = arith.addf %add3A_3793, %log3A_3800 : vector<64x1xf32>
    %reduce_sum3A_3824 = arith.constant dense<0.000000e+00> : vector<64xf32>
    %reduce_sum3A_3825 = vector.multi_reduction <add>, %mul3A_3822, %reduce_sum3A_3824 [1] : vector<64x48xf32> to vector<64xf32>
    %broadcast_in_dim3A_3826 = vector.shape_cast %reduce_sum3A_3825 : vector<64xf32> to vector<64x1xf32>
    %div3A_3827 = arith.constant 1.000000e+00 : f32
    %div3A_3828 = vector.broadcast %div3A_3827 : f32 to vector<64x1xf32>
    %div3A_3829 = arith.divf %div3A_3828, %broadcast_in_dim3A_3826 : vector<64x1xf32>
    %log3A_3830 = math.log %broadcast_in_dim3A_3826 : vector<64x1xf32>
    %get3A_3831 = arith.constant 0 : index
    %get3A_3832 = arith.constant 127 : index
    %get3A_3833 = arith.constant 0 : index
    %get3A_3834 = vector.load %arg14[%get3A_3831, %get3A_3832, %get3A_3833] : memref<64x128x48xf32, #tpu.memory_space<vmem>>, vector<64x1x48xf32>
    %get3A_3835 = vector.shape_cast %get3A_3834 : vector<64x1x48xf32> to vector<64x48xf32>
    %get3A_3836 = arith.constant 0 : index
    %get3A_3837 = arith.constant 0 : index
    %get3A_3838 = arith.constant 127 : index
    %get3A_3839 = vector.load %arg2[%get3A_3836, %get3A_3837, %get3A_3838] : memref<1x64x128xi32, #tpu.memory_space<vmem>>, vector<1x64x1xi32>
    %get3A_3840 = vector.shape_cast %get3A_3839 : vector<1x64x1xi32> to vector<64x1xi32>
    %eq3A_3841 = vector.broadcast %get3A_3840 : vector<64x1xi32> to vector<64x48xi32>
    %eq3A_3842 = arith.cmpi eq, %iota3A, %eq3A_3841 : vector<64x48xi32>
    %jit3A_3843 = arith.constant 0.000000e+00 : f32
    %broadcast_in_dim3A_3844 = vector.broadcast %jit3A_3843 : f32 to vector<64x48xf32>
    %select_n3A_3845 = arith.select %eq3A_3842, %get3A_3835, %broadcast_in_dim3A_3844 : vector<64x48xi1>, vector<64x48xf32>
    %add3A_3846 = arith.addf %add3A_3816, %select_n3A_3845 : vector<64x48xf32>
    %exp3A_3847 = math.exp %get3A_3835 : vector<64x48xf32>
    %mul3A_3848 = vector.broadcast %div3A_3829 : vector<64x1xf32> to vector<64x48xf32>
    %mul3A_3849 = arith.mulf %exp3A_3847, %mul3A_3848 : vector<64x48xf32>
    %dot_general3A_3850 = arith.constant dense<0.000000e+00> : vector<64x48xf32>
    %dot_general3A_3851 = tpu.matmul %mul3A_3822, %get3A_10, %dot_general3A_3850 {dimension_numbers = #tpu.dot_dimension_numbers<[1], [0], [0], [1], [0, 0, 1, 1], [], []>, transpose_lhs_hint = false} : vector<64x48xf32>, vector<48x48xf32>, vector<64x48xf32> -> vector<64x48xf32>
    %mul3A_3852 = arith.mulf %dot_general3A_3851, %mul3A_3849 : vector<64x48xf32>
    %add3A_3853 = arith.addf %add3A_3823, %log3A_3830 : vector<64x1xf32>
    %reduce_sum3A_3854 = arith.constant dense<0.000000e+00> : vector<64xf32>
    %reduce_sum3A_3855 = vector.multi_reduction <add>, %mul3A_3852, %reduce_sum3A_3854 [1] : vector<64x48xf32> to vector<64xf32>
    %broadcast_in_dim3A_3856 = vector.shape_cast %reduce_sum3A_3855 : vector<64xf32> to vector<64x1xf32>
    %div3A_3857 = arith.constant 1.000000e+00 : f32
    %div3A_3858 = vector.broadcast %div3A_3857 : f32 to vector<64x1xf32>
    %div3A_3859 = arith.divf %div3A_3858, %broadcast_in_dim3A_3856 : vector<64x1xf32>
    %log3A_3860 = math.log %broadcast_in_dim3A_3856 : vector<64x1xf32>
    %swap3A_3861 = arith.constant 0 : index
    %swap3A_3862 = arith.constant 0 : index
    %swap3A_3863 = vector.load %arg7[%swap3A_3861, %swap3A_3862] : memref<64x48xf32, #tpu.memory_space<vmem>>, vector<64x48xf32>
    tpu.vector_store %arg7[%swap3A_3861, %swap3A_3862], %mul3A_3852 {strides = array<i32>} : memref<64x48xf32, #tpu.memory_space<vmem>>, vector<64x48xf32>,
    %swap3A_3864 = arith.constant 0 : index
    %swap3A_3865 = arith.constant 0 : index
    %swap3A_3866 = vector.load %arg11[%swap3A_3864, %swap3A_3865] : memref<64x1xf32, #tpu.memory_space<vmem>>, vector<64x1xf32>
    tpu.vector_store %arg11[%swap3A_3864, %swap3A_3865], %div3A_3859 {strides = array<i32>} : memref<64x1xf32, #tpu.memory_space<vmem>>, vector<64x1xf32>,
    %swap3A_3867 = arith.constant 0 : index
    %swap3A_3868 = arith.constant 0 : index
    %swap3A_3869 = vector.load %arg12[%swap3A_3867, %swap3A_3868] : memref<64x1xf32, #tpu.memory_space<vmem>>, vector<64x1xf32>
    tpu.vector_store %arg12[%swap3A_3867, %swap3A_3868], %log3A_3860 {strides = array<i32>} : memref<64x1xf32, #tpu.memory_space<vmem>>, vector<64x1xf32>,
    %swap3A_3870 = arith.constant 0 : index
    %swap3A_3871 = arith.constant 0 : index
    %swap3A_3872 = vector.load %arg10[%swap3A_3870, %swap3A_3871] : memref<64x1xf32, #tpu.memory_space<vmem>>, vector<64x1xf32>
    tpu.vector_store %arg10[%swap3A_3870, %swap3A_3871], %add3A_3853 {strides = array<i32>} : memref<64x1xf32, #tpu.memory_space<vmem>>, vector<64x1xf32>,
    %swap3A_3873 = arith.constant 0 : index
    %swap3A_3874 = arith.constant 0 : index
    %swap3A_3875 = vector.load %arg13[%swap3A_3873, %swap3A_3874] : memref<64x48xf32, #tpu.memory_space<vmem>>, vector<64x48xf32>
    tpu.vector_store %arg13[%swap3A_3873, %swap3A_3874], %add3A_3846 {strides = array<i32>} : memref<64x48xf32, #tpu.memory_space<vmem>>, vector<64x48xf32>,
    %eq3A_3876 = arith.constant 3 : i32
    %eq3A_3877 = arith.cmpi eq, %arg0, %eq3A_3876 : i32
    %convert_element_type3A_3878 = arith.extui %eq3A_3877 : i1 to i32
    %cond3A_3879 = arith.constant 0 : i32
    %cond3A_3880 = arith.cmpi ne, %convert_element_type3A_3878, %cond3A_3879 : i32
    scf.if %cond3A_3880 {
      %get3A_3881 = arith.constant 0 : index
      %get3A_3882 = arith.constant 0 : index
      %get3A_3883 = vector.load %arg4[%get3A_3881, %get3A_3882] : memref<1x48xf32, #tpu.memory_space<vmem>>, vector<1x48xf32>
      %exp3A_3884 = math.exp %get3A_3883 : vector<1x48xf32>
      %mul3A_3885 = vector.broadcast %exp3A_3884 : vector<1x48xf32> to vector<64x48xf32>
      %mul3A_3886 = arith.mulf %mul3A_3852, %mul3A_3885 : vector<64x48xf32>
      %reduce_sum3A_3887 = arith.constant dense<0.000000e+00> : vector<64xf32>
      %reduce_sum3A_3888 = vector.multi_reduction <add>, %mul3A_3886, %reduce_sum3A_3887 [1] : vector<64x48xf32> to vector<64xf32>
      %broadcast_in_dim3A_3889 = vector.shape_cast %reduce_sum3A_3888 : vector<64xf32> to vector<64x1xf32>
      %log3A_3890 = math.log %broadcast_in_dim3A_3889 : vector<64x1xf32>
      %add3A_3891 = arith.addf %log3A_3890, %add3A_3853 : vector<64x1xf32>
      %get3A_3892 = arith.constant 0 : index
      %get3A_3893 = arith.constant 0 : index
      %get3A_3894 = vector.load %arg9[%get3A_3892, %get3A_3893] : memref<1x1xf32, #tpu.memory_space<vmem>>, vector<1x1xf32>
      %mul3A_3895 = arith.constant 5.110000e+02 : f32
      %mul3A_3896 = vector.broadcast %mul3A_3895 : f32 to vector<1x1xf32>
      %mul3A_3897 = arith.mulf %mul3A_3896, %get3A_3894 : vector<1x1xf32>
      %add3A_3898 = vector.broadcast %mul3A_3897 : vector<1x1xf32> to vector<64x1xf32>
      %add3A_3899 = arith.addf %add3A_3891, %add3A_3898 : vector<64x1xf32>
      %swap3A_3900 = arith.constant 0 : index
      %swap3A_3901 = arith.constant 0 : index
      %swap3A_3902 = vector.load %arg5[%swap3A_3900, %swap3A_3901] : memref<64x1xf32, #tpu.memory_space<vmem>>, vector<64x1xf32>
      tpu.vector_store %arg5[%swap3A_3900, %swap3A_3901], %add3A_3899 {strides = array<i32>} : memref<64x1xf32, #tpu.memory_space<vmem>>, vector<64x1xf32>,
      %reduce_sum3A_3903 = arith.constant dense<0.000000e+00> : vector<64xf32>
      %reduce_sum3A_3904 = vector.multi_reduction <add>, %add3A_3846, %reduce_sum3A_3903 [1] : vector<64x48xf32> to vector<64xf32>
      %broadcast_in_dim3A_3905 = vector.shape_cast %reduce_sum3A_3904 : vector<64xf32> to vector<64x1xf32>
      %swap3A_3906 = arith.constant 0 : index
      %swap3A_3907 = arith.constant 0 : index
      %swap3A_3908 = vector.load %arg6[%swap3A_3906, %swap3A_3907] : memref<64x1xf32, #tpu.memory_space<vmem>>, vector<64x1xf32>
      tpu.vector_store %arg6[%swap3A_3906, %swap3A_3907], %broadcast_in_dim3A_3905 {strides = array<i32>} : memref<64x1xf32, #tpu.memory_space<vmem>>, vector<64x1xf32>,
    } else {
    }
    return
  }
  func.func @transform_0(%arg0: i32) -> (i32, i32, i32) {
    %c0_i32 = arith.constant 0 : i32
    %c0_i32_0 = arith.constant 0 : i32
    %c0_i32_1 = arith.constant 0 : i32
    return %c0_i32, %c0_i32_0, %arg0 : i32, i32, i32
  }
  func.func @transform_1(%arg0: i32) -> (i32, i32, i32) {
    %c0_i32 = arith.constant 0 : i32
    %c0_i32_0 = arith.constant 0 : i32
    %c0_i32_1 = arith.constant 0 : i32
    return %arg0, %c0_i32, %c0_i32_0 : i32, i32, i32
  }
  func.func @transform_2(%arg0: i32) -> (i32, i32) {
    %c0_i32 = arith.constant 0 : i32
    %c0_i32_0 = arith.constant 0 : i32
    %c0_i32_1 = arith.constant 0 : i32
    return %c0_i32, %c0_i32_0 : i32, i32
  }
  func.func @transform_3(%arg0: i32) -> (i32, i32) {
    %c0_i32 = arith.constant 0 : i32
    %c0_i32_0 = arith.constant 0 : i32
    %c0_i32_1 = arith.constant 0 : i32
    return %c0_i32, %c0_i32_0 : i32, i32
  }
  func.func @transform_4(%arg0: i32) -> (i32, i32) {
    %c0_i32 = arith.constant 0 : i32
    %c0_i32_0 = arith.constant 0 : i32
    %c0_i32_1 = arith.constant 0 : i32
    return %c0_i32, %c0_i32_0 : i32, i32
  }
  func.func @transform_5(%arg0: i32) -> (i32, i32) {
    %c0_i32 = arith.constant 0 : i32
    %c0_i32_0 = arith.constant 0 : i32
    %c0_i32_1 = arith.constant 0 : i32
    return %c0_i32, %c0_i32_0 : i32, i32
  }
}

</mosaic_0001>

<sc_bundles>
// kernel: kernel.5.cloned.1.call-start
scs
__scs_entry_jumppad:
0x0: {  	(pc) =	sbr.rel $0x88, $3  }
0x1: {  	(tag) =	ssettag $0x0;
	lr =	simm.s32 $0x1  }
0x2: {  	[smem:$0x3F9E] =	sst lr;
	_ =	strace $0xD0000000  }
0x3: {  	_ = 	snop  }
0x4: {  	_ = 	snop  }
0x5: {  	_ = 	snop  }
0x6: {  	_ = 	snop  }
0x7: {  	_ = 	snop  }
__scs_overlays_trampoline_lowered:
0x8: {  	[smem:$0x3FAD] =	sst s0  }
0x9: {  	[smem:$0x3FAE] =	sst s1  }
0xa: {  	[smem:$0x3FAF] =	sst s2  }
0xb: {  	[smem:$0x3FB0] =	sst s3  }
0xc: {  	[smem:$0x3FB1] =	sst s4  }
0xd: {  	[smem:$0x3FB2] =	sst s5  }
0xe: {  	[smem:$0x3FB3] =	sst s6  }
0xf: {  	[smem:$0x3FB4] =	sst s7  }
0x10: {  	[smem:$0x3FB5] =	sst s8  }
0x11: {  	[smem:$0x3FB6] =	sst s9;
	s0 =	simm.s32 @!p0 $0x0  }
0x12: {  	s1 =	sld [smem:$0x3F9C];
	s0 =	simm.s32 @p0 $0x1  }
0x13: {  	[smem:$0x3FB7] =	sst s0;
	s0 =	simm.s32 @!p1 $0x0  }
0x14: {  	s2 =	sld [smem:$0x3F9B];
	s0 =	simm.s32 @p1 $0x1  }
0x15: {  	[smem:$0x3FB8] =	sst s0;
	s0 =	simm.s32 @!p2 $0x0  }
0x16: {  	s3 =	sld [smem:$0x3FDB];
	s0 =	simm.s32 @p2 $0x1  }
0x17: {  	s4 =	simm.s32 $0x1BF5;
	[smem:$0x3FBA] =	sst s0  }
0x18: {  	s0 =	sld [smem:$0x3F9D];
	_ =	swait.ge [sflag:s4], $0x0  }
0x19: {  	s7 =	sld [smem:$0x3F9E]  }
0x1a: {  	s8 =	sadd.s32 $0xFFFFE003, lr  }
0x1b: {  	s9 =	sadd.s32 $0xFFFFFEF7, lr;
	s5 =	simm.s32 $0xFFFFFFFF;
	p2 =	slt.u32 s8, $0xFFFFF086  }
0x1c: {  	p1 =	slt.u32 s9, $0xF7A;
	s5 =	simm.s32 @!p2 $0x0  }
0x1d: {  	s5 =	simm.s32 @p1 $0x1;
	p0 =	seq.s32 s7, s2  }
0x1e: {  	s7 =	smul.u32 @!p0 $0xF7A, s2;
	p2 =	seq.s32 @!p0 s5, $0x0  }
0x1f: {  	s9 =	smul.u32 $0xF7A, s1;
	s8 =	simm.s32 @!p0 $0x1BF5;
	p2 =	por !p2, p0  }
0x20: {  	[sflag:s8] =	ssyncset.s32 @!p0 $0xFFFFF086;
	s6 =	sadd.s32 @!p0 s3, s7;
	s7 =	simm.s32 @!p0 $0x108  }
0x21: {  	s3 =	sadd.s32 s3, s9;
	s6 =	sadd.s32 @!p0 $0x88, s6;
	s7 =	simm.s32 @p2 $0x1082  }
0x22: {  	[simem:s7], [sflag:s8] =	dma.local @!p0 [hbm:s6], $0xF7A  }
0x23: {  	s9 =	sor.u32 $0xD0000000, s2;
	s6 =	simm.s32 $0x108;
	_ =	swait.ge @!p0 [sflag:s8], $0x0  }
0x24: {  	s3 =	sadd.s32 $0x88, s3;
	s6 =	simm.s32 @!p1 $0x1082;
	[sflag:s4] =	ssyncset.s32 $0xFFFFF086  }
0x25: {  	[simem:s6], [sflag:s4] =	dma.local [hbm:s3], $0xF7A  }
0x26: {  	[smem:$0x3F9E] =	sst s1;
	(tag) =	ssettag s2;
	_ =	strace s9  }
0x27: {  	s1 =	sld [smem:$0x3FAE]  }
0x28: {  	s2 =	sld [smem:$0x3FAF]  }
0x29: {  	s4 =	sld [smem:$0x3FB1]  }
0x2a: {  	p0 =	seq.s32 s5, $0x0;
	s5 =	sld [smem:$0x3FB2]  }
0x2b: {  	s6 =	sld [smem:$0x3FB3]  }
0x2c: {  	s7 =	sld [smem:$0x3FB4]  }
0x2d: {  	s3 =	simm.s32 $0x108;
	s8 =	sld [smem:$0x3FB5]  }
0x2e: {  	s3 =	simm.s32 @!p0 $0x1082;
	s9 =	sld [smem:$0x3FB6]  }
0x2f: {  	lr =	sadd.s32 s0, s3;
	s0 =	sld [smem:$0x3FAD]  }
0x30: {  	s3 =	sld [smem:$0x3FB0]  }
0x31: {  	[smem:$0x3FB9] =	sst s10  }
0x32: {  	s10 =	sld [smem:$0x3FB7];
	_ =	sdelay $0x3  }
0x33: {  	p0 =	seq.s32 s10, $0x1;
	s10 =	sld [smem:$0x3FB9];
	_ =	sdelay $0x3  }
0x34: {  	[smem:$0x3FB9] =	sst s10  }
0x35: {  	s10 =	sld [smem:$0x3FB8];
	_ =	sdelay $0x3  }
0x36: {  	p1 =	seq.s32 s10, $0x1;
	s10 =	sld [smem:$0x3FB9];
	_ =	sdelay $0x3  }
0x37: {  	[smem:$0x3FB9] =	sst s10  }
0x38: {  	s10 =	sld [smem:$0x3FBA]  }
0x39: {  	_ = 	snop;
	(pc) =	sbr.ind lr, $3  }
0x3a: {  	_ = 	snop  }
0x3b: {  	_ = 	snop  }
0x3c: {  	p2 =	seq.s32 s10, $0x1;
	s10 =	sld [smem:$0x3FB9]  }
0x3d: {  	_ =	shalt  }
0x3e: {  	_ =	shalt  }
0x3f: {  	_ =	shalt  }
0x40: {  	_ =	shalt  }
0x41: {  	_ =	shalt  }
0x42: {  	_ =	shalt  }
0x43: {  	_ =	shalt  }
0x44: {  	_ =	shalt  }
0x45: {  	_ =	shalt  }
0x46: {  	_ =	shalt  }
0x47: {  	_ =	shalt  }
0x48: {  	_ =	shalt  }
0x49: {  	_ =	shalt  }
0x4a: {  	_ =	shalt  }
0x4b: {  	_ =	shalt  }
0x4c: {  	_ =	shalt  }
0x4d: {  	_ =	shalt  }
0x4e: {  	_ =	shalt  }
0x4f: {  	_ =	shalt  }
0x50: {  	_ =	shalt  }
0x51: {  	_ =	shalt  }
0x52: {  	_ =	shalt  }
0x53: {  	_ =	shalt  }
0x54: {  	_ =	shalt  }
0x55: {  	_ =	shalt  }
0x56: {  	_ =	shalt  }
0x57: {  	_ =	shalt  }
0x58: {  	_ =	shalt  }
0x59: {  	_ =	shalt  }
0x5a: {  	_ =	shalt  }
0x5b: {  	_ =	shalt  }
0x5c: {  	_ =	shalt  }
0x5d: {  	_ =	shalt  }
0x5e: {  	_ =	shalt  }
0x5f: {  	_ =	shalt  }
0x60: {  	_ =	shalt  }
0x61: {  	_ =	shalt  }
0x62: {  	_ =	shalt  }
0x63: {  	_ =	shalt  }
0x64: {  	_ =	shalt  }
0x65: {  	_ =	shalt  }
0x66: {  	_ =	shalt  }
0x67: {  	_ =	shalt  }
0x68: {  	_ =	shalt  }
0x69: {  	_ =	shalt  }
0x6a: {  	_ =	shalt  }
0x6b: {  	_ =	shalt  }
0x6c: {  	_ =	shalt  }
0x6d: {  	_ =	shalt  }
0x6e: {  	_ =	shalt  }
0x6f: {  	_ =	shalt  }
0x70: {  	_ =	shalt  }
0x71: {  	_ =	shalt  }
0x72: {  	_ =	shalt  }
0x73: {  	_ =	shalt  }
0x74: {  	_ =	shalt  }
0x75: {  	_ =	shalt  }
0x76: {  	_ =	shalt  }
0x77: {  	_ =	shalt  }
0x78: {  	_ =	shalt  }
0x79: {  	_ =	shalt  }
0x7a: {  	_ =	shalt  }
0x7b: {  	_ =	shalt  }
0x7c: {  	_ =	shalt  }
0x7d: {  	_ =	shalt  }
0x7e: {  	_ =	shalt  }
0x7f: {  	_ =	shalt  }
0x80: {  	_ =	shalt  }
0x81: {  	_ =	shalt  }
0x82: {  	_ =	shalt  }
0x83: {  	_ =	shalt  }
0x84: {  	_ =	shalt  }
0x85: {  	_ =	shalt  }
0x86: {  	_ =	shalt  }
0x87: {  	_ =	shalt  }
.Lfunc_end0:
.L_simem_size_0:
called_computation_lowered:
.L_overlay_start_0:
0x88: {  	s2 =	sld [smem:$0x3FD9]  }
0x89: {  	s3 =	sld [smem:$0x3FFE];
	_ =	sdelay $0x1  }
0x8a: {  	s1 =	srdreg.scid  }
0x8b: {  	s0 =	sand.u32 $0x1, s1  }
0x8c: {  	s16 =	sshll.u32 s0, $0xA;
	s2 =	sadd.s32 s3, s2  }
0x8d: {  	s2 =	sadd.s32 s2, s16  }
0x8e: {  	[smem:$0x3FC5] =	sst s2  }
0x8f: {  	_ = 	snop  }
0x90: {  	(tm) =	ssettm $0x1  }
0x91: {  	s17 =	sld [smem:$0x3FFB];
	_ =	sdelay $0x3  }
0x92: {  	_ =	strace s17  }
0x93: {  	s2 =	sld [smem:$0x3FFC];
	_ =	sdelay $0x3  }
0x94: {  	_ =	strace s2  }
0x95: {  	s2 =	sld [smem:$0x3FFD];
	_ =	sdelay $0x3  }
0x96: {  	_ =	strace s2  }
0x97: {  	_ =	strace $0x8FFFFFFF  }
0x98: {  	s18 =	sld [smem:$0x3FDB];
	_ =	sdelay $0x1  }
0x99: {  	s19 =	simm.s32 $_scs_section_size  }
0x9a: {  	s4 =	simm.s32 $_size__tile_overlayer_lowered;
	s5 =	simm.s32 $_tile_overlayer_lowered  }
0x9b: {  	s22 =	simm.s32 $0x1BFF;
	s21 =	sshll.u32 s5, $0x1;
	s2 =	sadd.s32 s19, s18  }
0x9c: {  	s6 =	simm.s32 $0x0;
	s20 =	sshll.u32 s4, $0x1;
	s4 =	sadd.s32 s21, s2  }
0x9d: {  	[timem:s6], [sflag:s22] =	dma.local [hbm:s4], s20  }
0x9e: {  	_ =	swait.ge [sflag:s22], s20  }
0x9f: {  	s3 =	ssub.s32 $0x0, s20;
	[sflag:s22] =	ssyncset.done $0x0  }
0xa0: {  	[sflag:s22] =	ssyncadd.s32 s3;
	_ =	sdelay $0x1  }
0xa1: {  	s23 =	simm.s32 $0x1B8B  }
0xa2: {  	_ =	swait.ge [sflag:s23], $0x1  }
0xa3: {  	[sflag:s23] =	ssyncset.done $0x0  }
0xa4: {  	s25 =	simm.s32 $0x1B8E;
	s24 =	sld [smem:$0x3FFE];
	[sflag:s23] =	ssyncadd.s32 $0xFFFFFFFF  }
0xa5: {  	s26 =	simm.s32 $execute0_lowered;
	[smem:$0x3FD2] =	sst s25  }
0xa6: {  	s4 =	sshll.u32 s26, $0x1;
	_ =	strace $0x80000046;
	[dreg:$0x1] =	wrdreg $0xFFFFFFFF  }
0xa7: {  	s28 =	simm.s32 $_size_execute0_lowered;
	s2 =	sadd.s32 s2, s4;
	[dreg:$0x0] =	wrdreg $0x0  }
0xa8: {  	s4 =	sshll.u32 s28, $0x1;
	[dreg:$0x2] =	wrdreg s2  }
0xa9: {  	[dreg:$0x3] =	wrdreg s4  }
0xaa: {  	[dreg:$0x4] =	wrdreg $0xC0  }
0xab: {  	_ =	task [dreg:s6], $0x5FFFF  }
0xac: {  	[dreg:$0x1] =	wrdreg $0xFFFFFFFF  }
0xad: {  	[dreg:$0x0] =	wrdreg $0x60  }
0xae: {  	[dreg:$0x2] =	wrdreg s24  }
0xaf: {  	[dreg:$0x3] =	wrdreg $0x9  }
0xb0: {  	_ =	task.clear_ibuf [dreg:s6], $0x4FFFF;
	_ =	strace $0x90000046  }
0xb1: {  	s29 =	simm.s32 $0x9;
	_ =	strace $0x80000048  }
0xb2: {  	_ =	swait.ge [sflag:s29], $0x1  }
0xb3: {  	[sflag:s29] =	ssyncadd.s32 $0xFFFFFFFF  }
0xb4: {  	_ =	strace $0x90000048  }
0xb5: {  	_ =	sfence  }
0xb6: {  	s30 =	sld [smem:$0x0];
	_ =	sdelay $0x2  }
0xb7: {  	s31 =	sshll.u32 s1, $0xD;
	s1 =	sshrl.u32 s1, $0x2  }
0xb8: {  	s3 =	sand.u32 $0x4000, s31;
	s1 =	sadd.s32 s1, s30  }
0xb9: {  	s0 =	sor.u32 s3, s0;
	s1 =	sshll.u32 s1, $0x11  }
0xba: {  	s0 =	sor.u32 s1, s0  }
0xbb: {  	s0 =	sadd.s32 $0x8F2B, s0  }
0xbc: {  	[sflag:s0] =	ssyncadd.remote.s32 $0x1  }
0xbd: {  	_ =	sfence.sel $0xFFFF  }
0xbe: {  	[dreg:$0x0] =	wrdreg $0xFFFFFFFF;
	(pc) =	sbr.abs _section_cstart, $3  }
0xbf: {  	[dreg:$0x1] =	wrdreg $0xFFFFFFFF  }
0xc0: {  	_ =	task.clear_ibuf [dreg:s6], $0x2FFFF;
	_ =	strace $0x9FFFFFFF  }
0xc1: {  	(tm) =	ssettm $0x7FFFFFFF  }
tec
execute0_lowered:
.L_overlay_start_1:
0x0: {  	(tag) =	ssettag $0x1  }
0x1: {  	s4 =	rddreg [dreg:$0x0]  }
0x2: {  	s0 =	rddreg [dreg:$0x1]  }
0x3: {  	s1 =	simm.s32 $0x0;
	s3 =	srdreg.scid;
	s2 =	stileid.u32  }
0x4: {  	s14 =	simm.s32 $0x400;
	s15 =	simm.s32 $0x280;
	s16 =	simm.s32 $0xF00  }
0x5: {  	[smem:$0x7FF] =	sst s1;
	s7 =	sadd.s32 $0x2000, s4;
	s3 =	sand.u32 $0x1, s3  }
0x6: {  	s5 =	sshll.u32 s2, $0x9;
	s6 =	sshrl.u32 s2, $0x1;
	s10 =	sadd.s32 $0xC00, s4  }
0x7: {  	s13 =	sadd.s32 $0x3400, s4;
	_ =	strace $0x80000047;
	s8 =	sshll.u32 s3, $0x8  }
0x8: {  	s5 =	sand.u32 $0x200, s5;
	s9 =	smul.u32 $0x1400, s6;
	s11 =	ssub.s32 $0x2, s3  }
0x9: {  	s3 =	sadd.s32 $0xA00, s4;
	s8 =	sor.u32 s8, s5;
	s29 =	sshrl.u32 s11, $0x1  }
0xa: {  	s6 =	sshll.u32 s6, $0xA;
	s12 =	sor.u32 s9, s8;
	s11 =	ssub.s32 s11, s29  }
0xb: {  	s31 =	sor.u32 $0x80, s8;
	s8 =	sor.u32 s6, s8;
	s30 =	sshrl.u32 s12, $0x3  }
0xc: {  	s9 =	sor.u32 s9, s31;
	s8 =	sshrl.u32 s8, $0x3;
	s12 =	sor.u32 s6, s31  }
0xd: {  	s4 =	sadd.s32 s7, s30;
	s5 =	sadd.s32 s10, s30;
	s9 =	sshrl.u32 s9, $0x3  }
0xe: {  	s6 =	sadd.s32 s13, s8;
	s12 =	sshrl.u32 s12, $0x3;
	s7 =	sadd.s32 s7, s9  }
0xf: {  	s8 =	sadd.s32 s10, s9;
	s9 =	sadd.s32 s13, s12;
	s10 =	smax.u32 s11, $0x1  }
0x10: {  	s11 =	simm.s32 $0x500;
	s12 =	simm.s32 $0x1;
	s13 =	simm.s32 $0x80  }
.LBB2_1:
0x11: {  	[tilespmem:s11], [sflag:$0x1] =	stream.linear.gather [hbm4b:s3+s1], $0xA00, $0x38;
	[tilespmem:$0xF80] =	vst v63  }
0x12: {  	_ =	swait.ge [sflag:s12], $0xA00  }
0x13: {  	[sflag:s12] =	ssyncset.done $0x0  }
0x14: {  	[sflag:s12] =	ssyncadd.s32 $0xFFFFF600  }
0x15: {  	[tilespmem:s1], [sflag:$0x1] =	stream.strided.gather [hbm4b:s4+s13], $0x280, s14, s13, $0x38;
	[tilespmem:$0xF80] =	vst v63  }
0x16: {  	_ =	swait.ge [sflag:s12], $0x280  }
0x17: {  	[sflag:s12] =	ssyncset.done $0x0  }
0x18: {  	[sflag:s12] =	ssyncadd.s32 $0xFFFFFD80  }
0x19: {  	[tilespmem:s15], [sflag:$0x1] =	stream.strided.gather [hbm4b:s5+s13], $0x280, s14, s13, $0x38;
	[tilespmem:$0xF80] =	vst v63  }
0x1a: {  	_ =	swait.ge [sflag:s12], $0x280  }
0x1b: {  	[sflag:s12] =	ssyncset.done $0x0  }
0x1c: {  	[sflag:s12] =	ssyncadd.s32 $0xFFFFFD80  }
0x1d: {  	v0 =	vld [tilespmem:$0x280]  }
0x1e: {  	v1 =	vld [tilespmem:$0x0]  }
0x1f: {  	v2 =	vld [tilespmem:$0x290]  }
0x20: {  	v3 =	vld [tilespmem:$0x10]  }
0x21: {  	v4 =	vld [tilespmem:$0x2A0]  }
0x22: {  	v5 =	vld [tilespmem:$0x20]  }
0x23: {  	v6 =	vld [tilespmem:$0x2B0]  }
0x24: {  	v7 =	vld [tilespmem:$0x30]  }
0x25: {  	v8 =	vld [tilespmem:$0x2C0]  }
0x26: {  	v9 =	vld [tilespmem:$0x40]  }
0x27: {  	v10 =	vld [tilespmem:$0x50]  }
0x28: {  	v11 =	vld [tilespmem:$0x60]  }
0x29: {  	v24 =	vld [tilespmem:$0x2D0]  }
0x2a: {  	v26 =	vld [tilespmem:$0x2E0]  }
0x2b: {  	v31 =	vld [tilespmem:$0x2F0]  }
0x2c: {  	v32 =	vld [tilespmem:$0x70]  }
0x2d: {  	v33 =	vld [tilespmem:$0x300]  }
0x2e: {  	v34 =	vld [tilespmem:$0x80]  }
0x2f: {  	v35 =	vld [tilespmem:$0x310]  }
0x30: {  	v12 =	vld [tilespmem:$0x90]  }
0x31: {  	v13 =	vld [tilespmem:$0x320]  }
0x32: {  	v14 =	vld [tilespmem:$0xA0]  }
0x33: {  	v15 =	vld [tilespmem:$0x330]  }
0x34: {  	v16 =	vld [tilespmem:$0xB0]  }
0x35: {  	v17 =	vld [tilespmem:$0x340]  }
0x36: {  	v18 =	vld [tilespmem:$0xC0]  }
0x37: {  	v19 =	vld [tilespmem:$0x350]  }
0x38: {  	v20 =	vld [tilespmem:$0xD0]  }
0x39: {  	v21 =	vld [tilespmem:$0x360]  }
0x3a: {  	v37 =	vld [tilespmem:$0xE0]  }
0x3b: {  	v39 =	vld [tilespmem:$0xF0]  }
0x3c: {  	v41 =	vld [tilespmem:$0x100]  }
0x3d: {  	v43 =	vld [tilespmem:$0x370];
	v1 =	vmul.u32 $0x32, v1  }
0x3e: {  	v45 =	vld [tilespmem:$0x380]  }
0x3f: {  	v51 =	vld [tilespmem:$0x390];
	v3 =	vmul.u32 $0x32, v3;
	v0 =	vadd.s32 v0, v1  }
0x40: {  	v52 =	vld [tilespmem:$0x110]  }
0x41: {  	v53 =	vld [tilespmem:$0x3A0];
	v23 =	vmul.u32 $0x32, v5;
	v2 =	vadd.s32 v2, v3  }
0x42: {  	v54 =	vld [tilespmem:$0x120]  }
0x43: {  	v55 =	vld [tilespmem:$0x3B0];
	v25 =	vmul.u32 $0x32, v7;
	v1 =	vadd.s32 v4, v23  }
0x44: {  	v0 =	vld.idx.msk [tilespmem:v0+s11+$0x0], $0xffff  }
0x45: {  	v56 =	vld [tilespmem:$0x130];
	v27 =	vmul.u32 $0x32, v9;
	v3 =	vadd.s32 v6, v25  }
0x46: {  	v2 =	vld.idx.msk [tilespmem:v2+s11+$0x0], $0xffff  }
0x47: {  	v57 =	vld [tilespmem:$0x3C0];
	v28 =	vmul.u32 $0x32, v10;
	v4 =	vadd.s32 v8, v27  }
0x48: {  	v1 =	vld.idx.msk [tilespmem:v1+s11+$0x0], $0xffff  }
0x49: {  	v58 =	vld [tilespmem:$0x140];
	v29 =	vmul.u32 $0x32, v11;
	v5 =	vadd.s32 v24, v28;
	v0 =	vadd.f32 $0.0e+00, v0  }
0x4a: {  	v3 =	vld.idx.msk [tilespmem:v3+s11+$0x0], $0xffff  }
0x4b: {  	v59 =	vld [tilespmem:$0x3D0];
	v30 =	vadd.s32 v26, v29;
	v8 =	vmul.u32 $0x32, v32;
	v0 =	vadd.f32 v2, v0  }
0x4c: {  	v4 =	vld.idx.msk [tilespmem:v4+s11+$0x0], $0xffff  }
0x4d: {  	v60 =	vld [tilespmem:$0x150];
	v10 =	vmul.u32 $0x32, v34;
	v7 =	vadd.s32 v31, v8;
	v0 =	vadd.f32 v1, v0  }
0x4e: {  	v5 =	vld.idx.msk [tilespmem:v5+s11+$0x0], $0xffff  }
0x4f: {  	v61 =	vld [tilespmem:$0x3E0];
	v36 =	vmul.u32 $0x32, v12;
	v9 =	vadd.s32 v33, v10;
	v0 =	vadd.f32 v3, v0  }
0x50: {  	v6 =	vld.idx.msk [tilespmem:v30+s11+$0x0], $0xffff  }
0x51: {  	v62 =	vld [tilespmem:$0x160];
	v38 =	vmul.u32 $0x32, v14;
	v8 =	vadd.s32 v35, v36;
	v0 =	vadd.f32 v4, v0  }
0x52: {  	v7 =	vld.idx.msk [tilespmem:v7+s11+$0x0], $0xffff  }
0x53: {  	v63 =	vld [tilespmem:$0x3F0];
	v40 =	vmul.u32 $0x32, v16;
	v10 =	vadd.s32 v13, v38;
	v0 =	vadd.f32 v5, v0  }
0x54: {  	v42 =	vmul.u32 $0x32, v18;
	v9 =	vld.idx.msk [tilespmem:v9+s11+$0x0], $0xffff  }
0x55: {  	v14 =	vmul.u32 $0x32, v39;
	v39 =	vld [tilespmem:$0x1B0];
	v11 =	vadd.s32 v15, v40;
	v0 =	vadd.f32 v6, v0  }
0x56: {  	v44 =	vmul.u32 $0x32, v20;
	v8 =	vld.idx.msk [tilespmem:v8+s11+$0x0], $0xffff  }
0x57: {  	v16 =	vmul.u32 $0x32, v41;
	v41 =	vld [tilespmem:$0x1C0];
	v13 =	vadd.s32 v17, v42;
	v0 =	vadd.f32 v7, v0  }
0x58: {  	v10 =	vld.idx.msk [tilespmem:v10+s11+$0x0], $0xffff  }
0x59: {  	v12 =	vmul.u32 $0x32, v37;
	v15 =	vadd.s32 v19, v44;
	v23 =	vld [tilespmem:$0x170];
	v0 =	vadd.f32 v9, v0  }
0x5a: {  	v11 =	vld.idx.msk [tilespmem:v11+s11+$0x0], $0xffff  }
0x5b: {  	v12 =	vadd.s32 v21, v12;
	v24 =	vld [tilespmem:$0x400];
	v0 =	vadd.f32 v8, v0  }
0x5c: {  	v46 =	vld.idx.msk [tilespmem:v13+s11+$0x0], $0xffff  }
0x5d: {  	v14 =	vadd.s32 v43, v14;
	v25 =	vld [tilespmem:$0x180];
	v0 =	vadd.f32 v10, v0  }
0x5e: {  	v47 =	vld.idx.msk [tilespmem:v15+s11+$0x0], $0xffff  }
0x5f: {  	v16 =	vadd.s32 v45, v16;
	v26 =	vld [tilespmem:$0x190];
	v4 =	vmul.u32 $0x32, v52;
	v0 =	vadd.f32 v11, v0  }
0x60: {  	v48 =	vld.idx.msk [tilespmem:v12+s11+$0x0], $0xffff  }
0x61: {  	v29 =	vld [tilespmem:$0x410];
	v4 =	vadd.s32 v51, v4;
	v5 =	vmul.u32 $0x32, v54;
	v0 =	vadd.f32 v46, v0  }
0x62: {  	v49 =	vld.idx.msk [tilespmem:v14+s11+$0x0], $0xffff  }
0x63: {  	v40 =	vld [tilespmem:$0x430];
	v6 =	vmul.u32 $0x32, v56;
	v5 =	vadd.s32 v53, v5;
	v0 =	vadd.f32 v47, v0  }
0x64: {  	v50 =	vld.idx.msk [tilespmem:v16+s11+$0x0], $0xffff  }
0x65: {  	v42 =	vld [tilespmem:$0x440];
	v7 =	vmul.u32 $0x32, v58;
	v27 =	vadd.s32 v55, v6;
	v0 =	vadd.f32 v48, v0  }
0x66: {  	v4 =	vld.idx.msk [tilespmem:v4+s11+$0x0], $0xffff  }
0x67: {  	v28 =	vmul.u32 $0x32, v60;
	v43 =	vld [tilespmem:$0x1D0];
	v7 =	vadd.s32 v57, v7;
	v0 =	vadd.f32 v49, v0  }
0x68: {  	v32 =	vld.idx.msk [tilespmem:v5+s11+$0x0], $0xffff  }
0x69: {  	v44 =	vld [tilespmem:$0x450];
	v6 =	vadd.s32 v59, v28;
	v8 =	vmul.u32 $0x32, v62;
	v0 =	vadd.f32 v50, v0  }
0x6a: {  	v2 =	vld.idx.msk [tilespmem:v27+s11+$0x0], $0xffff  }
0x6b: {  	v30 =	vld [tilespmem:$0x1A0];
	v10 =	vmul.u32 $0x32, v23;
	v8 =	vadd.s32 v61, v8;
	v0 =	vadd.f32 v4, v0  }
0x6c: {  	v34 =	vmul.u32 $0x32, v26;
	v7 =	vld.idx.msk [tilespmem:v7+s11+$0x0], $0xffff  }
0x6d: {  	v31 =	vld [tilespmem:$0x420];
	v11 =	vmul.u32 $0x32, v25;
	v33 =	vadd.s32 v63, v10;
	v0 =	vadd.f32 v32, v0  }
0x6e: {  	v9 =	vadd.s32 v29, v34;
	v6 =	vld.idx.msk [tilespmem:v6+s11+$0x0], $0xffff  }
0x6f: {  	v45 =	vld [tilespmem:$0x1E0];
	v11 =	vadd.s32 v24, v11;
	v0 =	vadd.f32 v2, v0  }
0x70: {  	v35 =	vmul.u32 $0x32, v30;
	v36 =	vld.idx.msk [tilespmem:v8+s11+$0x0], $0xffff  }
0x71: {  	v51 =	vld [tilespmem:$0x200];
	v0 =	vadd.f32 v7, v0  }
0x72: {  	v37 =	vadd.s32 v31, v35;
	v1 =	vmul.u32 $0x32, v39;
	v5 =	vld.idx.msk [tilespmem:v33+s11+$0x0], $0xffff  }
0x73: {  	v9 =	vld.idx.msk [tilespmem:v9+s11+$0x0], $0xffff;
	v0 =	vadd.f32 v6, v0  }
0x74: {  	v1 =	vadd.s32 v40, v1;
	v38 =	vld.idx.msk [tilespmem:v11+s11+$0x0], $0xffff  }
0x75: {  	v46 =	vmul.u32 $0x32, v41;
	v47 =	vld [tilespmem:$0x460];
	v0 =	vadd.f32 v36, v0  }
0x76: {  	v48 =	vld [tilespmem:$0x1F0]  }
0x77: {  	v8 =	vld.idx.msk [tilespmem:v37+s11+$0x0], $0xffff;
	v3 =	vadd.s32 v42, v46;
	v49 =	vmul.u32 $0x32, v43;
	v0 =	vadd.f32 v5, v0  }
0x78: {  	v50 =	vld [tilespmem:$0x470]  }
0x79: {  	v1 =	vld.idx.msk [tilespmem:v1+s11+$0x0], $0xffff;
	v52 =	vadd.s32 v44, v49;
	v2 =	vmul.u32 $0x32, v45;
	v0 =	vadd.f32 v38, v0  }
0x7a: {  	v53 =	vld [tilespmem:$0x480]  }
0x7b: {  	v54 =	vmul.u32 $0x32, v48;
	v2 =	vadd.s32 v47, v2;
	v0 =	vadd.f32 v9, v0  }
0x7c: {  	v3 =	vld.idx.msk [tilespmem:v3+s11+$0x0], $0xffff  }
0x7d: {  	v55 =	vmul.u32 $0x32, v51;
	v6 =	vadd.s32 v50, v54;
	v0 =	vadd.f32 v8, v0  }
0x7e: {  	v4 =	vld.idx.msk [tilespmem:v52+s11+$0x0], $0xffff  }
0x7f: {  	v56 =	vadd.s32 v53, v55;
	v0 =	vadd.f32 v1, v0  }
0x80: {  	v2 =	vld.idx.msk [tilespmem:v2+s11+$0x0], $0xffff  }
0x81: {  	v0 =	vadd.f32 v3, v0  }
0x82: {  	v57 =	vld.idx.msk [tilespmem:v6+s11+$0x0], $0xffff  }
0x83: {  	v0 =	vadd.f32 v4, v0  }
0x84: {  	v1 =	vld.idx.msk [tilespmem:v56+s11+$0x0], $0xffff  }
0x85: {  	v0 =	vadd.f32 v2, v0;
	_ =	sdelay $0x1  }
0x86: {  	v0 =	vadd.f32 v57, v0;
	_ =	sdelay $0x1  }
0x87: {  	v0 =	vadd.f32 v1, v0;
	_ =	sdelay $0x1  }
0x88: {  	[tilespmem:$0xF00] =	vst v0  }
0x89: {  	[hbm4b:s6+s1] =	stream.linear.scatter [tilespmem:s16], [sflag:$0x1], $0x80, $0x38;
	[tilespmem:$0xF80] =	vst v63  }
0x8a: {  	_ =	swait.ge [sflag:s12], $0x80  }
0x8b: {  	[sflag:s12] =	ssyncset.done $0x0  }
0x8c: {  	[sflag:s12] =	ssyncadd.s32 $0xFFFFFF80  }
0x8d: {  	[tilespmem:s1], [sflag:$0x1] =	stream.strided.gather [hbm4b:s7+s13], $0x280, s14, s13, $0x38;
	[tilespmem:$0xF80] =	vst v63  }
0x8e: {  	_ =	swait.ge [sflag:s12], $0x280  }
0x8f: {  	[sflag:s12] =	ssyncset.done $0x0  }
0x90: {  	[sflag:s12] =	ssyncadd.s32 $0xFFFFFD80  }
0x91: {  	[tilespmem:s15], [sflag:$0x1] =	stream.strided.gather [hbm4b:s8+s13], $0x280, s14, s13, $0x38;
	[tilespmem:$0xF80] =	vst v63  }
0x92: {  	_ =	swait.ge [sflag:s12], $0x280  }
0x93: {  	[sflag:s12] =	ssyncset.done $0x0  }
0x94: {  	[sflag:s12] =	ssyncadd.s32 $0xFFFFFD80  }
0x95: {  	v58 =	vld [tilespmem:$0x280]  }
0x96: {  	v59 =	vld [tilespmem:$0x0]  }
0x97: {  	v60 =	vld [tilespmem:$0x290]  }
0x98: {  	v61 =	vld [tilespmem:$0x10]  }
0x99: {  	v62 =	vld [tilespmem:$0x2A0]  }
0x9a: {  	v63 =	vld [tilespmem:$0x20]  }
0x9b: {  	v12 =	vld [tilespmem:$0x2B0]  }
0x9c: {  	v13 =	vld [tilespmem:$0x30]  }
0x9d: {  	v14 =	vld [tilespmem:$0x2C0]  }
0x9e: {  	v15 =	vld [tilespmem:$0x40]  }
0x9f: {  	v16 =	vld [tilespmem:$0x50]  }
0xa0: {  	v17 =	vld [tilespmem:$0x60]  }
0xa1: {  	v19 =	vld [tilespmem:$0x2D0]  }
0xa2: {  	v21 =	vld [tilespmem:$0x2E0]  }
0xa3: {  	v26 =	vld [tilespmem:$0x2F0]  }
0xa4: {  	v27 =	vld [tilespmem:$0x70]  }
0xa5: {  	v28 =	vld [tilespmem:$0x300]  }
0xa6: {  	v29 =	vld [tilespmem:$0x80]  }
0xa7: {  	v30 =	vld [tilespmem:$0x310]  }
0xa8: {  	v31 =	vld [tilespmem:$0x90]  }
0xa9: {  	v32 =	vld [tilespmem:$0x320]  }
0xaa: {  	v33 =	vld [tilespmem:$0xA0]  }
0xab: {  	v34 =	vld [tilespmem:$0x330]  }
0xac: {  	v35 =	vld [tilespmem:$0xB0]  }
0xad: {  	v36 =	vld [tilespmem:$0x340]  }
0xae: {  	v37 =	vld [tilespmem:$0xC0]  }
0xaf: {  	v38 =	vld [tilespmem:$0x350]  }
0xb0: {  	v39 =	vld [tilespmem:$0xD0]  }
0xb1: {  	v40 =	vld [tilespmem:$0x360]  }
0xb2: {  	v42 =	vld [tilespmem:$0xE0]  }
0xb3: {  	v44 =	vld [tilespmem:$0xF0]  }
0xb4: {  	v46 =	vld [tilespmem:$0x100]  }
0xb5: {  	v48 =	vld [tilespmem:$0x370];
	v1 =	vmul.u32 $0x32, v59  }
0xb6: {  	v50 =	vld [tilespmem:$0x380]  }
0xb7: {  	v56 =	vld [tilespmem:$0x390];
	v3 =	vmul.u32 $0x32, v61;
	v0 =	vadd.s32 v58, v1  }
0xb8: {  	v57 =	vld [tilespmem:$0x110]  }
0xb9: {  	v18 =	vmul.u32 $0x32, v63;
	v59 =	vld [tilespmem:$0x120];
	v2 =	vadd.s32 v60, v3  }
0xba: {  	v61 =	vld [tilespmem:$0x130]  }
0xbb: {  	v20 =	vmul.u32 $0x32, v13;
	v63 =	vld [tilespmem:$0x140];
	v1 =	vadd.s32 v62, v18  }
0xbc: {  	v0 =	vld.idx.msk [tilespmem:v0+s11+$0x0], $0xffff  }
0xbd: {  	v22 =	vmul.u32 $0x32, v15;
	v8 =	vmul.u32 $0x32, v27;
	v27 =	vld [tilespmem:$0x160];
	v3 =	vadd.s32 v12, v20  }
0xbe: {  	v2 =	vld.idx.msk [tilespmem:v2+s11+$0x0], $0xffff  }
0xbf: {  	v23 =	vmul.u32 $0x32, v16;
	v10 =	vmul.u32 $0x32, v29;
	v29 =	vld [tilespmem:$0x170];
	v4 =	vadd.s32 v14, v22  }
0xc0: {  	v24 =	vmul.u32 $0x32, v17;
	v1 =	vld.idx.msk [tilespmem:v1+s11+$0x0], $0xffff  }
0xc1: {  	v41 =	vmul.u32 $0x32, v31;
	v31 =	vld [tilespmem:$0x180];
	v5 =	vadd.s32 v19, v23;
	v0 =	vadd.f32 $0.0e+00, v0  }
0xc2: {  	v3 =	vld.idx.msk [tilespmem:v3+s11+$0x0], $0xffff  }
0xc3: {  	v45 =	vmul.u32 $0x32, v35;
	v35 =	vld [tilespmem:$0x410];
	v25 =	vadd.s32 v21, v24;
	v0 =	vadd.f32 v2, v0  }
0xc4: {  	v4 =	vld.idx.msk [tilespmem:v4+s11+$0x0], $0xffff  }
0xc5: {  	v47 =	vmul.u32 $0x32, v37;
	v37 =	vld [tilespmem:$0x420];
	v7 =	vadd.s32 v26, v8;
	v0 =	vadd.f32 v1, v0  }
0xc6: {  	v5 =	vld.idx.msk [tilespmem:v5+s11+$0x0], $0xffff  }
0xc7: {  	v16 =	vmul.u32 $0x32, v46;
	v46 =	vld [tilespmem:$0x1C0];
	v9 =	vadd.s32 v28, v10;
	v0 =	vadd.f32 v3, v0  }
0xc8: {  	v6 =	vld.idx.msk [tilespmem:v25+s11+$0x0], $0xffff  }
0xc9: {  	v43 =	vmul.u32 $0x32, v33;
	v8 =	vadd.s32 v30, v41;
	v58 =	vld [tilespmem:$0x3A0];
	v0 =	vadd.f32 v4, v0  }
0xca: {  	v7 =	vld.idx.msk [tilespmem:v7+s11+$0x0], $0xffff  }
0xcb: {  	v10 =	vadd.s32 v32, v43;
	v60 =	vld [tilespmem:$0x3B0];
	v0 =	vadd.f32 v5, v0  }
0xcc: {  	v9 =	vld.idx.msk [tilespmem:v9+s11+$0x0], $0xffff  }
0xcd: {  	v11 =	vadd.s32 v34, v45;
	v62 =	vld [tilespmem:$0x3C0];
	v0 =	vadd.f32 v6, v0  }
0xce: {  	v8 =	vld.idx.msk [tilespmem:v8+s11+$0x0], $0xffff  }
0xcf: {  	v49 =	vmul.u32 $0x32, v39;
	v13 =	vadd.s32 v36, v47;
	v24 =	vld [tilespmem:$0x3D0];
	v0 =	vadd.f32 v7, v0  }
0xd0: {  	v10 =	vld.idx.msk [tilespmem:v10+s11+$0x0], $0xffff  }
0xd1: {  	v12 =	vmul.u32 $0x32, v42;
	v15 =	vadd.s32 v38, v49;
	v26 =	vld [tilespmem:$0x3E0];
	v0 =	vadd.f32 v9, v0  }
0xd2: {  	v11 =	vld.idx.msk [tilespmem:v11+s11+$0x0], $0xffff  }
0xd3: {  	v14 =	vmul.u32 $0x32, v44;
	v28 =	vld [tilespmem:$0x3F0];
	v12 =	vadd.s32 v40, v12;
	v0 =	vadd.f32 v8, v0  }
0xd4: {  	v51 =	vld.idx.msk [tilespmem:v13+s11+$0x0], $0xffff  }
0xd5: {  	v30 =	vld [tilespmem:$0x400];
	v14 =	vadd.s32 v48, v14;
	v0 =	vadd.f32 v10, v0  }
0xd6: {  	v52 =	vld.idx.msk [tilespmem:v15+s11+$0x0], $0xffff  }
0xd7: {  	v16 =	vadd.s32 v50, v16;
	v32 =	vld [tilespmem:$0x190];
	v4 =	vmul.u32 $0x32, v57;
	v0 =	vadd.f32 v11, v0  }
0xd8: {  	v53 =	vld.idx.msk [tilespmem:v12+s11+$0x0], $0xffff  }
0xd9: {  	v25 =	vld [tilespmem:$0x150];
	v4 =	vadd.s32 v56, v4;
	v5 =	vmul.u32 $0x32, v59;
	v0 =	vadd.f32 v51, v0  }
0xda: {  	v54 =	vld.idx.msk [tilespmem:v14+s11+$0x0], $0xffff  }
0xdb: {  	v36 =	vld [tilespmem:$0x1A0];
	v6 =	vmul.u32 $0x32, v61;
	v5 =	vadd.s32 v58, v5;
	v0 =	vadd.f32 v52, v0  }
0xdc: {  	v55 =	vld.idx.msk [tilespmem:v16+s11+$0x0], $0xffff  }
0xdd: {  	v44 =	vld [tilespmem:$0x1B0];
	v7 =	vmul.u32 $0x32, v63;
	v33 =	vadd.s32 v60, v6;
	v0 =	vadd.f32 v53, v0  }
0xde: {  	v4 =	vld.idx.msk [tilespmem:v4+s11+$0x0], $0xffff  }
0xdf: {  	v45 =	vld [tilespmem:$0x430];
	v34 =	vmul.u32 $0x32, v25;
	v7 =	vadd.s32 v62, v7;
	v0 =	vadd.f32 v54, v0  }
0xe0: {  	v5 =	vld.idx.msk [tilespmem:v5+s11+$0x0], $0xffff  }
0xe1: {  	v47 =	vld [tilespmem:$0x440];
	v6 =	vadd.s32 v24, v34;
	v8 =	vmul.u32 $0x32, v27;
	v0 =	vadd.f32 v55, v0  }
0xe2: {  	v2 =	vld.idx.msk [tilespmem:v33+s11+$0x0], $0xffff  }
0xe3: {  	v49 =	vld [tilespmem:$0x450];
	v10 =	vmul.u32 $0x32, v29;
	v8 =	vadd.s32 v26, v8;
	v0 =	vadd.f32 v4, v0  }
0xe4: {  	v39 =	vmul.u32 $0x32, v32;
	v7 =	vld.idx.msk [tilespmem:v7+s11+$0x0], $0xffff  }
0xe5: {  	v50 =	vld [tilespmem:$0x1E0];
	v11 =	vmul.u32 $0x32, v31;
	v38 =	vadd.s32 v28, v10;
	v0 =	vadd.f32 v5, v0  }
0xe6: {  	v9 =	vadd.s32 v35, v39;
	v6 =	vld.idx.msk [tilespmem:v6+s11+$0x0], $0xffff  }
0xe7: {  	v48 =	vld [tilespmem:$0x1D0];
	v11 =	vadd.s32 v30, v11;
	v0 =	vadd.f32 v2, v0  }
0xe8: {  	v41 =	vld.idx.msk [tilespmem:v8+s11+$0x0], $0xffff  }
0xe9: {  	v40 =	vmul.u32 $0x32, v36;
	v57 =	vld [tilespmem:$0x200];
	v0 =	vadd.f32 v7, v0  }
0xea: {  	v1 =	vld.idx.msk [tilespmem:v38+s11+$0x0], $0xffff  }
0xeb: {  	v42 =	vadd.s32 v37, v40;
	v9 =	vld.idx.msk [tilespmem:v9+s11+$0x0], $0xffff;
	v5 =	vmul.u32 $0x32, v44;
	v0 =	vadd.f32 v6, v0  }
0xec: {  	v43 =	vld.idx.msk [tilespmem:v11+s11+$0x0], $0xffff  }
0xed: {  	v51 =	vmul.u32 $0x32, v46;
	v52 =	vld [tilespmem:$0x460];
	v2 =	vadd.s32 v45, v5;
	v0 =	vadd.f32 v41, v0  }
0xee: {  	v53 =	vld [tilespmem:$0x1F0]  }
0xef: {  	v56 =	vld [tilespmem:$0x470];
	v54 =	vadd.s32 v47, v51;
	v55 =	vmul.u32 $0x32, v48;
	v0 =	vadd.f32 v1, v0  }
0xf0: {  	v8 =	vld.idx.msk [tilespmem:v42+s11+$0x0], $0xffff  }
0xf1: {  	v59 =	vld [tilespmem:$0x480];
	v58 =	vmul.u32 $0x32, v50;
	v3 =	vadd.s32 v49, v55;
	v0 =	vadd.f32 v43, v0  }
0xf2: {  	v2 =	vld.idx.msk [tilespmem:v2+s11+$0x0], $0xffff  }
0xf3: {  	v60 =	vmul.u32 $0x32, v53;
	v4 =	vadd.s32 v52, v58;
	v0 =	vadd.f32 v9, v0  }
0xf4: {  	v1 =	vld.idx.msk [tilespmem:v54+s11+$0x0], $0xffff  }
0xf5: {  	v61 =	vmul.u32 $0x32, v57;
	v6 =	vadd.s32 v56, v60;
	v0 =	vadd.f32 v8, v0  }
0xf6: {  	v3 =	vld.idx.msk [tilespmem:v3+s11+$0x0], $0xffff  }
0xf7: {  	v62 =	vadd.s32 v59, v61;
	v0 =	vadd.f32 v2, v0  }
0xf8: {  	v4 =	vld.idx.msk [tilespmem:v4+s11+$0x0], $0xffff  }
0xf9: {  	v0 =	vadd.f32 v1, v0  }
0xfa: {  	v63 =	vld.idx.msk [tilespmem:v6+s11+$0x0], $0xffff  }
0xfb: {  	v0 =	vadd.f32 v3, v0  }
0xfc: {  	v2 =	vld.idx.msk [tilespmem:v62+s11+$0x0], $0xffff  }
0xfd: {  	v0 =	vadd.f32 v4, v0;
	_ =	sdelay $0x1  }
0xfe: {  	v0 =	vadd.f32 v63, v0;
	_ =	sdelay $0x1  }
0xff: {  	v0 =	vadd.f32 v2, v0  }
0x100: {  	p0 =	sne.s32 s10, $0x1  }
.Ltmp0:
0x101: {  	[tilespmem:$0xF00] =	vst v0;
	(pc) =	sbr.rel @p0 .LBB2_1-.Ltmp0, $4  }
0x102: {  	[hbm4b:s9+s1] =	stream.linear.scatter [tilespmem:s16], [sflag:$0x1], $0x80, $0x38;
	[tilespmem:$0xF80] =	vst v63  }
0x103: {  	_ =	swait.ge [sflag:s12], $0x80  }
0x104: {  	[sflag:s12] =	ssyncset.done $0x0  }
0x105: {  	s10 =	sadd.s32 $0xFFFFFFFF, s10;
	[sflag:s12] =	ssyncadd.s32 $0xFFFFFF80  }
0x106: {  	_ =	sfence.sel $0x180000  }
0x107: {  	[bflag:$0x0] =	sbarrier.arrive $0xFFFF  }
0x108: {  	p0 =	sne.s32 s2, $0x0;
	_ =	strace $0x90000047  }
0x109: {  	s0 =	sadd.s32 @!p0 $0x100000, s0;
	[bflag:$0x2] =	sbarrier.arrive $0xFFFF  }
0x10a: {  	[sflag:s0] =	ssyncadd.tile.s32 @!p0 $0x1;
	_ =	shalt  }
.Lfunc_end2:
_tile_overlayer_lowered:
.L_overlay_start_2:
0x10b: {  	(tag) =	ssettag $0x2  }
0x10c: {  	s0 =	rddreg [dreg:$0x0];
	s2 =	stileid.u32  }
0x10d: {  	s1 =	rddreg [dreg:$0x1];
	p0 =	sne.s32 s2, $0x0  }
0x10e: {  	s3 =	rddreg [dreg:$0x2];
	[bflag:$0x3] =	sbarrier.arrive $0xFFFF;
	s2 =	simm.s32 @!p0 $0x1C01  }
0x10f: {  	[timem:s3], [sflag:s2] =	dma.local @!p0 [hbm:s0], s1  }
0x110: {  	s0 =	simm.s32 @!p0 $0x1  }
0x111: {  	_ =	swait.ge @!p0 [sflag:s0], s1  }
0x112: {  	s1 =	ssub.s32 @!p0 $0x0, s1;
	[sflag:s0] =	ssyncset.done @!p0 $0x0  }
0x113: {  	[sflag:s0] =	ssyncadd.s32 @!p0 s1  }
0x114: {  	[bflag:$0x3] =	sbarrier.arrive $0xFFFF  }
0x115: {  	_ =	shalt  }

</sc_bundles>
